<compile_context>
chip_gen: v7x
topology: tpu7x:2x2x1
jax: 0.10.2.dev20260603
libtpu: 0.0.44.dev20260713+nightly
codegen_flags: <defaults>
</compile_context>

<pallas_src>
import functools

import jax
import jax.numpy as jnp
from jax import lax
from jax.experimental import pallas as pl
from jax.experimental.pallas import tpu as pltpu
from jax.experimental.pallas import tpu_sc as plsc

_TN = 256
_MASK = -2048
_TOP = 2147483647
_L = 16
_CH = 128


def _nn_body(u_ref, k_ref, idx_ref, w_ref, *, tpb, m):
    t = pl.program_id(0)
    u = u_ref[0]
    kk = k_ref[0]
    dt = jnp.dot(kk, u, preferred_element_type=jnp.float32)
    u2 = (u[0:1] * u[0:1] + u[1:2] * u[1:2]) + u[2:3] * u[2:3]
    k2 = (kk[:, 0:1] * kk[:, 0:1] + kk[:, 1:2] * kk[:, 1:2]) + kk[:, 2:3] * kk[:, 2:3]
    d2 = (u2 - 2.0 * dt) + k2
    ib = jax.lax.bitcast_convert_type(d2, jnp.int32)
    mk = ib ^ (jnp.right_shift(ib, 31) & jnp.int32(_TOP))
    big = jnp.int32(_TOP)
    cand = jax.lax.broadcasted_iota(jnp.int32, d2.shape, 0)
    m1 = jnp.min(mk, axis=0, keepdims=True)
    kx1 = jnp.where(mk <= m1, big, mk)
    m2 = jnp.min(kx1, axis=0, keepdims=True)
    kx2 = jnp.where(kx1 <= m2, big, kx1)
    m3 = jnp.min(kx2, axis=0, keepdims=True)
    i1 = jnp.min(jnp.where(mk <= m1, cand, big), axis=0, keepdims=True)
    i2 = jnp.min(jnp.where(kx1 <= m2, cand, big), axis=0, keepdims=True)
    i3 = jnp.min(jnp.where(kx2 <= m3, cand, big), axis=0, keepdims=True)

    tod = lambda v: jax.lax.bitcast_convert_type(
        v ^ (jnp.right_shift(v, 31) & jnp.int32(_TOP)), jnp.float32)
    r1 = 1.0 / (tod(m1) + 1e-8)
    r2 = 1.0 / (tod(m2) + 1e-8)
    r3 = 1.0 / (tod(m3) + 1e-8)
    nrm = (r1 + r2) + r3
    base = (t // tpb) * m
    idx_ref[...] = jnp.concatenate([i1 + base, i2 + base, i3 + base], axis=0)
    w_ref[...] = jnp.concatenate([r1 / nrm, r2 / nrm, r3 / nrm], axis=0)


def _three_nn_pallas(uT8, k8, tn):
    B, _, N = uT8.shape
    M = k8.shape[1]
    tpb = N // tn
    nt = B * tpb
    return pl.pallas_call(
        functools.partial(_nn_body, tpb=tpb, m=M),
        grid=(nt,),
        in_specs=[
            pl.BlockSpec((1, 8, tn), lambda t: (t // tpb, 0, t % tpb)),
            pl.BlockSpec((1, M, 8), lambda t: (t // tpb, 0, 0)),
        ],
        out_specs=[
            pl.BlockSpec((3, tn), lambda t: (0, t)),
            pl.BlockSpec((3, tn), lambda t: (0, t)),
        ],
        out_shape=[
            jax.ShapeDtypeStruct((3, B * N), jnp.int32),
            jax.ShapeDtypeStruct((3, B * N), jnp.float32),
        ],
        compiler_params=pltpu.CompilerParams(
            dimension_semantics=("arbitrary",),
        ),
    )(uT8, k8)


def _sc_body(idx_hbm, w_hbm, tab_hbm, out_hbm,
             i0v, i1v, i2v, w0v, w1v, w2v, r0v, r1v, r2v, accv, sem,
             *, npw, c2):
    nc = 2
    wid = lax.axis_index("s") * nc + lax.axis_index("c")
    base = wid * npw
    nch = npw // _CH

    def chunk(ci, carry):
        off = base + ci * _CH
        bn = npw * 32
        pltpu.sync_copy(idx_hbm.at[pl.ds(off, _CH)], i0v)
        pltpu.sync_copy(idx_hbm.at[pl.ds(bn + off, _CH)], i1v)
        pltpu.sync_copy(idx_hbm.at[pl.ds(2 * bn + off, _CH)], i2v)
        pltpu.sync_copy(w_hbm.at[pl.ds(off, _CH)], w0v)
        pltpu.sync_copy(w_hbm.at[pl.ds(bn + off, _CH)], w1v)
        pltpu.sync_copy(w_hbm.at[pl.ds(2 * bn + off, _CH)], w2v)
        c0 = pltpu.async_copy(tab_hbm.at[i0v], r0v, sem)
        c1 = pltpu.async_copy(tab_hbm.at[i1v], r1v, sem)
        c2_ = pltpu.async_copy(tab_hbm.at[i2v], r2v, sem)
        c0.wait()
        c1.wait()
        c2_.wait()

        def p16_loop(g, carry2):
            w16_0 = w0v[pl.ds(g * _L, _L)]
            w16_1 = w1v[pl.ds(g * _L, _L)]
            w16_2 = w2v[pl.ds(g * _L, _L)]
            dn = lax.GatherDimensionNumbers(
                offset_dims=(), collapsed_slice_dims=(0,), start_index_map=(0,))
            for pi in range(_L):
                p = g * _L + pi
                iv = jnp.full((_L, 1), pi, jnp.int32)
                gat = lambda v: lax.gather(
                    v, iv, dn, (1,),
                    mode=lax.GatherScatterMode.PROMISE_IN_BOUNDS)
                s0 = gat(w16_0)
                s1 = gat(w16_1)
                s2 = gat(w16_2)
                for j in range(c2 // _L):
                    sl = pl.ds(j * _L, _L)
                    accv[p, sl] = (s0 * r0v[p, sl] + s1 * r1v[p, sl]
                                   + s2 * r2v[p, sl])
            return carry2

        lax.fori_loop(0, _CH // _L, p16_loop, 0, unroll=False)
        pltpu.sync_copy(accv, out_hbm.at[pl.ds(off, _CH)])
        return carry

    lax.fori_loop(0, nch, chunk, 0, unroll=False)


def _interp_sc(idx, w, table):
    BM, C2 = table.shape
    BN = idx.shape[1]
    idx = idx.reshape(3 * BN)
    w = w.reshape(3 * BN)
    nw = 32
    npw = BN // nw
    mesh = plsc.VectorSubcoreMesh(core_axis_name="c", subcore_axis_name="s")
    f = pl.kernel(
        functools.partial(_sc_body, npw=npw, c2=C2),
        mesh=mesh,
        out_type=jax.ShapeDtypeStruct((BN, C2), jnp.float32),
        scratch_types=[
            pltpu.VMEM((_CH,), jnp.int32),
            pltpu.VMEM((_CH,), jnp.int32),
            pltpu.VMEM((_CH,), jnp.int32),
            pltpu.VMEM((_CH,), jnp.float32),
            pltpu.VMEM((_CH,), jnp.float32),
            pltpu.VMEM((_CH,), jnp.float32),
            pltpu.VMEM((_CH, C2), jnp.float32),
            pltpu.VMEM((_CH, C2), jnp.float32),
            pltpu.VMEM((_CH, C2), jnp.float32),
            pltpu.VMEM((_CH, C2), jnp.float32),
            pltpu.SemaphoreType.DMA,
        ],
    )
    return f(idx, w, table)


def _mlp_body(it_ref, uf_ref, w0a_ref, w0b_ref, w1_ref,
              b0_ref, g0_ref, bt0_ref, b1_ref, g1_ref, bt1_ref,
              out_ref, y0_scr, y1_scr, st_scr, *, bn):
    p = pl.program_id(0)
    t = pl.program_id(1)
    ninv = 1.0 / float(bn)

    @pl.when(p == 0)
    def _phase0():
        interp = it_ref[...].T
        y0 = (jnp.dot(w0a_ref[...], interp, preferred_element_type=jnp.float32)
              + jnp.dot(w0b_ref[...], uf_ref[0], preferred_element_type=jnp.float32)
              + b0_ref[...])
        y0_scr[t] = y0

        @pl.when(t == 0)
        def _init():
            st_scr[...] = jnp.zeros_like(st_scr)

        st_scr[:, 0:1] += jnp.sum(y0, axis=1, keepdims=True)
        st_scr[:, 1:2] += jnp.sum(y0 * y0, axis=1, keepdims=True)

    @pl.when(p == 1)
    def _phase1():
        y0 = y0_scr[t]
        mean = st_scr[:, 0:1] * ninv
        var = st_scr[:, 1:2] * ninv - mean * mean
        sc = g0_ref[...] * jax.lax.rsqrt(var + 1e-5)
        sh = bt0_ref[...] - mean * sc
        h = jnp.maximum(y0 * sc + sh, 0.0)
        y1 = jnp.dot(w1_ref[...], h, preferred_element_type=jnp.float32) + b1_ref[...]
        y1_scr[t] = y1

        @pl.when(t == 0)
        def _init():
            st_scr[:, 2:4] = jnp.zeros_like(st_scr[:, 2:4])

        st_scr[:, 2:3] += jnp.sum(y1, axis=1, keepdims=True)
        st_scr[:, 3:4] += jnp.sum(y1 * y1, axis=1, keepdims=True)

    @pl.when(p == 2)
    def _phase2():
        y1 = y1_scr[t]
        mean = st_scr[:, 2:3] * ninv
        var = st_scr[:, 3:4] * ninv - mean * mean
        sc = g1_ref[...] * jax.lax.rsqrt(var + 1e-5)
        sh = bt1_ref[...] - mean * sc
        out_ref[0] = jnp.maximum(y1 * sc + sh, 0.0)


def _mlp_pallas(interp, uf, w0a, w0b, W1, vecs, tn):
    B, C1, N = uf.shape
    K0 = w0a.shape[0]
    K1 = W1.shape[0]
    tpb = N // tn
    nt = B * tpb
    bn = B * N

    def off(p, t):
        return jnp.where(p == 0, t // tpb, 0), 0, jnp.where(p == 0, t % tpb, 0)

    return pl.pallas_call(
        functools.partial(_mlp_body, bn=bn),
        grid=(3, nt),
        in_specs=[
            pl.BlockSpec((tn, K0), lambda p, t: (jnp.where(p == 0, t, 0), 0)),
            pl.BlockSpec((1, C1, tn), off),
            pl.BlockSpec((K0, w0a.shape[1]), lambda p, t: (0, 0)),
            pl.BlockSpec((K0, C1), lambda p, t: (0, 0)),
            pl.BlockSpec((K1, K0), lambda p, t: (0, 0)),
        ] + [pl.BlockSpec((K0, 1), lambda p, t: (0, 0))] * 3
          + [pl.BlockSpec((K1, 1), lambda p, t: (0, 0))] * 3,
        out_specs=pl.BlockSpec(
            (1, K1, tn),
            lambda p, t: (jnp.where(p == 2, t // tpb, 0), 0,
                          jnp.where(p == 2, t % tpb, 0))),
        out_shape=jax.ShapeDtypeStruct((B, K1, N), jnp.float32),
        scratch_shapes=[
            pltpu.VMEM((nt, K0, tn), jnp.float32),
            pltpu.VMEM((nt, K1, tn), jnp.float32),
            pltpu.VMEM((K0, 8), jnp.float32),
        ],
        compiler_params=pltpu.CompilerParams(
            dimension_semantics=("arbitrary", "arbitrary"),
            vmem_limit_bytes=100 * 1024 * 1024,
        ),
    )(interp, uf, w0a, w0b, W1, *vecs)


@jax.jit
def kernel(unknown, known, unknow_feats, known_feats,
           W0, b0, gamma0, beta0, W1, b1, gamma1, beta1):
    B, N, _ = unknown.shape
    M = known.shape[1]
    C2 = known_feats.shape[1]
    tn = _TN

    uT8 = jnp.concatenate(
        [jnp.swapaxes(unknown, 1, 2),
         jnp.zeros((B, 5, N), unknown.dtype)], axis=1)
    k8 = jnp.concatenate(
        [known, jnp.zeros((B, M, 5), known.dtype)], axis=2)

    idx, w = _three_nn_pallas(uT8, k8, tn)
    table = jnp.swapaxes(known_feats, 1, 2).reshape(B * M, C2)
    interp = _interp_sc(idx, w, table)

    col = lambda v: v.reshape(-1, 1)
    vecs = (col(b0), col(gamma0), col(beta0), col(b1), col(gamma1), col(beta1))
    return _mlp_pallas(interp, unknow_feats, W0[:, :C2], W0[:, C2:], W1,
                       vecs, tn)

# --- scband reference (transcript-rebuilt; emitter-appended) ---
"""Pipeline reference for scband-pointnet-fpmodule-57793079935589 (READ-ONLY COPY).

The authoritative reference and input builder live on the scoring server;
editing this copy changes nothing except your own understanding.
"""

import jax, jax.numpy as jnp
import numpy as np

B, N, M, C1, C2 = 4, 8192, 2048, 64, 128
MLP = [128, 128]


def setup_inputs(seed: int = 0) -> dict:
    key = jax.random.key(seed)
    ks = jax.random.split(key, 16)
    inp = {
        "unknown": jax.random.normal(ks[0], (B, N, 3), dtype=jnp.float32),
        "known": jax.random.normal(ks[1], (B, M, 3), dtype=jnp.float32),
        "unknow_feats": jax.random.normal(ks[2], (B, C1, N), dtype=jnp.float32),
        "known_feats": jax.random.normal(ks[3], (B, C2, M), dtype=jnp.float32),
    }
    c_in = C1 + C2
    for li, c_out in enumerate(MLP):
        inp[f"W{li}"] = jax.random.normal(ks[4 + 2 * li], (c_out, c_in), dtype=jnp.float32) * (1.0 / np.sqrt(c_in))
        inp[f"b{li}"] = jnp.zeros((c_out,), jnp.float32)
        inp[f"gamma{li}"] = jnp.ones((c_out,), jnp.float32)
        inp[f"beta{li}"] = jnp.zeros((c_out,), jnp.float32)
        c_in = c_out
    return inp


def _three_nn(unknown, known):
    # squared L2 distance matrix (B, n, m), matching the CUDA three_nn kernel
    d2 = (jnp.sum(unknown ** 2, axis=-1, keepdims=True)
          - 2.0 * jnp.einsum('bnc,bmc->bnm', unknown, known)
          + jnp.sum(known ** 2, axis=-1)[:, None, :])
    neg_d, idx = jax.lax.top_k(-d2, 3)
    return -neg_d, idx


def reference(unknown, known, unknow_feats, known_feats,
              W0, b0, gamma0, beta0, W1, b1, gamma1, beta1):
    dist, idx = _three_nn(unknown, known)
    dist_recip = 1.0 / (dist + 1e-8)
    norm = jnp.sum(dist_recip, axis=2, keepdims=True)
    weight = dist_recip / norm  # (B, n, 3)

    b, c2, m = known_feats.shape
    n = unknown.shape[1]
    flat_idx = idx.reshape(b, 1, n * 3)
    gathered = jnp.take_along_axis(
        known_feats, jnp.broadcast_to(flat_idx, (b, c2, n * 3)), axis=2
    ).reshape(b, c2, n, 3)
    interpolated = jnp.sum(gathered * weight[:, None, :, :], axis=-1)  # (B, C2, n)

    new_features = jnp.concatenate([interpolated, unknow_feats], axis=1)  # (B, C1+C2, n)
    x = new_features[..., None]  # (B, C, n, 1)
    for W, bb, g, bt in ((W0, b0, gamma0, beta0), (W1, b1, gamma1, beta1)):
        x = jnp.einsum('oc,bcnk->bonk', W, x) + bb[None, :, None, None]
        mean = jnp.mean(x, axis=(0, 2, 3), keepdims=True)
        var = jnp.var(x, axis=(0, 2, 3), keepdims=True)
        x = (x - mean) / jnp.sqrt(var + 1e-5)
        x = x * g[None, :, None, None] + bt[None, :, None, None]
        x = jax.nn.relu(x)
    return jnp.squeeze(x, axis=-1)  # (B, mlp[-1], n)

if __name__ == "__main__":
    import jax
    _d = setup_inputs()
    print(jax.jit(kernel)(*tuple(_d.values())))

</pallas_src>

<mosaic_0001>
#map = affine_map<(d0, d1) -> (0)>
#map1 = affine_map<(d0, d1) -> (0, 0)>
module attributes {stable_mosaic.version = 14 : i64} {
  func.func @_sc_body(%arg0: i32, %arg1: i32, %arg2: memref<98304xi32, #tpu.memory_space<hbm>>, %arg3: memref<98304xf32, #tpu.memory_space<hbm>>, %arg4: memref<8192x128xf32, #tpu.memory_space<hbm>>, %arg5: memref<32768x128xf32, #tpu.memory_space<hbm>>, %arg6: memref<128xi32, #tpu.memory_space<vmem>>, %arg7: memref<128xi32, #tpu.memory_space<vmem>>, %arg8: memref<128xi32, #tpu.memory_space<vmem>>, %arg9: memref<128xf32, #tpu.memory_space<vmem>>, %arg10: memref<128xf32, #tpu.memory_space<vmem>>, %arg11: memref<128xf32, #tpu.memory_space<vmem>>, %arg12: memref<128x128xf32, #tpu.memory_space<vmem>>, %arg13: memref<128x128xf32, #tpu.memory_space<vmem>>, %arg14: memref<128x128xf32, #tpu.memory_space<vmem>>, %arg15: memref<128x128xf32, #tpu.memory_space<vmem>>, %arg16: memref<!tpu.dma_semaphore, #tpu.memory_space<semaphore_mem>>) attributes {dimension_semantics = [#tpu.dimension_semantics<core_parallel>, #tpu.dimension_semantics<subcore_parallel>], iteration_bounds = array<i64: 2, 16>, scalar_prefetch = 0 : i64, scratch_operands = 11 : i64, tpu.core_type = #tpu.core_type<sc_vector_subcore>, window_params = [{transform_indices = #map}, {transform_indices = #map}, {transform_indices = #map1}, {transform_indices = #map1}]} {
    %mul3A = arith.constant 2 : i32
    %mul3A_0 = arith.muli %arg1, %mul3A : i32
    %add3A = arith.addi %mul3A_0, %arg0 : i32
    %mul3A_1 = arith.constant 1024 : i32
    %mul3A_2 = arith.muli %add3A, %mul3A_1 : i32
    %scan3A = arith.constant 0 : i32
    %scan3A_3 = arith.constant 0 : i32
    %scan3A_4 = arith.constant 8 : i32
    %scan3A_5 = arith.addi %scan3A_3, %scan3A_4 : i32
    %scan3A_6 = arith.constant 1 : i32
    scf.for %scan3A_8 = %scan3A_3 to %scan3A_5 step %scan3A_6  : i32 {
      %mul3A_9 = arith.constant 128 : i32
      %mul3A_10 = arith.muli %scan3A_8, %mul3A_9 : i32
      %add3A_11 = arith.addi %mul3A_2, %mul3A_10 : i32
      "tpu.region"() ({
        %run_scoped3A = tpu.sem_alloc : memref<!tpu.dma_semaphore, #tpu.memory_space<semaphore_mem>>
        %dma_start3A_42 = tpu.memref_slice %arg2[%add3A_11] : memref<98304xi32, #tpu.memory_space<hbm>> -> memref<128xi32, #tpu.memory_space<hbm>>
        %dma_start3A_43 = tpu.memref_slice %arg2[%add3A_11] : memref<98304xi32, #tpu.memory_space<hbm>> -> memref<128xi32, #tpu.memory_space<hbm>>
        tpu.enqueue_dma source(%dma_start3A_43 : memref<128xi32, #tpu.memory_space<hbm>>) target(%arg6 : memref<128xi32, #tpu.memory_space<vmem>>) target_semaphore(%run_scoped3A : memref<!tpu.dma_semaphore, #tpu.memory_space<semaphore_mem>>)
        %dma_wait3A_44 = tpu.memref_slice %arg2[%add3A_11] : memref<98304xi32, #tpu.memory_space<hbm>> -> memref<128xi32, #tpu.memory_space<hbm>>
        %dma_wait3A_45 = tpu.memref_slice %arg2[%add3A_11] : memref<98304xi32, #tpu.memory_space<hbm>> -> memref<128xi32, #tpu.memory_space<hbm>>
        tpu.wait_dma2 semaphore(%run_scoped3A : memref<!tpu.dma_semaphore, #tpu.memory_space<semaphore_mem>>) src(%dma_wait3A_45 : memref<128xi32, #tpu.memory_space<hbm>>) dst(%arg6 : memref<128xi32, #tpu.memory_space<vmem>>)
        tpu.yield
      }) : () -> ()
      %add3A_12 = arith.constant 32768 : i32
      %add3A_13 = arith.addi %add3A_12, %add3A_11 : i32
      "tpu.region"() ({
        %run_scoped3A = tpu.sem_alloc : memref<!tpu.dma_semaphore, #tpu.memory_space<semaphore_mem>>
        %dma_start3A_42 = tpu.memref_slice %arg2[%add3A_13] : memref<98304xi32, #tpu.memory_space<hbm>> -> memref<128xi32, #tpu.memory_space<hbm>>
        %dma_start3A_43 = tpu.memref_slice %arg2[%add3A_13] : memref<98304xi32, #tpu.memory_space<hbm>> -> memref<128xi32, #tpu.memory_space<hbm>>
        tpu.enqueue_dma source(%dma_start3A_43 : memref<128xi32, #tpu.memory_space<hbm>>) target(%arg7 : memref<128xi32, #tpu.memory_space<vmem>>) target_semaphore(%run_scoped3A : memref<!tpu.dma_semaphore, #tpu.memory_space<semaphore_mem>>)
        %dma_wait3A_44 = tpu.memref_slice %arg2[%add3A_13] : memref<98304xi32, #tpu.memory_space<hbm>> -> memref<128xi32, #tpu.memory_space<hbm>>
        %dma_wait3A_45 = tpu.memref_slice %arg2[%add3A_13] : memref<98304xi32, #tpu.memory_space<hbm>> -> memref<128xi32, #tpu.memory_space<hbm>>
        tpu.wait_dma2 semaphore(%run_scoped3A : memref<!tpu.dma_semaphore, #tpu.memory_space<semaphore_mem>>) src(%dma_wait3A_45 : memref<128xi32, #tpu.memory_space<hbm>>) dst(%arg7 : memref<128xi32, #tpu.memory_space<vmem>>)
        tpu.yield
      }) : () -> ()
      %add3A_14 = arith.constant 65536 : i32
      %add3A_15 = arith.addi %add3A_14, %add3A_11 : i32
      "tpu.region"() ({
        %run_scoped3A = tpu.sem_alloc : memref<!tpu.dma_semaphore, #tpu.memory_space<semaphore_mem>>
        %dma_start3A_42 = tpu.memref_slice %arg2[%add3A_15] : memref<98304xi32, #tpu.memory_space<hbm>> -> memref<128xi32, #tpu.memory_space<hbm>>
        %dma_start3A_43 = tpu.memref_slice %arg2[%add3A_15] : memref<98304xi32, #tpu.memory_space<hbm>> -> memref<128xi32, #tpu.memory_space<hbm>>
        tpu.enqueue_dma source(%dma_start3A_43 : memref<128xi32, #tpu.memory_space<hbm>>) target(%arg8 : memref<128xi32, #tpu.memory_space<vmem>>) target_semaphore(%run_scoped3A : memref<!tpu.dma_semaphore, #tpu.memory_space<semaphore_mem>>)
        %dma_wait3A_44 = tpu.memref_slice %arg2[%add3A_15] : memref<98304xi32, #tpu.memory_space<hbm>> -> memref<128xi32, #tpu.memory_space<hbm>>
        %dma_wait3A_45 = tpu.memref_slice %arg2[%add3A_15] : memref<98304xi32, #tpu.memory_space<hbm>> -> memref<128xi32, #tpu.memory_space<hbm>>
        tpu.wait_dma2 semaphore(%run_scoped3A : memref<!tpu.dma_semaphore, #tpu.memory_space<semaphore_mem>>) src(%dma_wait3A_45 : memref<128xi32, #tpu.memory_space<hbm>>) dst(%arg8 : memref<128xi32, #tpu.memory_space<vmem>>)
        tpu.yield
      }) : () -> ()
      "tpu.region"() ({
        %run_scoped3A = tpu.sem_alloc : memref<!tpu.dma_semaphore, #tpu.memory_space<semaphore_mem>>
        %dma_start3A_42 = tpu.memref_slice %arg3[%add3A_11] : memref<98304xf32, #tpu.memory_space<hbm>> -> memref<128xf32, #tpu.memory_space<hbm>>
        %dma_start3A_43 = tpu.memref_slice %arg3[%add3A_11] : memref<98304xf32, #tpu.memory_space<hbm>> -> memref<128xf32, #tpu.memory_space<hbm>>
        tpu.enqueue_dma source(%dma_start3A_43 : memref<128xf32, #tpu.memory_space<hbm>>) target(%arg9 : memref<128xf32, #tpu.memory_space<vmem>>) target_semaphore(%run_scoped3A : memref<!tpu.dma_semaphore, #tpu.memory_space<semaphore_mem>>)
        %dma_wait3A_44 = tpu.memref_slice %arg3[%add3A_11] : memref<98304xf32, #tpu.memory_space<hbm>> -> memref<128xf32, #tpu.memory_space<hbm>>
        %dma_wait3A_45 = tpu.memref_slice %arg3[%add3A_11] : memref<98304xf32, #tpu.memory_space<hbm>> -> memref<128xf32, #tpu.memory_space<hbm>>
        tpu.wait_dma2 semaphore(%run_scoped3A : memref<!tpu.dma_semaphore, #tpu.memory_space<semaphore_mem>>) src(%dma_wait3A_45 : memref<128xf32, #tpu.memory_space<hbm>>) dst(%arg9 : memref<128xf32, #tpu.memory_space<vmem>>)
        tpu.yield
      }) : () -> ()
      %add3A_16 = arith.constant 32768 : i32
      %add3A_17 = arith.addi %add3A_16, %add3A_11 : i32
      "tpu.region"() ({
        %run_scoped3A = tpu.sem_alloc : memref<!tpu.dma_semaphore, #tpu.memory_space<semaphore_mem>>
        %dma_start3A_42 = tpu.memref_slice %arg3[%add3A_17] : memref<98304xf32, #tpu.memory_space<hbm>> -> memref<128xf32, #tpu.memory_space<hbm>>
        %dma_start3A_43 = tpu.memref_slice %arg3[%add3A_17] : memref<98304xf32, #tpu.memory_space<hbm>> -> memref<128xf32, #tpu.memory_space<hbm>>
        tpu.enqueue_dma source(%dma_start3A_43 : memref<128xf32, #tpu.memory_space<hbm>>) target(%arg10 : memref<128xf32, #tpu.memory_space<vmem>>) target_semaphore(%run_scoped3A : memref<!tpu.dma_semaphore, #tpu.memory_space<semaphore_mem>>)
        %dma_wait3A_44 = tpu.memref_slice %arg3[%add3A_17] : memref<98304xf32, #tpu.memory_space<hbm>> -> memref<128xf32, #tpu.memory_space<hbm>>
        %dma_wait3A_45 = tpu.memref_slice %arg3[%add3A_17] : memref<98304xf32, #tpu.memory_space<hbm>> -> memref<128xf32, #tpu.memory_space<hbm>>
        tpu.wait_dma2 semaphore(%run_scoped3A : memref<!tpu.dma_semaphore, #tpu.memory_space<semaphore_mem>>) src(%dma_wait3A_45 : memref<128xf32, #tpu.memory_space<hbm>>) dst(%arg10 : memref<128xf32, #tpu.memory_space<vmem>>)
        tpu.yield
      }) : () -> ()
      %add3A_18 = arith.constant 65536 : i32
      %add3A_19 = arith.addi %add3A_18, %add3A_11 : i32
      "tpu.region"() ({
        %run_scoped3A = tpu.sem_alloc : memref<!tpu.dma_semaphore, #tpu.memory_space<semaphore_mem>>
        %dma_start3A_42 = tpu.memref_slice %arg3[%add3A_19] : memref<98304xf32, #tpu.memory_space<hbm>> -> memref<128xf32, #tpu.memory_space<hbm>>
        %dma_start3A_43 = tpu.memref_slice %arg3[%add3A_19] : memref<98304xf32, #tpu.memory_space<hbm>> -> memref<128xf32, #tpu.memory_space<hbm>>
        tpu.enqueue_dma source(%dma_start3A_43 : memref<128xf32, #tpu.memory_space<hbm>>) target(%arg11 : memref<128xf32, #tpu.memory_space<vmem>>) target_semaphore(%run_scoped3A : memref<!tpu.dma_semaphore, #tpu.memory_space<semaphore_mem>>)
        %dma_wait3A_44 = tpu.memref_slice %arg3[%add3A_19] : memref<98304xf32, #tpu.memory_space<hbm>> -> memref<128xf32, #tpu.memory_space<hbm>>
        %dma_wait3A_45 = tpu.memref_slice %arg3[%add3A_19] : memref<98304xf32, #tpu.memory_space<hbm>> -> memref<128xf32, #tpu.memory_space<hbm>>
        tpu.wait_dma2 semaphore(%run_scoped3A : memref<!tpu.dma_semaphore, #tpu.memory_space<semaphore_mem>>) src(%dma_wait3A_45 : memref<128xf32, #tpu.memory_space<hbm>>) dst(%arg11 : memref<128xf32, #tpu.memory_space<vmem>>)
        tpu.yield
      }) : () -> ()
      %dma_start3A = arith.constant 0 : i32
      %dma_start3A_20 = arith.constant 0 : i32
      %dma_start3A_21 = tpu.memref_slice %arg4[%dma_start3A, %dma_start3A_20] : memref<8192x128xf32, #tpu.memory_space<hbm>> -> memref<8192x128xf32, #tpu.memory_space<hbm>>
      tpu.enqueue_indirect_dma source(%dma_start3A_21 : memref<8192x128xf32, #tpu.memory_space<hbm>>) target(%arg12 : memref<128x128xf32, #tpu.memory_space<vmem>>) offsets(%arg6 : memref<128xi32, #tpu.memory_space<vmem>>) semaphore(%arg16 : memref<!tpu.dma_semaphore, #tpu.memory_space<semaphore_mem>>)
      %dma_start3A_22 = arith.constant 0 : i32
      %dma_start3A_23 = arith.constant 0 : i32
      %dma_start3A_24 = tpu.memref_slice %arg4[%dma_start3A_22, %dma_start3A_23] : memref<8192x128xf32, #tpu.memory_space<hbm>> -> memref<8192x128xf32, #tpu.memory_space<hbm>>
      tpu.enqueue_indirect_dma source(%dma_start3A_24 : memref<8192x128xf32, #tpu.memory_space<hbm>>) target(%arg13 : memref<128x128xf32, #tpu.memory_space<vmem>>) offsets(%arg7 : memref<128xi32, #tpu.memory_space<vmem>>) semaphore(%arg16 : memref<!tpu.dma_semaphore, #tpu.memory_space<semaphore_mem>>)
      %dma_start3A_25 = arith.constant 0 : i32
      %dma_start3A_26 = arith.constant 0 : i32
      %dma_start3A_27 = tpu.memref_slice %arg4[%dma_start3A_25, %dma_start3A_26] : memref<8192x128xf32, #tpu.memory_space<hbm>> -> memref<8192x128xf32, #tpu.memory_space<hbm>>
      tpu.enqueue_indirect_dma source(%dma_start3A_27 : memref<8192x128xf32, #tpu.memory_space<hbm>>) target(%arg14 : memref<128x128xf32, #tpu.memory_space<vmem>>) offsets(%arg8 : memref<128xi32, #tpu.memory_space<vmem>>) semaphore(%arg16 : memref<!tpu.dma_semaphore, #tpu.memory_space<semaphore_mem>>)
      %dma_wait3A = arith.constant 0 : i32
      %dma_wait3A_28 = arith.constant 0 : i32
      %dma_wait3A_29 = tpu.memref_slice %arg4[%dma_wait3A, %dma_wait3A_28] : memref<8192x128xf32, #tpu.memory_space<hbm>> -> memref<8192x128xf32, #tpu.memory_space<hbm>>
      tpu.wait_indirect_dma semaphore(%arg16 : memref<!tpu.dma_semaphore, #tpu.memory_space<semaphore_mem>>) src(%dma_wait3A_29 : memref<8192x128xf32, #tpu.memory_space<hbm>>) dst(%arg12 : memref<128x128xf32, #tpu.memory_space<vmem>>)
      %dma_wait3A_30 = arith.constant 0 : i32
      %dma_wait3A_31 = arith.constant 0 : i32
      %dma_wait3A_32 = tpu.memref_slice %arg4[%dma_wait3A_30, %dma_wait3A_31] : memref<8192x128xf32, #tpu.memory_space<hbm>> -> memref<8192x128xf32, #tpu.memory_space<hbm>>
      tpu.wait_indirect_dma semaphore(%arg16 : memref<!tpu.dma_semaphore, #tpu.memory_space<semaphore_mem>>) src(%dma_wait3A_32 : memref<8192x128xf32, #tpu.memory_space<hbm>>) dst(%arg13 : memref<128x128xf32, #tpu.memory_space<vmem>>)
      %dma_wait3A_33 = arith.constant 0 : i32
      %dma_wait3A_34 = arith.constant 0 : i32
      %dma_wait3A_35 = tpu.memref_slice %arg4[%dma_wait3A_33, %dma_wait3A_34] : memref<8192x128xf32, #tpu.memory_space<hbm>> -> memref<8192x128xf32, #tpu.memory_space<hbm>>
      tpu.wait_indirect_dma semaphore(%arg16 : memref<!tpu.dma_semaphore, #tpu.memory_space<semaphore_mem>>) src(%dma_wait3A_35 : memref<8192x128xf32, #tpu.memory_space<hbm>>) dst(%arg14 : memref<128x128xf32, #tpu.memory_space<vmem>>)
      %scan3A_36 = arith.constant 0 : i32
      %scan3A_37 = arith.constant 0 : i32
      %scan3A_38 = arith.constant 8 : i32
      %scan3A_39 = arith.addi %scan3A_37, %scan3A_38 : i32
      %scan3A_40 = arith.constant 1 : i32
      scf.for %scan3A_42 = %scan3A_37 to %scan3A_39 step %scan3A_40  : i32 {
        %mul3A_43 = arith.constant 16 : i32
        %mul3A_44 = arith.muli %scan3A_42, %mul3A_43 : i32
        %get3A = arith.index_cast %mul3A_44 : i32 to index
        %get3A_45 = tpu.vector_load %arg9[%get3A] {strides = array<i32>} : memref<128xf32, #tpu.memory_space<vmem>>, vector<16xf32>,
        %get3A_46 = vector.shape_cast %get3A_45 : vector<16xf32> to vector<16xf32>
        %mul3A_47 = arith.constant 16 : i32
        %mul3A_48 = arith.muli %scan3A_42, %mul3A_47 : i32
        %get3A_49 = arith.index_cast %mul3A_48 : i32 to index
        %get3A_50 = tpu.vector_load %arg10[%get3A_49] {strides = array<i32>} : memref<128xf32, #tpu.memory_space<vmem>>, vector<16xf32>,
        %get3A_51 = vector.shape_cast %get3A_50 : vector<16xf32> to vector<16xf32>
        %mul3A_52 = arith.constant 16 : i32
        %mul3A_53 = arith.muli %scan3A_42, %mul3A_52 : i32
        %get3A_54 = arith.index_cast %mul3A_53 : i32 to index
        %get3A_55 = tpu.vector_load %arg11[%get3A_54] {strides = array<i32>} : memref<128xf32, #tpu.memory_space<vmem>>, vector<16xf32>,
        %get3A_56 = vector.shape_cast %get3A_55 : vector<16xf32> to vector<16xf32>
        %mul3A_57 = arith.constant 16 : i32
        %mul3A_58 = arith.muli %scan3A_42, %mul3A_57 : i32
        %add3A_59 = arith.constant 0 : i32
        %add3A_60 = arith.addi %mul3A_58, %add3A_59 : i32
        %broadcast_in_dim3A = arith.constant 0 : i32
        %broadcast_in_dim3A_61 = vector.broadcast %broadcast_in_dim3A : i32 to vector<16x1xi32>
        %gather3A = vector.shape_cast %broadcast_in_dim3A_61 : vector<16x1xi32> to vector<16xi32>
        %gather3A_62 = tpu.dynamic_gather %get3A_46[%gather3A] in [0] : vector<16xf32>, vector<16xi32> -> vector<16xf32>
        %gather3A_63 = vector.shape_cast %broadcast_in_dim3A_61 : vector<16x1xi32> to vector<16xi32>
        %gather3A_64 = tpu.dynamic_gather %get3A_51[%gather3A_63] in [0] : vector<16xf32>, vector<16xi32> -> vector<16xf32>
        %gather3A_65 = vector.shape_cast %broadcast_in_dim3A_61 : vector<16x1xi32> to vector<16xi32>
        %gather3A_66 = tpu.dynamic_gather %get3A_56[%gather3A_65] in [0] : vector<16xf32>, vector<16xi32> -> vector<16xf32>
        %get3A_67 = arith.index_cast %add3A_60 : i32 to index
        %get3A_68 = arith.constant 0 : index
        %get3A_69 = tpu.vector_load %arg12[%get3A_67, %get3A_68] {strides = array<i32>} : memref<128x128xf32, #tpu.memory_space<vmem>>, vector<1x16xf32>,
        %get3A_70 = vector.shape_cast %get3A_69 : vector<1x16xf32> to vector<16xf32>
        %mul3A_71 = arith.mulf %gather3A_62, %get3A_70 : vector<16xf32>
        %get3A_72 = arith.index_cast %add3A_60 : i32 to index
        %get3A_73 = arith.constant 0 : index
        %get3A_74 = tpu.vector_load %arg13[%get3A_72, %get3A_73] {strides = array<i32>} : memref<128x128xf32, #tpu.memory_space<vmem>>, vector<1x16xf32>,
        %get3A_75 = vector.shape_cast %get3A_74 : vector<1x16xf32> to vector<16xf32>
        %mul3A_76 = arith.mulf %gather3A_64, %get3A_75 : vector<16xf32>
        %add3A_77 = arith.addf %mul3A_71, %mul3A_76 : vector<16xf32>
        %get3A_78 = arith.index_cast %add3A_60 : i32 to index
        %get3A_79 = arith.constant 0 : index
        %get3A_80 = tpu.vector_load %arg14[%get3A_78, %get3A_79] {strides = array<i32>} : memref<128x128xf32, #tpu.memory_space<vmem>>, vector<1x16xf32>,
        %get3A_81 = vector.shape_cast %get3A_80 : vector<1x16xf32> to vector<16xf32>
        %mul3A_82 = arith.mulf %gather3A_66, %get3A_81 : vector<16xf32>
        %add3A_83 = arith.addf %add3A_77, %mul3A_82 : vector<16xf32>
        %swap3A = arith.index_cast %add3A_60 : i32 to index
        %swap3A_84 = arith.constant 0 : index
        %swap3A_85 = tpu.vector_load %arg15[%swap3A, %swap3A_84] {strides = array<i32>} : memref<128x128xf32, #tpu.memory_space<vmem>>, vector<1x16xf32>,
        %swap3A_86 = vector.shape_cast %swap3A_85 : vector<1x16xf32> to vector<16xf32>
        %swap3A_87 = vector.shape_cast %add3A_83 : vector<16xf32> to vector<1x16xf32>
        tpu.vector_store %arg15[%swap3A, %swap3A_84], %swap3A_87 {strides = array<i32>} : memref<128x128xf32, #tpu.memory_space<vmem>>, vector<1x16xf32>,
        %get3A_88 = arith.index_cast %add3A_60 : i32 to index
        %get3A_89 = arith.constant 16 : index
        %get3A_90 = tpu.vector_load %arg12[%get3A_88, %get3A_89] {strides = array<i32>} : memref<128x128xf32, #tpu.memory_space<vmem>>, vector<1x16xf32>,
        %get3A_91 = vector.shape_cast %get3A_90 : vector<1x16xf32> to vector<16xf32>
        %mul3A_92 = arith.mulf %gather3A_62, %get3A_91 : vector<16xf32>
        %get3A_93 = arith.index_cast %add3A_60 : i32 to index
        %get3A_94 = arith.constant 16 : index
        %get3A_95 = tpu.vector_load %arg13[%get3A_93, %get3A_94] {strides = array<i32>} : memref<128x128xf32, #tpu.memory_space<vmem>>, vector<1x16xf32>,
        %get3A_96 = vector.shape_cast %get3A_95 : vector<1x16xf32> to vector<16xf32>
        %mul3A_97 = arith.mulf %gather3A_64, %get3A_96 : vector<16xf32>
        %add3A_98 = arith.addf %mul3A_92, %mul3A_97 : vector<16xf32>
        %get3A_99 = arith.index_cast %add3A_60 : i32 to index
        %get3A_100 = arith.constant 16 : index
        %get3A_101 = tpu.vector_load %arg14[%get3A_99, %get3A_100] {strides = array<i32>} : memref<128x128xf32, #tpu.memory_space<vmem>>, vector<1x16xf32>,
        %get3A_102 = vector.shape_cast %get3A_101 : vector<1x16xf32> to vector<16xf32>
        %mul3A_103 = arith.mulf %gather3A_66, %get3A_102 : vector<16xf32>
        %add3A_104 = arith.addf %add3A_98, %mul3A_103 : vector<16xf32>
        %swap3A_105 = arith.index_cast %add3A_60 : i32 to index
        %swap3A_106 = arith.constant 16 : index
        %swap3A_107 = tpu.vector_load %arg15[%swap3A_105, %swap3A_106] {strides = array<i32>} : memref<128x128xf32, #tpu.memory_space<vmem>>, vector<1x16xf32>,
        %swap3A_108 = vector.shape_cast %swap3A_107 : vector<1x16xf32> to vector<16xf32>
        %swap3A_109 = vector.shape_cast %add3A_104 : vector<16xf32> to vector<1x16xf32>
        tpu.vector_store %arg15[%swap3A_105, %swap3A_106], %swap3A_109 {strides = array<i32>} : memref<128x128xf32, #tpu.memory_space<vmem>>, vector<1x16xf32>,
        %get3A_110 = arith.index_cast %add3A_60 : i32 to index
        %get3A_111 = arith.constant 32 : index
        %get3A_112 = tpu.vector_load %arg12[%get3A_110, %get3A_111] {strides = array<i32>} : memref<128x128xf32, #tpu.memory_space<vmem>>, vector<1x16xf32>,
        %get3A_113 = vector.shape_cast %get3A_112 : vector<1x16xf32> to vector<16xf32>
        %mul3A_114 = arith.mulf %gather3A_62, %get3A_113 : vector<16xf32>
        %get3A_115 = arith.index_cast %add3A_60 : i32 to index
        %get3A_116 = arith.constant 32 : index
        %get3A_117 = tpu.vector_load %arg13[%get3A_115, %get3A_116] {strides = array<i32>} : memref<128x128xf32, #tpu.memory_space<vmem>>, vector<1x16xf32>,
        %get3A_118 = vector.shape_cast %get3A_117 : vector<1x16xf32> to vector<16xf32>
        %mul3A_119 = arith.mulf %gather3A_64, %get3A_118 : vector<16xf32>
        %add3A_120 = arith.addf %mul3A_114, %mul3A_119 : vector<16xf32>
        %get3A_121 = arith.index_cast %add3A_60 : i32 to index
        %get3A_122 = arith.constant 32 : index
        %get3A_123 = tpu.vector_load %arg14[%get3A_121, %get3A_122] {strides = array<i32>} : memref<128x128xf32, #tpu.memory_space<vmem>>, vector<1x16xf32>,
        %get3A_124 = vector.shape_cast %get3A_123 : vector<1x16xf32> to vector<16xf32>
        %mul3A_125 = arith.mulf %gather3A_66, %get3A_124 : vector<16xf32>
        %add3A_126 = arith.addf %add3A_120, %mul3A_125 : vector<16xf32>
        %swap3A_127 = arith.index_cast %add3A_60 : i32 to index
        %swap3A_128 = arith.constant 32 : index
        %swap3A_129 = tpu.vector_load %arg15[%swap3A_127, %swap3A_128] {strides = array<i32>} : memref<128x128xf32, #tpu.memory_space<vmem>>, vector<1x16xf32>,
        %swap3A_130 = vector.shape_cast %swap3A_129 : vector<1x16xf32> to vector<16xf32>
        %swap3A_131 = vector.shape_cast %add3A_126 : vector<16xf32> to vector<1x16xf32>
        tpu.vector_store %arg15[%swap3A_127, %swap3A_128], %swap3A_131 {strides = array<i32>} : memref<128x128xf32, #tpu.memory_space<vmem>>, vector<1x16xf32>,
        %get3A_132 = arith.index_cast %add3A_60 : i32 to index
        %get3A_133 = arith.constant 48 : index
        %get3A_134 = tpu.vector_load %arg12[%get3A_132, %get3A_133] {strides = array<i32>} : memref<128x128xf32, #tpu.memory_space<vmem>>, vector<1x16xf32>,
        %get3A_135 = vector.shape_cast %get3A_134 : vector<1x16xf32> to vector<16xf32>
        %mul3A_136 = arith.mulf %gather3A_62, %get3A_135 : vector<16xf32>
        %get3A_137 = arith.index_cast %add3A_60 : i32 to index
        %get3A_138 = arith.constant 48 : index
        %get3A_139 = tpu.vector_load %arg13[%get3A_137, %get3A_138] {strides = array<i32>} : memref<128x128xf32, #tpu.memory_space<vmem>>, vector<1x16xf32>,
        %get3A_140 = vector.shape_cast %get3A_139 : vector<1x16xf32> to vector<16xf32>
        %mul3A_141 = arith.mulf %gather3A_64, %get3A_140 : vector<16xf32>
        %add3A_142 = arith.addf %mul3A_136, %mul3A_141 : vector<16xf32>
        %get3A_143 = arith.index_cast %add3A_60 : i32 to index
        %get3A_144 = arith.constant 48 : index
        %get3A_145 = tpu.vector_load %arg14[%get3A_143, %get3A_144] {strides = array<i32>} : memref<128x128xf32, #tpu.memory_space<vmem>>, vector<1x16xf32>,
        %get3A_146 = vector.shape_cast %get3A_145 : vector<1x16xf32> to vector<16xf32>
        %mul3A_147 = arith.mulf %gather3A_66, %get3A_146 : vector<16xf32>
        %add3A_148 = arith.addf %add3A_142, %mul3A_147 : vector<16xf32>
        %swap3A_149 = arith.index_cast %add3A_60 : i32 to index
        %swap3A_150 = arith.constant 48 : index
        %swap3A_151 = tpu.vector_load %arg15[%swap3A_149, %swap3A_150] {strides = array<i32>} : memref<128x128xf32, #tpu.memory_space<vmem>>, vector<1x16xf32>,
        %swap3A_152 = vector.shape_cast %swap3A_151 : vector<1x16xf32> to vector<16xf32>
        %swap3A_153 = vector.shape_cast %add3A_148 : vector<16xf32> to vector<1x16xf32>
        tpu.vector_store %arg15[%swap3A_149, %swap3A_150], %swap3A_153 {strides = array<i32>} : memref<128x128xf32, #tpu.memory_space<vmem>>, vector<1x16xf32>,
        %get3A_154 = arith.index_cast %add3A_60 : i32 to index
        %get3A_155 = arith.constant 64 : index
        %get3A_156 = tpu.vector_load %arg12[%get3A_154, %get3A_155] {strides = array<i32>} : memref<128x128xf32, #tpu.memory_space<vmem>>, vector<1x16xf32>,
        %get3A_157 = vector.shape_cast %get3A_156 : vector<1x16xf32> to vector<16xf32>
        %mul3A_158 = arith.mulf %gather3A_62, %get3A_157 : vector<16xf32>
        %get3A_159 = arith.index_cast %add3A_60 : i32 to index
        %get3A_160 = arith.constant 64 : index
        %get3A_161 = tpu.vector_load %arg13[%get3A_159, %get3A_160] {strides = array<i32>} : memref<128x128xf32, #tpu.memory_space<vmem>>, vector<1x16xf32>,
        %get3A_162 = vector.shape_cast %get3A_161 : vector<1x16xf32> to vector<16xf32>
        %mul3A_163 = arith.mulf %gather3A_64, %get3A_162 : vector<16xf32>
        %add3A_164 = arith.addf %mul3A_158, %mul3A_163 : vector<16xf32>
        %get3A_165 = arith.index_cast %add3A_60 : i32 to index
        %get3A_166 = arith.constant 64 : index
        %get3A_167 = tpu.vector_load %arg14[%get3A_165, %get3A_166] {strides = array<i32>} : memref<128x128xf32, #tpu.memory_space<vmem>>, vector<1x16xf32>,
        %get3A_168 = vector.shape_cast %get3A_167 : vector<1x16xf32> to vector<16xf32>
        %mul3A_169 = arith.mulf %gather3A_66, %get3A_168 : vector<16xf32>
        %add3A_170 = arith.addf %add3A_164, %mul3A_169 : vector<16xf32>
        %swap3A_171 = arith.index_cast %add3A_60 : i32 to index
        %swap3A_172 = arith.constant 64 : index
        %swap3A_173 = tpu.vector_load %arg15[%swap3A_171, %swap3A_172] {strides = array<i32>} : memref<128x128xf32, #tpu.memory_space<vmem>>, vector<1x16xf32>,
        %swap3A_174 = vector.shape_cast %swap3A_173 : vector<1x16xf32> to vector<16xf32>
        %swap3A_175 = vector.shape_cast %add3A_170 : vector<16xf32> to vector<1x16xf32>
        tpu.vector_store %arg15[%swap3A_171, %swap3A_172], %swap3A_175 {strides = array<i32>} : memref<128x128xf32, #tpu.memory_space<vmem>>, vector<1x16xf32>,
        %get3A_176 = arith.index_cast %add3A_60 : i32 to index
        %get3A_177 = arith.constant 80 : index
        %get3A_178 = tpu.vector_load %arg12[%get3A_176, %get3A_177] {strides = array<i32>} : memref<128x128xf32, #tpu.memory_space<vmem>>, vector<1x16xf32>,
        %get3A_179 = vector.shape_cast %get3A_178 : vector<1x16xf32> to vector<16xf32>
        %mul3A_180 = arith.mulf %gather3A_62, %get3A_179 : vector<16xf32>
        %get3A_181 = arith.index_cast %add3A_60 : i32 to index
        %get3A_182 = arith.constant 80 : index
        %get3A_183 = tpu.vector_load %arg13[%get3A_181, %get3A_182] {strides = array<i32>} : memref<128x128xf32, #tpu.memory_space<vmem>>, vector<1x16xf32>,
        %get3A_184 = vector.shape_cast %get3A_183 : vector<1x16xf32> to vector<16xf32>
        %mul3A_185 = arith.mulf %gather3A_64, %get3A_184 : vector<16xf32>
        %add3A_186 = arith.addf %mul3A_180, %mul3A_185 : vector<16xf32>
        %get3A_187 = arith.index_cast %add3A_60 : i32 to index
        %get3A_188 = arith.constant 80 : index
        %get3A_189 = tpu.vector_load %arg14[%get3A_187, %get3A_188] {strides = array<i32>} : memref<128x128xf32, #tpu.memory_space<vmem>>, vector<1x16xf32>,
        %get3A_190 = vector.shape_cast %get3A_189 : vector<1x16xf32> to vector<16xf32>
        %mul3A_191 = arith.mulf %gather3A_66, %get3A_190 : vector<16xf32>
        %add3A_192 = arith.addf %add3A_186, %mul3A_191 : vector<16xf32>
        %swap3A_193 = arith.index_cast %add3A_60 : i32 to index
        %swap3A_194 = arith.constant 80 : index
        %swap3A_195 = tpu.vector_load %arg15[%swap3A_193, %swap3A_194] {strides = array<i32>} : memref<128x128xf32, #tpu.memory_space<vmem>>, vector<1x16xf32>,
        %swap3A_196 = vector.shape_cast %swap3A_195 : vector<1x16xf32> to vector<16xf32>
        %swap3A_197 = vector.shape_cast %add3A_192 : vector<16xf32> to vector<1x16xf32>
        tpu.vector_store %arg15[%swap3A_193, %swap3A_194], %swap3A_197 {strides = array<i32>} : memref<128x128xf32, #tpu.memory_space<vmem>>, vector<1x16xf32>,
        %get3A_198 = arith.index_cast %add3A_60 : i32 to index
        %get3A_199 = arith.constant 96 : index
        %get3A_200 = tpu.vector_load %arg12[%get3A_198, %get3A_199] {strides = array<i32>} : memref<128x128xf32, #tpu.memory_space<vmem>>, vector<1x16xf32>,
        %get3A_201 = vector.shape_cast %get3A_200 : vector<1x16xf32> to vector<16xf32>
        %mul3A_202 = arith.mulf %gather3A_62, %get3A_201 : vector<16xf32>
        %get3A_203 = arith.index_cast %add3A_60 : i32 to index
        %get3A_204 = arith.constant 96 : index
        %get3A_205 = tpu.vector_load %arg13[%get3A_203, %get3A_204] {strides = array<i32>} : memref<128x128xf32, #tpu.memory_space<vmem>>, vector<1x16xf32>,
        %get3A_206 = vector.shape_cast %get3A_205 : vector<1x16xf32> to vector<16xf32>
        %mul3A_207 = arith.mulf %gather3A_64, %get3A_206 : vector<16xf32>
        %add3A_208 = arith.addf %mul3A_202, %mul3A_207 : vector<16xf32>
        %get3A_209 = arith.index_cast %add3A_60 : i32 to index
        %get3A_210 = arith.constant 96 : index
        %get3A_211 = tpu.vector_load %arg14[%get3A_209, %get3A_210] {strides = array<i32>} : memref<128x128xf32, #tpu.memory_space<vmem>>, vector<1x16xf32>,
        %get3A_212 = vector.shape_cast %get3A_211 : vector<1x16xf32> to vector<16xf32>
        %mul3A_213 = arith.mulf %gather3A_66, %get3A_212 : vector<16xf32>
        %add3A_214 = arith.addf %add3A_208, %mul3A_213 : vector<16xf32>
        %swap3A_215 = arith.index_cast %add3A_60 : i32 to index
        %swap3A_216 = arith.constant 96 : index
        %swap3A_217 = tpu.vector_load %arg15[%swap3A_215, %swap3A_216] {strides = array<i32>} : memref<128x128xf32, #tpu.memory_space<vmem>>, vector<1x16xf32>,
        %swap3A_218 = vector.shape_cast %swap3A_217 : vector<1x16xf32> to vector<16xf32>
        %swap3A_219 = vector.shape_cast %add3A_214 : vector<16xf32> to vector<1x16xf32>
        tpu.vector_store %arg15[%swap3A_215, %swap3A_216], %swap3A_219 {strides = array<i32>} : memref<128x128xf32, #tpu.memory_space<vmem>>, vector<1x16xf32>,
        %get3A_220 = arith.index_cast %add3A_60 : i32 to index
        %get3A_221 = arith.constant 112 : index
        %get3A_222 = tpu.vector_load %arg12[%get3A_220, %get3A_221] {strides = array<i32>} : memref<128x128xf32, #tpu.memory_space<vmem>>, vector<1x16xf32>,
        %get3A_223 = vector.shape_cast %get3A_222 : vector<1x16xf32> to vector<16xf32>
        %mul3A_224 = arith.mulf %gather3A_62, %get3A_223 : vector<16xf32>
        %get3A_225 = arith.index_cast %add3A_60 : i32 to index
        %get3A_226 = arith.constant 112 : index
        %get3A_227 = tpu.vector_load %arg13[%get3A_225, %get3A_226] {strides = array<i32>} : memref<128x128xf32, #tpu.memory_space<vmem>>, vector<1x16xf32>,
        %get3A_228 = vector.shape_cast %get3A_227 : vector<1x16xf32> to vector<16xf32>
        %mul3A_229 = arith.mulf %gather3A_64, %get3A_228 : vector<16xf32>
        %add3A_230 = arith.addf %mul3A_224, %mul3A_229 : vector<16xf32>
        %get3A_231 = arith.index_cast %add3A_60 : i32 to index
        %get3A_232 = arith.constant 112 : index
        %get3A_233 = tpu.vector_load %arg14[%get3A_231, %get3A_232] {strides = array<i32>} : memref<128x128xf32, #tpu.memory_space<vmem>>, vector<1x16xf32>,
        %get3A_234 = vector.shape_cast %get3A_233 : vector<1x16xf32> to vector<16xf32>
        %mul3A_235 = arith.mulf %gather3A_66, %get3A_234 : vector<16xf32>
        %add3A_236 = arith.addf %add3A_230, %mul3A_235 : vector<16xf32>
        %swap3A_237 = arith.index_cast %add3A_60 : i32 to index
        %swap3A_238 = arith.constant 112 : index
        %swap3A_239 = tpu.vector_load %arg15[%swap3A_237, %swap3A_238] {strides = array<i32>} : memref<128x128xf32, #tpu.memory_space<vmem>>, vector<1x16xf32>,
        %swap3A_240 = vector.shape_cast %swap3A_239 : vector<1x16xf32> to vector<16xf32>
        %swap3A_241 = vector.shape_cast %add3A_236 : vector<16xf32> to vector<1x16xf32>
        tpu.vector_store %arg15[%swap3A_237, %swap3A_238], %swap3A_241 {strides = array<i32>} : memref<128x128xf32, #tpu.memory_space<vmem>>, vector<1x16xf32>,
        %mul3A_242 = arith.constant 16 : i32
        %mul3A_243 = arith.muli %scan3A_42, %mul3A_242 : i32
        %add3A_244 = arith.constant 1 : i32
        %add3A_245 = arith.addi %mul3A_243, %add3A_244 : i32
        %broadcast_in_dim3A_246 = arith.constant 1 : i32
        %broadcast_in_dim3A_247 = vector.broadcast %broadcast_in_dim3A_246 : i32 to vector<16x1xi32>
        %gather3A_248 = vector.shape_cast %broadcast_in_dim3A_247 : vector<16x1xi32> to vector<16xi32>
        %gather3A_249 = tpu.dynamic_gather %get3A_46[%gather3A_248] in [0] : vector<16xf32>, vector<16xi32> -> vector<16xf32>
        %gather3A_250 = vector.shape_cast %broadcast_in_dim3A_247 : vector<16x1xi32> to vector<16xi32>
        %gather3A_251 = tpu.dynamic_gather %get3A_51[%gather3A_250] in [0] : vector<16xf32>, vector<16xi32> -> vector<16xf32>
        %gather3A_252 = vector.shape_cast %broadcast_in_dim3A_247 : vector<16x1xi32> to vector<16xi32>
        %gather3A_253 = tpu.dynamic_gather %get3A_56[%gather3A_252] in [0] : vector<16xf32>, vector<16xi32> -> vector<16xf32>
        %get3A_254 = arith.index_cast %add3A_245 : i32 to index
        %get3A_255 = arith.constant 0 : index
        %get3A_256 = tpu.vector_load %arg12[%get3A_254, %get3A_255] {strides = array<i32>} : memref<128x128xf32, #tpu.memory_space<vmem>>, vector<1x16xf32>,
        %get3A_257 = vector.shape_cast %get3A_256 : vector<1x16xf32> to vector<16xf32>
        %mul3A_258 = arith.mulf %gather3A_249, %get3A_257 : vector<16xf32>
        %get3A_259 = arith.index_cast %add3A_245 : i32 to index
        %get3A_260 = arith.constant 0 : index
        %get3A_261 = tpu.vector_load %arg13[%get3A_259, %get3A_260] {strides = array<i32>} : memref<128x128xf32, #tpu.memory_space<vmem>>, vector<1x16xf32>,
        %get3A_262 = vector.shape_cast %get3A_261 : vector<1x16xf32> to vector<16xf32>
        %mul3A_263 = arith.mulf %gather3A_251, %get3A_262 : vector<16xf32>
        %add3A_264 = arith.addf %mul3A_258, %mul3A_263 : vector<16xf32>
        %get3A_265 = arith.index_cast %add3A_245 : i32 to index
        %get3A_266 = arith.constant 0 : index
        %get3A_267 = tpu.vector_load %arg14[%get3A_265, %get3A_266] {strides = array<i32>} : memref<128x128xf32, #tpu.memory_space<vmem>>, vector<1x16xf32>,
        %get3A_268 = vector.shape_cast %get3A_267 : vector<1x16xf32> to vector<16xf32>
        %mul3A_269 = arith.mulf %gather3A_253, %get3A_268 : vector<16xf32>
        %add3A_270 = arith.addf %add3A_264, %mul3A_269 : vector<16xf32>
        %swap3A_271 = arith.index_cast %add3A_245 : i32 to index
        %swap3A_272 = arith.constant 0 : index
        %swap3A_273 = tpu.vector_load %arg15[%swap3A_271, %swap3A_272] {strides = array<i32>} : memref<128x128xf32, #tpu.memory_space<vmem>>, vector<1x16xf32>,
        %swap3A_274 = vector.shape_cast %swap3A_273 : vector<1x16xf32> to vector<16xf32>
        %swap3A_275 = vector.shape_cast %add3A_270 : vector<16xf32> to vector<1x16xf32>
        tpu.vector_store %arg15[%swap3A_271, %swap3A_272], %swap3A_275 {strides = array<i32>} : memref<128x128xf32, #tpu.memory_space<vmem>>, vector<1x16xf32>,
        %get3A_276 = arith.index_cast %add3A_245 : i32 to index
        %get3A_277 = arith.constant 16 : index
        %get3A_278 = tpu.vector_load %arg12[%get3A_276, %get3A_277] {strides = array<i32>} : memref<128x128xf32, #tpu.memory_space<vmem>>, vector<1x16xf32>,
        %get3A_279 = vector.shape_cast %get3A_278 : vector<1x16xf32> to vector<16xf32>
        %mul3A_280 = arith.mulf %gather3A_249, %get3A_279 : vector<16xf32>
        %get3A_281 = arith.index_cast %add3A_245 : i32 to index
        %get3A_282 = arith.constant 16 : index
        %get3A_283 = tpu.vector_load %arg13[%get3A_281, %get3A_282] {strides = array<i32>} : memref<128x128xf32, #tpu.memory_space<vmem>>, vector<1x16xf32>,
        %get3A_284 = vector.shape_cast %get3A_283 : vector<1x16xf32> to vector<16xf32>
        %mul3A_285 = arith.mulf %gather3A_251, %get3A_284 : vector<16xf32>
        %add3A_286 = arith.addf %mul3A_280, %mul3A_285 : vector<16xf32>
        %get3A_287 = arith.index_cast %add3A_245 : i32 to index
        %get3A_288 = arith.constant 16 : index
        %get3A_289 = tpu.vector_load %arg14[%get3A_287, %get3A_288] {strides = array<i32>} : memref<128x128xf32, #tpu.memory_space<vmem>>, vector<1x16xf32>,
        %get3A_290 = vector.shape_cast %get3A_289 : vector<1x16xf32> to vector<16xf32>
        %mul3A_291 = arith.mulf %gather3A_253, %get3A_290 : vector<16xf32>
        %add3A_292 = arith.addf %add3A_286, %mul3A_291 : vector<16xf32>
        %swap3A_293 = arith.index_cast %add3A_245 : i32 to index
        %swap3A_294 = arith.constant 16 : index
        %swap3A_295 = tpu.vector_load %arg15[%swap3A_293, %swap3A_294] {strides = array<i32>} : memref<128x128xf32, #tpu.memory_space<vmem>>, vector<1x16xf32>,
        %swap3A_296 = vector.shape_cast %swap3A_295 : vector<1x16xf32> to vector<16xf32>
        %swap3A_297 = vector.shape_cast %add3A_292 : vector<16xf32> to vector<1x16xf32>
        tpu.vector_store %arg15[%swap3A_293, %swap3A_294], %swap3A_297 {strides = array<i32>} : memref<128x128xf32, #tpu.memory_space<vmem>>, vector<1x16xf32>,
        %get3A_298 = arith.index_cast %add3A_245 : i32 to index
        %get3A_299 = arith.constant 32 : index
        %get3A_300 = tpu.vector_load %arg12[%get3A_298, %get3A_299] {strides = array<i32>} : memref<128x128xf32, #tpu.memory_space<vmem>>, vector<1x16xf32>,
        %get3A_301 = vector.shape_cast %get3A_300 : vector<1x16xf32> to vector<16xf32>
        %mul3A_302 = arith.mulf %gather3A_249, %get3A_301 : vector<16xf32>
        %get3A_303 = arith.index_cast %add3A_245 : i32 to index
        %get3A_304 = arith.constant 32 : index
        %get3A_305 = tpu.vector_load %arg13[%get3A_303, %get3A_304] {strides = array<i32>} : memref<128x128xf32, #tpu.memory_space<vmem>>, vector<1x16xf32>,
        %get3A_306 = vector.shape_cast %get3A_305 : vector<1x16xf32> to vector<16xf32>
        %mul3A_307 = arith.mulf %gather3A_251, %get3A_306 : vector<16xf32>
        %add3A_308 = arith.addf %mul3A_302, %mul3A_307 : vector<16xf32>
        %get3A_309 = arith.index_cast %add3A_245 : i32 to index
        %get3A_310 = arith.constant 32 : index
        %get3A_311 = tpu.vector_load %arg14[%get3A_309, %get3A_310] {strides = array<i32>} : memref<128x128xf32, #tpu.memory_space<vmem>>, vector<1x16xf32>,
        %get3A_312 = vector.shape_cast %get3A_311 : vector<1x16xf32> to vector<16xf32>
        %mul3A_313 = arith.mulf %gather3A_253, %get3A_312 : vector<16xf32>
        %add3A_314 = arith.addf %add3A_308, %mul3A_313 : vector<16xf32>
        %swap3A_315 = arith.index_cast %add3A_245 : i32 to index
        %swap3A_316 = arith.constant 32 : index
        %swap3A_317 = tpu.vector_load %arg15[%swap3A_315, %swap3A_316] {strides = array<i32>} : memref<128x128xf32, #tpu.memory_space<vmem>>, vector<1x16xf32>,
        %swap3A_318 = vector.shape_cast %swap3A_317 : vector<1x16xf32> to vector<16xf32>
        %swap3A_319 = vector.shape_cast %add3A_314 : vector<16xf32> to vector<1x16xf32>
        tpu.vector_store %arg15[%swap3A_315, %swap3A_316], %swap3A_319 {strides = array<i32>} : memref<128x128xf32, #tpu.memory_space<vmem>>, vector<1x16xf32>,
        %get3A_320 = arith.index_cast %add3A_245 : i32 to index
        %get3A_321 = arith.constant 48 : index
        %get3A_322 = tpu.vector_load %arg12[%get3A_320, %get3A_321] {strides = array<i32>} : memref<128x128xf32, #tpu.memory_space<vmem>>, vector<1x16xf32>,
        %get3A_323 = vector.shape_cast %get3A_322 : vector<1x16xf32> to vector<16xf32>
        %mul3A_324 = arith.mulf %gather3A_249, %get3A_323 : vector<16xf32>
        %get3A_325 = arith.index_cast %add3A_245 : i32 to index
        %get3A_326 = arith.constant 48 : index
        %get3A_327 = tpu.vector_load %arg13[%get3A_325, %get3A_326] {strides = array<i32>} : memref<128x128xf32, #tpu.memory_space<vmem>>, vector<1x16xf32>,
        %get3A_328 = vector.shape_cast %get3A_327 : vector<1x16xf32> to vector<16xf32>
        %mul3A_329 = arith.mulf %gather3A_251, %get3A_328 : vector<16xf32>
        %add3A_330 = arith.addf %mul3A_324, %mul3A_329 : vector<16xf32>
        %get3A_331 = arith.index_cast %add3A_245 : i32 to index
        %get3A_332 = arith.constant 48 : index
        %get3A_333 = tpu.vector_load %arg14[%get3A_331, %get3A_332] {strides = array<i32>} : memref<128x128xf32, #tpu.memory_space<vmem>>, vector<1x16xf32>,
        %get3A_334 = vector.shape_cast %get3A_333 : vector<1x16xf32> to vector<16xf32>
        %mul3A_335 = arith.mulf %gather3A_253, %get3A_334 : vector<16xf32>
        %add3A_336 = arith.addf %add3A_330, %mul3A_335 : vector<16xf32>
        %swap3A_337 = arith.index_cast %add3A_245 : i32 to index
        %swap3A_338 = arith.constant 48 : index
        %swap3A_339 = tpu.vector_load %arg15[%swap3A_337, %swap3A_338] {strides = array<i32>} : memref<128x128xf32, #tpu.memory_space<vmem>>, vector<1x16xf32>,
        %swap3A_340 = vector.shape_cast %swap3A_339 : vector<1x16xf32> to vector<16xf32>
        %swap3A_341 = vector.shape_cast %add3A_336 : vector<16xf32> to vector<1x16xf32>
        tpu.vector_store %arg15[%swap3A_337, %swap3A_338], %swap3A_341 {strides = array<i32>} : memref<128x128xf32, #tpu.memory_space<vmem>>, vector<1x16xf32>,
        %get3A_342 = arith.index_cast %add3A_245 : i32 to index
        %get3A_343 = arith.constant 64 : index
        %get3A_344 = tpu.vector_load %arg12[%get3A_342, %get3A_343] {strides = array<i32>} : memref<128x128xf32, #tpu.memory_space<vmem>>, vector<1x16xf32>,
        %get3A_345 = vector.shape_cast %get3A_344 : vector<1x16xf32> to vector<16xf32>
        %mul3A_346 = arith.mulf %gather3A_249, %get3A_345 : vector<16xf32>
        %get3A_347 = arith.index_cast %add3A_245 : i32 to index
        %get3A_348 = arith.constant 64 : index
        %get3A_349 = tpu.vector_load %arg13[%get3A_347, %get3A_348] {strides = array<i32>} : memref<128x128xf32, #tpu.memory_space<vmem>>, vector<1x16xf32>,
        %get3A_350 = vector.shape_cast %get3A_349 : vector<1x16xf32> to vector<16xf32>
        %mul3A_351 = arith.mulf %gather3A_251, %get3A_350 : vector<16xf32>
        %add3A_352 = arith.addf %mul3A_346, %mul3A_351 : vector<16xf32>
        %get3A_353 = arith.index_cast %add3A_245 : i32 to index
        %get3A_354 = arith.constant 64 : index
        %get3A_355 = tpu.vector_load %arg14[%get3A_353, %get3A_354] {strides = array<i32>} : memref<128x128xf32, #tpu.memory_space<vmem>>, vector<1x16xf32>,
        %get3A_356 = vector.shape_cast %get3A_355 : vector<1x16xf32> to vector<16xf32>
        %mul3A_357 = arith.mulf %gather3A_253, %get3A_356 : vector<16xf32>
        %add3A_358 = arith.addf %add3A_352, %mul3A_357 : vector<16xf32>
        %swap3A_359 = arith.index_cast %add3A_245 : i32 to index
        %swap3A_360 = arith.constant 64 : index
        %swap3A_361 = tpu.vector_load %arg15[%swap3A_359, %swap3A_360] {strides = array<i32>} : memref<128x128xf32, #tpu.memory_space<vmem>>, vector<1x16xf32>,
        %swap3A_362 = vector.shape_cast %swap3A_361 : vector<1x16xf32> to vector<16xf32>
        %swap3A_363 = vector.shape_cast %add3A_358 : vector<16xf32> to vector<1x16xf32>
        tpu.vector_store %arg15[%swap3A_359, %swap3A_360], %swap3A_363 {strides = array<i32>} : memref<128x128xf32, #tpu.memory_space<vmem>>, vector<1x16xf32>,
        %get3A_364 = arith.index_cast %add3A_245 : i32 to index
        %get3A_365 = arith.constant 80 : index
        %get3A_366 = tpu.vector_load %arg12[%get3A_364, %get3A_365] {strides = array<i32>} : memref<128x128xf32, #tpu.memory_space<vmem>>, vector<1x16xf32>,
        %get3A_367 = vector.shape_cast %get3A_366 : vector<1x16xf32> to vector<16xf32>
        %mul3A_368 = arith.mulf %gather3A_249, %get3A_367 : vector<16xf32>
        %get3A_369 = arith.index_cast %add3A_245 : i32 to index
        %get3A_370 = arith.constant 80 : index
        %get3A_371 = tpu.vector_load %arg13[%get3A_369, %get3A_370] {strides = array<i32>} : memref<128x128xf32, #tpu.memory_space<vmem>>, vector<1x16xf32>,
        %get3A_372 = vector.shape_cast %get3A_371 : vector<1x16xf32> to vector<16xf32>
        %mul3A_373 = arith.mulf %gather3A_251, %get3A_372 : vector<16xf32>
        %add3A_374 = arith.addf %mul3A_368, %mul3A_373 : vector<16xf32>
        %get3A_375 = arith.index_cast %add3A_245 : i32 to index
        %get3A_376 = arith.constant 80 : index
        %get3A_377 = tpu.vector_load %arg14[%get3A_375, %get3A_376] {strides = array<i32>} : memref<128x128xf32, #tpu.memory_space<vmem>>, vector<1x16xf32>,
        %get3A_378 = vector.shape_cast %get3A_377 : vector<1x16xf32> to vector<16xf32>
        %mul3A_379 = arith.mulf %gather3A_253, %get3A_378 : vector<16xf32>
        %add3A_380 = arith.addf %add3A_374, %mul3A_379 : vector<16xf32>
        %swap3A_381 = arith.index_cast %add3A_245 : i32 to index
        %swap3A_382 = arith.constant 80 : index
        %swap3A_383 = tpu.vector_load %arg15[%swap3A_381, %swap3A_382] {strides = array<i32>} : memref<128x128xf32, #tpu.memory_space<vmem>>, vector<1x16xf32>,
        %swap3A_384 = vector.shape_cast %swap3A_383 : vector<1x16xf32> to vector<16xf32>
        %swap3A_385 = vector.shape_cast %add3A_380 : vector<16xf32> to vector<1x16xf32>
        tpu.vector_store %arg15[%swap3A_381, %swap3A_382], %swap3A_385 {strides = array<i32>} : memref<128x128xf32, #tpu.memory_space<vmem>>, vector<1x16xf32>,
        %get3A_386 = arith.index_cast %add3A_245 : i32 to index
        %get3A_387 = arith.constant 96 : index
        %get3A_388 = tpu.vector_load %arg12[%get3A_386, %get3A_387] {strides = array<i32>} : memref<128x128xf32, #tpu.memory_space<vmem>>, vector<1x16xf32>,
        %get3A_389 = vector.shape_cast %get3A_388 : vector<1x16xf32> to vector<16xf32>
        %mul3A_390 = arith.mulf %gather3A_249, %get3A_389 : vector<16xf32>
        %get3A_391 = arith.index_cast %add3A_245 : i32 to index
        %get3A_392 = arith.constant 96 : index
        %get3A_393 = tpu.vector_load %arg13[%get3A_391, %get3A_392] {strides = array<i32>} : memref<128x128xf32, #tpu.memory_space<vmem>>, vector<1x16xf32>,
        %get3A_394 = vector.shape_cast %get3A_393 : vector<1x16xf32> to vector<16xf32>
        %mul3A_395 = arith.mulf %gather3A_251, %get3A_394 : vector<16xf32>
        %add3A_396 = arith.addf %mul3A_390, %mul3A_395 : vector<16xf32>
        %get3A_397 = arith.index_cast %add3A_245 : i32 to index
        %get3A_398 = arith.constant 96 : index
        %get3A_399 = tpu.vector_load %arg14[%get3A_397, %get3A_398] {strides = array<i32>} : memref<128x128xf32, #tpu.memory_space<vmem>>, vector<1x16xf32>,
        %get3A_400 = vector.shape_cast %get3A_399 : vector<1x16xf32> to vector<16xf32>
        %mul3A_401 = arith.mulf %gather3A_253, %get3A_400 : vector<16xf32>
        %add3A_402 = arith.addf %add3A_396, %mul3A_401 : vector<16xf32>
        %swap3A_403 = arith.index_cast %add3A_245 : i32 to index
        %swap3A_404 = arith.constant 96 : index
        %swap3A_405 = tpu.vector_load %arg15[%swap3A_403, %swap3A_404] {strides = array<i32>} : memref<128x128xf32, #tpu.memory_space<vmem>>, vector<1x16xf32>,
        %swap3A_406 = vector.shape_cast %swap3A_405 : vector<1x16xf32> to vector<16xf32>
        %swap3A_407 = vector.shape_cast %add3A_402 : vector<16xf32> to vector<1x16xf32>
        tpu.vector_store %arg15[%swap3A_403, %swap3A_404], %swap3A_407 {strides = array<i32>} : memref<128x128xf32, #tpu.memory_space<vmem>>, vector<1x16xf32>,
        %get3A_408 = arith.index_cast %add3A_245 : i32 to index
        %get3A_409 = arith.constant 112 : index
        %get3A_410 = tpu.vector_load %arg12[%get3A_408, %get3A_409] {strides = array<i32>} : memref<128x128xf32, #tpu.memory_space<vmem>>, vector<1x16xf32>,
        %get3A_411 = vector.shape_cast %get3A_410 : vector<1x16xf32> to vector<16xf32>
        %mul3A_412 = arith.mulf %gather3A_249, %get3A_411 : vector<16xf32>
        %get3A_413 = arith.index_cast %add3A_245 : i32 to index
        %get3A_414 = arith.constant 112 : index
        %get3A_415 = tpu.vector_load %arg13[%get3A_413, %get3A_414] {strides = array<i32>} : memref<128x128xf32, #tpu.memory_space<vmem>>, vector<1x16xf32>,
        %get3A_416 = vector.shape_cast %get3A_415 : vector<1x16xf32> to vector<16xf32>
        %mul3A_417 = arith.mulf %gather3A_251, %get3A_416 : vector<16xf32>
        %add3A_418 = arith.addf %mul3A_412, %mul3A_417 : vector<16xf32>
        %get3A_419 = arith.index_cast %add3A_245 : i32 to index
        %get3A_420 = arith.constant 112 : index
        %get3A_421 = tpu.vector_load %arg14[%get3A_419, %get3A_420] {strides = array<i32>} : memref<128x128xf32, #tpu.memory_space<vmem>>, vector<1x16xf32>,
        %get3A_422 = vector.shape_cast %get3A_421 : vector<1x16xf32> to vector<16xf32>
        %mul3A_423 = arith.mulf %gather3A_253, %get3A_422 : vector<16xf32>
        %add3A_424 = arith.addf %add3A_418, %mul3A_423 : vector<16xf32>
        %swap3A_425 = arith.index_cast %add3A_245 : i32 to index
        %swap3A_426 = arith.constant 112 : index
        %swap3A_427 = tpu.vector_load %arg15[%swap3A_425, %swap3A_426] {strides = array<i32>} : memref<128x128xf32, #tpu.memory_space<vmem>>, vector<1x16xf32>,
        %swap3A_428 = vector.shape_cast %swap3A_427 : vector<1x16xf32> to vector<16xf32>
        %swap3A_429 = vector.shape_cast %add3A_424 : vector<16xf32> to vector<1x16xf32>
        tpu.vector_store %arg15[%swap3A_425, %swap3A_426], %swap3A_429 {strides = array<i32>} : memref<128x128xf32, #tpu.memory_space<vmem>>, vector<1x16xf32>,
        %mul3A_430 = arith.constant 16 : i32
        %mul3A_431 = arith.muli %scan3A_42, %mul3A_430 : i32
        %add3A_432 = arith.constant 2 : i32
        %add3A_433 = arith.addi %mul3A_431, %add3A_432 : i32
        %broadcast_in_dim3A_434 = arith.constant 2 : i32
        %broadcast_in_dim3A_435 = vector.broadcast %broadcast_in_dim3A_434 : i32 to vector<16x1xi32>
        %gather3A_436 = vector.shape_cast %broadcast_in_dim3A_435 : vector<16x1xi32> to vector<16xi32>
        %gather3A_437 = tpu.dynamic_gather %get3A_46[%gather3A_436] in [0] : vector<16xf32>, vector<16xi32> -> vector<16xf32>
        %gather3A_438 = vector.shape_cast %broadcast_in_dim3A_435 : vector<16x1xi32> to vector<16xi32>
        %gather3A_439 = tpu.dynamic_gather %get3A_51[%gather3A_438] in [0] : vector<16xf32>, vector<16xi32> -> vector<16xf32>
        %gather3A_440 = vector.shape_cast %broadcast_in_dim3A_435 : vector<16x1xi32> to vector<16xi32>
        %gather3A_441 = tpu.dynamic_gather %get3A_56[%gather3A_440] in [0] : vector<16xf32>, vector<16xi32> -> vector<16xf32>
        %get3A_442 = arith.index_cast %add3A_433 : i32 to index
        %get3A_443 = arith.constant 0 : index
        %get3A_444 = tpu.vector_load %arg12[%get3A_442, %get3A_443] {strides = array<i32>} : memref<128x128xf32, #tpu.memory_space<vmem>>, vector<1x16xf32>,
        %get3A_445 = vector.shape_cast %get3A_444 : vector<1x16xf32> to vector<16xf32>
        %mul3A_446 = arith.mulf %gather3A_437, %get3A_445 : vector<16xf32>
        %get3A_447 = arith.index_cast %add3A_433 : i32 to index
        %get3A_448 = arith.constant 0 : index
        %get3A_449 = tpu.vector_load %arg13[%get3A_447, %get3A_448] {strides = array<i32>} : memref<128x128xf32, #tpu.memory_space<vmem>>, vector<1x16xf32>,
        %get3A_450 = vector.shape_cast %get3A_449 : vector<1x16xf32> to vector<16xf32>
        %mul3A_451 = arith.mulf %gather3A_439, %get3A_450 : vector<16xf32>
        %add3A_452 = arith.addf %mul3A_446, %mul3A_451 : vector<16xf32>
        %get3A_453 = arith.index_cast %add3A_433 : i32 to index
        %get3A_454 = arith.constant 0 : index
        %get3A_455 = tpu.vector_load %arg14[%get3A_453, %get3A_454] {strides = array<i32>} : memref<128x128xf32, #tpu.memory_space<vmem>>, vector<1x16xf32>,
        %get3A_456 = vector.shape_cast %get3A_455 : vector<1x16xf32> to vector<16xf32>
        %mul3A_457 = arith.mulf %gather3A_441, %get3A_456 : vector<16xf32>
        %add3A_458 = arith.addf %add3A_452, %mul3A_457 : vector<16xf32>
        %swap3A_459 = arith.index_cast %add3A_433 : i32 to index
        %swap3A_460 = arith.constant 0 : index
        %swap3A_461 = tpu.vector_load %arg15[%swap3A_459, %swap3A_460] {strides = array<i32>} : memref<128x128xf32, #tpu.memory_space<vmem>>, vector<1x16xf32>,
        %swap3A_462 = vector.shape_cast %swap3A_461 : vector<1x16xf32> to vector<16xf32>
        %swap3A_463 = vector.shape_cast %add3A_458 : vector<16xf32> to vector<1x16xf32>
        tpu.vector_store %arg15[%swap3A_459, %swap3A_460], %swap3A_463 {strides = array<i32>} : memref<128x128xf32, #tpu.memory_space<vmem>>, vector<1x16xf32>,
        %get3A_464 = arith.index_cast %add3A_433 : i32 to index
        %get3A_465 = arith.constant 16 : index
        %get3A_466 = tpu.vector_load %arg12[%get3A_464, %get3A_465] {strides = array<i32>} : memref<128x128xf32, #tpu.memory_space<vmem>>, vector<1x16xf32>,
        %get3A_467 = vector.shape_cast %get3A_466 : vector<1x16xf32> to vector<16xf32>
        %mul3A_468 = arith.mulf %gather3A_437, %get3A_467 : vector<16xf32>
        %get3A_469 = arith.index_cast %add3A_433 : i32 to index
        %get3A_470 = arith.constant 16 : index
        %get3A_471 = tpu.vector_load %arg13[%get3A_469, %get3A_470] {strides = array<i32>} : memref<128x128xf32, #tpu.memory_space<vmem>>, vector<1x16xf32>,
        %get3A_472 = vector.shape_cast %get3A_471 : vector<1x16xf32> to vector<16xf32>
        %mul3A_473 = arith.mulf %gather3A_439, %get3A_472 : vector<16xf32>
        %add3A_474 = arith.addf %mul3A_468, %mul3A_473 : vector<16xf32>
        %get3A_475 = arith.index_cast %add3A_433 : i32 to index
        %get3A_476 = arith.constant 16 : index
        %get3A_477 = tpu.vector_load %arg14[%get3A_475, %get3A_476] {strides = array<i32>} : memref<128x128xf32, #tpu.memory_space<vmem>>, vector<1x16xf32>,
        %get3A_478 = vector.shape_cast %get3A_477 : vector<1x16xf32> to vector<16xf32>
        %mul3A_479 = arith.mulf %gather3A_441, %get3A_478 : vector<16xf32>
        %add3A_480 = arith.addf %add3A_474, %mul3A_479 : vector<16xf32>
        %swap3A_481 = arith.index_cast %add3A_433 : i32 to index
        %swap3A_482 = arith.constant 16 : index
        %swap3A_483 = tpu.vector_load %arg15[%swap3A_481, %swap3A_482] {strides = array<i32>} : memref<128x128xf32, #tpu.memory_space<vmem>>, vector<1x16xf32>,
        %swap3A_484 = vector.shape_cast %swap3A_483 : vector<1x16xf32> to vector<16xf32>
        %swap3A_485 = vector.shape_cast %add3A_480 : vector<16xf32> to vector<1x16xf32>
        tpu.vector_store %arg15[%swap3A_481, %swap3A_482], %swap3A_485 {strides = array<i32>} : memref<128x128xf32, #tpu.memory_space<vmem>>, vector<1x16xf32>,
        %get3A_486 = arith.index_cast %add3A_433 : i32 to index
        %get3A_487 = arith.constant 32 : index
        %get3A_488 = tpu.vector_load %arg12[%get3A_486, %get3A_487] {strides = array<i32>} : memref<128x128xf32, #tpu.memory_space<vmem>>, vector<1x16xf32>,
        %get3A_489 = vector.shape_cast %get3A_488 : vector<1x16xf32> to vector<16xf32>
        %mul3A_490 = arith.mulf %gather3A_437, %get3A_489 : vector<16xf32>
        %get3A_491 = arith.index_cast %add3A_433 : i32 to index
        %get3A_492 = arith.constant 32 : index
        %get3A_493 = tpu.vector_load %arg13[%get3A_491, %get3A_492] {strides = array<i32>} : memref<128x128xf32, #tpu.memory_space<vmem>>, vector<1x16xf32>,
        %get3A_494 = vector.shape_cast %get3A_493 : vector<1x16xf32> to vector<16xf32>
        %mul3A_495 = arith.mulf %gather3A_439, %get3A_494 : vector<16xf32>
        %add3A_496 = arith.addf %mul3A_490, %mul3A_495 : vector<16xf32>
        %get3A_497 = arith.index_cast %add3A_433 : i32 to index
        %get3A_498 = arith.constant 32 : index
        %get3A_499 = tpu.vector_load %arg14[%get3A_497, %get3A_498] {strides = array<i32>} : memref<128x128xf32, #tpu.memory_space<vmem>>, vector<1x16xf32>,
        %get3A_500 = vector.shape_cast %get3A_499 : vector<1x16xf32> to vector<16xf32>
        %mul3A_501 = arith.mulf %gather3A_441, %get3A_500 : vector<16xf32>
        %add3A_502 = arith.addf %add3A_496, %mul3A_501 : vector<16xf32>
        %swap3A_503 = arith.index_cast %add3A_433 : i32 to index
        %swap3A_504 = arith.constant 32 : index
        %swap3A_505 = tpu.vector_load %arg15[%swap3A_503, %swap3A_504] {strides = array<i32>} : memref<128x128xf32, #tpu.memory_space<vmem>>, vector<1x16xf32>,
        %swap3A_506 = vector.shape_cast %swap3A_505 : vector<1x16xf32> to vector<16xf32>
        %swap3A_507 = vector.shape_cast %add3A_502 : vector<16xf32> to vector<1x16xf32>
        tpu.vector_store %arg15[%swap3A_503, %swap3A_504], %swap3A_507 {strides = array<i32>} : memref<128x128xf32, #tpu.memory_space<vmem>>, vector<1x16xf32>,
        %get3A_508 = arith.index_cast %add3A_433 : i32 to index
        %get3A_509 = arith.constant 48 : index
        %get3A_510 = tpu.vector_load %arg12[%get3A_508, %get3A_509] {strides = array<i32>} : memref<128x128xf32, #tpu.memory_space<vmem>>, vector<1x16xf32>,
        %get3A_511 = vector.shape_cast %get3A_510 : vector<1x16xf32> to vector<16xf32>
        %mul3A_512 = arith.mulf %gather3A_437, %get3A_511 : vector<16xf32>
        %get3A_513 = arith.index_cast %add3A_433 : i32 to index
        %get3A_514 = arith.constant 48 : index
        %get3A_515 = tpu.vector_load %arg13[%get3A_513, %get3A_514] {strides = array<i32>} : memref<128x128xf32, #tpu.memory_space<vmem>>, vector<1x16xf32>,
        %get3A_516 = vector.shape_cast %get3A_515 : vector<1x16xf32> to vector<16xf32>
        %mul3A_517 = arith.mulf %gather3A_439, %get3A_516 : vector<16xf32>
        %add3A_518 = arith.addf %mul3A_512, %mul3A_517 : vector<16xf32>
        %get3A_519 = arith.index_cast %add3A_433 : i32 to index
        %get3A_520 = arith.constant 48 : index
        %get3A_521 = tpu.vector_load %arg14[%get3A_519, %get3A_520] {strides = array<i32>} : memref<128x128xf32, #tpu.memory_space<vmem>>, vector<1x16xf32>,
        %get3A_522 = vector.shape_cast %get3A_521 : vector<1x16xf32> to vector<16xf32>
        %mul3A_523 = arith.mulf %gather3A_441, %get3A_522 : vector<16xf32>
        %add3A_524 = arith.addf %add3A_518, %mul3A_523 : vector<16xf32>
        %swap3A_525 = arith.index_cast %add3A_433 : i32 to index
        %swap3A_526 = arith.constant 48 : index
        %swap3A_527 = tpu.vector_load %arg15[%swap3A_525, %swap3A_526] {strides = array<i32>} : memref<128x128xf32, #tpu.memory_space<vmem>>, vector<1x16xf32>,
        %swap3A_528 = vector.shape_cast %swap3A_527 : vector<1x16xf32> to vector<16xf32>
        %swap3A_529 = vector.shape_cast %add3A_524 : vector<16xf32> to vector<1x16xf32>
        tpu.vector_store %arg15[%swap3A_525, %swap3A_526], %swap3A_529 {strides = array<i32>} : memref<128x128xf32, #tpu.memory_space<vmem>>, vector<1x16xf32>,
        %get3A_530 = arith.index_cast %add3A_433 : i32 to index
        %get3A_531 = arith.constant 64 : index
        %get3A_532 = tpu.vector_load %arg12[%get3A_530, %get3A_531] {strides = array<i32>} : memref<128x128xf32, #tpu.memory_space<vmem>>, vector<1x16xf32>,
        %get3A_533 = vector.shape_cast %get3A_532 : vector<1x16xf32> to vector<16xf32>
        %mul3A_534 = arith.mulf %gather3A_437, %get3A_533 : vector<16xf32>
        %get3A_535 = arith.index_cast %add3A_433 : i32 to index
        %get3A_536 = arith.constant 64 : index
        %get3A_537 = tpu.vector_load %arg13[%get3A_535, %get3A_536] {strides = array<i32>} : memref<128x128xf32, #tpu.memory_space<vmem>>, vector<1x16xf32>,
        %get3A_538 = vector.shape_cast %get3A_537 : vector<1x16xf32> to vector<16xf32>
        %mul3A_539 = arith.mulf %gather3A_439, %get3A_538 : vector<16xf32>
        %add3A_540 = arith.addf %mul3A_534, %mul3A_539 : vector<16xf32>
        %get3A_541 = arith.index_cast %add3A_433 : i32 to index
        %get3A_542 = arith.constant 64 : index
        %get3A_543 = tpu.vector_load %arg14[%get3A_541, %get3A_542] {strides = array<i32>} : memref<128x128xf32, #tpu.memory_space<vmem>>, vector<1x16xf32>,
        %get3A_544 = vector.shape_cast %get3A_543 : vector<1x16xf32> to vector<16xf32>
        %mul3A_545 = arith.mulf %gather3A_441, %get3A_544 : vector<16xf32>
        %add3A_546 = arith.addf %add3A_540, %mul3A_545 : vector<16xf32>
        %swap3A_547 = arith.index_cast %add3A_433 : i32 to index
        %swap3A_548 = arith.constant 64 : index
        %swap3A_549 = tpu.vector_load %arg15[%swap3A_547, %swap3A_548] {strides = array<i32>} : memref<128x128xf32, #tpu.memory_space<vmem>>, vector<1x16xf32>,
        %swap3A_550 = vector.shape_cast %swap3A_549 : vector<1x16xf32> to vector<16xf32>
        %swap3A_551 = vector.shape_cast %add3A_546 : vector<16xf32> to vector<1x16xf32>
        tpu.vector_store %arg15[%swap3A_547, %swap3A_548], %swap3A_551 {strides = array<i32>} : memref<128x128xf32, #tpu.memory_space<vmem>>, vector<1x16xf32>,
        %get3A_552 = arith.index_cast %add3A_433 : i32 to index
        %get3A_553 = arith.constant 80 : index
        %get3A_554 = tpu.vector_load %arg12[%get3A_552, %get3A_553] {strides = array<i32>} : memref<128x128xf32, #tpu.memory_space<vmem>>, vector<1x16xf32>,
        %get3A_555 = vector.shape_cast %get3A_554 : vector<1x16xf32> to vector<16xf32>
        %mul3A_556 = arith.mulf %gather3A_437, %get3A_555 : vector<16xf32>
        %get3A_557 = arith.index_cast %add3A_433 : i32 to index
        %get3A_558 = arith.constant 80 : index
        %get3A_559 = tpu.vector_load %arg13[%get3A_557, %get3A_558] {strides = array<i32>} : memref<128x128xf32, #tpu.memory_space<vmem>>, vector<1x16xf32>,
        %get3A_560 = vector.shape_cast %get3A_559 : vector<1x16xf32> to vector<16xf32>
        %mul3A_561 = arith.mulf %gather3A_439, %get3A_560 : vector<16xf32>
        %add3A_562 = arith.addf %mul3A_556, %mul3A_561 : vector<16xf32>
        %get3A_563 = arith.index_cast %add3A_433 : i32 to index
        %get3A_564 = arith.constant 80 : index
        %get3A_565 = tpu.vector_load %arg14[%get3A_563, %get3A_564] {strides = array<i32>} : memref<128x128xf32, #tpu.memory_space<vmem>>, vector<1x16xf32>,
        %get3A_566 = vector.shape_cast %get3A_565 : vector<1x16xf32> to vector<16xf32>
        %mul3A_567 = arith.mulf %gather3A_441, %get3A_566 : vector<16xf32>
        %add3A_568 = arith.addf %add3A_562, %mul3A_567 : vector<16xf32>
        %swap3A_569 = arith.index_cast %add3A_433 : i32 to index
        %swap3A_570 = arith.constant 80 : index
        %swap3A_571 = tpu.vector_load %arg15[%swap3A_569, %swap3A_570] {strides = array<i32>} : memref<128x128xf32, #tpu.memory_space<vmem>>, vector<1x16xf32>,
        %swap3A_572 = vector.shape_cast %swap3A_571 : vector<1x16xf32> to vector<16xf32>
        %swap3A_573 = vector.shape_cast %add3A_568 : vector<16xf32> to vector<1x16xf32>
        tpu.vector_store %arg15[%swap3A_569, %swap3A_570], %swap3A_573 {strides = array<i32>} : memref<128x128xf32, #tpu.memory_space<vmem>>, vector<1x16xf32>,
        %get3A_574 = arith.index_cast %add3A_433 : i32 to index
        %get3A_575 = arith.constant 96 : index
        %get3A_576 = tpu.vector_load %arg12[%get3A_574, %get3A_575] {strides = array<i32>} : memref<128x128xf32, #tpu.memory_space<vmem>>, vector<1x16xf32>,
        %get3A_577 = vector.shape_cast %get3A_576 : vector<1x16xf32> to vector<16xf32>
        %mul3A_578 = arith.mulf %gather3A_437, %get3A_577 : vector<16xf32>
        %get3A_579 = arith.index_cast %add3A_433 : i32 to index
        %get3A_580 = arith.constant 96 : index
        %get3A_581 = tpu.vector_load %arg13[%get3A_579, %get3A_580] {strides = array<i32>} : memref<128x128xf32, #tpu.memory_space<vmem>>, vector<1x16xf32>,
        %get3A_582 = vector.shape_cast %get3A_581 : vector<1x16xf32> to vector<16xf32>
        %mul3A_583 = arith.mulf %gather3A_439, %get3A_582 : vector<16xf32>
        %add3A_584 = arith.addf %mul3A_578, %mul3A_583 : vector<16xf32>
        %get3A_585 = arith.index_cast %add3A_433 : i32 to index
        %get3A_586 = arith.constant 96 : index
        %get3A_587 = tpu.vector_load %arg14[%get3A_585, %get3A_586] {strides = array<i32>} : memref<128x128xf32, #tpu.memory_space<vmem>>, vector<1x16xf32>,
        %get3A_588 = vector.shape_cast %get3A_587 : vector<1x16xf32> to vector<16xf32>
        %mul3A_589 = arith.mulf %gather3A_441, %get3A_588 : vector<16xf32>
        %add3A_590 = arith.addf %add3A_584, %mul3A_589 : vector<16xf32>
        %swap3A_591 = arith.index_cast %add3A_433 : i32 to index
        %swap3A_592 = arith.constant 96 : index
        %swap3A_593 = tpu.vector_load %arg15[%swap3A_591, %swap3A_592] {strides = array<i32>} : memref<128x128xf32, #tpu.memory_space<vmem>>, vector<1x16xf32>,
        %swap3A_594 = vector.shape_cast %swap3A_593 : vector<1x16xf32> to vector<16xf32>
        %swap3A_595 = vector.shape_cast %add3A_590 : vector<16xf32> to vector<1x16xf32>
        tpu.vector_store %arg15[%swap3A_591, %swap3A_592], %swap3A_595 {strides = array<i32>} : memref<128x128xf32, #tpu.memory_space<vmem>>, vector<1x16xf32>,
        %get3A_596 = arith.index_cast %add3A_433 : i32 to index
        %get3A_597 = arith.constant 112 : index
        %get3A_598 = tpu.vector_load %arg12[%get3A_596, %get3A_597] {strides = array<i32>} : memref<128x128xf32, #tpu.memory_space<vmem>>, vector<1x16xf32>,
        %get3A_599 = vector.shape_cast %get3A_598 : vector<1x16xf32> to vector<16xf32>
        %mul3A_600 = arith.mulf %gather3A_437, %get3A_599 : vector<16xf32>
        %get3A_601 = arith.index_cast %add3A_433 : i32 to index
        %get3A_602 = arith.constant 112 : index
        %get3A_603 = tpu.vector_load %arg13[%get3A_601, %get3A_602] {strides = array<i32>} : memref<128x128xf32, #tpu.memory_space<vmem>>, vector<1x16xf32>,
        %get3A_604 = vector.shape_cast %get3A_603 : vector<1x16xf32> to vector<16xf32>
        %mul3A_605 = arith.mulf %gather3A_439, %get3A_604 : vector<16xf32>
        %add3A_606 = arith.addf %mul3A_600, %mul3A_605 : vector<16xf32>
        %get3A_607 = arith.index_cast %add3A_433 : i32 to index
        %get3A_608 = arith.constant 112 : index
        %get3A_609 = tpu.vector_load %arg14[%get3A_607, %get3A_608] {strides = array<i32>} : memref<128x128xf32, #tpu.memory_space<vmem>>, vector<1x16xf32>,
        %get3A_610 = vector.shape_cast %get3A_609 : vector<1x16xf32> to vector<16xf32>
        %mul3A_611 = arith.mulf %gather3A_441, %get3A_610 : vector<16xf32>
        %add3A_612 = arith.addf %add3A_606, %mul3A_611 : vector<16xf32>
        %swap3A_613 = arith.index_cast %add3A_433 : i32 to index
        %swap3A_614 = arith.constant 112 : index
        %swap3A_615 = tpu.vector_load %arg15[%swap3A_613, %swap3A_614] {strides = array<i32>} : memref<128x128xf32, #tpu.memory_space<vmem>>, vector<1x16xf32>,
        %swap3A_616 = vector.shape_cast %swap3A_615 : vector<1x16xf32> to vector<16xf32>
        %swap3A_617 = vector.shape_cast %add3A_612 : vector<16xf32> to vector<1x16xf32>
        tpu.vector_store %arg15[%swap3A_613, %swap3A_614], %swap3A_617 {strides = array<i32>} : memref<128x128xf32, #tpu.memory_space<vmem>>, vector<1x16xf32>,
        %mul3A_618 = arith.constant 16 : i32
        %mul3A_619 = arith.muli %scan3A_42, %mul3A_618 : i32
        %add3A_620 = arith.constant 3 : i32
        %add3A_621 = arith.addi %mul3A_619, %add3A_620 : i32
        %broadcast_in_dim3A_622 = arith.constant 3 : i32
        %broadcast_in_dim3A_623 = vector.broadcast %broadcast_in_dim3A_622 : i32 to vector<16x1xi32>
        %gather3A_624 = vector.shape_cast %broadcast_in_dim3A_623 : vector<16x1xi32> to vector<16xi32>
        %gather3A_625 = tpu.dynamic_gather %get3A_46[%gather3A_624] in [0] : vector<16xf32>, vector<16xi32> -> vector<16xf32>
        %gather3A_626 = vector.shape_cast %broadcast_in_dim3A_623 : vector<16x1xi32> to vector<16xi32>
        %gather3A_627 = tpu.dynamic_gather %get3A_51[%gather3A_626] in [0] : vector<16xf32>, vector<16xi32> -> vector<16xf32>
        %gather3A_628 = vector.shape_cast %broadcast_in_dim3A_623 : vector<16x1xi32> to vector<16xi32>
        %gather3A_629 = tpu.dynamic_gather %get3A_56[%gather3A_628] in [0] : vector<16xf32>, vector<16xi32> -> vector<16xf32>
        %get3A_630 = arith.index_cast %add3A_621 : i32 to index
        %get3A_631 = arith.constant 0 : index
        %get3A_632 = tpu.vector_load %arg12[%get3A_630, %get3A_631] {strides = array<i32>} : memref<128x128xf32, #tpu.memory_space<vmem>>, vector<1x16xf32>,
        %get3A_633 = vector.shape_cast %get3A_632 : vector<1x16xf32> to vector<16xf32>
        %mul3A_634 = arith.mulf %gather3A_625, %get3A_633 : vector<16xf32>
        %get3A_635 = arith.index_cast %add3A_621 : i32 to index
        %get3A_636 = arith.constant 0 : index
        %get3A_637 = tpu.vector_load %arg13[%get3A_635, %get3A_636] {strides = array<i32>} : memref<128x128xf32, #tpu.memory_space<vmem>>, vector<1x16xf32>,
        %get3A_638 = vector.shape_cast %get3A_637 : vector<1x16xf32> to vector<16xf32>
        %mul3A_639 = arith.mulf %gather3A_627, %get3A_638 : vector<16xf32>
        %add3A_640 = arith.addf %mul3A_634, %mul3A_639 : vector<16xf32>
        %get3A_641 = arith.index_cast %add3A_621 : i32 to index
        %get3A_642 = arith.constant 0 : index
        %get3A_643 = tpu.vector_load %arg14[%get3A_641, %get3A_642] {strides = array<i32>} : memref<128x128xf32, #tpu.memory_space<vmem>>, vector<1x16xf32>,
        %get3A_644 = vector.shape_cast %get3A_643 : vector<1x16xf32> to vector<16xf32>
        %mul3A_645 = arith.mulf %gather3A_629, %get3A_644 : vector<16xf32>
        %add3A_646 = arith.addf %add3A_640, %mul3A_645 : vector<16xf32>
        %swap3A_647 = arith.index_cast %add3A_621 : i32 to index
        %swap3A_648 = arith.constant 0 : index
        %swap3A_649 = tpu.vector_load %arg15[%swap3A_647, %swap3A_648] {strides = array<i32>} : memref<128x128xf32, #tpu.memory_space<vmem>>, vector<1x16xf32>,
        %swap3A_650 = vector.shape_cast %swap3A_649 : vector<1x16xf32> to vector<16xf32>
        %swap3A_651 = vector.shape_cast %add3A_646 : vector<16xf32> to vector<1x16xf32>
        tpu.vector_store %arg15[%swap3A_647, %swap3A_648], %swap3A_651 {strides = array<i32>} : memref<128x128xf32, #tpu.memory_space<vmem>>, vector<1x16xf32>,
        %get3A_652 = arith.index_cast %add3A_621 : i32 to index
        %get3A_653 = arith.constant 16 : index
        %get3A_654 = tpu.vector_load %arg12[%get3A_652, %get3A_653] {strides = array<i32>} : memref<128x128xf32, #tpu.memory_space<vmem>>, vector<1x16xf32>,
        %get3A_655 = vector.shape_cast %get3A_654 : vector<1x16xf32> to vector<16xf32>
        %mul3A_656 = arith.mulf %gather3A_625, %get3A_655 : vector<16xf32>
        %get3A_657 = arith.index_cast %add3A_621 : i32 to index
        %get3A_658 = arith.constant 16 : index
        %get3A_659 = tpu.vector_load %arg13[%get3A_657, %get3A_658] {strides = array<i32>} : memref<128x128xf32, #tpu.memory_space<vmem>>, vector<1x16xf32>,
        %get3A_660 = vector.shape_cast %get3A_659 : vector<1x16xf32> to vector<16xf32>
        %mul3A_661 = arith.mulf %gather3A_627, %get3A_660 : vector<16xf32>
        %add3A_662 = arith.addf %mul3A_656, %mul3A_661 : vector<16xf32>
        %get3A_663 = arith.index_cast %add3A_621 : i32 to index
        %get3A_664 = arith.constant 16 : index
        %get3A_665 = tpu.vector_load %arg14[%get3A_663, %get3A_664] {strides = array<i32>} : memref<128x128xf32, #tpu.memory_space<vmem>>, vector<1x16xf32>,
        %get3A_666 = vector.shape_cast %get3A_665 : vector<1x16xf32> to vector<16xf32>
        %mul3A_667 = arith.mulf %gather3A_629, %get3A_666 : vector<16xf32>
        %add3A_668 = arith.addf %add3A_662, %mul3A_667 : vector<16xf32>
        %swap3A_669 = arith.index_cast %add3A_621 : i32 to index
        %swap3A_670 = arith.constant 16 : index
        %swap3A_671 = tpu.vector_load %arg15[%swap3A_669, %swap3A_670] {strides = array<i32>} : memref<128x128xf32, #tpu.memory_space<vmem>>, vector<1x16xf32>,
        %swap3A_672 = vector.shape_cast %swap3A_671 : vector<1x16xf32> to vector<16xf32>
        %swap3A_673 = vector.shape_cast %add3A_668 : vector<16xf32> to vector<1x16xf32>
        tpu.vector_store %arg15[%swap3A_669, %swap3A_670], %swap3A_673 {strides = array<i32>} : memref<128x128xf32, #tpu.memory_space<vmem>>, vector<1x16xf32>,
        %get3A_674 = arith.index_cast %add3A_621 : i32 to index
        %get3A_675 = arith.constant 32 : index
        %get3A_676 = tpu.vector_load %arg12[%get3A_674, %get3A_675] {strides = array<i32>} : memref<128x128xf32, #tpu.memory_space<vmem>>, vector<1x16xf32>,
        %get3A_677 = vector.shape_cast %get3A_676 : vector<1x16xf32> to vector<16xf32>
        %mul3A_678 = arith.mulf %gather3A_625, %get3A_677 : vector<16xf32>
        %get3A_679 = arith.index_cast %add3A_621 : i32 to index
        %get3A_680 = arith.constant 32 : index
        %get3A_681 = tpu.vector_load %arg13[%get3A_679, %get3A_680] {strides = array<i32>} : memref<128x128xf32, #tpu.memory_space<vmem>>, vector<1x16xf32>,
        %get3A_682 = vector.shape_cast %get3A_681 : vector<1x16xf32> to vector<16xf32>
        %mul3A_683 = arith.mulf %gather3A_627, %get3A_682 : vector<16xf32>
        %add3A_684 = arith.addf %mul3A_678, %mul3A_683 : vector<16xf32>
        %get3A_685 = arith.index_cast %add3A_621 : i32 to index
        %get3A_686 = arith.constant 32 : index
        %get3A_687 = tpu.vector_load %arg14[%get3A_685, %get3A_686] {strides = array<i32>} : memref<128x128xf32, #tpu.memory_space<vmem>>, vector<1x16xf32>,
        %get3A_688 = vector.shape_cast %get3A_687 : vector<1x16xf32> to vector<16xf32>
        %mul3A_689 = arith.mulf %gather3A_629, %get3A_688 : vector<16xf32>
        %add3A_690 = arith.addf %add3A_684, %mul3A_689 : vector<16xf32>
        %swap3A_691 = arith.index_cast %add3A_621 : i32 to index
        %swap3A_692 = arith.constant 32 : index
        %swap3A_693 = tpu.vector_load %arg15[%swap3A_691, %swap3A_692] {strides = array<i32>} : memref<128x128xf32, #tpu.memory_space<vmem>>, vector<1x16xf32>,
        %swap3A_694 = vector.shape_cast %swap3A_693 : vector<1x16xf32> to vector<16xf32>
        %swap3A_695 = vector.shape_cast %add3A_690 : vector<16xf32> to vector<1x16xf32>
        tpu.vector_store %arg15[%swap3A_691, %swap3A_692], %swap3A_695 {strides = array<i32>} : memref<128x128xf32, #tpu.memory_space<vmem>>, vector<1x16xf32>,
        %get3A_696 = arith.index_cast %add3A_621 : i32 to index
        %get3A_697 = arith.constant 48 : index
        %get3A_698 = tpu.vector_load %arg12[%get3A_696, %get3A_697] {strides = array<i32>} : memref<128x128xf32, #tpu.memory_space<vmem>>, vector<1x16xf32>,
        %get3A_699 = vector.shape_cast %get3A_698 : vector<1x16xf32> to vector<16xf32>
        %mul3A_700 = arith.mulf %gather3A_625, %get3A_699 : vector<16xf32>
        %get3A_701 = arith.index_cast %add3A_621 : i32 to index
        %get3A_702 = arith.constant 48 : index
        %get3A_703 = tpu.vector_load %arg13[%get3A_701, %get3A_702] {strides = array<i32>} : memref<128x128xf32, #tpu.memory_space<vmem>>, vector<1x16xf32>,
        %get3A_704 = vector.shape_cast %get3A_703 : vector<1x16xf32> to vector<16xf32>
        %mul3A_705 = arith.mulf %gather3A_627, %get3A_704 : vector<16xf32>
        %add3A_706 = arith.addf %mul3A_700, %mul3A_705 : vector<16xf32>
        %get3A_707 = arith.index_cast %add3A_621 : i32 to index
        %get3A_708 = arith.constant 48 : index
        %get3A_709 = tpu.vector_load %arg14[%get3A_707, %get3A_708] {strides = array<i32>} : memref<128x128xf32, #tpu.memory_space<vmem>>, vector<1x16xf32>,
        %get3A_710 = vector.shape_cast %get3A_709 : vector<1x16xf32> to vector<16xf32>
        %mul3A_711 = arith.mulf %gather3A_629, %get3A_710 : vector<16xf32>
        %add3A_712 = arith.addf %add3A_706, %mul3A_711 : vector<16xf32>
        %swap3A_713 = arith.index_cast %add3A_621 : i32 to index
        %swap3A_714 = arith.constant 48 : index
        %swap3A_715 = tpu.vector_load %arg15[%swap3A_713, %swap3A_714] {strides = array<i32>} : memref<128x128xf32, #tpu.memory_space<vmem>>, vector<1x16xf32>,
        %swap3A_716 = vector.shape_cast %swap3A_715 : vector<1x16xf32> to vector<16xf32>
        %swap3A_717 = vector.shape_cast %add3A_712 : vector<16xf32> to vector<1x16xf32>
        tpu.vector_store %arg15[%swap3A_713, %swap3A_714], %swap3A_717 {strides = array<i32>} : memref<128x128xf32, #tpu.memory_space<vmem>>, vector<1x16xf32>,
        %get3A_718 = arith.index_cast %add3A_621 : i32 to index
        %get3A_719 = arith.constant 64 : index
        %get3A_720 = tpu.vector_load %arg12[%get3A_718, %get3A_719] {strides = array<i32>} : memref<128x128xf32, #tpu.memory_space<vmem>>, vector<1x16xf32>,
        %get3A_721 = vector.shape_cast %get3A_720 : vector<1x16xf32> to vector<16xf32>
        %mul3A_722 = arith.mulf %gather3A_625, %get3A_721 : vector<16xf32>
        %get3A_723 = arith.index_cast %add3A_621 : i32 to index
        %get3A_724 = arith.constant 64 : index
        %get3A_725 = tpu.vector_load %arg13[%get3A_723, %get3A_724] {strides = array<i32>} : memref<128x128xf32, #tpu.memory_space<vmem>>, vector<1x16xf32>,
        %get3A_726 = vector.shape_cast %get3A_725 : vector<1x16xf32> to vector<16xf32>
        %mul3A_727 = arith.mulf %gather3A_627, %get3A_726 : vector<16xf32>
        %add3A_728 = arith.addf %mul3A_722, %mul3A_727 : vector<16xf32>
        %get3A_729 = arith.index_cast %add3A_621 : i32 to index
        %get3A_730 = arith.constant 64 : index
        %get3A_731 = tpu.vector_load %arg14[%get3A_729, %get3A_730] {strides = array<i32>} : memref<128x128xf32, #tpu.memory_space<vmem>>, vector<1x16xf32>,
        %get3A_732 = vector.shape_cast %get3A_731 : vector<1x16xf32> to vector<16xf32>
        %mul3A_733 = arith.mulf %gather3A_629, %get3A_732 : vector<16xf32>
        %add3A_734 = arith.addf %add3A_728, %mul3A_733 : vector<16xf32>
        %swap3A_735 = arith.index_cast %add3A_621 : i32 to index
        %swap3A_736 = arith.constant 64 : index
        %swap3A_737 = tpu.vector_load %arg15[%swap3A_735, %swap3A_736] {strides = array<i32>} : memref<128x128xf32, #tpu.memory_space<vmem>>, vector<1x16xf32>,
        %swap3A_738 = vector.shape_cast %swap3A_737 : vector<1x16xf32> to vector<16xf32>
        %swap3A_739 = vector.shape_cast %add3A_734 : vector<16xf32> to vector<1x16xf32>
        tpu.vector_store %arg15[%swap3A_735, %swap3A_736], %swap3A_739 {strides = array<i32>} : memref<128x128xf32, #tpu.memory_space<vmem>>, vector<1x16xf32>,
        %get3A_740 = arith.index_cast %add3A_621 : i32 to index
        %get3A_741 = arith.constant 80 : index
        %get3A_742 = tpu.vector_load %arg12[%get3A_740, %get3A_741] {strides = array<i32>} : memref<128x128xf32, #tpu.memory_space<vmem>>, vector<1x16xf32>,
        %get3A_743 = vector.shape_cast %get3A_742 : vector<1x16xf32> to vector<16xf32>
        %mul3A_744 = arith.mulf %gather3A_625, %get3A_743 : vector<16xf32>
        %get3A_745 = arith.index_cast %add3A_621 : i32 to index
        %get3A_746 = arith.constant 80 : index
        %get3A_747 = tpu.vector_load %arg13[%get3A_745, %get3A_746] {strides = array<i32>} : memref<128x128xf32, #tpu.memory_space<vmem>>, vector<1x16xf32>,
        %get3A_748 = vector.shape_cast %get3A_747 : vector<1x16xf32> to vector<16xf32>
        %mul3A_749 = arith.mulf %gather3A_627, %get3A_748 : vector<16xf32>
        %add3A_750 = arith.addf %mul3A_744, %mul3A_749 : vector<16xf32>
        %get3A_751 = arith.index_cast %add3A_621 : i32 to index
        %get3A_752 = arith.constant 80 : index
        %get3A_753 = tpu.vector_load %arg14[%get3A_751, %get3A_752] {strides = array<i32>} : memref<128x128xf32, #tpu.memory_space<vmem>>, vector<1x16xf32>,
        %get3A_754 = vector.shape_cast %get3A_753 : vector<1x16xf32> to vector<16xf32>
        %mul3A_755 = arith.mulf %gather3A_629, %get3A_754 : vector<16xf32>
        %add3A_756 = arith.addf %add3A_750, %mul3A_755 : vector<16xf32>
        %swap3A_757 = arith.index_cast %add3A_621 : i32 to index
        %swap3A_758 = arith.constant 80 : index
        %swap3A_759 = tpu.vector_load %arg15[%swap3A_757, %swap3A_758] {strides = array<i32>} : memref<128x128xf32, #tpu.memory_space<vmem>>, vector<1x16xf32>,
        %swap3A_760 = vector.shape_cast %swap3A_759 : vector<1x16xf32> to vector<16xf32>
        %swap3A_761 = vector.shape_cast %add3A_756 : vector<16xf32> to vector<1x16xf32>
        tpu.vector_store %arg15[%swap3A_757, %swap3A_758], %swap3A_761 {strides = array<i32>} : memref<128x128xf32, #tpu.memory_space<vmem>>, vector<1x16xf32>,
        %get3A_762 = arith.index_cast %add3A_621 : i32 to index
        %get3A_763 = arith.constant 96 : index
        %get3A_764 = tpu.vector_load %arg12[%get3A_762, %get3A_763] {strides = array<i32>} : memref<128x128xf32, #tpu.memory_space<vmem>>, vector<1x16xf32>,
        %get3A_765 = vector.shape_cast %get3A_764 : vector<1x16xf32> to vector<16xf32>
        %mul3A_766 = arith.mulf %gather3A_625, %get3A_765 : vector<16xf32>
        %get3A_767 = arith.index_cast %add3A_621 : i32 to index
        %get3A_768 = arith.constant 96 : index
        %get3A_769 = tpu.vector_load %arg13[%get3A_767, %get3A_768] {strides = array<i32>} : memref<128x128xf32, #tpu.memory_space<vmem>>, vector<1x16xf32>,
        %get3A_770 = vector.shape_cast %get3A_769 : vector<1x16xf32> to vector<16xf32>
        %mul3A_771 = arith.mulf %gather3A_627, %get3A_770 : vector<16xf32>
        %add3A_772 = arith.addf %mul3A_766, %mul3A_771 : vector<16xf32>
        %get3A_773 = arith.index_cast %add3A_621 : i32 to index
        %get3A_774 = arith.constant 96 : index
        %get3A_775 = tpu.vector_load %arg14[%get3A_773, %get3A_774] {strides = array<i32>} : memref<128x128xf32, #tpu.memory_space<vmem>>, vector<1x16xf32>,
        %get3A_776 = vector.shape_cast %get3A_775 : vector<1x16xf32> to vector<16xf32>
        %mul3A_777 = arith.mulf %gather3A_629, %get3A_776 : vector<16xf32>
        %add3A_778 = arith.addf %add3A_772, %mul3A_777 : vector<16xf32>
        %swap3A_779 = arith.index_cast %add3A_621 : i32 to index
        %swap3A_780 = arith.constant 96 : index
        %swap3A_781 = tpu.vector_load %arg15[%swap3A_779, %swap3A_780] {strides = array<i32>} : memref<128x128xf32, #tpu.memory_space<vmem>>, vector<1x16xf32>,
        %swap3A_782 = vector.shape_cast %swap3A_781 : vector<1x16xf32> to vector<16xf32>
        %swap3A_783 = vector.shape_cast %add3A_778 : vector<16xf32> to vector<1x16xf32>
        tpu.vector_store %arg15[%swap3A_779, %swap3A_780], %swap3A_783 {strides = array<i32>} : memref<128x128xf32, #tpu.memory_space<vmem>>, vector<1x16xf32>,
        %get3A_784 = arith.index_cast %add3A_621 : i32 to index
        %get3A_785 = arith.constant 112 : index
        %get3A_786 = tpu.vector_load %arg12[%get3A_784, %get3A_785] {strides = array<i32>} : memref<128x128xf32, #tpu.memory_space<vmem>>, vector<1x16xf32>,
        %get3A_787 = vector.shape_cast %get3A_786 : vector<1x16xf32> to vector<16xf32>
        %mul3A_788 = arith.mulf %gather3A_625, %get3A_787 : vector<16xf32>
        %get3A_789 = arith.index_cast %add3A_621 : i32 to index
        %get3A_790 = arith.constant 112 : index
        %get3A_791 = tpu.vector_load %arg13[%get3A_789, %get3A_790] {strides = array<i32>} : memref<128x128xf32, #tpu.memory_space<vmem>>, vector<1x16xf32>,
        %get3A_792 = vector.shape_cast %get3A_791 : vector<1x16xf32> to vector<16xf32>
        %mul3A_793 = arith.mulf %gather3A_627, %get3A_792 : vector<16xf32>
        %add3A_794 = arith.addf %mul3A_788, %mul3A_793 : vector<16xf32>
        %get3A_795 = arith.index_cast %add3A_621 : i32 to index
        %get3A_796 = arith.constant 112 : index
        %get3A_797 = tpu.vector_load %arg14[%get3A_795, %get3A_796] {strides = array<i32>} : memref<128x128xf32, #tpu.memory_space<vmem>>, vector<1x16xf32>,
        %get3A_798 = vector.shape_cast %get3A_797 : vector<1x16xf32> to vector<16xf32>
        %mul3A_799 = arith.mulf %gather3A_629, %get3A_798 : vector<16xf32>
        %add3A_800 = arith.addf %add3A_794, %mul3A_799 : vector<16xf32>
        %swap3A_801 = arith.index_cast %add3A_621 : i32 to index
        %swap3A_802 = arith.constant 112 : index
        %swap3A_803 = tpu.vector_load %arg15[%swap3A_801, %swap3A_802] {strides = array<i32>} : memref<128x128xf32, #tpu.memory_space<vmem>>, vector<1x16xf32>,
        %swap3A_804 = vector.shape_cast %swap3A_803 : vector<1x16xf32> to vector<16xf32>
        %swap3A_805 = vector.shape_cast %add3A_800 : vector<16xf32> to vector<1x16xf32>
        tpu.vector_store %arg15[%swap3A_801, %swap3A_802], %swap3A_805 {strides = array<i32>} : memref<128x128xf32, #tpu.memory_space<vmem>>, vector<1x16xf32>,
        %mul3A_806 = arith.constant 16 : i32
        %mul3A_807 = arith.muli %scan3A_42, %mul3A_806 : i32
        %add3A_808 = arith.constant 4 : i32
        %add3A_809 = arith.addi %mul3A_807, %add3A_808 : i32
        %broadcast_in_dim3A_810 = arith.constant 4 : i32
        %broadcast_in_dim3A_811 = vector.broadcast %broadcast_in_dim3A_810 : i32 to vector<16x1xi32>
        %gather3A_812 = vector.shape_cast %broadcast_in_dim3A_811 : vector<16x1xi32> to vector<16xi32>
        %gather3A_813 = tpu.dynamic_gather %get3A_46[%gather3A_812] in [0] : vector<16xf32>, vector<16xi32> -> vector<16xf32>
        %gather3A_814 = vector.shape_cast %broadcast_in_dim3A_811 : vector<16x1xi32> to vector<16xi32>
        %gather3A_815 = tpu.dynamic_gather %get3A_51[%gather3A_814] in [0] : vector<16xf32>, vector<16xi32> -> vector<16xf32>
        %gather3A_816 = vector.shape_cast %broadcast_in_dim3A_811 : vector<16x1xi32> to vector<16xi32>
        %gather3A_817 = tpu.dynamic_gather %get3A_56[%gather3A_816] in [0] : vector<16xf32>, vector<16xi32> -> vector<16xf32>
        %get3A_818 = arith.index_cast %add3A_809 : i32 to index
        %get3A_819 = arith.constant 0 : index
        %get3A_820 = tpu.vector_load %arg12[%get3A_818, %get3A_819] {strides = array<i32>} : memref<128x128xf32, #tpu.memory_space<vmem>>, vector<1x16xf32>,
        %get3A_821 = vector.shape_cast %get3A_820 : vector<1x16xf32> to vector<16xf32>
        %mul3A_822 = arith.mulf %gather3A_813, %get3A_821 : vector<16xf32>
        %get3A_823 = arith.index_cast %add3A_809 : i32 to index
        %get3A_824 = arith.constant 0 : index
        %get3A_825 = tpu.vector_load %arg13[%get3A_823, %get3A_824] {strides = array<i32>} : memref<128x128xf32, #tpu.memory_space<vmem>>, vector<1x16xf32>,
        %get3A_826 = vector.shape_cast %get3A_825 : vector<1x16xf32> to vector<16xf32>
        %mul3A_827 = arith.mulf %gather3A_815, %get3A_826 : vector<16xf32>
        %add3A_828 = arith.addf %mul3A_822, %mul3A_827 : vector<16xf32>
        %get3A_829 = arith.index_cast %add3A_809 : i32 to index
        %get3A_830 = arith.constant 0 : index
        %get3A_831 = tpu.vector_load %arg14[%get3A_829, %get3A_830] {strides = array<i32>} : memref<128x128xf32, #tpu.memory_space<vmem>>, vector<1x16xf32>,
        %get3A_832 = vector.shape_cast %get3A_831 : vector<1x16xf32> to vector<16xf32>
        %mul3A_833 = arith.mulf %gather3A_817, %get3A_832 : vector<16xf32>
        %add3A_834 = arith.addf %add3A_828, %mul3A_833 : vector<16xf32>
        %swap3A_835 = arith.index_cast %add3A_809 : i32 to index
        %swap3A_836 = arith.constant 0 : index
        %swap3A_837 = tpu.vector_load %arg15[%swap3A_835, %swap3A_836] {strides = array<i32>} : memref<128x128xf32, #tpu.memory_space<vmem>>, vector<1x16xf32>,
        %swap3A_838 = vector.shape_cast %swap3A_837 : vector<1x16xf32> to vector<16xf32>
        %swap3A_839 = vector.shape_cast %add3A_834 : vector<16xf32> to vector<1x16xf32>
        tpu.vector_store %arg15[%swap3A_835, %swap3A_836], %swap3A_839 {strides = array<i32>} : memref<128x128xf32, #tpu.memory_space<vmem>>, vector<1x16xf32>,
        %get3A_840 = arith.index_cast %add3A_809 : i32 to index
        %get3A_841 = arith.constant 16 : index
        %get3A_842 = tpu.vector_load %arg12[%get3A_840, %get3A_841] {strides = array<i32>} : memref<128x128xf32, #tpu.memory_space<vmem>>, vector<1x16xf32>,
        %get3A_843 = vector.shape_cast %get3A_842 : vector<1x16xf32> to vector<16xf32>
        %mul3A_844 = arith.mulf %gather3A_813, %get3A_843 : vector<16xf32>
        %get3A_845 = arith.index_cast %add3A_809 : i32 to index
        %get3A_846 = arith.constant 16 : index
        %get3A_847 = tpu.vector_load %arg13[%get3A_845, %get3A_846] {strides = array<i32>} : memref<128x128xf32, #tpu.memory_space<vmem>>, vector<1x16xf32>,
        %get3A_848 = vector.shape_cast %get3A_847 : vector<1x16xf32> to vector<16xf32>
        %mul3A_849 = arith.mulf %gather3A_815, %get3A_848 : vector<16xf32>
        %add3A_850 = arith.addf %mul3A_844, %mul3A_849 : vector<16xf32>
        %get3A_851 = arith.index_cast %add3A_809 : i32 to index
        %get3A_852 = arith.constant 16 : index
        %get3A_853 = tpu.vector_load %arg14[%get3A_851, %get3A_852] {strides = array<i32>} : memref<128x128xf32, #tpu.memory_space<vmem>>, vector<1x16xf32>,
        %get3A_854 = vector.shape_cast %get3A_853 : vector<1x16xf32> to vector<16xf32>
        %mul3A_855 = arith.mulf %gather3A_817, %get3A_854 : vector<16xf32>
        %add3A_856 = arith.addf %add3A_850, %mul3A_855 : vector<16xf32>
        %swap3A_857 = arith.index_cast %add3A_809 : i32 to index
        %swap3A_858 = arith.constant 16 : index
        %swap3A_859 = tpu.vector_load %arg15[%swap3A_857, %swap3A_858] {strides = array<i32>} : memref<128x128xf32, #tpu.memory_space<vmem>>, vector<1x16xf32>,
        %swap3A_860 = vector.shape_cast %swap3A_859 : vector<1x16xf32> to vector<16xf32>
        %swap3A_861 = vector.shape_cast %add3A_856 : vector<16xf32> to vector<1x16xf32>
        tpu.vector_store %arg15[%swap3A_857, %swap3A_858], %swap3A_861 {strides = array<i32>} : memref<128x128xf32, #tpu.memory_space<vmem>>, vector<1x16xf32>,
        %get3A_862 = arith.index_cast %add3A_809 : i32 to index
        %get3A_863 = arith.constant 32 : index
        %get3A_864 = tpu.vector_load %arg12[%get3A_862, %get3A_863] {strides = array<i32>} : memref<128x128xf32, #tpu.memory_space<vmem>>, vector<1x16xf32>,
        %get3A_865 = vector.shape_cast %get3A_864 : vector<1x16xf32> to vector<16xf32>
        %mul3A_866 = arith.mulf %gather3A_813, %get3A_865 : vector<16xf32>
        %get3A_867 = arith.index_cast %add3A_809 : i32 to index
        %get3A_868 = arith.constant 32 : index
        %get3A_869 = tpu.vector_load %arg13[%get3A_867, %get3A_868] {strides = array<i32>} : memref<128x128xf32, #tpu.memory_space<vmem>>, vector<1x16xf32>,
        %get3A_870 = vector.shape_cast %get3A_869 : vector<1x16xf32> to vector<16xf32>
        %mul3A_871 = arith.mulf %gather3A_815, %get3A_870 : vector<16xf32>
        %add3A_872 = arith.addf %mul3A_866, %mul3A_871 : vector<16xf32>
        %get3A_873 = arith.index_cast %add3A_809 : i32 to index
        %get3A_874 = arith.constant 32 : index
        %get3A_875 = tpu.vector_load %arg14[%get3A_873, %get3A_874] {strides = array<i32>} : memref<128x128xf32, #tpu.memory_space<vmem>>, vector<1x16xf32>,
        %get3A_876 = vector.shape_cast %get3A_875 : vector<1x16xf32> to vector<16xf32>
        %mul3A_877 = arith.mulf %gather3A_817, %get3A_876 : vector<16xf32>
        %add3A_878 = arith.addf %add3A_872, %mul3A_877 : vector<16xf32>
        %swap3A_879 = arith.index_cast %add3A_809 : i32 to index
        %swap3A_880 = arith.constant 32 : index
        %swap3A_881 = tpu.vector_load %arg15[%swap3A_879, %swap3A_880] {strides = array<i32>} : memref<128x128xf32, #tpu.memory_space<vmem>>, vector<1x16xf32>,
        %swap3A_882 = vector.shape_cast %swap3A_881 : vector<1x16xf32> to vector<16xf32>
        %swap3A_883 = vector.shape_cast %add3A_878 : vector<16xf32> to vector<1x16xf32>
        tpu.vector_store %arg15[%swap3A_879, %swap3A_880], %swap3A_883 {strides = array<i32>} : memref<128x128xf32, #tpu.memory_space<vmem>>, vector<1x16xf32>,
        %get3A_884 = arith.index_cast %add3A_809 : i32 to index
        %get3A_885 = arith.constant 48 : index
        %get3A_886 = tpu.vector_load %arg12[%get3A_884, %get3A_885] {strides = array<i32>} : memref<128x128xf32, #tpu.memory_space<vmem>>, vector<1x16xf32>,
        %get3A_887 = vector.shape_cast %get3A_886 : vector<1x16xf32> to vector<16xf32>
        %mul3A_888 = arith.mulf %gather3A_813, %get3A_887 : vector<16xf32>
        %get3A_889 = arith.index_cast %add3A_809 : i32 to index
        %get3A_890 = arith.constant 48 : index
        %get3A_891 = tpu.vector_load %arg13[%get3A_889, %get3A_890] {strides = array<i32>} : memref<128x128xf32, #tpu.memory_space<vmem>>, vector<1x16xf32>,
        %get3A_892 = vector.shape_cast %get3A_891 : vector<1x16xf32> to vector<16xf32>
        %mul3A_893 = arith.mulf %gather3A_815, %get3A_892 : vector<16xf32>
        %add3A_894 = arith.addf %mul3A_888, %mul3A_893 : vector<16xf32>
        %get3A_895 = arith.index_cast %add3A_809 : i32 to index
        %get3A_896 = arith.constant 48 : index
        %get3A_897 = tpu.vector_load %arg14[%get3A_895, %get3A_896] {strides = array<i32>} : memref<128x128xf32, #tpu.memory_space<vmem>>, vector<1x16xf32>,
        %get3A_898 = vector.shape_cast %get3A_897 : vector<1x16xf32> to vector<16xf32>
        %mul3A_899 = arith.mulf %gather3A_817, %get3A_898 : vector<16xf32>
        %add3A_900 = arith.addf %add3A_894, %mul3A_899 : vector<16xf32>
        %swap3A_901 = arith.index_cast %add3A_809 : i32 to index
        %swap3A_902 = arith.constant 48 : index
        %swap3A_903 = tpu.vector_load %arg15[%swap3A_901, %swap3A_902] {strides = array<i32>} : memref<128x128xf32, #tpu.memory_space<vmem>>, vector<1x16xf32>,
        %swap3A_904 = vector.shape_cast %swap3A_903 : vector<1x16xf32> to vector<16xf32>
        %swap3A_905 = vector.shape_cast %add3A_900 : vector<16xf32> to vector<1x16xf32>
        tpu.vector_store %arg15[%swap3A_901, %swap3A_902], %swap3A_905 {strides = array<i32>} : memref<128x128xf32, #tpu.memory_space<vmem>>, vector<1x16xf32>,
        %get3A_906 = arith.index_cast %add3A_809 : i32 to index
        %get3A_907 = arith.constant 64 : index
        %get3A_908 = tpu.vector_load %arg12[%get3A_906, %get3A_907] {strides = array<i32>} : memref<128x128xf32, #tpu.memory_space<vmem>>, vector<1x16xf32>,
        %get3A_909 = vector.shape_cast %get3A_908 : vector<1x16xf32> to vector<16xf32>
        %mul3A_910 = arith.mulf %gather3A_813, %get3A_909 : vector<16xf32>
        %get3A_911 = arith.index_cast %add3A_809 : i32 to index
        %get3A_912 = arith.constant 64 : index
        %get3A_913 = tpu.vector_load %arg13[%get3A_911, %get3A_912] {strides = array<i32>} : memref<128x128xf32, #tpu.memory_space<vmem>>, vector<1x16xf32>,
        %get3A_914 = vector.shape_cast %get3A_913 : vector<1x16xf32> to vector<16xf32>
        %mul3A_915 = arith.mulf %gather3A_815, %get3A_914 : vector<16xf32>
        %add3A_916 = arith.addf %mul3A_910, %mul3A_915 : vector<16xf32>
        %get3A_917 = arith.index_cast %add3A_809 : i32 to index
        %get3A_918 = arith.constant 64 : index
        %get3A_919 = tpu.vector_load %arg14[%get3A_917, %get3A_918] {strides = array<i32>} : memref<128x128xf32, #tpu.memory_space<vmem>>, vector<1x16xf32>,
        %get3A_920 = vector.shape_cast %get3A_919 : vector<1x16xf32> to vector<16xf32>
        %mul3A_921 = arith.mulf %gather3A_817, %get3A_920 : vector<16xf32>
        %add3A_922 = arith.addf %add3A_916, %mul3A_921 : vector<16xf32>
        %swap3A_923 = arith.index_cast %add3A_809 : i32 to index
        %swap3A_924 = arith.constant 64 : index
        %swap3A_925 = tpu.vector_load %arg15[%swap3A_923, %swap3A_924] {strides = array<i32>} : memref<128x128xf32, #tpu.memory_space<vmem>>, vector<1x16xf32>,
        %swap3A_926 = vector.shape_cast %swap3A_925 : vector<1x16xf32> to vector<16xf32>
        %swap3A_927 = vector.shape_cast %add3A_922 : vector<16xf32> to vector<1x16xf32>
        tpu.vector_store %arg15[%swap3A_923, %swap3A_924], %swap3A_927 {strides = array<i32>} : memref<128x128xf32, #tpu.memory_space<vmem>>, vector<1x16xf32>,
        %get3A_928 = arith.index_cast %add3A_809 : i32 to index
        %get3A_929 = arith.constant 80 : index
        %get3A_930 = tpu.vector_load %arg12[%get3A_928, %get3A_929] {strides = array<i32>} : memref<128x128xf32, #tpu.memory_space<vmem>>, vector<1x16xf32>,
        %get3A_931 = vector.shape_cast %get3A_930 : vector<1x16xf32> to vector<16xf32>
        %mul3A_932 = arith.mulf %gather3A_813, %get3A_931 : vector<16xf32>
        %get3A_933 = arith.index_cast %add3A_809 : i32 to index
        %get3A_934 = arith.constant 80 : index
        %get3A_935 = tpu.vector_load %arg13[%get3A_933, %get3A_934] {strides = array<i32>} : memref<128x128xf32, #tpu.memory_space<vmem>>, vector<1x16xf32>,
        %get3A_936 = vector.shape_cast %get3A_935 : vector<1x16xf32> to vector<16xf32>
        %mul3A_937 = arith.mulf %gather3A_815, %get3A_936 : vector<16xf32>
        %add3A_938 = arith.addf %mul3A_932, %mul3A_937 : vector<16xf32>
        %get3A_939 = arith.index_cast %add3A_809 : i32 to index
        %get3A_940 = arith.constant 80 : index
        %get3A_941 = tpu.vector_load %arg14[%get3A_939, %get3A_940] {strides = array<i32>} : memref<128x128xf32, #tpu.memory_space<vmem>>, vector<1x16xf32>,
        %get3A_942 = vector.shape_cast %get3A_941 : vector<1x16xf32> to vector<16xf32>
        %mul3A_943 = arith.mulf %gather3A_817, %get3A_942 : vector<16xf32>
        %add3A_944 = arith.addf %add3A_938, %mul3A_943 : vector<16xf32>
        %swap3A_945 = arith.index_cast %add3A_809 : i32 to index
        %swap3A_946 = arith.constant 80 : index
        %swap3A_947 = tpu.vector_load %arg15[%swap3A_945, %swap3A_946] {strides = array<i32>} : memref<128x128xf32, #tpu.memory_space<vmem>>, vector<1x16xf32>,
        %swap3A_948 = vector.shape_cast %swap3A_947 : vector<1x16xf32> to vector<16xf32>
        %swap3A_949 = vector.shape_cast %add3A_944 : vector<16xf32> to vector<1x16xf32>
        tpu.vector_store %arg15[%swap3A_945, %swap3A_946], %swap3A_949 {strides = array<i32>} : memref<128x128xf32, #tpu.memory_space<vmem>>, vector<1x16xf32>,
        %get3A_950 = arith.index_cast %add3A_809 : i32 to index
        %get3A_951 = arith.constant 96 : index
        %get3A_952 = tpu.vector_load %arg12[%get3A_950, %get3A_951] {strides = array<i32>} : memref<128x128xf32, #tpu.memory_space<vmem>>, vector<1x16xf32>,
        %get3A_953 = vector.shape_cast %get3A_952 : vector<1x16xf32> to vector<16xf32>
        %mul3A_954 = arith.mulf %gather3A_813, %get3A_953 : vector<16xf32>
        %get3A_955 = arith.index_cast %add3A_809 : i32 to index
        %get3A_956 = arith.constant 96 : index
        %get3A_957 = tpu.vector_load %arg13[%get3A_955, %get3A_956] {strides = array<i32>} : memref<128x128xf32, #tpu.memory_space<vmem>>, vector<1x16xf32>,
        %get3A_958 = vector.shape_cast %get3A_957 : vector<1x16xf32> to vector<16xf32>
        %mul3A_959 = arith.mulf %gather3A_815, %get3A_958 : vector<16xf32>
        %add3A_960 = arith.addf %mul3A_954, %mul3A_959 : vector<16xf32>
        %get3A_961 = arith.index_cast %add3A_809 : i32 to index
        %get3A_962 = arith.constant 96 : index
        %get3A_963 = tpu.vector_load %arg14[%get3A_961, %get3A_962] {strides = array<i32>} : memref<128x128xf32, #tpu.memory_space<vmem>>, vector<1x16xf32>,
        %get3A_964 = vector.shape_cast %get3A_963 : vector<1x16xf32> to vector<16xf32>
        %mul3A_965 = arith.mulf %gather3A_817, %get3A_964 : vector<16xf32>
        %add3A_966 = arith.addf %add3A_960, %mul3A_965 : vector<16xf32>
        %swap3A_967 = arith.index_cast %add3A_809 : i32 to index
        %swap3A_968 = arith.constant 96 : index
        %swap3A_969 = tpu.vector_load %arg15[%swap3A_967, %swap3A_968] {strides = array<i32>} : memref<128x128xf32, #tpu.memory_space<vmem>>, vector<1x16xf32>,
        %swap3A_970 = vector.shape_cast %swap3A_969 : vector<1x16xf32> to vector<16xf32>
        %swap3A_971 = vector.shape_cast %add3A_966 : vector<16xf32> to vector<1x16xf32>
        tpu.vector_store %arg15[%swap3A_967, %swap3A_968], %swap3A_971 {strides = array<i32>} : memref<128x128xf32, #tpu.memory_space<vmem>>, vector<1x16xf32>,
        %get3A_972 = arith.index_cast %add3A_809 : i32 to index
        %get3A_973 = arith.constant 112 : index
        %get3A_974 = tpu.vector_load %arg12[%get3A_972, %get3A_973] {strides = array<i32>} : memref<128x128xf32, #tpu.memory_space<vmem>>, vector<1x16xf32>,
        %get3A_975 = vector.shape_cast %get3A_974 : vector<1x16xf32> to vector<16xf32>
        %mul3A_976 = arith.mulf %gather3A_813, %get3A_975 : vector<16xf32>
        %get3A_977 = arith.index_cast %add3A_809 : i32 to index
        %get3A_978 = arith.constant 112 : index
        %get3A_979 = tpu.vector_load %arg13[%get3A_977, %get3A_978] {strides = array<i32>} : memref<128x128xf32, #tpu.memory_space<vmem>>, vector<1x16xf32>,
        %get3A_980 = vector.shape_cast %get3A_979 : vector<1x16xf32> to vector<16xf32>
        %mul3A_981 = arith.mulf %gather3A_815, %get3A_980 : vector<16xf32>
        %add3A_982 = arith.addf %mul3A_976, %mul3A_981 : vector<16xf32>
        %get3A_983 = arith.index_cast %add3A_809 : i32 to index
        %get3A_984 = arith.constant 112 : index
        %get3A_985 = tpu.vector_load %arg14[%get3A_983, %get3A_984] {strides = array<i32>} : memref<128x128xf32, #tpu.memory_space<vmem>>, vector<1x16xf32>,
        %get3A_986 = vector.shape_cast %get3A_985 : vector<1x16xf32> to vector<16xf32>
        %mul3A_987 = arith.mulf %gather3A_817, %get3A_986 : vector<16xf32>
        %add3A_988 = arith.addf %add3A_982, %mul3A_987 : vector<16xf32>
        %swap3A_989 = arith.index_cast %add3A_809 : i32 to index
        %swap3A_990 = arith.constant 112 : index
        %swap3A_991 = tpu.vector_load %arg15[%swap3A_989, %swap3A_990] {strides = array<i32>} : memref<128x128xf32, #tpu.memory_space<vmem>>, vector<1x16xf32>,
        %swap3A_992 = vector.shape_cast %swap3A_991 : vector<1x16xf32> to vector<16xf32>
        %swap3A_993 = vector.shape_cast %add3A_988 : vector<16xf32> to vector<1x16xf32>
        tpu.vector_store %arg15[%swap3A_989, %swap3A_990], %swap3A_993 {strides = array<i32>} : memref<128x128xf32, #tpu.memory_space<vmem>>, vector<1x16xf32>,
        %mul3A_994 = arith.constant 16 : i32
        %mul3A_995 = arith.muli %scan3A_42, %mul3A_994 : i32
        %add3A_996 = arith.constant 5 : i32
        %add3A_997 = arith.addi %mul3A_995, %add3A_996 : i32
        %broadcast_in_dim3A_998 = arith.constant 5 : i32
        %broadcast_in_dim3A_999 = vector.broadcast %broadcast_in_dim3A_998 : i32 to vector<16x1xi32>
        %gather3A_1000 = vector.shape_cast %broadcast_in_dim3A_999 : vector<16x1xi32> to vector<16xi32>
        %gather3A_1001 = tpu.dynamic_gather %get3A_46[%gather3A_1000] in [0] : vector<16xf32>, vector<16xi32> -> vector<16xf32>
        %gather3A_1002 = vector.shape_cast %broadcast_in_dim3A_999 : vector<16x1xi32> to vector<16xi32>
        %gather3A_1003 = tpu.dynamic_gather %get3A_51[%gather3A_1002] in [0] : vector<16xf32>, vector<16xi32> -> vector<16xf32>
        %gather3A_1004 = vector.shape_cast %broadcast_in_dim3A_999 : vector<16x1xi32> to vector<16xi32>
        %gather3A_1005 = tpu.dynamic_gather %get3A_56[%gather3A_1004] in [0] : vector<16xf32>, vector<16xi32> -> vector<16xf32>
        %get3A_1006 = arith.index_cast %add3A_997 : i32 to index
        %get3A_1007 = arith.constant 0 : index
        %get3A_1008 = tpu.vector_load %arg12[%get3A_1006, %get3A_1007] {strides = array<i32>} : memref<128x128xf32, #tpu.memory_space<vmem>>, vector<1x16xf32>,
        %get3A_1009 = vector.shape_cast %get3A_1008 : vector<1x16xf32> to vector<16xf32>
        %mul3A_1010 = arith.mulf %gather3A_1001, %get3A_1009 : vector<16xf32>
        %get3A_1011 = arith.index_cast %add3A_997 : i32 to index
        %get3A_1012 = arith.constant 0 : index
        %get3A_1013 = tpu.vector_load %arg13[%get3A_1011, %get3A_1012] {strides = array<i32>} : memref<128x128xf32, #tpu.memory_space<vmem>>, vector<1x16xf32>,
        %get3A_1014 = vector.shape_cast %get3A_1013 : vector<1x16xf32> to vector<16xf32>
        %mul3A_1015 = arith.mulf %gather3A_1003, %get3A_1014 : vector<16xf32>
        %add3A_1016 = arith.addf %mul3A_1010, %mul3A_1015 : vector<16xf32>
        %get3A_1017 = arith.index_cast %add3A_997 : i32 to index
        %get3A_1018 = arith.constant 0 : index
        %get3A_1019 = tpu.vector_load %arg14[%get3A_1017, %get3A_1018] {strides = array<i32>} : memref<128x128xf32, #tpu.memory_space<vmem>>, vector<1x16xf32>,
        %get3A_1020 = vector.shape_cast %get3A_1019 : vector<1x16xf32> to vector<16xf32>
        %mul3A_1021 = arith.mulf %gather3A_1005, %get3A_1020 : vector<16xf32>
        %add3A_1022 = arith.addf %add3A_1016, %mul3A_1021 : vector<16xf32>
        %swap3A_1023 = arith.index_cast %add3A_997 : i32 to index
        %swap3A_1024 = arith.constant 0 : index
        %swap3A_1025 = tpu.vector_load %arg15[%swap3A_1023, %swap3A_1024] {strides = array<i32>} : memref<128x128xf32, #tpu.memory_space<vmem>>, vector<1x16xf32>,
        %swap3A_1026 = vector.shape_cast %swap3A_1025 : vector<1x16xf32> to vector<16xf32>
        %swap3A_1027 = vector.shape_cast %add3A_1022 : vector<16xf32> to vector<1x16xf32>
        tpu.vector_store %arg15[%swap3A_1023, %swap3A_1024], %swap3A_1027 {strides = array<i32>} : memref<128x128xf32, #tpu.memory_space<vmem>>, vector<1x16xf32>,
        %get3A_1028 = arith.index_cast %add3A_997 : i32 to index
        %get3A_1029 = arith.constant 16 : index
        %get3A_1030 = tpu.vector_load %arg12[%get3A_1028, %get3A_1029] {strides = array<i32>} : memref<128x128xf32, #tpu.memory_space<vmem>>, vector<1x16xf32>,
        %get3A_1031 = vector.shape_cast %get3A_1030 : vector<1x16xf32> to vector<16xf32>
        %mul3A_1032 = arith.mulf %gather3A_1001, %get3A_1031 : vector<16xf32>
        %get3A_1033 = arith.index_cast %add3A_997 : i32 to index
        %get3A_1034 = arith.constant 16 : index
        %get3A_1035 = tpu.vector_load %arg13[%get3A_1033, %get3A_1034] {strides = array<i32>} : memref<128x128xf32, #tpu.memory_space<vmem>>, vector<1x16xf32>,
        %get3A_1036 = vector.shape_cast %get3A_1035 : vector<1x16xf32> to vector<16xf32>
        %mul3A_1037 = arith.mulf %gather3A_1003, %get3A_1036 : vector<16xf32>
        %add3A_1038 = arith.addf %mul3A_1032, %mul3A_1037 : vector<16xf32>
        %get3A_1039 = arith.index_cast %add3A_997 : i32 to index
        %get3A_1040 = arith.constant 16 : index
        %get3A_1041 = tpu.vector_load %arg14[%get3A_1039, %get3A_1040] {strides = array<i32>} : memref<128x128xf32, #tpu.memory_space<vmem>>, vector<1x16xf32>,
        %get3A_1042 = vector.shape_cast %get3A_1041 : vector<1x16xf32> to vector<16xf32>
        %mul3A_1043 = arith.mulf %gather3A_1005, %get3A_1042 : vector<16xf32>
        %add3A_1044 = arith.addf %add3A_1038, %mul3A_1043 : vector<16xf32>
        %swap3A_1045 = arith.index_cast %add3A_997 : i32 to index
        %swap3A_1046 = arith.constant 16 : index
        %swap3A_1047 = tpu.vector_load %arg15[%swap3A_1045, %swap3A_1046] {strides = array<i32>} : memref<128x128xf32, #tpu.memory_space<vmem>>, vector<1x16xf32>,
        %swap3A_1048 = vector.shape_cast %swap3A_1047 : vector<1x16xf32> to vector<16xf32>
        %swap3A_1049 = vector.shape_cast %add3A_1044 : vector<16xf32> to vector<1x16xf32>
        tpu.vector_store %arg15[%swap3A_1045, %swap3A_1046], %swap3A_1049 {strides = array<i32>} : memref<128x128xf32, #tpu.memory_space<vmem>>, vector<1x16xf32>,
        %get3A_1050 = arith.index_cast %add3A_997 : i32 to index
        %get3A_1051 = arith.constant 32 : index
        %get3A_1052 = tpu.vector_load %arg12[%get3A_1050, %get3A_1051] {strides = array<i32>} : memref<128x128xf32, #tpu.memory_space<vmem>>, vector<1x16xf32>,
        %get3A_1053 = vector.shape_cast %get3A_1052 : vector<1x16xf32> to vector<16xf32>
        %mul3A_1054 = arith.mulf %gather3A_1001, %get3A_1053 : vector<16xf32>
        %get3A_1055 = arith.index_cast %add3A_997 : i32 to index
        %get3A_1056 = arith.constant 32 : index
        %get3A_1057 = tpu.vector_load %arg13[%get3A_1055, %get3A_1056] {strides = array<i32>} : memref<128x128xf32, #tpu.memory_space<vmem>>, vector<1x16xf32>,
        %get3A_1058 = vector.shape_cast %get3A_1057 : vector<1x16xf32> to vector<16xf32>
        %mul3A_1059 = arith.mulf %gather3A_1003, %get3A_1058 : vector<16xf32>
        %add3A_1060 = arith.addf %mul3A_1054, %mul3A_1059 : vector<16xf32>
        %get3A_1061 = arith.index_cast %add3A_997 : i32 to index
        %get3A_1062 = arith.constant 32 : index
        %get3A_1063 = tpu.vector_load %arg14[%get3A_1061, %get3A_1062] {strides = array<i32>} : memref<128x128xf32, #tpu.memory_space<vmem>>, vector<1x16xf32>,
        %get3A_1064 = vector.shape_cast %get3A_1063 : vector<1x16xf32> to vector<16xf32>
        %mul3A_1065 = arith.mulf %gather3A_1005, %get3A_1064 : vector<16xf32>
        %add3A_1066 = arith.addf %add3A_1060, %mul3A_1065 : vector<16xf32>
        %swap3A_1067 = arith.index_cast %add3A_997 : i32 to index
        %swap3A_1068 = arith.constant 32 : index
        %swap3A_1069 = tpu.vector_load %arg15[%swap3A_1067, %swap3A_1068] {strides = array<i32>} : memref<128x128xf32, #tpu.memory_space<vmem>>, vector<1x16xf32>,
        %swap3A_1070 = vector.shape_cast %swap3A_1069 : vector<1x16xf32> to vector<16xf32>
        %swap3A_1071 = vector.shape_cast %add3A_1066 : vector<16xf32> to vector<1x16xf32>
        tpu.vector_store %arg15[%swap3A_1067, %swap3A_1068], %swap3A_1071 {strides = array<i32>} : memref<128x128xf32, #tpu.memory_space<vmem>>, vector<1x16xf32>,
        %get3A_1072 = arith.index_cast %add3A_997 : i32 to index
        %get3A_1073 = arith.constant 48 : index
        %get3A_1074 = tpu.vector_load %arg12[%get3A_1072, %get3A_1073] {strides = array<i32>} : memref<128x128xf32, #tpu.memory_space<vmem>>, vector<1x16xf32>,
        %get3A_1075 = vector.shape_cast %get3A_1074 : vector<1x16xf32> to vector<16xf32>
        %mul3A_1076 = arith.mulf %gather3A_1001, %get3A_1075 : vector<16xf32>
        %get3A_1077 = arith.index_cast %add3A_997 : i32 to index
        %get3A_1078 = arith.constant 48 : index
        %get3A_1079 = tpu.vector_load %arg13[%get3A_1077, %get3A_1078] {strides = array<i32>} : memref<128x128xf32, #tpu.memory_space<vmem>>, vector<1x16xf32>,
        %get3A_1080 = vector.shape_cast %get3A_1079 : vector<1x16xf32> to vector<16xf32>
        %mul3A_1081 = arith.mulf %gather3A_1003, %get3A_1080 : vector<16xf32>
        %add3A_1082 = arith.addf %mul3A_1076, %mul3A_1081 : vector<16xf32>
        %get3A_1083 = arith.index_cast %add3A_997 : i32 to index
        %get3A_1084 = arith.constant 48 : index
        %get3A_1085 = tpu.vector_load %arg14[%get3A_1083, %get3A_1084] {strides = array<i32>} : memref<128x128xf32, #tpu.memory_space<vmem>>, vector<1x16xf32>,
        %get3A_1086 = vector.shape_cast %get3A_1085 : vector<1x16xf32> to vector<16xf32>
        %mul3A_1087 = arith.mulf %gather3A_1005, %get3A_1086 : vector<16xf32>
        %add3A_1088 = arith.addf %add3A_1082, %mul3A_1087 : vector<16xf32>
        %swap3A_1089 = arith.index_cast %add3A_997 : i32 to index
        %swap3A_1090 = arith.constant 48 : index
        %swap3A_1091 = tpu.vector_load %arg15[%swap3A_1089, %swap3A_1090] {strides = array<i32>} : memref<128x128xf32, #tpu.memory_space<vmem>>, vector<1x16xf32>,
        %swap3A_1092 = vector.shape_cast %swap3A_1091 : vector<1x16xf32> to vector<16xf32>
        %swap3A_1093 = vector.shape_cast %add3A_1088 : vector<16xf32> to vector<1x16xf32>
        tpu.vector_store %arg15[%swap3A_1089, %swap3A_1090], %swap3A_1093 {strides = array<i32>} : memref<128x128xf32, #tpu.memory_space<vmem>>, vector<1x16xf32>,
        %get3A_1094 = arith.index_cast %add3A_997 : i32 to index
        %get3A_1095 = arith.constant 64 : index
        %get3A_1096 = tpu.vector_load %arg12[%get3A_1094, %get3A_1095] {strides = array<i32>} : memref<128x128xf32, #tpu.memory_space<vmem>>, vector<1x16xf32>,
        %get3A_1097 = vector.shape_cast %get3A_1096 : vector<1x16xf32> to vector<16xf32>
        %mul3A_1098 = arith.mulf %gather3A_1001, %get3A_1097 : vector<16xf32>
        %get3A_1099 = arith.index_cast %add3A_997 : i32 to index
        %get3A_1100 = arith.constant 64 : index
        %get3A_1101 = tpu.vector_load %arg13[%get3A_1099, %get3A_1100] {strides = array<i32>} : memref<128x128xf32, #tpu.memory_space<vmem>>, vector<1x16xf32>,
        %get3A_1102 = vector.shape_cast %get3A_1101 : vector<1x16xf32> to vector<16xf32>
        %mul3A_1103 = arith.mulf %gather3A_1003, %get3A_1102 : vector<16xf32>
        %add3A_1104 = arith.addf %mul3A_1098, %mul3A_1103 : vector<16xf32>
        %get3A_1105 = arith.index_cast %add3A_997 : i32 to index
        %get3A_1106 = arith.constant 64 : index
        %get3A_1107 = tpu.vector_load %arg14[%get3A_1105, %get3A_1106] {strides = array<i32>} : memref<128x128xf32, #tpu.memory_space<vmem>>, vector<1x16xf32>,
        %get3A_1108 = vector.shape_cast %get3A_1107 : vector<1x16xf32> to vector<16xf32>
        %mul3A_1109 = arith.mulf %gather3A_1005, %get3A_1108 : vector<16xf32>
        %add3A_1110 = arith.addf %add3A_1104, %mul3A_1109 : vector<16xf32>
        %swap3A_1111 = arith.index_cast %add3A_997 : i32 to index
        %swap3A_1112 = arith.constant 64 : index
        %swap3A_1113 = tpu.vector_load %arg15[%swap3A_1111, %swap3A_1112] {strides = array<i32>} : memref<128x128xf32, #tpu.memory_space<vmem>>, vector<1x16xf32>,
        %swap3A_1114 = vector.shape_cast %swap3A_1113 : vector<1x16xf32> to vector<16xf32>
        %swap3A_1115 = vector.shape_cast %add3A_1110 : vector<16xf32> to vector<1x16xf32>
        tpu.vector_store %arg15[%swap3A_1111, %swap3A_1112], %swap3A_1115 {strides = array<i32>} : memref<128x128xf32, #tpu.memory_space<vmem>>, vector<1x16xf32>,
        %get3A_1116 = arith.index_cast %add3A_997 : i32 to index
        %get3A_1117 = arith.constant 80 : index
        %get3A_1118 = tpu.vector_load %arg12[%get3A_1116, %get3A_1117] {strides = array<i32>} : memref<128x128xf32, #tpu.memory_space<vmem>>, vector<1x16xf32>,
        %get3A_1119 = vector.shape_cast %get3A_1118 : vector<1x16xf32> to vector<16xf32>
        %mul3A_1120 = arith.mulf %gather3A_1001, %get3A_1119 : vector<16xf32>
        %get3A_1121 = arith.index_cast %add3A_997 : i32 to index
        %get3A_1122 = arith.constant 80 : index
        %get3A_1123 = tpu.vector_load %arg13[%get3A_1121, %get3A_1122] {strides = array<i32>} : memref<128x128xf32, #tpu.memory_space<vmem>>, vector<1x16xf32>,
        %get3A_1124 = vector.shape_cast %get3A_1123 : vector<1x16xf32> to vector<16xf32>
        %mul3A_1125 = arith.mulf %gather3A_1003, %get3A_1124 : vector<16xf32>
        %add3A_1126 = arith.addf %mul3A_1120, %mul3A_1125 : vector<16xf32>
        %get3A_1127 = arith.index_cast %add3A_997 : i32 to index
        %get3A_1128 = arith.constant 80 : index
        %get3A_1129 = tpu.vector_load %arg14[%get3A_1127, %get3A_1128] {strides = array<i32>} : memref<128x128xf32, #tpu.memory_space<vmem>>, vector<1x16xf32>,
        %get3A_1130 = vector.shape_cast %get3A_1129 : vector<1x16xf32> to vector<16xf32>
        %mul3A_1131 = arith.mulf %gather3A_1005, %get3A_1130 : vector<16xf32>
        %add3A_1132 = arith.addf %add3A_1126, %mul3A_1131 : vector<16xf32>
        %swap3A_1133 = arith.index_cast %add3A_997 : i32 to index
        %swap3A_1134 = arith.constant 80 : index
        %swap3A_1135 = tpu.vector_load %arg15[%swap3A_1133, %swap3A_1134] {strides = array<i32>} : memref<128x128xf32, #tpu.memory_space<vmem>>, vector<1x16xf32>,
        %swap3A_1136 = vector.shape_cast %swap3A_1135 : vector<1x16xf32> to vector<16xf32>
        %swap3A_1137 = vector.shape_cast %add3A_1132 : vector<16xf32> to vector<1x16xf32>
        tpu.vector_store %arg15[%swap3A_1133, %swap3A_1134], %swap3A_1137 {strides = array<i32>} : memref<128x128xf32, #tpu.memory_space<vmem>>, vector<1x16xf32>,
        %get3A_1138 = arith.index_cast %add3A_997 : i32 to index
        %get3A_1139 = arith.constant 96 : index
        %get3A_1140 = tpu.vector_load %arg12[%get3A_1138, %get3A_1139] {strides = array<i32>} : memref<128x128xf32, #tpu.memory_space<vmem>>, vector<1x16xf32>,
        %get3A_1141 = vector.shape_cast %get3A_1140 : vector<1x16xf32> to vector<16xf32>
        %mul3A_1142 = arith.mulf %gather3A_1001, %get3A_1141 : vector<16xf32>
        %get3A_1143 = arith.index_cast %add3A_997 : i32 to index
        %get3A_1144 = arith.constant 96 : index
        %get3A_1145 = tpu.vector_load %arg13[%get3A_1143, %get3A_1144] {strides = array<i32>} : memref<128x128xf32, #tpu.memory_space<vmem>>, vector<1x16xf32>,
        %get3A_1146 = vector.shape_cast %get3A_1145 : vector<1x16xf32> to vector<16xf32>
        %mul3A_1147 = arith.mulf %gather3A_1003, %get3A_1146 : vector<16xf32>
        %add3A_1148 = arith.addf %mul3A_1142, %mul3A_1147 : vector<16xf32>
        %get3A_1149 = arith.index_cast %add3A_997 : i32 to index
        %get3A_1150 = arith.constant 96 : index
        %get3A_1151 = tpu.vector_load %arg14[%get3A_1149, %get3A_1150] {strides = array<i32>} : memref<128x128xf32, #tpu.memory_space<vmem>>, vector<1x16xf32>,
        %get3A_1152 = vector.shape_cast %get3A_1151 : vector<1x16xf32> to vector<16xf32>
        %mul3A_1153 = arith.mulf %gather3A_1005, %get3A_1152 : vector<16xf32>
        %add3A_1154 = arith.addf %add3A_1148, %mul3A_1153 : vector<16xf32>
        %swap3A_1155 = arith.index_cast %add3A_997 : i32 to index
        %swap3A_1156 = arith.constant 96 : index
        %swap3A_1157 = tpu.vector_load %arg15[%swap3A_1155, %swap3A_1156] {strides = array<i32>} : memref<128x128xf32, #tpu.memory_space<vmem>>, vector<1x16xf32>,
        %swap3A_1158 = vector.shape_cast %swap3A_1157 : vector<1x16xf32> to vector<16xf32>
        %swap3A_1159 = vector.shape_cast %add3A_1154 : vector<16xf32> to vector<1x16xf32>
        tpu.vector_store %arg15[%swap3A_1155, %swap3A_1156], %swap3A_1159 {strides = array<i32>} : memref<128x128xf32, #tpu.memory_space<vmem>>, vector<1x16xf32>,
        %get3A_1160 = arith.index_cast %add3A_997 : i32 to index
        %get3A_1161 = arith.constant 112 : index
        %get3A_1162 = tpu.vector_load %arg12[%get3A_1160, %get3A_1161] {strides = array<i32>} : memref<128x128xf32, #tpu.memory_space<vmem>>, vector<1x16xf32>,
        %get3A_1163 = vector.shape_cast %get3A_1162 : vector<1x16xf32> to vector<16xf32>
        %mul3A_1164 = arith.mulf %gather3A_1001, %get3A_1163 : vector<16xf32>
        %get3A_1165 = arith.index_cast %add3A_997 : i32 to index
        %get3A_1166 = arith.constant 112 : index
        %get3A_1167 = tpu.vector_load %arg13[%get3A_1165, %get3A_1166] {strides = array<i32>} : memref<128x128xf32, #tpu.memory_space<vmem>>, vector<1x16xf32>,
        %get3A_1168 = vector.shape_cast %get3A_1167 : vector<1x16xf32> to vector<16xf32>
        %mul3A_1169 = arith.mulf %gather3A_1003, %get3A_1168 : vector<16xf32>
        %add3A_1170 = arith.addf %mul3A_1164, %mul3A_1169 : vector<16xf32>
        %get3A_1171 = arith.index_cast %add3A_997 : i32 to index
        %get3A_1172 = arith.constant 112 : index
        %get3A_1173 = tpu.vector_load %arg14[%get3A_1171, %get3A_1172] {strides = array<i32>} : memref<128x128xf32, #tpu.memory_space<vmem>>, vector<1x16xf32>,
        %get3A_1174 = vector.shape_cast %get3A_1173 : vector<1x16xf32> to vector<16xf32>
        %mul3A_1175 = arith.mulf %gather3A_1005, %get3A_1174 : vector<16xf32>
        %add3A_1176 = arith.addf %add3A_1170, %mul3A_1175 : vector<16xf32>
        %swap3A_1177 = arith.index_cast %add3A_997 : i32 to index
        %swap3A_1178 = arith.constant 112 : index
        %swap3A_1179 = tpu.vector_load %arg15[%swap3A_1177, %swap3A_1178] {strides = array<i32>} : memref<128x128xf32, #tpu.memory_space<vmem>>, vector<1x16xf32>,
        %swap3A_1180 = vector.shape_cast %swap3A_1179 : vector<1x16xf32> to vector<16xf32>
        %swap3A_1181 = vector.shape_cast %add3A_1176 : vector<16xf32> to vector<1x16xf32>
        tpu.vector_store %arg15[%swap3A_1177, %swap3A_1178], %swap3A_1181 {strides = array<i32>} : memref<128x128xf32, #tpu.memory_space<vmem>>, vector<1x16xf32>,
        %mul3A_1182 = arith.constant 16 : i32
        %mul3A_1183 = arith.muli %scan3A_42, %mul3A_1182 : i32
        %add3A_1184 = arith.constant 6 : i32
        %add3A_1185 = arith.addi %mul3A_1183, %add3A_1184 : i32
        %broadcast_in_dim3A_1186 = arith.constant 6 : i32
        %broadcast_in_dim3A_1187 = vector.broadcast %broadcast_in_dim3A_1186 : i32 to vector<16x1xi32>
        %gather3A_1188 = vector.shape_cast %broadcast_in_dim3A_1187 : vector<16x1xi32> to vector<16xi32>
        %gather3A_1189 = tpu.dynamic_gather %get3A_46[%gather3A_1188] in [0] : vector<16xf32>, vector<16xi32> -> vector<16xf32>
        %gather3A_1190 = vector.shape_cast %broadcast_in_dim3A_1187 : vector<16x1xi32> to vector<16xi32>
        %gather3A_1191 = tpu.dynamic_gather %get3A_51[%gather3A_1190] in [0] : vector<16xf32>, vector<16xi32> -> vector<16xf32>
        %gather3A_1192 = vector.shape_cast %broadcast_in_dim3A_1187 : vector<16x1xi32> to vector<16xi32>
        %gather3A_1193 = tpu.dynamic_gather %get3A_56[%gather3A_1192] in [0] : vector<16xf32>, vector<16xi32> -> vector<16xf32>
        %get3A_1194 = arith.index_cast %add3A_1185 : i32 to index
        %get3A_1195 = arith.constant 0 : index
        %get3A_1196 = tpu.vector_load %arg12[%get3A_1194, %get3A_1195] {strides = array<i32>} : memref<128x128xf32, #tpu.memory_space<vmem>>, vector<1x16xf32>,
        %get3A_1197 = vector.shape_cast %get3A_1196 : vector<1x16xf32> to vector<16xf32>
        %mul3A_1198 = arith.mulf %gather3A_1189, %get3A_1197 : vector<16xf32>
        %get3A_1199 = arith.index_cast %add3A_1185 : i32 to index
        %get3A_1200 = arith.constant 0 : index
        %get3A_1201 = tpu.vector_load %arg13[%get3A_1199, %get3A_1200] {strides = array<i32>} : memref<128x128xf32, #tpu.memory_space<vmem>>, vector<1x16xf32>,
        %get3A_1202 = vector.shape_cast %get3A_1201 : vector<1x16xf32> to vector<16xf32>
        %mul3A_1203 = arith.mulf %gather3A_1191, %get3A_1202 : vector<16xf32>
        %add3A_1204 = arith.addf %mul3A_1198, %mul3A_1203 : vector<16xf32>
        %get3A_1205 = arith.index_cast %add3A_1185 : i32 to index
        %get3A_1206 = arith.constant 0 : index
        %get3A_1207 = tpu.vector_load %arg14[%get3A_1205, %get3A_1206] {strides = array<i32>} : memref<128x128xf32, #tpu.memory_space<vmem>>, vector<1x16xf32>,
        %get3A_1208 = vector.shape_cast %get3A_1207 : vector<1x16xf32> to vector<16xf32>
        %mul3A_1209 = arith.mulf %gather3A_1193, %get3A_1208 : vector<16xf32>
        %add3A_1210 = arith.addf %add3A_1204, %mul3A_1209 : vector<16xf32>
        %swap3A_1211 = arith.index_cast %add3A_1185 : i32 to index
        %swap3A_1212 = arith.constant 0 : index
        %swap3A_1213 = tpu.vector_load %arg15[%swap3A_1211, %swap3A_1212] {strides = array<i32>} : memref<128x128xf32, #tpu.memory_space<vmem>>, vector<1x16xf32>,
        %swap3A_1214 = vector.shape_cast %swap3A_1213 : vector<1x16xf32> to vector<16xf32>
        %swap3A_1215 = vector.shape_cast %add3A_1210 : vector<16xf32> to vector<1x16xf32>
        tpu.vector_store %arg15[%swap3A_1211, %swap3A_1212], %swap3A_1215 {strides = array<i32>} : memref<128x128xf32, #tpu.memory_space<vmem>>, vector<1x16xf32>,
        %get3A_1216 = arith.index_cast %add3A_1185 : i32 to index
        %get3A_1217 = arith.constant 16 : index
        %get3A_1218 = tpu.vector_load %arg12[%get3A_1216, %get3A_1217] {strides = array<i32>} : memref<128x128xf32, #tpu.memory_space<vmem>>, vector<1x16xf32>,
        %get3A_1219 = vector.shape_cast %get3A_1218 : vector<1x16xf32> to vector<16xf32>
        %mul3A_1220 = arith.mulf %gather3A_1189, %get3A_1219 : vector<16xf32>
        %get3A_1221 = arith.index_cast %add3A_1185 : i32 to index
        %get3A_1222 = arith.constant 16 : index
        %get3A_1223 = tpu.vector_load %arg13[%get3A_1221, %get3A_1222] {strides = array<i32>} : memref<128x128xf32, #tpu.memory_space<vmem>>, vector<1x16xf32>,
        %get3A_1224 = vector.shape_cast %get3A_1223 : vector<1x16xf32> to vector<16xf32>
        %mul3A_1225 = arith.mulf %gather3A_1191, %get3A_1224 : vector<16xf32>
        %add3A_1226 = arith.addf %mul3A_1220, %mul3A_1225 : vector<16xf32>
        %get3A_1227 = arith.index_cast %add3A_1185 : i32 to index
        %get3A_1228 = arith.constant 16 : index
        %get3A_1229 = tpu.vector_load %arg14[%get3A_1227, %get3A_1228] {strides = array<i32>} : memref<128x128xf32, #tpu.memory_space<vmem>>, vector<1x16xf32>,
        %get3A_1230 = vector.shape_cast %get3A_1229 : vector<1x16xf32> to vector<16xf32>
        %mul3A_1231 = arith.mulf %gather3A_1193, %get3A_1230 : vector<16xf32>
        %add3A_1232 = arith.addf %add3A_1226, %mul3A_1231 : vector<16xf32>
        %swap3A_1233 = arith.index_cast %add3A_1185 : i32 to index
        %swap3A_1234 = arith.constant 16 : index
        %swap3A_1235 = tpu.vector_load %arg15[%swap3A_1233, %swap3A_1234] {strides = array<i32>} : memref<128x128xf32, #tpu.memory_space<vmem>>, vector<1x16xf32>,
        %swap3A_1236 = vector.shape_cast %swap3A_1235 : vector<1x16xf32> to vector<16xf32>
        %swap3A_1237 = vector.shape_cast %add3A_1232 : vector<16xf32> to vector<1x16xf32>
        tpu.vector_store %arg15[%swap3A_1233, %swap3A_1234], %swap3A_1237 {strides = array<i32>} : memref<128x128xf32, #tpu.memory_space<vmem>>, vector<1x16xf32>,
        %get3A_1238 = arith.index_cast %add3A_1185 : i32 to index
        %get3A_1239 = arith.constant 32 : index
        %get3A_1240 = tpu.vector_load %arg12[%get3A_1238, %get3A_1239] {strides = array<i32>} : memref<128x128xf32, #tpu.memory_space<vmem>>, vector<1x16xf32>,
        %get3A_1241 = vector.shape_cast %get3A_1240 : vector<1x16xf32> to vector<16xf32>
        %mul3A_1242 = arith.mulf %gather3A_1189, %get3A_1241 : vector<16xf32>
        %get3A_1243 = arith.index_cast %add3A_1185 : i32 to index
        %get3A_1244 = arith.constant 32 : index
        %get3A_1245 = tpu.vector_load %arg13[%get3A_1243, %get3A_1244] {strides = array<i32>} : memref<128x128xf32, #tpu.memory_space<vmem>>, vector<1x16xf32>,
        %get3A_1246 = vector.shape_cast %get3A_1245 : vector<1x16xf32> to vector<16xf32>
        %mul3A_1247 = arith.mulf %gather3A_1191, %get3A_1246 : vector<16xf32>
        %add3A_1248 = arith.addf %mul3A_1242, %mul3A_1247 : vector<16xf32>
        %get3A_1249 = arith.index_cast %add3A_1185 : i32 to index
        %get3A_1250 = arith.constant 32 : index
        %get3A_1251 = tpu.vector_load %arg14[%get3A_1249, %get3A_1250] {strides = array<i32>} : memref<128x128xf32, #tpu.memory_space<vmem>>, vector<1x16xf32>,
        %get3A_1252 = vector.shape_cast %get3A_1251 : vector<1x16xf32> to vector<16xf32>
        %mul3A_1253 = arith.mulf %gather3A_1193, %get3A_1252 : vector<16xf32>
        %add3A_1254 = arith.addf %add3A_1248, %mul3A_1253 : vector<16xf32>
        %swap3A_1255 = arith.index_cast %add3A_1185 : i32 to index
        %swap3A_1256 = arith.constant 32 : index
        %swap3A_1257 = tpu.vector_load %arg15[%swap3A_1255, %swap3A_1256] {strides = array<i32>} : memref<128x128xf32, #tpu.memory_space<vmem>>, vector<1x16xf32>,
        %swap3A_1258 = vector.shape_cast %swap3A_1257 : vector<1x16xf32> to vector<16xf32>
        %swap3A_1259 = vector.shape_cast %add3A_1254 : vector<16xf32> to vector<1x16xf32>
        tpu.vector_store %arg15[%swap3A_1255, %swap3A_1256], %swap3A_1259 {strides = array<i32>} : memref<128x128xf32, #tpu.memory_space<vmem>>, vector<1x16xf32>,
        %get3A_1260 = arith.index_cast %add3A_1185 : i32 to index
        %get3A_1261 = arith.constant 48 : index
        %get3A_1262 = tpu.vector_load %arg12[%get3A_1260, %get3A_1261] {strides = array<i32>} : memref<128x128xf32, #tpu.memory_space<vmem>>, vector<1x16xf32>,
        %get3A_1263 = vector.shape_cast %get3A_1262 : vector<1x16xf32> to vector<16xf32>
        %mul3A_1264 = arith.mulf %gather3A_1189, %get3A_1263 : vector<16xf32>
        %get3A_1265 = arith.index_cast %add3A_1185 : i32 to index
        %get3A_1266 = arith.constant 48 : index
        %get3A_1267 = tpu.vector_load %arg13[%get3A_1265, %get3A_1266] {strides = array<i32>} : memref<128x128xf32, #tpu.memory_space<vmem>>, vector<1x16xf32>,
        %get3A_1268 = vector.shape_cast %get3A_1267 : vector<1x16xf32> to vector<16xf32>
        %mul3A_1269 = arith.mulf %gather3A_1191, %get3A_1268 : vector<16xf32>
        %add3A_1270 = arith.addf %mul3A_1264, %mul3A_1269 : vector<16xf32>
        %get3A_1271 = arith.index_cast %add3A_1185 : i32 to index
        %get3A_1272 = arith.constant 48 : index
        %get3A_1273 = tpu.vector_load %arg14[%get3A_1271, %get3A_1272] {strides = array<i32>} : memref<128x128xf32, #tpu.memory_space<vmem>>, vector<1x16xf32>,
        %get3A_1274 = vector.shape_cast %get3A_1273 : vector<1x16xf32> to vector<16xf32>
        %mul3A_1275 = arith.mulf %gather3A_1193, %get3A_1274 : vector<16xf32>
        %add3A_1276 = arith.addf %add3A_1270, %mul3A_1275 : vector<16xf32>
        %swap3A_1277 = arith.index_cast %add3A_1185 : i32 to index
        %swap3A_1278 = arith.constant 48 : index
        %swap3A_1279 = tpu.vector_load %arg15[%swap3A_1277, %swap3A_1278] {strides = array<i32>} : memref<128x128xf32, #tpu.memory_space<vmem>>, vector<1x16xf32>,
        %swap3A_1280 = vector.shape_cast %swap3A_1279 : vector<1x16xf32> to vector<16xf32>
        %swap3A_1281 = vector.shape_cast %add3A_1276 : vector<16xf32> to vector<1x16xf32>
        tpu.vector_store %arg15[%swap3A_1277, %swap3A_1278], %swap3A_1281 {strides = array<i32>} : memref<128x128xf32, #tpu.memory_space<vmem>>, vector<1x16xf32>,
        %get3A_1282 = arith.index_cast %add3A_1185 : i32 to index
        %get3A_1283 = arith.constant 64 : index
        %get3A_1284 = tpu.vector_load %arg12[%get3A_1282, %get3A_1283] {strides = array<i32>} : memref<128x128xf32, #tpu.memory_space<vmem>>, vector<1x16xf32>,
        %get3A_1285 = vector.shape_cast %get3A_1284 : vector<1x16xf32> to vector<16xf32>
        %mul3A_1286 = arith.mulf %gather3A_1189, %get3A_1285 : vector<16xf32>
        %get3A_1287 = arith.index_cast %add3A_1185 : i32 to index
        %get3A_1288 = arith.constant 64 : index
        %get3A_1289 = tpu.vector_load %arg13[%get3A_1287, %get3A_1288] {strides = array<i32>} : memref<128x128xf32, #tpu.memory_space<vmem>>, vector<1x16xf32>,
        %get3A_1290 = vector.shape_cast %get3A_1289 : vector<1x16xf32> to vector<16xf32>
        %mul3A_1291 = arith.mulf %gather3A_1191, %get3A_1290 : vector<16xf32>
        %add3A_1292 = arith.addf %mul3A_1286, %mul3A_1291 : vector<16xf32>
        %get3A_1293 = arith.index_cast %add3A_1185 : i32 to index
        %get3A_1294 = arith.constant 64 : index
        %get3A_1295 = tpu.vector_load %arg14[%get3A_1293, %get3A_1294] {strides = array<i32>} : memref<128x128xf32, #tpu.memory_space<vmem>>, vector<1x16xf32>,
        %get3A_1296 = vector.shape_cast %get3A_1295 : vector<1x16xf32> to vector<16xf32>
        %mul3A_1297 = arith.mulf %gather3A_1193, %get3A_1296 : vector<16xf32>
        %add3A_1298 = arith.addf %add3A_1292, %mul3A_1297 : vector<16xf32>
        %swap3A_1299 = arith.index_cast %add3A_1185 : i32 to index
        %swap3A_1300 = arith.constant 64 : index
        %swap3A_1301 = tpu.vector_load %arg15[%swap3A_1299, %swap3A_1300] {strides = array<i32>} : memref<128x128xf32, #tpu.memory_space<vmem>>, vector<1x16xf32>,
        %swap3A_1302 = vector.shape_cast %swap3A_1301 : vector<1x16xf32> to vector<16xf32>
        %swap3A_1303 = vector.shape_cast %add3A_1298 : vector<16xf32> to vector<1x16xf32>
        tpu.vector_store %arg15[%swap3A_1299, %swap3A_1300], %swap3A_1303 {strides = array<i32>} : memref<128x128xf32, #tpu.memory_space<vmem>>, vector<1x16xf32>,
        %get3A_1304 = arith.index_cast %add3A_1185 : i32 to index
        %get3A_1305 = arith.constant 80 : index
        %get3A_1306 = tpu.vector_load %arg12[%get3A_1304, %get3A_1305] {strides = array<i32>} : memref<128x128xf32, #tpu.memory_space<vmem>>, vector<1x16xf32>,
        %get3A_1307 = vector.shape_cast %get3A_1306 : vector<1x16xf32> to vector<16xf32>
        %mul3A_1308 = arith.mulf %gather3A_1189, %get3A_1307 : vector<16xf32>
        %get3A_1309 = arith.index_cast %add3A_1185 : i32 to index
        %get3A_1310 = arith.constant 80 : index
        %get3A_1311 = tpu.vector_load %arg13[%get3A_1309, %get3A_1310] {strides = array<i32>} : memref<128x128xf32, #tpu.memory_space<vmem>>, vector<1x16xf32>,
        %get3A_1312 = vector.shape_cast %get3A_1311 : vector<1x16xf32> to vector<16xf32>
        %mul3A_1313 = arith.mulf %gather3A_1191, %get3A_1312 : vector<16xf32>
        %add3A_1314 = arith.addf %mul3A_1308, %mul3A_1313 : vector<16xf32>
        %get3A_1315 = arith.index_cast %add3A_1185 : i32 to index
        %get3A_1316 = arith.constant 80 : index
        %get3A_1317 = tpu.vector_load %arg14[%get3A_1315, %get3A_1316] {strides = array<i32>} : memref<128x128xf32, #tpu.memory_space<vmem>>, vector<1x16xf32>,
        %get3A_1318 = vector.shape_cast %get3A_1317 : vector<1x16xf32> to vector<16xf32>
        %mul3A_1319 = arith.mulf %gather3A_1193, %get3A_1318 : vector<16xf32>
        %add3A_1320 = arith.addf %add3A_1314, %mul3A_1319 : vector<16xf32>
        %swap3A_1321 = arith.index_cast %add3A_1185 : i32 to index
        %swap3A_1322 = arith.constant 80 : index
        %swap3A_1323 = tpu.vector_load %arg15[%swap3A_1321, %swap3A_1322] {strides = array<i32>} : memref<128x128xf32, #tpu.memory_space<vmem>>, vector<1x16xf32>,
        %swap3A_1324 = vector.shape_cast %swap3A_1323 : vector<1x16xf32> to vector<16xf32>
        %swap3A_1325 = vector.shape_cast %add3A_1320 : vector<16xf32> to vector<1x16xf32>
        tpu.vector_store %arg15[%swap3A_1321, %swap3A_1322], %swap3A_1325 {strides = array<i32>} : memref<128x128xf32, #tpu.memory_space<vmem>>, vector<1x16xf32>,
        %get3A_1326 = arith.index_cast %add3A_1185 : i32 to index
        %get3A_1327 = arith.constant 96 : index
        %get3A_1328 = tpu.vector_load %arg12[%get3A_1326, %get3A_1327] {strides = array<i32>} : memref<128x128xf32, #tpu.memory_space<vmem>>, vector<1x16xf32>,
        %get3A_1329 = vector.shape_cast %get3A_1328 : vector<1x16xf32> to vector<16xf32>
        %mul3A_1330 = arith.mulf %gather3A_1189, %get3A_1329 : vector<16xf32>
        %get3A_1331 = arith.index_cast %add3A_1185 : i32 to index
        %get3A_1332 = arith.constant 96 : index
        %get3A_1333 = tpu.vector_load %arg13[%get3A_1331, %get3A_1332] {strides = array<i32>} : memref<128x128xf32, #tpu.memory_space<vmem>>, vector<1x16xf32>,
        %get3A_1334 = vector.shape_cast %get3A_1333 : vector<1x16xf32> to vector<16xf32>
        %mul3A_1335 = arith.mulf %gather3A_1191, %get3A_1334 : vector<16xf32>
        %add3A_1336 = arith.addf %mul3A_1330, %mul3A_1335 : vector<16xf32>
        %get3A_1337 = arith.index_cast %add3A_1185 : i32 to index
        %get3A_1338 = arith.constant 96 : index
        %get3A_1339 = tpu.vector_load %arg14[%get3A_1337, %get3A_1338] {strides = array<i32>} : memref<128x128xf32, #tpu.memory_space<vmem>>, vector<1x16xf32>,
        %get3A_1340 = vector.shape_cast %get3A_1339 : vector<1x16xf32> to vector<16xf32>
        %mul3A_1341 = arith.mulf %gather3A_1193, %get3A_1340 : vector<16xf32>
        %add3A_1342 = arith.addf %add3A_1336, %mul3A_1341 : vector<16xf32>
        %swap3A_1343 = arith.index_cast %add3A_1185 : i32 to index
        %swap3A_1344 = arith.constant 96 : index
        %swap3A_1345 = tpu.vector_load %arg15[%swap3A_1343, %swap3A_1344] {strides = array<i32>} : memref<128x128xf32, #tpu.memory_space<vmem>>, vector<1x16xf32>,
        %swap3A_1346 = vector.shape_cast %swap3A_1345 : vector<1x16xf32> to vector<16xf32>
        %swap3A_1347 = vector.shape_cast %add3A_1342 : vector<16xf32> to vector<1x16xf32>
        tpu.vector_store %arg15[%swap3A_1343, %swap3A_1344], %swap3A_1347 {strides = array<i32>} : memref<128x128xf32, #tpu.memory_space<vmem>>, vector<1x16xf32>,
        %get3A_1348 = arith.index_cast %add3A_1185 : i32 to index
        %get3A_1349 = arith.constant 112 : index
        %get3A_1350 = tpu.vector_load %arg12[%get3A_1348, %get3A_1349] {strides = array<i32>} : memref<128x128xf32, #tpu.memory_space<vmem>>, vector<1x16xf32>,
        %get3A_1351 = vector.shape_cast %get3A_1350 : vector<1x16xf32> to vector<16xf32>
        %mul3A_1352 = arith.mulf %gather3A_1189, %get3A_1351 : vector<16xf32>
        %get3A_1353 = arith.index_cast %add3A_1185 : i32 to index
        %get3A_1354 = arith.constant 112 : index
        %get3A_1355 = tpu.vector_load %arg13[%get3A_1353, %get3A_1354] {strides = array<i32>} : memref<128x128xf32, #tpu.memory_space<vmem>>, vector<1x16xf32>,
        %get3A_1356 = vector.shape_cast %get3A_1355 : vector<1x16xf32> to vector<16xf32>
        %mul3A_1357 = arith.mulf %gather3A_1191, %get3A_1356 : vector<16xf32>
        %add3A_1358 = arith.addf %mul3A_1352, %mul3A_1357 : vector<16xf32>
        %get3A_1359 = arith.index_cast %add3A_1185 : i32 to index
        %get3A_1360 = arith.constant 112 : index
        %get3A_1361 = tpu.vector_load %arg14[%get3A_1359, %get3A_1360] {strides = array<i32>} : memref<128x128xf32, #tpu.memory_space<vmem>>, vector<1x16xf32>,
        %get3A_1362 = vector.shape_cast %get3A_1361 : vector<1x16xf32> to vector<16xf32>
        %mul3A_1363 = arith.mulf %gather3A_1193, %get3A_1362 : vector<16xf32>
        %add3A_1364 = arith.addf %add3A_1358, %mul3A_1363 : vector<16xf32>
        %swap3A_1365 = arith.index_cast %add3A_1185 : i32 to index
        %swap3A_1366 = arith.constant 112 : index
        %swap3A_1367 = tpu.vector_load %arg15[%swap3A_1365, %swap3A_1366] {strides = array<i32>} : memref<128x128xf32, #tpu.memory_space<vmem>>, vector<1x16xf32>,
        %swap3A_1368 = vector.shape_cast %swap3A_1367 : vector<1x16xf32> to vector<16xf32>
        %swap3A_1369 = vector.shape_cast %add3A_1364 : vector<16xf32> to vector<1x16xf32>
        tpu.vector_store %arg15[%swap3A_1365, %swap3A_1366], %swap3A_1369 {strides = array<i32>} : memref<128x128xf32, #tpu.memory_space<vmem>>, vector<1x16xf32>,
        %mul3A_1370 = arith.constant 16 : i32
        %mul3A_1371 = arith.muli %scan3A_42, %mul3A_1370 : i32
        %add3A_1372 = arith.constant 7 : i32
        %add3A_1373 = arith.addi %mul3A_1371, %add3A_1372 : i32
        %broadcast_in_dim3A_1374 = arith.constant 7 : i32
        %broadcast_in_dim3A_1375 = vector.broadcast %broadcast_in_dim3A_1374 : i32 to vector<16x1xi32>
        %gather3A_1376 = vector.shape_cast %broadcast_in_dim3A_1375 : vector<16x1xi32> to vector<16xi32>
        %gather3A_1377 = tpu.dynamic_gather %get3A_46[%gather3A_1376] in [0] : vector<16xf32>, vector<16xi32> -> vector<16xf32>
        %gather3A_1378 = vector.shape_cast %broadcast_in_dim3A_1375 : vector<16x1xi32> to vector<16xi32>
        %gather3A_1379 = tpu.dynamic_gather %get3A_51[%gather3A_1378] in [0] : vector<16xf32>, vector<16xi32> -> vector<16xf32>
        %gather3A_1380 = vector.shape_cast %broadcast_in_dim3A_1375 : vector<16x1xi32> to vector<16xi32>
        %gather3A_1381 = tpu.dynamic_gather %get3A_56[%gather3A_1380] in [0] : vector<16xf32>, vector<16xi32> -> vector<16xf32>
        %get3A_1382 = arith.index_cast %add3A_1373 : i32 to index
        %get3A_1383 = arith.constant 0 : index
        %get3A_1384 = tpu.vector_load %arg12[%get3A_1382, %get3A_1383] {strides = array<i32>} : memref<128x128xf32, #tpu.memory_space<vmem>>, vector<1x16xf32>,
        %get3A_1385 = vector.shape_cast %get3A_1384 : vector<1x16xf32> to vector<16xf32>
        %mul3A_1386 = arith.mulf %gather3A_1377, %get3A_1385 : vector<16xf32>
        %get3A_1387 = arith.index_cast %add3A_1373 : i32 to index
        %get3A_1388 = arith.constant 0 : index
        %get3A_1389 = tpu.vector_load %arg13[%get3A_1387, %get3A_1388] {strides = array<i32>} : memref<128x128xf32, #tpu.memory_space<vmem>>, vector<1x16xf32>,
        %get3A_1390 = vector.shape_cast %get3A_1389 : vector<1x16xf32> to vector<16xf32>
        %mul3A_1391 = arith.mulf %gather3A_1379, %get3A_1390 : vector<16xf32>
        %add3A_1392 = arith.addf %mul3A_1386, %mul3A_1391 : vector<16xf32>
        %get3A_1393 = arith.index_cast %add3A_1373 : i32 to index
        %get3A_1394 = arith.constant 0 : index
        %get3A_1395 = tpu.vector_load %arg14[%get3A_1393, %get3A_1394] {strides = array<i32>} : memref<128x128xf32, #tpu.memory_space<vmem>>, vector<1x16xf32>,
        %get3A_1396 = vector.shape_cast %get3A_1395 : vector<1x16xf32> to vector<16xf32>
        %mul3A_1397 = arith.mulf %gather3A_1381, %get3A_1396 : vector<16xf32>
        %add3A_1398 = arith.addf %add3A_1392, %mul3A_1397 : vector<16xf32>
        %swap3A_1399 = arith.index_cast %add3A_1373 : i32 to index
        %swap3A_1400 = arith.constant 0 : index
        %swap3A_1401 = tpu.vector_load %arg15[%swap3A_1399, %swap3A_1400] {strides = array<i32>} : memref<128x128xf32, #tpu.memory_space<vmem>>, vector<1x16xf32>,
        %swap3A_1402 = vector.shape_cast %swap3A_1401 : vector<1x16xf32> to vector<16xf32>
        %swap3A_1403 = vector.shape_cast %add3A_1398 : vector<16xf32> to vector<1x16xf32>
        tpu.vector_store %arg15[%swap3A_1399, %swap3A_1400], %swap3A_1403 {strides = array<i32>} : memref<128x128xf32, #tpu.memory_space<vmem>>, vector<1x16xf32>,
        %get3A_1404 = arith.index_cast %add3A_1373 : i32 to index
        %get3A_1405 = arith.constant 16 : index
        %get3A_1406 = tpu.vector_load %arg12[%get3A_1404, %get3A_1405] {strides = array<i32>} : memref<128x128xf32, #tpu.memory_space<vmem>>, vector<1x16xf32>,
        %get3A_1407 = vector.shape_cast %get3A_1406 : vector<1x16xf32> to vector<16xf32>
        %mul3A_1408 = arith.mulf %gather3A_1377, %get3A_1407 : vector<16xf32>
        %get3A_1409 = arith.index_cast %add3A_1373 : i32 to index
        %get3A_1410 = arith.constant 16 : index
        %get3A_1411 = tpu.vector_load %arg13[%get3A_1409, %get3A_1410] {strides = array<i32>} : memref<128x128xf32, #tpu.memory_space<vmem>>, vector<1x16xf32>,
        %get3A_1412 = vector.shape_cast %get3A_1411 : vector<1x16xf32> to vector<16xf32>
        %mul3A_1413 = arith.mulf %gather3A_1379, %get3A_1412 : vector<16xf32>
        %add3A_1414 = arith.addf %mul3A_1408, %mul3A_1413 : vector<16xf32>
        %get3A_1415 = arith.index_cast %add3A_1373 : i32 to index
        %get3A_1416 = arith.constant 16 : index
        %get3A_1417 = tpu.vector_load %arg14[%get3A_1415, %get3A_1416] {strides = array<i32>} : memref<128x128xf32, #tpu.memory_space<vmem>>, vector<1x16xf32>,
        %get3A_1418 = vector.shape_cast %get3A_1417 : vector<1x16xf32> to vector<16xf32>
        %mul3A_1419 = arith.mulf %gather3A_1381, %get3A_1418 : vector<16xf32>
        %add3A_1420 = arith.addf %add3A_1414, %mul3A_1419 : vector<16xf32>
        %swap3A_1421 = arith.index_cast %add3A_1373 : i32 to index
        %swap3A_1422 = arith.constant 16 : index
        %swap3A_1423 = tpu.vector_load %arg15[%swap3A_1421, %swap3A_1422] {strides = array<i32>} : memref<128x128xf32, #tpu.memory_space<vmem>>, vector<1x16xf32>,
        %swap3A_1424 = vector.shape_cast %swap3A_1423 : vector<1x16xf32> to vector<16xf32>
        %swap3A_1425 = vector.shape_cast %add3A_1420 : vector<16xf32> to vector<1x16xf32>
        tpu.vector_store %arg15[%swap3A_1421, %swap3A_1422], %swap3A_1425 {strides = array<i32>} : memref<128x128xf32, #tpu.memory_space<vmem>>, vector<1x16xf32>,
        %get3A_1426 = arith.index_cast %add3A_1373 : i32 to index
        %get3A_1427 = arith.constant 32 : index
        %get3A_1428 = tpu.vector_load %arg12[%get3A_1426, %get3A_1427] {strides = array<i32>} : memref<128x128xf32, #tpu.memory_space<vmem>>, vector<1x16xf32>,
        %get3A_1429 = vector.shape_cast %get3A_1428 : vector<1x16xf32> to vector<16xf32>
        %mul3A_1430 = arith.mulf %gather3A_1377, %get3A_1429 : vector<16xf32>
        %get3A_1431 = arith.index_cast %add3A_1373 : i32 to index
        %get3A_1432 = arith.constant 32 : index
        %get3A_1433 = tpu.vector_load %arg13[%get3A_1431, %get3A_1432] {strides = array<i32>} : memref<128x128xf32, #tpu.memory_space<vmem>>, vector<1x16xf32>,
        %get3A_1434 = vector.shape_cast %get3A_1433 : vector<1x16xf32> to vector<16xf32>
        %mul3A_1435 = arith.mulf %gather3A_1379, %get3A_1434 : vector<16xf32>
        %add3A_1436 = arith.addf %mul3A_1430, %mul3A_1435 : vector<16xf32>
        %get3A_1437 = arith.index_cast %add3A_1373 : i32 to index
        %get3A_1438 = arith.constant 32 : index
        %get3A_1439 = tpu.vector_load %arg14[%get3A_1437, %get3A_1438] {strides = array<i32>} : memref<128x128xf32, #tpu.memory_space<vmem>>, vector<1x16xf32>,
        %get3A_1440 = vector.shape_cast %get3A_1439 : vector<1x16xf32> to vector<16xf32>
        %mul3A_1441 = arith.mulf %gather3A_1381, %get3A_1440 : vector<16xf32>
        %add3A_1442 = arith.addf %add3A_1436, %mul3A_1441 : vector<16xf32>
        %swap3A_1443 = arith.index_cast %add3A_1373 : i32 to index
        %swap3A_1444 = arith.constant 32 : index
        %swap3A_1445 = tpu.vector_load %arg15[%swap3A_1443, %swap3A_1444] {strides = array<i32>} : memref<128x128xf32, #tpu.memory_space<vmem>>, vector<1x16xf32>,
        %swap3A_1446 = vector.shape_cast %swap3A_1445 : vector<1x16xf32> to vector<16xf32>
        %swap3A_1447 = vector.shape_cast %add3A_1442 : vector<16xf32> to vector<1x16xf32>
        tpu.vector_store %arg15[%swap3A_1443, %swap3A_1444], %swap3A_1447 {strides = array<i32>} : memref<128x128xf32, #tpu.memory_space<vmem>>, vector<1x16xf32>,
        %get3A_1448 = arith.index_cast %add3A_1373 : i32 to index
        %get3A_1449 = arith.constant 48 : index
        %get3A_1450 = tpu.vector_load %arg12[%get3A_1448, %get3A_1449] {strides = array<i32>} : memref<128x128xf32, #tpu.memory_space<vmem>>, vector<1x16xf32>,
        %get3A_1451 = vector.shape_cast %get3A_1450 : vector<1x16xf32> to vector<16xf32>
        %mul3A_1452 = arith.mulf %gather3A_1377, %get3A_1451 : vector<16xf32>
        %get3A_1453 = arith.index_cast %add3A_1373 : i32 to index
        %get3A_1454 = arith.constant 48 : index
        %get3A_1455 = tpu.vector_load %arg13[%get3A_1453, %get3A_1454] {strides = array<i32>} : memref<128x128xf32, #tpu.memory_space<vmem>>, vector<1x16xf32>,
        %get3A_1456 = vector.shape_cast %get3A_1455 : vector<1x16xf32> to vector<16xf32>
        %mul3A_1457 = arith.mulf %gather3A_1379, %get3A_1456 : vector<16xf32>
        %add3A_1458 = arith.addf %mul3A_1452, %mul3A_1457 : vector<16xf32>
        %get3A_1459 = arith.index_cast %add3A_1373 : i32 to index
        %get3A_1460 = arith.constant 48 : index
        %get3A_1461 = tpu.vector_load %arg14[%get3A_1459, %get3A_1460] {strides = array<i32>} : memref<128x128xf32, #tpu.memory_space<vmem>>, vector<1x16xf32>,
        %get3A_1462 = vector.shape_cast %get3A_1461 : vector<1x16xf32> to vector<16xf32>
        %mul3A_1463 = arith.mulf %gather3A_1381, %get3A_1462 : vector<16xf32>
        %add3A_1464 = arith.addf %add3A_1458, %mul3A_1463 : vector<16xf32>
        %swap3A_1465 = arith.index_cast %add3A_1373 : i32 to index
        %swap3A_1466 = arith.constant 48 : index
        %swap3A_1467 = tpu.vector_load %arg15[%swap3A_1465, %swap3A_1466] {strides = array<i32>} : memref<128x128xf32, #tpu.memory_space<vmem>>, vector<1x16xf32>,
        %swap3A_1468 = vector.shape_cast %swap3A_1467 : vector<1x16xf32> to vector<16xf32>
        %swap3A_1469 = vector.shape_cast %add3A_1464 : vector<16xf32> to vector<1x16xf32>
        tpu.vector_store %arg15[%swap3A_1465, %swap3A_1466], %swap3A_1469 {strides = array<i32>} : memref<128x128xf32, #tpu.memory_space<vmem>>, vector<1x16xf32>,
        %get3A_1470 = arith.index_cast %add3A_1373 : i32 to index
        %get3A_1471 = arith.constant 64 : index
        %get3A_1472 = tpu.vector_load %arg12[%get3A_1470, %get3A_1471] {strides = array<i32>} : memref<128x128xf32, #tpu.memory_space<vmem>>, vector<1x16xf32>,
        %get3A_1473 = vector.shape_cast %get3A_1472 : vector<1x16xf32> to vector<16xf32>
        %mul3A_1474 = arith.mulf %gather3A_1377, %get3A_1473 : vector<16xf32>
        %get3A_1475 = arith.index_cast %add3A_1373 : i32 to index
        %get3A_1476 = arith.constant 64 : index
        %get3A_1477 = tpu.vector_load %arg13[%get3A_1475, %get3A_1476] {strides = array<i32>} : memref<128x128xf32, #tpu.memory_space<vmem>>, vector<1x16xf32>,
        %get3A_1478 = vector.shape_cast %get3A_1477 : vector<1x16xf32> to vector<16xf32>
        %mul3A_1479 = arith.mulf %gather3A_1379, %get3A_1478 : vector<16xf32>
        %add3A_1480 = arith.addf %mul3A_1474, %mul3A_1479 : vector<16xf32>
        %get3A_1481 = arith.index_cast %add3A_1373 : i32 to index
        %get3A_1482 = arith.constant 64 : index
        %get3A_1483 = tpu.vector_load %arg14[%get3A_1481, %get3A_1482] {strides = array<i32>} : memref<128x128xf32, #tpu.memory_space<vmem>>, vector<1x16xf32>,
        %get3A_1484 = vector.shape_cast %get3A_1483 : vector<1x16xf32> to vector<16xf32>
        %mul3A_1485 = arith.mulf %gather3A_1381, %get3A_1484 : vector<16xf32>
        %add3A_1486 = arith.addf %add3A_1480, %mul3A_1485 : vector<16xf32>
        %swap3A_1487 = arith.index_cast %add3A_1373 : i32 to index
        %swap3A_1488 = arith.constant 64 : index
        %swap3A_1489 = tpu.vector_load %arg15[%swap3A_1487, %swap3A_1488] {strides = array<i32>} : memref<128x128xf32, #tpu.memory_space<vmem>>, vector<1x16xf32>,
        %swap3A_1490 = vector.shape_cast %swap3A_1489 : vector<1x16xf32> to vector<16xf32>
        %swap3A_1491 = vector.shape_cast %add3A_1486 : vector<16xf32> to vector<1x16xf32>
        tpu.vector_store %arg15[%swap3A_1487, %swap3A_1488], %swap3A_1491 {strides = array<i32>} : memref<128x128xf32, #tpu.memory_space<vmem>>, vector<1x16xf32>,
        %get3A_1492 = arith.index_cast %add3A_1373 : i32 to index
        %get3A_1493 = arith.constant 80 : index
        %get3A_1494 = tpu.vector_load %arg12[%get3A_1492, %get3A_1493] {strides = array<i32>} : memref<128x128xf32, #tpu.memory_space<vmem>>, vector<1x16xf32>,
        %get3A_1495 = vector.shape_cast %get3A_1494 : vector<1x16xf32> to vector<16xf32>
        %mul3A_1496 = arith.mulf %gather3A_1377, %get3A_1495 : vector<16xf32>
        %get3A_1497 = arith.index_cast %add3A_1373 : i32 to index
        %get3A_1498 = arith.constant 80 : index
        %get3A_1499 = tpu.vector_load %arg13[%get3A_1497, %get3A_1498] {strides = array<i32>} : memref<128x128xf32, #tpu.memory_space<vmem>>, vector<1x16xf32>,
        %get3A_1500 = vector.shape_cast %get3A_1499 : vector<1x16xf32> to vector<16xf32>
        %mul3A_1501 = arith.mulf %gather3A_1379, %get3A_1500 : vector<16xf32>
        %add3A_1502 = arith.addf %mul3A_1496, %mul3A_1501 : vector<16xf32>
        %get3A_1503 = arith.index_cast %add3A_1373 : i32 to index
        %get3A_1504 = arith.constant 80 : index
        %get3A_1505 = tpu.vector_load %arg14[%get3A_1503, %get3A_1504] {strides = array<i32>} : memref<128x128xf32, #tpu.memory_space<vmem>>, vector<1x16xf32>,
        %get3A_1506 = vector.shape_cast %get3A_1505 : vector<1x16xf32> to vector<16xf32>
        %mul3A_1507 = arith.mulf %gather3A_1381, %get3A_1506 : vector<16xf32>
        %add3A_1508 = arith.addf %add3A_1502, %mul3A_1507 : vector<16xf32>
        %swap3A_1509 = arith.index_cast %add3A_1373 : i32 to index
        %swap3A_1510 = arith.constant 80 : index
        %swap3A_1511 = tpu.vector_load %arg15[%swap3A_1509, %swap3A_1510] {strides = array<i32>} : memref<128x128xf32, #tpu.memory_space<vmem>>, vector<1x16xf32>,
        %swap3A_1512 = vector.shape_cast %swap3A_1511 : vector<1x16xf32> to vector<16xf32>
        %swap3A_1513 = vector.shape_cast %add3A_1508 : vector<16xf32> to vector<1x16xf32>
        tpu.vector_store %arg15[%swap3A_1509, %swap3A_1510], %swap3A_1513 {strides = array<i32>} : memref<128x128xf32, #tpu.memory_space<vmem>>, vector<1x16xf32>,
        %get3A_1514 = arith.index_cast %add3A_1373 : i32 to index
        %get3A_1515 = arith.constant 96 : index
        %get3A_1516 = tpu.vector_load %arg12[%get3A_1514, %get3A_1515] {strides = array<i32>} : memref<128x128xf32, #tpu.memory_space<vmem>>, vector<1x16xf32>,
        %get3A_1517 = vector.shape_cast %get3A_1516 : vector<1x16xf32> to vector<16xf32>
        %mul3A_1518 = arith.mulf %gather3A_1377, %get3A_1517 : vector<16xf32>
        %get3A_1519 = arith.index_cast %add3A_1373 : i32 to index
        %get3A_1520 = arith.constant 96 : index
        %get3A_1521 = tpu.vector_load %arg13[%get3A_1519, %get3A_1520] {strides = array<i32>} : memref<128x128xf32, #tpu.memory_space<vmem>>, vector<1x16xf32>,
        %get3A_1522 = vector.shape_cast %get3A_1521 : vector<1x16xf32> to vector<16xf32>
        %mul3A_1523 = arith.mulf %gather3A_1379, %get3A_1522 : vector<16xf32>
        %add3A_1524 = arith.addf %mul3A_1518, %mul3A_1523 : vector<16xf32>
        %get3A_1525 = arith.index_cast %add3A_1373 : i32 to index
        %get3A_1526 = arith.constant 96 : index
        %get3A_1527 = tpu.vector_load %arg14[%get3A_1525, %get3A_1526] {strides = array<i32>} : memref<128x128xf32, #tpu.memory_space<vmem>>, vector<1x16xf32>,
        %get3A_1528 = vector.shape_cast %get3A_1527 : vector<1x16xf32> to vector<16xf32>
        %mul3A_1529 = arith.mulf %gather3A_1381, %get3A_1528 : vector<16xf32>
        %add3A_1530 = arith.addf %add3A_1524, %mul3A_1529 : vector<16xf32>
        %swap3A_1531 = arith.index_cast %add3A_1373 : i32 to index
        %swap3A_1532 = arith.constant 96 : index
        %swap3A_1533 = tpu.vector_load %arg15[%swap3A_1531, %swap3A_1532] {strides = array<i32>} : memref<128x128xf32, #tpu.memory_space<vmem>>, vector<1x16xf32>,
        %swap3A_1534 = vector.shape_cast %swap3A_1533 : vector<1x16xf32> to vector<16xf32>
        %swap3A_1535 = vector.shape_cast %add3A_1530 : vector<16xf32> to vector<1x16xf32>
        tpu.vector_store %arg15[%swap3A_1531, %swap3A_1532], %swap3A_1535 {strides = array<i32>} : memref<128x128xf32, #tpu.memory_space<vmem>>, vector<1x16xf32>,
        %get3A_1536 = arith.index_cast %add3A_1373 : i32 to index
        %get3A_1537 = arith.constant 112 : index
        %get3A_1538 = tpu.vector_load %arg12[%get3A_1536, %get3A_1537] {strides = array<i32>} : memref<128x128xf32, #tpu.memory_space<vmem>>, vector<1x16xf32>,
        %get3A_1539 = vector.shape_cast %get3A_1538 : vector<1x16xf32> to vector<16xf32>
        %mul3A_1540 = arith.mulf %gather3A_1377, %get3A_1539 : vector<16xf32>
        %get3A_1541 = arith.index_cast %add3A_1373 : i32 to index
        %get3A_1542 = arith.constant 112 : index
        %get3A_1543 = tpu.vector_load %arg13[%get3A_1541, %get3A_1542] {strides = array<i32>} : memref<128x128xf32, #tpu.memory_space<vmem>>, vector<1x16xf32>,
        %get3A_1544 = vector.shape_cast %get3A_1543 : vector<1x16xf32> to vector<16xf32>
        %mul3A_1545 = arith.mulf %gather3A_1379, %get3A_1544 : vector<16xf32>
        %add3A_1546 = arith.addf %mul3A_1540, %mul3A_1545 : vector<16xf32>
        %get3A_1547 = arith.index_cast %add3A_1373 : i32 to index
        %get3A_1548 = arith.constant 112 : index
        %get3A_1549 = tpu.vector_load %arg14[%get3A_1547, %get3A_1548] {strides = array<i32>} : memref<128x128xf32, #tpu.memory_space<vmem>>, vector<1x16xf32>,
        %get3A_1550 = vector.shape_cast %get3A_1549 : vector<1x16xf32> to vector<16xf32>
        %mul3A_1551 = arith.mulf %gather3A_1381, %get3A_1550 : vector<16xf32>
        %add3A_1552 = arith.addf %add3A_1546, %mul3A_1551 : vector<16xf32>
        %swap3A_1553 = arith.index_cast %add3A_1373 : i32 to index
        %swap3A_1554 = arith.constant 112 : index
        %swap3A_1555 = tpu.vector_load %arg15[%swap3A_1553, %swap3A_1554] {strides = array<i32>} : memref<128x128xf32, #tpu.memory_space<vmem>>, vector<1x16xf32>,
        %swap3A_1556 = vector.shape_cast %swap3A_1555 : vector<1x16xf32> to vector<16xf32>
        %swap3A_1557 = vector.shape_cast %add3A_1552 : vector<16xf32> to vector<1x16xf32>
        tpu.vector_store %arg15[%swap3A_1553, %swap3A_1554], %swap3A_1557 {strides = array<i32>} : memref<128x128xf32, #tpu.memory_space<vmem>>, vector<1x16xf32>,
        %mul3A_1558 = arith.constant 16 : i32
        %mul3A_1559 = arith.muli %scan3A_42, %mul3A_1558 : i32
        %add3A_1560 = arith.constant 8 : i32
        %add3A_1561 = arith.addi %mul3A_1559, %add3A_1560 : i32
        %broadcast_in_dim3A_1562 = arith.constant 8 : i32
        %broadcast_in_dim3A_1563 = vector.broadcast %broadcast_in_dim3A_1562 : i32 to vector<16x1xi32>
        %gather3A_1564 = vector.shape_cast %broadcast_in_dim3A_1563 : vector<16x1xi32> to vector<16xi32>
        %gather3A_1565 = tpu.dynamic_gather %get3A_46[%gather3A_1564] in [0] : vector<16xf32>, vector<16xi32> -> vector<16xf32>
        %gather3A_1566 = vector.shape_cast %broadcast_in_dim3A_1563 : vector<16x1xi32> to vector<16xi32>
        %gather3A_1567 = tpu.dynamic_gather %get3A_51[%gather3A_1566] in [0] : vector<16xf32>, vector<16xi32> -> vector<16xf32>
        %gather3A_1568 = vector.shape_cast %broadcast_in_dim3A_1563 : vector<16x1xi32> to vector<16xi32>
        %gather3A_1569 = tpu.dynamic_gather %get3A_56[%gather3A_1568] in [0] : vector<16xf32>, vector<16xi32> -> vector<16xf32>
        %get3A_1570 = arith.index_cast %add3A_1561 : i32 to index
        %get3A_1571 = arith.constant 0 : index
        %get3A_1572 = tpu.vector_load %arg12[%get3A_1570, %get3A_1571] {strides = array<i32>} : memref<128x128xf32, #tpu.memory_space<vmem>>, vector<1x16xf32>,
        %get3A_1573 = vector.shape_cast %get3A_1572 : vector<1x16xf32> to vector<16xf32>
        %mul3A_1574 = arith.mulf %gather3A_1565, %get3A_1573 : vector<16xf32>
        %get3A_1575 = arith.index_cast %add3A_1561 : i32 to index
        %get3A_1576 = arith.constant 0 : index
        %get3A_1577 = tpu.vector_load %arg13[%get3A_1575, %get3A_1576] {strides = array<i32>} : memref<128x128xf32, #tpu.memory_space<vmem>>, vector<1x16xf32>,
        %get3A_1578 = vector.shape_cast %get3A_1577 : vector<1x16xf32> to vector<16xf32>
        %mul3A_1579 = arith.mulf %gather3A_1567, %get3A_1578 : vector<16xf32>
        %add3A_1580 = arith.addf %mul3A_1574, %mul3A_1579 : vector<16xf32>
        %get3A_1581 = arith.index_cast %add3A_1561 : i32 to index
        %get3A_1582 = arith.constant 0 : index
        %get3A_1583 = tpu.vector_load %arg14[%get3A_1581, %get3A_1582] {strides = array<i32>} : memref<128x128xf32, #tpu.memory_space<vmem>>, vector<1x16xf32>,
        %get3A_1584 = vector.shape_cast %get3A_1583 : vector<1x16xf32> to vector<16xf32>
        %mul3A_1585 = arith.mulf %gather3A_1569, %get3A_1584 : vector<16xf32>
        %add3A_1586 = arith.addf %add3A_1580, %mul3A_1585 : vector<16xf32>
        %swap3A_1587 = arith.index_cast %add3A_1561 : i32 to index
        %swap3A_1588 = arith.constant 0 : index
        %swap3A_1589 = tpu.vector_load %arg15[%swap3A_1587, %swap3A_1588] {strides = array<i32>} : memref<128x128xf32, #tpu.memory_space<vmem>>, vector<1x16xf32>,
        %swap3A_1590 = vector.shape_cast %swap3A_1589 : vector<1x16xf32> to vector<16xf32>
        %swap3A_1591 = vector.shape_cast %add3A_1586 : vector<16xf32> to vector<1x16xf32>
        tpu.vector_store %arg15[%swap3A_1587, %swap3A_1588], %swap3A_1591 {strides = array<i32>} : memref<128x128xf32, #tpu.memory_space<vmem>>, vector<1x16xf32>,
        %get3A_1592 = arith.index_cast %add3A_1561 : i32 to index
        %get3A_1593 = arith.constant 16 : index
        %get3A_1594 = tpu.vector_load %arg12[%get3A_1592, %get3A_1593] {strides = array<i32>} : memref<128x128xf32, #tpu.memory_space<vmem>>, vector<1x16xf32>,
        %get3A_1595 = vector.shape_cast %get3A_1594 : vector<1x16xf32> to vector<16xf32>
        %mul3A_1596 = arith.mulf %gather3A_1565, %get3A_1595 : vector<16xf32>
        %get3A_1597 = arith.index_cast %add3A_1561 : i32 to index
        %get3A_1598 = arith.constant 16 : index
        %get3A_1599 = tpu.vector_load %arg13[%get3A_1597, %get3A_1598] {strides = array<i32>} : memref<128x128xf32, #tpu.memory_space<vmem>>, vector<1x16xf32>,
        %get3A_1600 = vector.shape_cast %get3A_1599 : vector<1x16xf32> to vector<16xf32>
        %mul3A_1601 = arith.mulf %gather3A_1567, %get3A_1600 : vector<16xf32>
        %add3A_1602 = arith.addf %mul3A_1596, %mul3A_1601 : vector<16xf32>
        %get3A_1603 = arith.index_cast %add3A_1561 : i32 to index
        %get3A_1604 = arith.constant 16 : index
        %get3A_1605 = tpu.vector_load %arg14[%get3A_1603, %get3A_1604] {strides = array<i32>} : memref<128x128xf32, #tpu.memory_space<vmem>>, vector<1x16xf32>,
        %get3A_1606 = vector.shape_cast %get3A_1605 : vector<1x16xf32> to vector<16xf32>
        %mul3A_1607 = arith.mulf %gather3A_1569, %get3A_1606 : vector<16xf32>
        %add3A_1608 = arith.addf %add3A_1602, %mul3A_1607 : vector<16xf32>
        %swap3A_1609 = arith.index_cast %add3A_1561 : i32 to index
        %swap3A_1610 = arith.constant 16 : index
        %swap3A_1611 = tpu.vector_load %arg15[%swap3A_1609, %swap3A_1610] {strides = array<i32>} : memref<128x128xf32, #tpu.memory_space<vmem>>, vector<1x16xf32>,
        %swap3A_1612 = vector.shape_cast %swap3A_1611 : vector<1x16xf32> to vector<16xf32>
        %swap3A_1613 = vector.shape_cast %add3A_1608 : vector<16xf32> to vector<1x16xf32>
        tpu.vector_store %arg15[%swap3A_1609, %swap3A_1610], %swap3A_1613 {strides = array<i32>} : memref<128x128xf32, #tpu.memory_space<vmem>>, vector<1x16xf32>,
        %get3A_1614 = arith.index_cast %add3A_1561 : i32 to index
        %get3A_1615 = arith.constant 32 : index
        %get3A_1616 = tpu.vector_load %arg12[%get3A_1614, %get3A_1615] {strides = array<i32>} : memref<128x128xf32, #tpu.memory_space<vmem>>, vector<1x16xf32>,
        %get3A_1617 = vector.shape_cast %get3A_1616 : vector<1x16xf32> to vector<16xf32>
        %mul3A_1618 = arith.mulf %gather3A_1565, %get3A_1617 : vector<16xf32>
        %get3A_1619 = arith.index_cast %add3A_1561 : i32 to index
        %get3A_1620 = arith.constant 32 : index
        %get3A_1621 = tpu.vector_load %arg13[%get3A_1619, %get3A_1620] {strides = array<i32>} : memref<128x128xf32, #tpu.memory_space<vmem>>, vector<1x16xf32>,
        %get3A_1622 = vector.shape_cast %get3A_1621 : vector<1x16xf32> to vector<16xf32>
        %mul3A_1623 = arith.mulf %gather3A_1567, %get3A_1622 : vector<16xf32>
        %add3A_1624 = arith.addf %mul3A_1618, %mul3A_1623 : vector<16xf32>
        %get3A_1625 = arith.index_cast %add3A_1561 : i32 to index
        %get3A_1626 = arith.constant 32 : index
        %get3A_1627 = tpu.vector_load %arg14[%get3A_1625, %get3A_1626] {strides = array<i32>} : memref<128x128xf32, #tpu.memory_space<vmem>>, vector<1x16xf32>,
        %get3A_1628 = vector.shape_cast %get3A_1627 : vector<1x16xf32> to vector<16xf32>
        %mul3A_1629 = arith.mulf %gather3A_1569, %get3A_1628 : vector<16xf32>
        %add3A_1630 = arith.addf %add3A_1624, %mul3A_1629 : vector<16xf32>
        %swap3A_1631 = arith.index_cast %add3A_1561 : i32 to index
        %swap3A_1632 = arith.constant 32 : index
        %swap3A_1633 = tpu.vector_load %arg15[%swap3A_1631, %swap3A_1632] {strides = array<i32>} : memref<128x128xf32, #tpu.memory_space<vmem>>, vector<1x16xf32>,
        %swap3A_1634 = vector.shape_cast %swap3A_1633 : vector<1x16xf32> to vector<16xf32>
        %swap3A_1635 = vector.shape_cast %add3A_1630 : vector<16xf32> to vector<1x16xf32>
        tpu.vector_store %arg15[%swap3A_1631, %swap3A_1632], %swap3A_1635 {strides = array<i32>} : memref<128x128xf32, #tpu.memory_space<vmem>>, vector<1x16xf32>,
        %get3A_1636 = arith.index_cast %add3A_1561 : i32 to index
        %get3A_1637 = arith.constant 48 : index
        %get3A_1638 = tpu.vector_load %arg12[%get3A_1636, %get3A_1637] {strides = array<i32>} : memref<128x128xf32, #tpu.memory_space<vmem>>, vector<1x16xf32>,
        %get3A_1639 = vector.shape_cast %get3A_1638 : vector<1x16xf32> to vector<16xf32>
        %mul3A_1640 = arith.mulf %gather3A_1565, %get3A_1639 : vector<16xf32>
        %get3A_1641 = arith.index_cast %add3A_1561 : i32 to index
        %get3A_1642 = arith.constant 48 : index
        %get3A_1643 = tpu.vector_load %arg13[%get3A_1641, %get3A_1642] {strides = array<i32>} : memref<128x128xf32, #tpu.memory_space<vmem>>, vector<1x16xf32>,
        %get3A_1644 = vector.shape_cast %get3A_1643 : vector<1x16xf32> to vector<16xf32>
        %mul3A_1645 = arith.mulf %gather3A_1567, %get3A_1644 : vector<16xf32>
        %add3A_1646 = arith.addf %mul3A_1640, %mul3A_1645 : vector<16xf32>
        %get3A_1647 = arith.index_cast %add3A_1561 : i32 to index
        %get3A_1648 = arith.constant 48 : index
        %get3A_1649 = tpu.vector_load %arg14[%get3A_1647, %get3A_1648] {strides = array<i32>} : memref<128x128xf32, #tpu.memory_space<vmem>>, vector<1x16xf32>,
        %get3A_1650 = vector.shape_cast %get3A_1649 : vector<1x16xf32> to vector<16xf32>
        %mul3A_1651 = arith.mulf %gather3A_1569, %get3A_1650 : vector<16xf32>
        %add3A_1652 = arith.addf %add3A_1646, %mul3A_1651 : vector<16xf32>
        %swap3A_1653 = arith.index_cast %add3A_1561 : i32 to index
        %swap3A_1654 = arith.constant 48 : index
        %swap3A_1655 = tpu.vector_load %arg15[%swap3A_1653, %swap3A_1654] {strides = array<i32>} : memref<128x128xf32, #tpu.memory_space<vmem>>, vector<1x16xf32>,
        %swap3A_1656 = vector.shape_cast %swap3A_1655 : vector<1x16xf32> to vector<16xf32>
        %swap3A_1657 = vector.shape_cast %add3A_1652 : vector<16xf32> to vector<1x16xf32>
        tpu.vector_store %arg15[%swap3A_1653, %swap3A_1654], %swap3A_1657 {strides = array<i32>} : memref<128x128xf32, #tpu.memory_space<vmem>>, vector<1x16xf32>,
        %get3A_1658 = arith.index_cast %add3A_1561 : i32 to index
        %get3A_1659 = arith.constant 64 : index
        %get3A_1660 = tpu.vector_load %arg12[%get3A_1658, %get3A_1659] {strides = array<i32>} : memref<128x128xf32, #tpu.memory_space<vmem>>, vector<1x16xf32>,
        %get3A_1661 = vector.shape_cast %get3A_1660 : vector<1x16xf32> to vector<16xf32>
        %mul3A_1662 = arith.mulf %gather3A_1565, %get3A_1661 : vector<16xf32>
        %get3A_1663 = arith.index_cast %add3A_1561 : i32 to index
        %get3A_1664 = arith.constant 64 : index
        %get3A_1665 = tpu.vector_load %arg13[%get3A_1663, %get3A_1664] {strides = array<i32>} : memref<128x128xf32, #tpu.memory_space<vmem>>, vector<1x16xf32>,
        %get3A_1666 = vector.shape_cast %get3A_1665 : vector<1x16xf32> to vector<16xf32>
        %mul3A_1667 = arith.mulf %gather3A_1567, %get3A_1666 : vector<16xf32>
        %add3A_1668 = arith.addf %mul3A_1662, %mul3A_1667 : vector<16xf32>
        %get3A_1669 = arith.index_cast %add3A_1561 : i32 to index
        %get3A_1670 = arith.constant 64 : index
        %get3A_1671 = tpu.vector_load %arg14[%get3A_1669, %get3A_1670] {strides = array<i32>} : memref<128x128xf32, #tpu.memory_space<vmem>>, vector<1x16xf32>,
        %get3A_1672 = vector.shape_cast %get3A_1671 : vector<1x16xf32> to vector<16xf32>
        %mul3A_1673 = arith.mulf %gather3A_1569, %get3A_1672 : vector<16xf32>
        %add3A_1674 = arith.addf %add3A_1668, %mul3A_1673 : vector<16xf32>
        %swap3A_1675 = arith.index_cast %add3A_1561 : i32 to index
        %swap3A_1676 = arith.constant 64 : index
        %swap3A_1677 = tpu.vector_load %arg15[%swap3A_1675, %swap3A_1676] {strides = array<i32>} : memref<128x128xf32, #tpu.memory_space<vmem>>, vector<1x16xf32>,
        %swap3A_1678 = vector.shape_cast %swap3A_1677 : vector<1x16xf32> to vector<16xf32>
        %swap3A_1679 = vector.shape_cast %add3A_1674 : vector<16xf32> to vector<1x16xf32>
        tpu.vector_store %arg15[%swap3A_1675, %swap3A_1676], %swap3A_1679 {strides = array<i32>} : memref<128x128xf32, #tpu.memory_space<vmem>>, vector<1x16xf32>,
        %get3A_1680 = arith.index_cast %add3A_1561 : i32 to index
        %get3A_1681 = arith.constant 80 : index
        %get3A_1682 = tpu.vector_load %arg12[%get3A_1680, %get3A_1681] {strides = array<i32>} : memref<128x128xf32, #tpu.memory_space<vmem>>, vector<1x16xf32>,
        %get3A_1683 = vector.shape_cast %get3A_1682 : vector<1x16xf32> to vector<16xf32>
        %mul3A_1684 = arith.mulf %gather3A_1565, %get3A_1683 : vector<16xf32>
        %get3A_1685 = arith.index_cast %add3A_1561 : i32 to index
        %get3A_1686 = arith.constant 80 : index
        %get3A_1687 = tpu.vector_load %arg13[%get3A_1685, %get3A_1686] {strides = array<i32>} : memref<128x128xf32, #tpu.memory_space<vmem>>, vector<1x16xf32>,
        %get3A_1688 = vector.shape_cast %get3A_1687 : vector<1x16xf32> to vector<16xf32>
        %mul3A_1689 = arith.mulf %gather3A_1567, %get3A_1688 : vector<16xf32>
        %add3A_1690 = arith.addf %mul3A_1684, %mul3A_1689 : vector<16xf32>
        %get3A_1691 = arith.index_cast %add3A_1561 : i32 to index
        %get3A_1692 = arith.constant 80 : index
        %get3A_1693 = tpu.vector_load %arg14[%get3A_1691, %get3A_1692] {strides = array<i32>} : memref<128x128xf32, #tpu.memory_space<vmem>>, vector<1x16xf32>,
        %get3A_1694 = vector.shape_cast %get3A_1693 : vector<1x16xf32> to vector<16xf32>
        %mul3A_1695 = arith.mulf %gather3A_1569, %get3A_1694 : vector<16xf32>
        %add3A_1696 = arith.addf %add3A_1690, %mul3A_1695 : vector<16xf32>
        %swap3A_1697 = arith.index_cast %add3A_1561 : i32 to index
        %swap3A_1698 = arith.constant 80 : index
        %swap3A_1699 = tpu.vector_load %arg15[%swap3A_1697, %swap3A_1698] {strides = array<i32>} : memref<128x128xf32, #tpu.memory_space<vmem>>, vector<1x16xf32>,
        %swap3A_1700 = vector.shape_cast %swap3A_1699 : vector<1x16xf32> to vector<16xf32>
        %swap3A_1701 = vector.shape_cast %add3A_1696 : vector<16xf32> to vector<1x16xf32>
        tpu.vector_store %arg15[%swap3A_1697, %swap3A_1698], %swap3A_1701 {strides = array<i32>} : memref<128x128xf32, #tpu.memory_space<vmem>>, vector<1x16xf32>,
        %get3A_1702 = arith.index_cast %add3A_1561 : i32 to index
        %get3A_1703 = arith.constant 96 : index
        %get3A_1704 = tpu.vector_load %arg12[%get3A_1702, %get3A_1703] {strides = array<i32>} : memref<128x128xf32, #tpu.memory_space<vmem>>, vector<1x16xf32>,
        %get3A_1705 = vector.shape_cast %get3A_1704 : vector<1x16xf32> to vector<16xf32>
        %mul3A_1706 = arith.mulf %gather3A_1565, %get3A_1705 : vector<16xf32>
        %get3A_1707 = arith.index_cast %add3A_1561 : i32 to index
        %get3A_1708 = arith.constant 96 : index
        %get3A_1709 = tpu.vector_load %arg13[%get3A_1707, %get3A_1708] {strides = array<i32>} : memref<128x128xf32, #tpu.memory_space<vmem>>, vector<1x16xf32>,
        %get3A_1710 = vector.shape_cast %get3A_1709 : vector<1x16xf32> to vector<16xf32>
        %mul3A_1711 = arith.mulf %gather3A_1567, %get3A_1710 : vector<16xf32>
        %add3A_1712 = arith.addf %mul3A_1706, %mul3A_1711 : vector<16xf32>
        %get3A_1713 = arith.index_cast %add3A_1561 : i32 to index
        %get3A_1714 = arith.constant 96 : index
        %get3A_1715 = tpu.vector_load %arg14[%get3A_1713, %get3A_1714] {strides = array<i32>} : memref<128x128xf32, #tpu.memory_space<vmem>>, vector<1x16xf32>,
        %get3A_1716 = vector.shape_cast %get3A_1715 : vector<1x16xf32> to vector<16xf32>
        %mul3A_1717 = arith.mulf %gather3A_1569, %get3A_1716 : vector<16xf32>
        %add3A_1718 = arith.addf %add3A_1712, %mul3A_1717 : vector<16xf32>
        %swap3A_1719 = arith.index_cast %add3A_1561 : i32 to index
        %swap3A_1720 = arith.constant 96 : index
        %swap3A_1721 = tpu.vector_load %arg15[%swap3A_1719, %swap3A_1720] {strides = array<i32>} : memref<128x128xf32, #tpu.memory_space<vmem>>, vector<1x16xf32>,
        %swap3A_1722 = vector.shape_cast %swap3A_1721 : vector<1x16xf32> to vector<16xf32>
        %swap3A_1723 = vector.shape_cast %add3A_1718 : vector<16xf32> to vector<1x16xf32>
        tpu.vector_store %arg15[%swap3A_1719, %swap3A_1720], %swap3A_1723 {strides = array<i32>} : memref<128x128xf32, #tpu.memory_space<vmem>>, vector<1x16xf32>,
        %get3A_1724 = arith.index_cast %add3A_1561 : i32 to index
        %get3A_1725 = arith.constant 112 : index
        %get3A_1726 = tpu.vector_load %arg12[%get3A_1724, %get3A_1725] {strides = array<i32>} : memref<128x128xf32, #tpu.memory_space<vmem>>, vector<1x16xf32>,
        %get3A_1727 = vector.shape_cast %get3A_1726 : vector<1x16xf32> to vector<16xf32>
        %mul3A_1728 = arith.mulf %gather3A_1565, %get3A_1727 : vector<16xf32>
        %get3A_1729 = arith.index_cast %add3A_1561 : i32 to index
        %get3A_1730 = arith.constant 112 : index
        %get3A_1731 = tpu.vector_load %arg13[%get3A_1729, %get3A_1730] {strides = array<i32>} : memref<128x128xf32, #tpu.memory_space<vmem>>, vector<1x16xf32>,
        %get3A_1732 = vector.shape_cast %get3A_1731 : vector<1x16xf32> to vector<16xf32>
        %mul3A_1733 = arith.mulf %gather3A_1567, %get3A_1732 : vector<16xf32>
        %add3A_1734 = arith.addf %mul3A_1728, %mul3A_1733 : vector<16xf32>
        %get3A_1735 = arith.index_cast %add3A_1561 : i32 to index
        %get3A_1736 = arith.constant 112 : index
        %get3A_1737 = tpu.vector_load %arg14[%get3A_1735, %get3A_1736] {strides = array<i32>} : memref<128x128xf32, #tpu.memory_space<vmem>>, vector<1x16xf32>,
        %get3A_1738 = vector.shape_cast %get3A_1737 : vector<1x16xf32> to vector<16xf32>
        %mul3A_1739 = arith.mulf %gather3A_1569, %get3A_1738 : vector<16xf32>
        %add3A_1740 = arith.addf %add3A_1734, %mul3A_1739 : vector<16xf32>
        %swap3A_1741 = arith.index_cast %add3A_1561 : i32 to index
        %swap3A_1742 = arith.constant 112 : index
        %swap3A_1743 = tpu.vector_load %arg15[%swap3A_1741, %swap3A_1742] {strides = array<i32>} : memref<128x128xf32, #tpu.memory_space<vmem>>, vector<1x16xf32>,
        %swap3A_1744 = vector.shape_cast %swap3A_1743 : vector<1x16xf32> to vector<16xf32>
        %swap3A_1745 = vector.shape_cast %add3A_1740 : vector<16xf32> to vector<1x16xf32>
        tpu.vector_store %arg15[%swap3A_1741, %swap3A_1742], %swap3A_1745 {strides = array<i32>} : memref<128x128xf32, #tpu.memory_space<vmem>>, vector<1x16xf32>,
        %mul3A_1746 = arith.constant 16 : i32
        %mul3A_1747 = arith.muli %scan3A_42, %mul3A_1746 : i32
        %add3A_1748 = arith.constant 9 : i32
        %add3A_1749 = arith.addi %mul3A_1747, %add3A_1748 : i32
        %broadcast_in_dim3A_1750 = arith.constant 9 : i32
        %broadcast_in_dim3A_1751 = vector.broadcast %broadcast_in_dim3A_1750 : i32 to vector<16x1xi32>
        %gather3A_1752 = vector.shape_cast %broadcast_in_dim3A_1751 : vector<16x1xi32> to vector<16xi32>
        %gather3A_1753 = tpu.dynamic_gather %get3A_46[%gather3A_1752] in [0] : vector<16xf32>, vector<16xi32> -> vector<16xf32>
        %gather3A_1754 = vector.shape_cast %broadcast_in_dim3A_1751 : vector<16x1xi32> to vector<16xi32>
        %gather3A_1755 = tpu.dynamic_gather %get3A_51[%gather3A_1754] in [0] : vector<16xf32>, vector<16xi32> -> vector<16xf32>
        %gather3A_1756 = vector.shape_cast %broadcast_in_dim3A_1751 : vector<16x1xi32> to vector<16xi32>
        %gather3A_1757 = tpu.dynamic_gather %get3A_56[%gather3A_1756] in [0] : vector<16xf32>, vector<16xi32> -> vector<16xf32>
        %get3A_1758 = arith.index_cast %add3A_1749 : i32 to index
        %get3A_1759 = arith.constant 0 : index
        %get3A_1760 = tpu.vector_load %arg12[%get3A_1758, %get3A_1759] {strides = array<i32>} : memref<128x128xf32, #tpu.memory_space<vmem>>, vector<1x16xf32>,
        %get3A_1761 = vector.shape_cast %get3A_1760 : vector<1x16xf32> to vector<16xf32>
        %mul3A_1762 = arith.mulf %gather3A_1753, %get3A_1761 : vector<16xf32>
        %get3A_1763 = arith.index_cast %add3A_1749 : i32 to index
        %get3A_1764 = arith.constant 0 : index
        %get3A_1765 = tpu.vector_load %arg13[%get3A_1763, %get3A_1764] {strides = array<i32>} : memref<128x128xf32, #tpu.memory_space<vmem>>, vector<1x16xf32>,
        %get3A_1766 = vector.shape_cast %get3A_1765 : vector<1x16xf32> to vector<16xf32>
        %mul3A_1767 = arith.mulf %gather3A_1755, %get3A_1766 : vector<16xf32>
        %add3A_1768 = arith.addf %mul3A_1762, %mul3A_1767 : vector<16xf32>
        %get3A_1769 = arith.index_cast %add3A_1749 : i32 to index
        %get3A_1770 = arith.constant 0 : index
        %get3A_1771 = tpu.vector_load %arg14[%get3A_1769, %get3A_1770] {strides = array<i32>} : memref<128x128xf32, #tpu.memory_space<vmem>>, vector<1x16xf32>,
        %get3A_1772 = vector.shape_cast %get3A_1771 : vector<1x16xf32> to vector<16xf32>
        %mul3A_1773 = arith.mulf %gather3A_1757, %get3A_1772 : vector<16xf32>
        %add3A_1774 = arith.addf %add3A_1768, %mul3A_1773 : vector<16xf32>
        %swap3A_1775 = arith.index_cast %add3A_1749 : i32 to index
        %swap3A_1776 = arith.constant 0 : index
        %swap3A_1777 = tpu.vector_load %arg15[%swap3A_1775, %swap3A_1776] {strides = array<i32>} : memref<128x128xf32, #tpu.memory_space<vmem>>, vector<1x16xf32>,
        %swap3A_1778 = vector.shape_cast %swap3A_1777 : vector<1x16xf32> to vector<16xf32>
        %swap3A_1779 = vector.shape_cast %add3A_1774 : vector<16xf32> to vector<1x16xf32>
        tpu.vector_store %arg15[%swap3A_1775, %swap3A_1776], %swap3A_1779 {strides = array<i32>} : memref<128x128xf32, #tpu.memory_space<vmem>>, vector<1x16xf32>,
        %get3A_1780 = arith.index_cast %add3A_1749 : i32 to index
        %get3A_1781 = arith.constant 16 : index
        %get3A_1782 = tpu.vector_load %arg12[%get3A_1780, %get3A_1781] {strides = array<i32>} : memref<128x128xf32, #tpu.memory_space<vmem>>, vector<1x16xf32>,
        %get3A_1783 = vector.shape_cast %get3A_1782 : vector<1x16xf32> to vector<16xf32>
        %mul3A_1784 = arith.mulf %gather3A_1753, %get3A_1783 : vector<16xf32>
        %get3A_1785 = arith.index_cast %add3A_1749 : i32 to index
        %get3A_1786 = arith.constant 16 : index
        %get3A_1787 = tpu.vector_load %arg13[%get3A_1785, %get3A_1786] {strides = array<i32>} : memref<128x128xf32, #tpu.memory_space<vmem>>, vector<1x16xf32>,
        %get3A_1788 = vector.shape_cast %get3A_1787 : vector<1x16xf32> to vector<16xf32>
        %mul3A_1789 = arith.mulf %gather3A_1755, %get3A_1788 : vector<16xf32>
        %add3A_1790 = arith.addf %mul3A_1784, %mul3A_1789 : vector<16xf32>
        %get3A_1791 = arith.index_cast %add3A_1749 : i32 to index
        %get3A_1792 = arith.constant 16 : index
        %get3A_1793 = tpu.vector_load %arg14[%get3A_1791, %get3A_1792] {strides = array<i32>} : memref<128x128xf32, #tpu.memory_space<vmem>>, vector<1x16xf32>,
        %get3A_1794 = vector.shape_cast %get3A_1793 : vector<1x16xf32> to vector<16xf32>
        %mul3A_1795 = arith.mulf %gather3A_1757, %get3A_1794 : vector<16xf32>
        %add3A_1796 = arith.addf %add3A_1790, %mul3A_1795 : vector<16xf32>
        %swap3A_1797 = arith.index_cast %add3A_1749 : i32 to index
        %swap3A_1798 = arith.constant 16 : index
        %swap3A_1799 = tpu.vector_load %arg15[%swap3A_1797, %swap3A_1798] {strides = array<i32>} : memref<128x128xf32, #tpu.memory_space<vmem>>, vector<1x16xf32>,
        %swap3A_1800 = vector.shape_cast %swap3A_1799 : vector<1x16xf32> to vector<16xf32>
        %swap3A_1801 = vector.shape_cast %add3A_1796 : vector<16xf32> to vector<1x16xf32>
        tpu.vector_store %arg15[%swap3A_1797, %swap3A_1798], %swap3A_1801 {strides = array<i32>} : memref<128x128xf32, #tpu.memory_space<vmem>>, vector<1x16xf32>,
        %get3A_1802 = arith.index_cast %add3A_1749 : i32 to index
        %get3A_1803 = arith.constant 32 : index
        %get3A_1804 = tpu.vector_load %arg12[%get3A_1802, %get3A_1803] {strides = array<i32>} : memref<128x128xf32, #tpu.memory_space<vmem>>, vector<1x16xf32>,
        %get3A_1805 = vector.shape_cast %get3A_1804 : vector<1x16xf32> to vector<16xf32>
        %mul3A_1806 = arith.mulf %gather3A_1753, %get3A_1805 : vector<16xf32>
        %get3A_1807 = arith.index_cast %add3A_1749 : i32 to index
        %get3A_1808 = arith.constant 32 : index
        %get3A_1809 = tpu.vector_load %arg13[%get3A_1807, %get3A_1808] {strides = array<i32>} : memref<128x128xf32, #tpu.memory_space<vmem>>, vector<1x16xf32>,
        %get3A_1810 = vector.shape_cast %get3A_1809 : vector<1x16xf32> to vector<16xf32>
        %mul3A_1811 = arith.mulf %gather3A_1755, %get3A_1810 : vector<16xf32>
        %add3A_1812 = arith.addf %mul3A_1806, %mul3A_1811 : vector<16xf32>
        %get3A_1813 = arith.index_cast %add3A_1749 : i32 to index
        %get3A_1814 = arith.constant 32 : index
        %get3A_1815 = tpu.vector_load %arg14[%get3A_1813, %get3A_1814] {strides = array<i32>} : memref<128x128xf32, #tpu.memory_space<vmem>>, vector<1x16xf32>,
        %get3A_1816 = vector.shape_cast %get3A_1815 : vector<1x16xf32> to vector<16xf32>
        %mul3A_1817 = arith.mulf %gather3A_1757, %get3A_1816 : vector<16xf32>
        %add3A_1818 = arith.addf %add3A_1812, %mul3A_1817 : vector<16xf32>
        %swap3A_1819 = arith.index_cast %add3A_1749 : i32 to index
        %swap3A_1820 = arith.constant 32 : index
        %swap3A_1821 = tpu.vector_load %arg15[%swap3A_1819, %swap3A_1820] {strides = array<i32>} : memref<128x128xf32, #tpu.memory_space<vmem>>, vector<1x16xf32>,
        %swap3A_1822 = vector.shape_cast %swap3A_1821 : vector<1x16xf32> to vector<16xf32>
        %swap3A_1823 = vector.shape_cast %add3A_1818 : vector<16xf32> to vector<1x16xf32>
        tpu.vector_store %arg15[%swap3A_1819, %swap3A_1820], %swap3A_1823 {strides = array<i32>} : memref<128x128xf32, #tpu.memory_space<vmem>>, vector<1x16xf32>,
        %get3A_1824 = arith.index_cast %add3A_1749 : i32 to index
        %get3A_1825 = arith.constant 48 : index
        %get3A_1826 = tpu.vector_load %arg12[%get3A_1824, %get3A_1825] {strides = array<i32>} : memref<128x128xf32, #tpu.memory_space<vmem>>, vector<1x16xf32>,
        %get3A_1827 = vector.shape_cast %get3A_1826 : vector<1x16xf32> to vector<16xf32>
        %mul3A_1828 = arith.mulf %gather3A_1753, %get3A_1827 : vector<16xf32>
        %get3A_1829 = arith.index_cast %add3A_1749 : i32 to index
        %get3A_1830 = arith.constant 48 : index
        %get3A_1831 = tpu.vector_load %arg13[%get3A_1829, %get3A_1830] {strides = array<i32>} : memref<128x128xf32, #tpu.memory_space<vmem>>, vector<1x16xf32>,
        %get3A_1832 = vector.shape_cast %get3A_1831 : vector<1x16xf32> to vector<16xf32>
        %mul3A_1833 = arith.mulf %gather3A_1755, %get3A_1832 : vector<16xf32>
        %add3A_1834 = arith.addf %mul3A_1828, %mul3A_1833 : vector<16xf32>
        %get3A_1835 = arith.index_cast %add3A_1749 : i32 to index
        %get3A_1836 = arith.constant 48 : index
        %get3A_1837 = tpu.vector_load %arg14[%get3A_1835, %get3A_1836] {strides = array<i32>} : memref<128x128xf32, #tpu.memory_space<vmem>>, vector<1x16xf32>,
        %get3A_1838 = vector.shape_cast %get3A_1837 : vector<1x16xf32> to vector<16xf32>
        %mul3A_1839 = arith.mulf %gather3A_1757, %get3A_1838 : vector<16xf32>
        %add3A_1840 = arith.addf %add3A_1834, %mul3A_1839 : vector<16xf32>
        %swap3A_1841 = arith.index_cast %add3A_1749 : i32 to index
        %swap3A_1842 = arith.constant 48 : index
        %swap3A_1843 = tpu.vector_load %arg15[%swap3A_1841, %swap3A_1842] {strides = array<i32>} : memref<128x128xf32, #tpu.memory_space<vmem>>, vector<1x16xf32>,
        %swap3A_1844 = vector.shape_cast %swap3A_1843 : vector<1x16xf32> to vector<16xf32>
        %swap3A_1845 = vector.shape_cast %add3A_1840 : vector<16xf32> to vector<1x16xf32>
        tpu.vector_store %arg15[%swap3A_1841, %swap3A_1842], %swap3A_1845 {strides = array<i32>} : memref<128x128xf32, #tpu.memory_space<vmem>>, vector<1x16xf32>,
        %get3A_1846 = arith.index_cast %add3A_1749 : i32 to index
        %get3A_1847 = arith.constant 64 : index
        %get3A_1848 = tpu.vector_load %arg12[%get3A_1846, %get3A_1847] {strides = array<i32>} : memref<128x128xf32, #tpu.memory_space<vmem>>, vector<1x16xf32>,
        %get3A_1849 = vector.shape_cast %get3A_1848 : vector<1x16xf32> to vector<16xf32>
        %mul3A_1850 = arith.mulf %gather3A_1753, %get3A_1849 : vector<16xf32>
        %get3A_1851 = arith.index_cast %add3A_1749 : i32 to index
        %get3A_1852 = arith.constant 64 : index
        %get3A_1853 = tpu.vector_load %arg13[%get3A_1851, %get3A_1852] {strides = array<i32>} : memref<128x128xf32, #tpu.memory_space<vmem>>, vector<1x16xf32>,
        %get3A_1854 = vector.shape_cast %get3A_1853 : vector<1x16xf32> to vector<16xf32>
        %mul3A_1855 = arith.mulf %gather3A_1755, %get3A_1854 : vector<16xf32>
        %add3A_1856 = arith.addf %mul3A_1850, %mul3A_1855 : vector<16xf32>
        %get3A_1857 = arith.index_cast %add3A_1749 : i32 to index
        %get3A_1858 = arith.constant 64 : index
        %get3A_1859 = tpu.vector_load %arg14[%get3A_1857, %get3A_1858] {strides = array<i32>} : memref<128x128xf32, #tpu.memory_space<vmem>>, vector<1x16xf32>,
        %get3A_1860 = vector.shape_cast %get3A_1859 : vector<1x16xf32> to vector<16xf32>
        %mul3A_1861 = arith.mulf %gather3A_1757, %get3A_1860 : vector<16xf32>
        %add3A_1862 = arith.addf %add3A_1856, %mul3A_1861 : vector<16xf32>
        %swap3A_1863 = arith.index_cast %add3A_1749 : i32 to index
        %swap3A_1864 = arith.constant 64 : index
        %swap3A_1865 = tpu.vector_load %arg15[%swap3A_1863, %swap3A_1864] {strides = array<i32>} : memref<128x128xf32, #tpu.memory_space<vmem>>, vector<1x16xf32>,
        %swap3A_1866 = vector.shape_cast %swap3A_1865 : vector<1x16xf32> to vector<16xf32>
        %swap3A_1867 = vector.shape_cast %add3A_1862 : vector<16xf32> to vector<1x16xf32>
        tpu.vector_store %arg15[%swap3A_1863, %swap3A_1864], %swap3A_1867 {strides = array<i32>} : memref<128x128xf32, #tpu.memory_space<vmem>>, vector<1x16xf32>,
        %get3A_1868 = arith.index_cast %add3A_1749 : i32 to index
        %get3A_1869 = arith.constant 80 : index
        %get3A_1870 = tpu.vector_load %arg12[%get3A_1868, %get3A_1869] {strides = array<i32>} : memref<128x128xf32, #tpu.memory_space<vmem>>, vector<1x16xf32>,
        %get3A_1871 = vector.shape_cast %get3A_1870 : vector<1x16xf32> to vector<16xf32>
        %mul3A_1872 = arith.mulf %gather3A_1753, %get3A_1871 : vector<16xf32>
        %get3A_1873 = arith.index_cast %add3A_1749 : i32 to index
        %get3A_1874 = arith.constant 80 : index
        %get3A_1875 = tpu.vector_load %arg13[%get3A_1873, %get3A_1874] {strides = array<i32>} : memref<128x128xf32, #tpu.memory_space<vmem>>, vector<1x16xf32>,
        %get3A_1876 = vector.shape_cast %get3A_1875 : vector<1x16xf32> to vector<16xf32>
        %mul3A_1877 = arith.mulf %gather3A_1755, %get3A_1876 : vector<16xf32>
        %add3A_1878 = arith.addf %mul3A_1872, %mul3A_1877 : vector<16xf32>
        %get3A_1879 = arith.index_cast %add3A_1749 : i32 to index
        %get3A_1880 = arith.constant 80 : index
        %get3A_1881 = tpu.vector_load %arg14[%get3A_1879, %get3A_1880] {strides = array<i32>} : memref<128x128xf32, #tpu.memory_space<vmem>>, vector<1x16xf32>,
        %get3A_1882 = vector.shape_cast %get3A_1881 : vector<1x16xf32> to vector<16xf32>
        %mul3A_1883 = arith.mulf %gather3A_1757, %get3A_1882 : vector<16xf32>
        %add3A_1884 = arith.addf %add3A_1878, %mul3A_1883 : vector<16xf32>
        %swap3A_1885 = arith.index_cast %add3A_1749 : i32 to index
        %swap3A_1886 = arith.constant 80 : index
        %swap3A_1887 = tpu.vector_load %arg15[%swap3A_1885, %swap3A_1886] {strides = array<i32>} : memref<128x128xf32, #tpu.memory_space<vmem>>, vector<1x16xf32>,
        %swap3A_1888 = vector.shape_cast %swap3A_1887 : vector<1x16xf32> to vector<16xf32>
        %swap3A_1889 = vector.shape_cast %add3A_1884 : vector<16xf32> to vector<1x16xf32>
        tpu.vector_store %arg15[%swap3A_1885, %swap3A_1886], %swap3A_1889 {strides = array<i32>} : memref<128x128xf32, #tpu.memory_space<vmem>>, vector<1x16xf32>,
        %get3A_1890 = arith.index_cast %add3A_1749 : i32 to index
        %get3A_1891 = arith.constant 96 : index
        %get3A_1892 = tpu.vector_load %arg12[%get3A_1890, %get3A_1891] {strides = array<i32>} : memref<128x128xf32, #tpu.memory_space<vmem>>, vector<1x16xf32>,
        %get3A_1893 = vector.shape_cast %get3A_1892 : vector<1x16xf32> to vector<16xf32>
        %mul3A_1894 = arith.mulf %gather3A_1753, %get3A_1893 : vector<16xf32>
        %get3A_1895 = arith.index_cast %add3A_1749 : i32 to index
        %get3A_1896 = arith.constant 96 : index
        %get3A_1897 = tpu.vector_load %arg13[%get3A_1895, %get3A_1896] {strides = array<i32>} : memref<128x128xf32, #tpu.memory_space<vmem>>, vector<1x16xf32>,
        %get3A_1898 = vector.shape_cast %get3A_1897 : vector<1x16xf32> to vector<16xf32>
        %mul3A_1899 = arith.mulf %gather3A_1755, %get3A_1898 : vector<16xf32>
        %add3A_1900 = arith.addf %mul3A_1894, %mul3A_1899 : vector<16xf32>
        %get3A_1901 = arith.index_cast %add3A_1749 : i32 to index
        %get3A_1902 = arith.constant 96 : index
        %get3A_1903 = tpu.vector_load %arg14[%get3A_1901, %get3A_1902] {strides = array<i32>} : memref<128x128xf32, #tpu.memory_space<vmem>>, vector<1x16xf32>,
        %get3A_1904 = vector.shape_cast %get3A_1903 : vector<1x16xf32> to vector<16xf32>
        %mul3A_1905 = arith.mulf %gather3A_1757, %get3A_1904 : vector<16xf32>
        %add3A_1906 = arith.addf %add3A_1900, %mul3A_1905 : vector<16xf32>
        %swap3A_1907 = arith.index_cast %add3A_1749 : i32 to index
        %swap3A_1908 = arith.constant 96 : index
        %swap3A_1909 = tpu.vector_load %arg15[%swap3A_1907, %swap3A_1908] {strides = array<i32>} : memref<128x128xf32, #tpu.memory_space<vmem>>, vector<1x16xf32>,
        %swap3A_1910 = vector.shape_cast %swap3A_1909 : vector<1x16xf32> to vector<16xf32>
        %swap3A_1911 = vector.shape_cast %add3A_1906 : vector<16xf32> to vector<1x16xf32>
        tpu.vector_store %arg15[%swap3A_1907, %swap3A_1908], %swap3A_1911 {strides = array<i32>} : memref<128x128xf32, #tpu.memory_space<vmem>>, vector<1x16xf32>,
        %get3A_1912 = arith.index_cast %add3A_1749 : i32 to index
        %get3A_1913 = arith.constant 112 : index
        %get3A_1914 = tpu.vector_load %arg12[%get3A_1912, %get3A_1913] {strides = array<i32>} : memref<128x128xf32, #tpu.memory_space<vmem>>, vector<1x16xf32>,
        %get3A_1915 = vector.shape_cast %get3A_1914 : vector<1x16xf32> to vector<16xf32>
        %mul3A_1916 = arith.mulf %gather3A_1753, %get3A_1915 : vector<16xf32>
        %get3A_1917 = arith.index_cast %add3A_1749 : i32 to index
        %get3A_1918 = arith.constant 112 : index
        %get3A_1919 = tpu.vector_load %arg13[%get3A_1917, %get3A_1918] {strides = array<i32>} : memref<128x128xf32, #tpu.memory_space<vmem>>, vector<1x16xf32>,
        %get3A_1920 = vector.shape_cast %get3A_1919 : vector<1x16xf32> to vector<16xf32>
        %mul3A_1921 = arith.mulf %gather3A_1755, %get3A_1920 : vector<16xf32>
        %add3A_1922 = arith.addf %mul3A_1916, %mul3A_1921 : vector<16xf32>
        %get3A_1923 = arith.index_cast %add3A_1749 : i32 to index
        %get3A_1924 = arith.constant 112 : index
        %get3A_1925 = tpu.vector_load %arg14[%get3A_1923, %get3A_1924] {strides = array<i32>} : memref<128x128xf32, #tpu.memory_space<vmem>>, vector<1x16xf32>,
        %get3A_1926 = vector.shape_cast %get3A_1925 : vector<1x16xf32> to vector<16xf32>
        %mul3A_1927 = arith.mulf %gather3A_1757, %get3A_1926 : vector<16xf32>
        %add3A_1928 = arith.addf %add3A_1922, %mul3A_1927 : vector<16xf32>
        %swap3A_1929 = arith.index_cast %add3A_1749 : i32 to index
        %swap3A_1930 = arith.constant 112 : index
        %swap3A_1931 = tpu.vector_load %arg15[%swap3A_1929, %swap3A_1930] {strides = array<i32>} : memref<128x128xf32, #tpu.memory_space<vmem>>, vector<1x16xf32>,
        %swap3A_1932 = vector.shape_cast %swap3A_1931 : vector<1x16xf32> to vector<16xf32>
        %swap3A_1933 = vector.shape_cast %add3A_1928 : vector<16xf32> to vector<1x16xf32>
        tpu.vector_store %arg15[%swap3A_1929, %swap3A_1930], %swap3A_1933 {strides = array<i32>} : memref<128x128xf32, #tpu.memory_space<vmem>>, vector<1x16xf32>,
        %mul3A_1934 = arith.constant 16 : i32
        %mul3A_1935 = arith.muli %scan3A_42, %mul3A_1934 : i32
        %add3A_1936 = arith.constant 10 : i32
        %add3A_1937 = arith.addi %mul3A_1935, %add3A_1936 : i32
        %broadcast_in_dim3A_1938 = arith.constant 10 : i32
        %broadcast_in_dim3A_1939 = vector.broadcast %broadcast_in_dim3A_1938 : i32 to vector<16x1xi32>
        %gather3A_1940 = vector.shape_cast %broadcast_in_dim3A_1939 : vector<16x1xi32> to vector<16xi32>
        %gather3A_1941 = tpu.dynamic_gather %get3A_46[%gather3A_1940] in [0] : vector<16xf32>, vector<16xi32> -> vector<16xf32>
        %gather3A_1942 = vector.shape_cast %broadcast_in_dim3A_1939 : vector<16x1xi32> to vector<16xi32>
        %gather3A_1943 = tpu.dynamic_gather %get3A_51[%gather3A_1942] in [0] : vector<16xf32>, vector<16xi32> -> vector<16xf32>
        %gather3A_1944 = vector.shape_cast %broadcast_in_dim3A_1939 : vector<16x1xi32> to vector<16xi32>
        %gather3A_1945 = tpu.dynamic_gather %get3A_56[%gather3A_1944] in [0] : vector<16xf32>, vector<16xi32> -> vector<16xf32>
        %get3A_1946 = arith.index_cast %add3A_1937 : i32 to index
        %get3A_1947 = arith.constant 0 : index
        %get3A_1948 = tpu.vector_load %arg12[%get3A_1946, %get3A_1947] {strides = array<i32>} : memref<128x128xf32, #tpu.memory_space<vmem>>, vector<1x16xf32>,
        %get3A_1949 = vector.shape_cast %get3A_1948 : vector<1x16xf32> to vector<16xf32>
        %mul3A_1950 = arith.mulf %gather3A_1941, %get3A_1949 : vector<16xf32>
        %get3A_1951 = arith.index_cast %add3A_1937 : i32 to index
        %get3A_1952 = arith.constant 0 : index
        %get3A_1953 = tpu.vector_load %arg13[%get3A_1951, %get3A_1952] {strides = array<i32>} : memref<128x128xf32, #tpu.memory_space<vmem>>, vector<1x16xf32>,
        %get3A_1954 = vector.shape_cast %get3A_1953 : vector<1x16xf32> to vector<16xf32>
        %mul3A_1955 = arith.mulf %gather3A_1943, %get3A_1954 : vector<16xf32>
        %add3A_1956 = arith.addf %mul3A_1950, %mul3A_1955 : vector<16xf32>
        %get3A_1957 = arith.index_cast %add3A_1937 : i32 to index
        %get3A_1958 = arith.constant 0 : index
        %get3A_1959 = tpu.vector_load %arg14[%get3A_1957, %get3A_1958] {strides = array<i32>} : memref<128x128xf32, #tpu.memory_space<vmem>>, vector<1x16xf32>,
        %get3A_1960 = vector.shape_cast %get3A_1959 : vector<1x16xf32> to vector<16xf32>
        %mul3A_1961 = arith.mulf %gather3A_1945, %get3A_1960 : vector<16xf32>
        %add3A_1962 = arith.addf %add3A_1956, %mul3A_1961 : vector<16xf32>
        %swap3A_1963 = arith.index_cast %add3A_1937 : i32 to index
        %swap3A_1964 = arith.constant 0 : index
        %swap3A_1965 = tpu.vector_load %arg15[%swap3A_1963, %swap3A_1964] {strides = array<i32>} : memref<128x128xf32, #tpu.memory_space<vmem>>, vector<1x16xf32>,
        %swap3A_1966 = vector.shape_cast %swap3A_1965 : vector<1x16xf32> to vector<16xf32>
        %swap3A_1967 = vector.shape_cast %add3A_1962 : vector<16xf32> to vector<1x16xf32>
        tpu.vector_store %arg15[%swap3A_1963, %swap3A_1964], %swap3A_1967 {strides = array<i32>} : memref<128x128xf32, #tpu.memory_space<vmem>>, vector<1x16xf32>,
        %get3A_1968 = arith.index_cast %add3A_1937 : i32 to index
        %get3A_1969 = arith.constant 16 : index
        %get3A_1970 = tpu.vector_load %arg12[%get3A_1968, %get3A_1969] {strides = array<i32>} : memref<128x128xf32, #tpu.memory_space<vmem>>, vector<1x16xf32>,
        %get3A_1971 = vector.shape_cast %get3A_1970 : vector<1x16xf32> to vector<16xf32>
        %mul3A_1972 = arith.mulf %gather3A_1941, %get3A_1971 : vector<16xf32>
        %get3A_1973 = arith.index_cast %add3A_1937 : i32 to index
        %get3A_1974 = arith.constant 16 : index
        %get3A_1975 = tpu.vector_load %arg13[%get3A_1973, %get3A_1974] {strides = array<i32>} : memref<128x128xf32, #tpu.memory_space<vmem>>, vector<1x16xf32>,
        %get3A_1976 = vector.shape_cast %get3A_1975 : vector<1x16xf32> to vector<16xf32>
        %mul3A_1977 = arith.mulf %gather3A_1943, %get3A_1976 : vector<16xf32>
        %add3A_1978 = arith.addf %mul3A_1972, %mul3A_1977 : vector<16xf32>
        %get3A_1979 = arith.index_cast %add3A_1937 : i32 to index
        %get3A_1980 = arith.constant 16 : index
        %get3A_1981 = tpu.vector_load %arg14[%get3A_1979, %get3A_1980] {strides = array<i32>} : memref<128x128xf32, #tpu.memory_space<vmem>>, vector<1x16xf32>,
        %get3A_1982 = vector.shape_cast %get3A_1981 : vector<1x16xf32> to vector<16xf32>
        %mul3A_1983 = arith.mulf %gather3A_1945, %get3A_1982 : vector<16xf32>
        %add3A_1984 = arith.addf %add3A_1978, %mul3A_1983 : vector<16xf32>
        %swap3A_1985 = arith.index_cast %add3A_1937 : i32 to index
        %swap3A_1986 = arith.constant 16 : index
        %swap3A_1987 = tpu.vector_load %arg15[%swap3A_1985, %swap3A_1986] {strides = array<i32>} : memref<128x128xf32, #tpu.memory_space<vmem>>, vector<1x16xf32>,
        %swap3A_1988 = vector.shape_cast %swap3A_1987 : vector<1x16xf32> to vector<16xf32>
        %swap3A_1989 = vector.shape_cast %add3A_1984 : vector<16xf32> to vector<1x16xf32>
        tpu.vector_store %arg15[%swap3A_1985, %swap3A_1986], %swap3A_1989 {strides = array<i32>} : memref<128x128xf32, #tpu.memory_space<vmem>>, vector<1x16xf32>,
        %get3A_1990 = arith.index_cast %add3A_1937 : i32 to index
        %get3A_1991 = arith.constant 32 : index
        %get3A_1992 = tpu.vector_load %arg12[%get3A_1990, %get3A_1991] {strides = array<i32>} : memref<128x128xf32, #tpu.memory_space<vmem>>, vector<1x16xf32>,
        %get3A_1993 = vector.shape_cast %get3A_1992 : vector<1x16xf32> to vector<16xf32>
        %mul3A_1994 = arith.mulf %gather3A_1941, %get3A_1993 : vector<16xf32>
        %get3A_1995 = arith.index_cast %add3A_1937 : i32 to index
        %get3A_1996 = arith.constant 32 : index
        %get3A_1997 = tpu.vector_load %arg13[%get3A_1995, %get3A_1996] {strides = array<i32>} : memref<128x128xf32, #tpu.memory_space<vmem>>, vector<1x16xf32>,
        %get3A_1998 = vector.shape_cast %get3A_1997 : vector<1x16xf32> to vector<16xf32>
        %mul3A_1999 = arith.mulf %gather3A_1943, %get3A_1998 : vector<16xf32>
        %add3A_2000 = arith.addf %mul3A_1994, %mul3A_1999 : vector<16xf32>
        %get3A_2001 = arith.index_cast %add3A_1937 : i32 to index
        %get3A_2002 = arith.constant 32 : index
        %get3A_2003 = tpu.vector_load %arg14[%get3A_2001, %get3A_2002] {strides = array<i32>} : memref<128x128xf32, #tpu.memory_space<vmem>>, vector<1x16xf32>,
        %get3A_2004 = vector.shape_cast %get3A_2003 : vector<1x16xf32> to vector<16xf32>
        %mul3A_2005 = arith.mulf %gather3A_1945, %get3A_2004 : vector<16xf32>
        %add3A_2006 = arith.addf %add3A_2000, %mul3A_2005 : vector<16xf32>
        %swap3A_2007 = arith.index_cast %add3A_1937 : i32 to index
        %swap3A_2008 = arith.constant 32 : index
        %swap3A_2009 = tpu.vector_load %arg15[%swap3A_2007, %swap3A_2008] {strides = array<i32>} : memref<128x128xf32, #tpu.memory_space<vmem>>, vector<1x16xf32>,
        %swap3A_2010 = vector.shape_cast %swap3A_2009 : vector<1x16xf32> to vector<16xf32>
        %swap3A_2011 = vector.shape_cast %add3A_2006 : vector<16xf32> to vector<1x16xf32>
        tpu.vector_store %arg15[%swap3A_2007, %swap3A_2008], %swap3A_2011 {strides = array<i32>} : memref<128x128xf32, #tpu.memory_space<vmem>>, vector<1x16xf32>,
        %get3A_2012 = arith.index_cast %add3A_1937 : i32 to index
        %get3A_2013 = arith.constant 48 : index
        %get3A_2014 = tpu.vector_load %arg12[%get3A_2012, %get3A_2013] {strides = array<i32>} : memref<128x128xf32, #tpu.memory_space<vmem>>, vector<1x16xf32>,
        %get3A_2015 = vector.shape_cast %get3A_2014 : vector<1x16xf32> to vector<16xf32>
        %mul3A_2016 = arith.mulf %gather3A_1941, %get3A_2015 : vector<16xf32>
        %get3A_2017 = arith.index_cast %add3A_1937 : i32 to index
        %get3A_2018 = arith.constant 48 : index
        %get3A_2019 = tpu.vector_load %arg13[%get3A_2017, %get3A_2018] {strides = array<i32>} : memref<128x128xf32, #tpu.memory_space<vmem>>, vector<1x16xf32>,
        %get3A_2020 = vector.shape_cast %get3A_2019 : vector<1x16xf32> to vector<16xf32>
        %mul3A_2021 = arith.mulf %gather3A_1943, %get3A_2020 : vector<16xf32>
        %add3A_2022 = arith.addf %mul3A_2016, %mul3A_2021 : vector<16xf32>
        %get3A_2023 = arith.index_cast %add3A_1937 : i32 to index
        %get3A_2024 = arith.constant 48 : index
        %get3A_2025 = tpu.vector_load %arg14[%get3A_2023, %get3A_2024] {strides = array<i32>} : memref<128x128xf32, #tpu.memory_space<vmem>>, vector<1x16xf32>,
        %get3A_2026 = vector.shape_cast %get3A_2025 : vector<1x16xf32> to vector<16xf32>
        %mul3A_2027 = arith.mulf %gather3A_1945, %get3A_2026 : vector<16xf32>
        %add3A_2028 = arith.addf %add3A_2022, %mul3A_2027 : vector<16xf32>
        %swap3A_2029 = arith.index_cast %add3A_1937 : i32 to index
        %swap3A_2030 = arith.constant 48 : index
        %swap3A_2031 = tpu.vector_load %arg15[%swap3A_2029, %swap3A_2030] {strides = array<i32>} : memref<128x128xf32, #tpu.memory_space<vmem>>, vector<1x16xf32>,
        %swap3A_2032 = vector.shape_cast %swap3A_2031 : vector<1x16xf32> to vector<16xf32>
        %swap3A_2033 = vector.shape_cast %add3A_2028 : vector<16xf32> to vector<1x16xf32>
        tpu.vector_store %arg15[%swap3A_2029, %swap3A_2030], %swap3A_2033 {strides = array<i32>} : memref<128x128xf32, #tpu.memory_space<vmem>>, vector<1x16xf32>,
        %get3A_2034 = arith.index_cast %add3A_1937 : i32 to index
        %get3A_2035 = arith.constant 64 : index
        %get3A_2036 = tpu.vector_load %arg12[%get3A_2034, %get3A_2035] {strides = array<i32>} : memref<128x128xf32, #tpu.memory_space<vmem>>, vector<1x16xf32>,
        %get3A_2037 = vector.shape_cast %get3A_2036 : vector<1x16xf32> to vector<16xf32>
        %mul3A_2038 = arith.mulf %gather3A_1941, %get3A_2037 : vector<16xf32>
        %get3A_2039 = arith.index_cast %add3A_1937 : i32 to index
        %get3A_2040 = arith.constant 64 : index
        %get3A_2041 = tpu.vector_load %arg13[%get3A_2039, %get3A_2040] {strides = array<i32>} : memref<128x128xf32, #tpu.memory_space<vmem>>, vector<1x16xf32>,
        %get3A_2042 = vector.shape_cast %get3A_2041 : vector<1x16xf32> to vector<16xf32>
        %mul3A_2043 = arith.mulf %gather3A_1943, %get3A_2042 : vector<16xf32>
        %add3A_2044 = arith.addf %mul3A_2038, %mul3A_2043 : vector<16xf32>
        %get3A_2045 = arith.index_cast %add3A_1937 : i32 to index
        %get3A_2046 = arith.constant 64 : index
        %get3A_2047 = tpu.vector_load %arg14[%get3A_2045, %get3A_2046] {strides = array<i32>} : memref<128x128xf32, #tpu.memory_space<vmem>>, vector<1x16xf32>,
        %get3A_2048 = vector.shape_cast %get3A_2047 : vector<1x16xf32> to vector<16xf32>
        %mul3A_2049 = arith.mulf %gather3A_1945, %get3A_2048 : vector<16xf32>
        %add3A_2050 = arith.addf %add3A_2044, %mul3A_2049 : vector<16xf32>
        %swap3A_2051 = arith.index_cast %add3A_1937 : i32 to index
        %swap3A_2052 = arith.constant 64 : index
        %swap3A_2053 = tpu.vector_load %arg15[%swap3A_2051, %swap3A_2052] {strides = array<i32>} : memref<128x128xf32, #tpu.memory_space<vmem>>, vector<1x16xf32>,
        %swap3A_2054 = vector.shape_cast %swap3A_2053 : vector<1x16xf32> to vector<16xf32>
        %swap3A_2055 = vector.shape_cast %add3A_2050 : vector<16xf32> to vector<1x16xf32>
        tpu.vector_store %arg15[%swap3A_2051, %swap3A_2052], %swap3A_2055 {strides = array<i32>} : memref<128x128xf32, #tpu.memory_space<vmem>>, vector<1x16xf32>,
        %get3A_2056 = arith.index_cast %add3A_1937 : i32 to index
        %get3A_2057 = arith.constant 80 : index
        %get3A_2058 = tpu.vector_load %arg12[%get3A_2056, %get3A_2057] {strides = array<i32>} : memref<128x128xf32, #tpu.memory_space<vmem>>, vector<1x16xf32>,
        %get3A_2059 = vector.shape_cast %get3A_2058 : vector<1x16xf32> to vector<16xf32>
        %mul3A_2060 = arith.mulf %gather3A_1941, %get3A_2059 : vector<16xf32>
        %get3A_2061 = arith.index_cast %add3A_1937 : i32 to index
        %get3A_2062 = arith.constant 80 : index
        %get3A_2063 = tpu.vector_load %arg13[%get3A_2061, %get3A_2062] {strides = array<i32>} : memref<128x128xf32, #tpu.memory_space<vmem>>, vector<1x16xf32>,
        %get3A_2064 = vector.shape_cast %get3A_2063 : vector<1x16xf32> to vector<16xf32>
        %mul3A_2065 = arith.mulf %gather3A_1943, %get3A_2064 : vector<16xf32>
        %add3A_2066 = arith.addf %mul3A_2060, %mul3A_2065 : vector<16xf32>
        %get3A_2067 = arith.index_cast %add3A_1937 : i32 to index
        %get3A_2068 = arith.constant 80 : index
        %get3A_2069 = tpu.vector_load %arg14[%get3A_2067, %get3A_2068] {strides = array<i32>} : memref<128x128xf32, #tpu.memory_space<vmem>>, vector<1x16xf32>,
        %get3A_2070 = vector.shape_cast %get3A_2069 : vector<1x16xf32> to vector<16xf32>
        %mul3A_2071 = arith.mulf %gather3A_1945, %get3A_2070 : vector<16xf32>
        %add3A_2072 = arith.addf %add3A_2066, %mul3A_2071 : vector<16xf32>
        %swap3A_2073 = arith.index_cast %add3A_1937 : i32 to index
        %swap3A_2074 = arith.constant 80 : index
        %swap3A_2075 = tpu.vector_load %arg15[%swap3A_2073, %swap3A_2074] {strides = array<i32>} : memref<128x128xf32, #tpu.memory_space<vmem>>, vector<1x16xf32>,
        %swap3A_2076 = vector.shape_cast %swap3A_2075 : vector<1x16xf32> to vector<16xf32>
        %swap3A_2077 = vector.shape_cast %add3A_2072 : vector<16xf32> to vector<1x16xf32>
        tpu.vector_store %arg15[%swap3A_2073, %swap3A_2074], %swap3A_2077 {strides = array<i32>} : memref<128x128xf32, #tpu.memory_space<vmem>>, vector<1x16xf32>,
        %get3A_2078 = arith.index_cast %add3A_1937 : i32 to index
        %get3A_2079 = arith.constant 96 : index
        %get3A_2080 = tpu.vector_load %arg12[%get3A_2078, %get3A_2079] {strides = array<i32>} : memref<128x128xf32, #tpu.memory_space<vmem>>, vector<1x16xf32>,
        %get3A_2081 = vector.shape_cast %get3A_2080 : vector<1x16xf32> to vector<16xf32>
        %mul3A_2082 = arith.mulf %gather3A_1941, %get3A_2081 : vector<16xf32>
        %get3A_2083 = arith.index_cast %add3A_1937 : i32 to index
        %get3A_2084 = arith.constant 96 : index
        %get3A_2085 = tpu.vector_load %arg13[%get3A_2083, %get3A_2084] {strides = array<i32>} : memref<128x128xf32, #tpu.memory_space<vmem>>, vector<1x16xf32>,
        %get3A_2086 = vector.shape_cast %get3A_2085 : vector<1x16xf32> to vector<16xf32>
        %mul3A_2087 = arith.mulf %gather3A_1943, %get3A_2086 : vector<16xf32>
        %add3A_2088 = arith.addf %mul3A_2082, %mul3A_2087 : vector<16xf32>
        %get3A_2089 = arith.index_cast %add3A_1937 : i32 to index
        %get3A_2090 = arith.constant 96 : index
        %get3A_2091 = tpu.vector_load %arg14[%get3A_2089, %get3A_2090] {strides = array<i32>} : memref<128x128xf32, #tpu.memory_space<vmem>>, vector<1x16xf32>,
        %get3A_2092 = vector.shape_cast %get3A_2091 : vector<1x16xf32> to vector<16xf32>
        %mul3A_2093 = arith.mulf %gather3A_1945, %get3A_2092 : vector<16xf32>
        %add3A_2094 = arith.addf %add3A_2088, %mul3A_2093 : vector<16xf32>
        %swap3A_2095 = arith.index_cast %add3A_1937 : i32 to index
        %swap3A_2096 = arith.constant 96 : index
        %swap3A_2097 = tpu.vector_load %arg15[%swap3A_2095, %swap3A_2096] {strides = array<i32>} : memref<128x128xf32, #tpu.memory_space<vmem>>, vector<1x16xf32>,
        %swap3A_2098 = vector.shape_cast %swap3A_2097 : vector<1x16xf32> to vector<16xf32>
        %swap3A_2099 = vector.shape_cast %add3A_2094 : vector<16xf32> to vector<1x16xf32>
        tpu.vector_store %arg15[%swap3A_2095, %swap3A_2096], %swap3A_2099 {strides = array<i32>} : memref<128x128xf32, #tpu.memory_space<vmem>>, vector<1x16xf32>,
        %get3A_2100 = arith.index_cast %add3A_1937 : i32 to index
        %get3A_2101 = arith.constant 112 : index
        %get3A_2102 = tpu.vector_load %arg12[%get3A_2100, %get3A_2101] {strides = array<i32>} : memref<128x128xf32, #tpu.memory_space<vmem>>, vector<1x16xf32>,
        %get3A_2103 = vector.shape_cast %get3A_2102 : vector<1x16xf32> to vector<16xf32>
        %mul3A_2104 = arith.mulf %gather3A_1941, %get3A_2103 : vector<16xf32>
        %get3A_2105 = arith.index_cast %add3A_1937 : i32 to index
        %get3A_2106 = arith.constant 112 : index
        %get3A_2107 = tpu.vector_load %arg13[%get3A_2105, %get3A_2106] {strides = array<i32>} : memref<128x128xf32, #tpu.memory_space<vmem>>, vector<1x16xf32>,
        %get3A_2108 = vector.shape_cast %get3A_2107 : vector<1x16xf32> to vector<16xf32>
        %mul3A_2109 = arith.mulf %gather3A_1943, %get3A_2108 : vector<16xf32>
        %add3A_2110 = arith.addf %mul3A_2104, %mul3A_2109 : vector<16xf32>
        %get3A_2111 = arith.index_cast %add3A_1937 : i32 to index
        %get3A_2112 = arith.constant 112 : index
        %get3A_2113 = tpu.vector_load %arg14[%get3A_2111, %get3A_2112] {strides = array<i32>} : memref<128x128xf32, #tpu.memory_space<vmem>>, vector<1x16xf32>,
        %get3A_2114 = vector.shape_cast %get3A_2113 : vector<1x16xf32> to vector<16xf32>
        %mul3A_2115 = arith.mulf %gather3A_1945, %get3A_2114 : vector<16xf32>
        %add3A_2116 = arith.addf %add3A_2110, %mul3A_2115 : vector<16xf32>
        %swap3A_2117 = arith.index_cast %add3A_1937 : i32 to index
        %swap3A_2118 = arith.constant 112 : index
        %swap3A_2119 = tpu.vector_load %arg15[%swap3A_2117, %swap3A_2118] {strides = array<i32>} : memref<128x128xf32, #tpu.memory_space<vmem>>, vector<1x16xf32>,
        %swap3A_2120 = vector.shape_cast %swap3A_2119 : vector<1x16xf32> to vector<16xf32>
        %swap3A_2121 = vector.shape_cast %add3A_2116 : vector<16xf32> to vector<1x16xf32>
        tpu.vector_store %arg15[%swap3A_2117, %swap3A_2118], %swap3A_2121 {strides = array<i32>} : memref<128x128xf32, #tpu.memory_space<vmem>>, vector<1x16xf32>,
        %mul3A_2122 = arith.constant 16 : i32
        %mul3A_2123 = arith.muli %scan3A_42, %mul3A_2122 : i32
        %add3A_2124 = arith.constant 11 : i32
        %add3A_2125 = arith.addi %mul3A_2123, %add3A_2124 : i32
        %broadcast_in_dim3A_2126 = arith.constant 11 : i32
        %broadcast_in_dim3A_2127 = vector.broadcast %broadcast_in_dim3A_2126 : i32 to vector<16x1xi32>
        %gather3A_2128 = vector.shape_cast %broadcast_in_dim3A_2127 : vector<16x1xi32> to vector<16xi32>
        %gather3A_2129 = tpu.dynamic_gather %get3A_46[%gather3A_2128] in [0] : vector<16xf32>, vector<16xi32> -> vector<16xf32>
        %gather3A_2130 = vector.shape_cast %broadcast_in_dim3A_2127 : vector<16x1xi32> to vector<16xi32>
        %gather3A_2131 = tpu.dynamic_gather %get3A_51[%gather3A_2130] in [0] : vector<16xf32>, vector<16xi32> -> vector<16xf32>
        %gather3A_2132 = vector.shape_cast %broadcast_in_dim3A_2127 : vector<16x1xi32> to vector<16xi32>
        %gather3A_2133 = tpu.dynamic_gather %get3A_56[%gather3A_2132] in [0] : vector<16xf32>, vector<16xi32> -> vector<16xf32>
        %get3A_2134 = arith.index_cast %add3A_2125 : i32 to index
        %get3A_2135 = arith.constant 0 : index
        %get3A_2136 = tpu.vector_load %arg12[%get3A_2134, %get3A_2135] {strides = array<i32>} : memref<128x128xf32, #tpu.memory_space<vmem>>, vector<1x16xf32>,
        %get3A_2137 = vector.shape_cast %get3A_2136 : vector<1x16xf32> to vector<16xf32>
        %mul3A_2138 = arith.mulf %gather3A_2129, %get3A_2137 : vector<16xf32>
        %get3A_2139 = arith.index_cast %add3A_2125 : i32 to index
        %get3A_2140 = arith.constant 0 : index
        %get3A_2141 = tpu.vector_load %arg13[%get3A_2139, %get3A_2140] {strides = array<i32>} : memref<128x128xf32, #tpu.memory_space<vmem>>, vector<1x16xf32>,
        %get3A_2142 = vector.shape_cast %get3A_2141 : vector<1x16xf32> to vector<16xf32>
        %mul3A_2143 = arith.mulf %gather3A_2131, %get3A_2142 : vector<16xf32>
        %add3A_2144 = arith.addf %mul3A_2138, %mul3A_2143 : vector<16xf32>
        %get3A_2145 = arith.index_cast %add3A_2125 : i32 to index
        %get3A_2146 = arith.constant 0 : index
        %get3A_2147 = tpu.vector_load %arg14[%get3A_2145, %get3A_2146] {strides = array<i32>} : memref<128x128xf32, #tpu.memory_space<vmem>>, vector<1x16xf32>,
        %get3A_2148 = vector.shape_cast %get3A_2147 : vector<1x16xf32> to vector<16xf32>
        %mul3A_2149 = arith.mulf %gather3A_2133, %get3A_2148 : vector<16xf32>
        %add3A_2150 = arith.addf %add3A_2144, %mul3A_2149 : vector<16xf32>
        %swap3A_2151 = arith.index_cast %add3A_2125 : i32 to index
        %swap3A_2152 = arith.constant 0 : index
        %swap3A_2153 = tpu.vector_load %arg15[%swap3A_2151, %swap3A_2152] {strides = array<i32>} : memref<128x128xf32, #tpu.memory_space<vmem>>, vector<1x16xf32>,
        %swap3A_2154 = vector.shape_cast %swap3A_2153 : vector<1x16xf32> to vector<16xf32>
        %swap3A_2155 = vector.shape_cast %add3A_2150 : vector<16xf32> to vector<1x16xf32>
        tpu.vector_store %arg15[%swap3A_2151, %swap3A_2152], %swap3A_2155 {strides = array<i32>} : memref<128x128xf32, #tpu.memory_space<vmem>>, vector<1x16xf32>,
        %get3A_2156 = arith.index_cast %add3A_2125 : i32 to index
        %get3A_2157 = arith.constant 16 : index
        %get3A_2158 = tpu.vector_load %arg12[%get3A_2156, %get3A_2157] {strides = array<i32>} : memref<128x128xf32, #tpu.memory_space<vmem>>, vector<1x16xf32>,
        %get3A_2159 = vector.shape_cast %get3A_2158 : vector<1x16xf32> to vector<16xf32>
        %mul3A_2160 = arith.mulf %gather3A_2129, %get3A_2159 : vector<16xf32>
        %get3A_2161 = arith.index_cast %add3A_2125 : i32 to index
        %get3A_2162 = arith.constant 16 : index
        %get3A_2163 = tpu.vector_load %arg13[%get3A_2161, %get3A_2162] {strides = array<i32>} : memref<128x128xf32, #tpu.memory_space<vmem>>, vector<1x16xf32>,
        %get3A_2164 = vector.shape_cast %get3A_2163 : vector<1x16xf32> to vector<16xf32>
        %mul3A_2165 = arith.mulf %gather3A_2131, %get3A_2164 : vector<16xf32>
        %add3A_2166 = arith.addf %mul3A_2160, %mul3A_2165 : vector<16xf32>
        %get3A_2167 = arith.index_cast %add3A_2125 : i32 to index
        %get3A_2168 = arith.constant 16 : index
        %get3A_2169 = tpu.vector_load %arg14[%get3A_2167, %get3A_2168] {strides = array<i32>} : memref<128x128xf32, #tpu.memory_space<vmem>>, vector<1x16xf32>,
        %get3A_2170 = vector.shape_cast %get3A_2169 : vector<1x16xf32> to vector<16xf32>
        %mul3A_2171 = arith.mulf %gather3A_2133, %get3A_2170 : vector<16xf32>
        %add3A_2172 = arith.addf %add3A_2166, %mul3A_2171 : vector<16xf32>
        %swap3A_2173 = arith.index_cast %add3A_2125 : i32 to index
        %swap3A_2174 = arith.constant 16 : index
        %swap3A_2175 = tpu.vector_load %arg15[%swap3A_2173, %swap3A_2174] {strides = array<i32>} : memref<128x128xf32, #tpu.memory_space<vmem>>, vector<1x16xf32>,
        %swap3A_2176 = vector.shape_cast %swap3A_2175 : vector<1x16xf32> to vector<16xf32>
        %swap3A_2177 = vector.shape_cast %add3A_2172 : vector<16xf32> to vector<1x16xf32>
        tpu.vector_store %arg15[%swap3A_2173, %swap3A_2174], %swap3A_2177 {strides = array<i32>} : memref<128x128xf32, #tpu.memory_space<vmem>>, vector<1x16xf32>,
        %get3A_2178 = arith.index_cast %add3A_2125 : i32 to index
        %get3A_2179 = arith.constant 32 : index
        %get3A_2180 = tpu.vector_load %arg12[%get3A_2178, %get3A_2179] {strides = array<i32>} : memref<128x128xf32, #tpu.memory_space<vmem>>, vector<1x16xf32>,
        %get3A_2181 = vector.shape_cast %get3A_2180 : vector<1x16xf32> to vector<16xf32>
        %mul3A_2182 = arith.mulf %gather3A_2129, %get3A_2181 : vector<16xf32>
        %get3A_2183 = arith.index_cast %add3A_2125 : i32 to index
        %get3A_2184 = arith.constant 32 : index
        %get3A_2185 = tpu.vector_load %arg13[%get3A_2183, %get3A_2184] {strides = array<i32>} : memref<128x128xf32, #tpu.memory_space<vmem>>, vector<1x16xf32>,
        %get3A_2186 = vector.shape_cast %get3A_2185 : vector<1x16xf32> to vector<16xf32>
        %mul3A_2187 = arith.mulf %gather3A_2131, %get3A_2186 : vector<16xf32>
        %add3A_2188 = arith.addf %mul3A_2182, %mul3A_2187 : vector<16xf32>
        %get3A_2189 = arith.index_cast %add3A_2125 : i32 to index
        %get3A_2190 = arith.constant 32 : index
        %get3A_2191 = tpu.vector_load %arg14[%get3A_2189, %get3A_2190] {strides = array<i32>} : memref<128x128xf32, #tpu.memory_space<vmem>>, vector<1x16xf32>,
        %get3A_2192 = vector.shape_cast %get3A_2191 : vector<1x16xf32> to vector<16xf32>
        %mul3A_2193 = arith.mulf %gather3A_2133, %get3A_2192 : vector<16xf32>
        %add3A_2194 = arith.addf %add3A_2188, %mul3A_2193 : vector<16xf32>
        %swap3A_2195 = arith.index_cast %add3A_2125 : i32 to index
        %swap3A_2196 = arith.constant 32 : index
        %swap3A_2197 = tpu.vector_load %arg15[%swap3A_2195, %swap3A_2196] {strides = array<i32>} : memref<128x128xf32, #tpu.memory_space<vmem>>, vector<1x16xf32>,
        %swap3A_2198 = vector.shape_cast %swap3A_2197 : vector<1x16xf32> to vector<16xf32>
        %swap3A_2199 = vector.shape_cast %add3A_2194 : vector<16xf32> to vector<1x16xf32>
        tpu.vector_store %arg15[%swap3A_2195, %swap3A_2196], %swap3A_2199 {strides = array<i32>} : memref<128x128xf32, #tpu.memory_space<vmem>>, vector<1x16xf32>,
        %get3A_2200 = arith.index_cast %add3A_2125 : i32 to index
        %get3A_2201 = arith.constant 48 : index
        %get3A_2202 = tpu.vector_load %arg12[%get3A_2200, %get3A_2201] {strides = array<i32>} : memref<128x128xf32, #tpu.memory_space<vmem>>, vector<1x16xf32>,
        %get3A_2203 = vector.shape_cast %get3A_2202 : vector<1x16xf32> to vector<16xf32>
        %mul3A_2204 = arith.mulf %gather3A_2129, %get3A_2203 : vector<16xf32>
        %get3A_2205 = arith.index_cast %add3A_2125 : i32 to index
        %get3A_2206 = arith.constant 48 : index
        %get3A_2207 = tpu.vector_load %arg13[%get3A_2205, %get3A_2206] {strides = array<i32>} : memref<128x128xf32, #tpu.memory_space<vmem>>, vector<1x16xf32>,
        %get3A_2208 = vector.shape_cast %get3A_2207 : vector<1x16xf32> to vector<16xf32>
        %mul3A_2209 = arith.mulf %gather3A_2131, %get3A_2208 : vector<16xf32>
        %add3A_2210 = arith.addf %mul3A_2204, %mul3A_2209 : vector<16xf32>
        %get3A_2211 = arith.index_cast %add3A_2125 : i32 to index
        %get3A_2212 = arith.constant 48 : index
        %get3A_2213 = tpu.vector_load %arg14[%get3A_2211, %get3A_2212] {strides = array<i32>} : memref<128x128xf32, #tpu.memory_space<vmem>>, vector<1x16xf32>,
        %get3A_2214 = vector.shape_cast %get3A_2213 : vector<1x16xf32> to vector<16xf32>
        %mul3A_2215 = arith.mulf %gather3A_2133, %get3A_2214 : vector<16xf32>
        %add3A_2216 = arith.addf %add3A_2210, %mul3A_2215 : vector<16xf32>
        %swap3A_2217 = arith.index_cast %add3A_2125 : i32 to index
        %swap3A_2218 = arith.constant 48 : index
        %swap3A_2219 = tpu.vector_load %arg15[%swap3A_2217, %swap3A_2218] {strides = array<i32>} : memref<128x128xf32, #tpu.memory_space<vmem>>, vector<1x16xf32>,
        %swap3A_2220 = vector.shape_cast %swap3A_2219 : vector<1x16xf32> to vector<16xf32>
        %swap3A_2221 = vector.shape_cast %add3A_2216 : vector<16xf32> to vector<1x16xf32>
        tpu.vector_store %arg15[%swap3A_2217, %swap3A_2218], %swap3A_2221 {strides = array<i32>} : memref<128x128xf32, #tpu.memory_space<vmem>>, vector<1x16xf32>,
        %get3A_2222 = arith.index_cast %add3A_2125 : i32 to index
        %get3A_2223 = arith.constant 64 : index
        %get3A_2224 = tpu.vector_load %arg12[%get3A_2222, %get3A_2223] {strides = array<i32>} : memref<128x128xf32, #tpu.memory_space<vmem>>, vector<1x16xf32>,
        %get3A_2225 = vector.shape_cast %get3A_2224 : vector<1x16xf32> to vector<16xf32>
        %mul3A_2226 = arith.mulf %gather3A_2129, %get3A_2225 : vector<16xf32>
        %get3A_2227 = arith.index_cast %add3A_2125 : i32 to index
        %get3A_2228 = arith.constant 64 : index
        %get3A_2229 = tpu.vector_load %arg13[%get3A_2227, %get3A_2228] {strides = array<i32>} : memref<128x128xf32, #tpu.memory_space<vmem>>, vector<1x16xf32>,
        %get3A_2230 = vector.shape_cast %get3A_2229 : vector<1x16xf32> to vector<16xf32>
        %mul3A_2231 = arith.mulf %gather3A_2131, %get3A_2230 : vector<16xf32>
        %add3A_2232 = arith.addf %mul3A_2226, %mul3A_2231 : vector<16xf32>
        %get3A_2233 = arith.index_cast %add3A_2125 : i32 to index
        %get3A_2234 = arith.constant 64 : index
        %get3A_2235 = tpu.vector_load %arg14[%get3A_2233, %get3A_2234] {strides = array<i32>} : memref<128x128xf32, #tpu.memory_space<vmem>>, vector<1x16xf32>,
        %get3A_2236 = vector.shape_cast %get3A_2235 : vector<1x16xf32> to vector<16xf32>
        %mul3A_2237 = arith.mulf %gather3A_2133, %get3A_2236 : vector<16xf32>
        %add3A_2238 = arith.addf %add3A_2232, %mul3A_2237 : vector<16xf32>
        %swap3A_2239 = arith.index_cast %add3A_2125 : i32 to index
        %swap3A_2240 = arith.constant 64 : index
        %swap3A_2241 = tpu.vector_load %arg15[%swap3A_2239, %swap3A_2240] {strides = array<i32>} : memref<128x128xf32, #tpu.memory_space<vmem>>, vector<1x16xf32>,
        %swap3A_2242 = vector.shape_cast %swap3A_2241 : vector<1x16xf32> to vector<16xf32>
        %swap3A_2243 = vector.shape_cast %add3A_2238 : vector<16xf32> to vector<1x16xf32>
        tpu.vector_store %arg15[%swap3A_2239, %swap3A_2240], %swap3A_2243 {strides = array<i32>} : memref<128x128xf32, #tpu.memory_space<vmem>>, vector<1x16xf32>,
        %get3A_2244 = arith.index_cast %add3A_2125 : i32 to index
        %get3A_2245 = arith.constant 80 : index
        %get3A_2246 = tpu.vector_load %arg12[%get3A_2244, %get3A_2245] {strides = array<i32>} : memref<128x128xf32, #tpu.memory_space<vmem>>, vector<1x16xf32>,
        %get3A_2247 = vector.shape_cast %get3A_2246 : vector<1x16xf32> to vector<16xf32>
        %mul3A_2248 = arith.mulf %gather3A_2129, %get3A_2247 : vector<16xf32>
        %get3A_2249 = arith.index_cast %add3A_2125 : i32 to index
        %get3A_2250 = arith.constant 80 : index
        %get3A_2251 = tpu.vector_load %arg13[%get3A_2249, %get3A_2250] {strides = array<i32>} : memref<128x128xf32, #tpu.memory_space<vmem>>, vector<1x16xf32>,
        %get3A_2252 = vector.shape_cast %get3A_2251 : vector<1x16xf32> to vector<16xf32>
        %mul3A_2253 = arith.mulf %gather3A_2131, %get3A_2252 : vector<16xf32>
        %add3A_2254 = arith.addf %mul3A_2248, %mul3A_2253 : vector<16xf32>
        %get3A_2255 = arith.index_cast %add3A_2125 : i32 to index
        %get3A_2256 = arith.constant 80 : index
        %get3A_2257 = tpu.vector_load %arg14[%get3A_2255, %get3A_2256] {strides = array<i32>} : memref<128x128xf32, #tpu.memory_space<vmem>>, vector<1x16xf32>,
        %get3A_2258 = vector.shape_cast %get3A_2257 : vector<1x16xf32> to vector<16xf32>
        %mul3A_2259 = arith.mulf %gather3A_2133, %get3A_2258 : vector<16xf32>
        %add3A_2260 = arith.addf %add3A_2254, %mul3A_2259 : vector<16xf32>
        %swap3A_2261 = arith.index_cast %add3A_2125 : i32 to index
        %swap3A_2262 = arith.constant 80 : index
        %swap3A_2263 = tpu.vector_load %arg15[%swap3A_2261, %swap3A_2262] {strides = array<i32>} : memref<128x128xf32, #tpu.memory_space<vmem>>, vector<1x16xf32>,
        %swap3A_2264 = vector.shape_cast %swap3A_2263 : vector<1x16xf32> to vector<16xf32>
        %swap3A_2265 = vector.shape_cast %add3A_2260 : vector<16xf32> to vector<1x16xf32>
        tpu.vector_store %arg15[%swap3A_2261, %swap3A_2262], %swap3A_2265 {strides = array<i32>} : memref<128x128xf32, #tpu.memory_space<vmem>>, vector<1x16xf32>,
        %get3A_2266 = arith.index_cast %add3A_2125 : i32 to index
        %get3A_2267 = arith.constant 96 : index
        %get3A_2268 = tpu.vector_load %arg12[%get3A_2266, %get3A_2267] {strides = array<i32>} : memref<128x128xf32, #tpu.memory_space<vmem>>, vector<1x16xf32>,
        %get3A_2269 = vector.shape_cast %get3A_2268 : vector<1x16xf32> to vector<16xf32>
        %mul3A_2270 = arith.mulf %gather3A_2129, %get3A_2269 : vector<16xf32>
        %get3A_2271 = arith.index_cast %add3A_2125 : i32 to index
        %get3A_2272 = arith.constant 96 : index
        %get3A_2273 = tpu.vector_load %arg13[%get3A_2271, %get3A_2272] {strides = array<i32>} : memref<128x128xf32, #tpu.memory_space<vmem>>, vector<1x16xf32>,
        %get3A_2274 = vector.shape_cast %get3A_2273 : vector<1x16xf32> to vector<16xf32>
        %mul3A_2275 = arith.mulf %gather3A_2131, %get3A_2274 : vector<16xf32>
        %add3A_2276 = arith.addf %mul3A_2270, %mul3A_2275 : vector<16xf32>
        %get3A_2277 = arith.index_cast %add3A_2125 : i32 to index
        %get3A_2278 = arith.constant 96 : index
        %get3A_2279 = tpu.vector_load %arg14[%get3A_2277, %get3A_2278] {strides = array<i32>} : memref<128x128xf32, #tpu.memory_space<vmem>>, vector<1x16xf32>,
        %get3A_2280 = vector.shape_cast %get3A_2279 : vector<1x16xf32> to vector<16xf32>
        %mul3A_2281 = arith.mulf %gather3A_2133, %get3A_2280 : vector<16xf32>
        %add3A_2282 = arith.addf %add3A_2276, %mul3A_2281 : vector<16xf32>
        %swap3A_2283 = arith.index_cast %add3A_2125 : i32 to index
        %swap3A_2284 = arith.constant 96 : index
        %swap3A_2285 = tpu.vector_load %arg15[%swap3A_2283, %swap3A_2284] {strides = array<i32>} : memref<128x128xf32, #tpu.memory_space<vmem>>, vector<1x16xf32>,
        %swap3A_2286 = vector.shape_cast %swap3A_2285 : vector<1x16xf32> to vector<16xf32>
        %swap3A_2287 = vector.shape_cast %add3A_2282 : vector<16xf32> to vector<1x16xf32>
        tpu.vector_store %arg15[%swap3A_2283, %swap3A_2284], %swap3A_2287 {strides = array<i32>} : memref<128x128xf32, #tpu.memory_space<vmem>>, vector<1x16xf32>,
        %get3A_2288 = arith.index_cast %add3A_2125 : i32 to index
        %get3A_2289 = arith.constant 112 : index
        %get3A_2290 = tpu.vector_load %arg12[%get3A_2288, %get3A_2289] {strides = array<i32>} : memref<128x128xf32, #tpu.memory_space<vmem>>, vector<1x16xf32>,
        %get3A_2291 = vector.shape_cast %get3A_2290 : vector<1x16xf32> to vector<16xf32>
        %mul3A_2292 = arith.mulf %gather3A_2129, %get3A_2291 : vector<16xf32>
        %get3A_2293 = arith.index_cast %add3A_2125 : i32 to index
        %get3A_2294 = arith.constant 112 : index
        %get3A_2295 = tpu.vector_load %arg13[%get3A_2293, %get3A_2294] {strides = array<i32>} : memref<128x128xf32, #tpu.memory_space<vmem>>, vector<1x16xf32>,
        %get3A_2296 = vector.shape_cast %get3A_2295 : vector<1x16xf32> to vector<16xf32>
        %mul3A_2297 = arith.mulf %gather3A_2131, %get3A_2296 : vector<16xf32>
        %add3A_2298 = arith.addf %mul3A_2292, %mul3A_2297 : vector<16xf32>
        %get3A_2299 = arith.index_cast %add3A_2125 : i32 to index
        %get3A_2300 = arith.constant 112 : index
        %get3A_2301 = tpu.vector_load %arg14[%get3A_2299, %get3A_2300] {strides = array<i32>} : memref<128x128xf32, #tpu.memory_space<vmem>>, vector<1x16xf32>,
        %get3A_2302 = vector.shape_cast %get3A_2301 : vector<1x16xf32> to vector<16xf32>
        %mul3A_2303 = arith.mulf %gather3A_2133, %get3A_2302 : vector<16xf32>
        %add3A_2304 = arith.addf %add3A_2298, %mul3A_2303 : vector<16xf32>
        %swap3A_2305 = arith.index_cast %add3A_2125 : i32 to index
        %swap3A_2306 = arith.constant 112 : index
        %swap3A_2307 = tpu.vector_load %arg15[%swap3A_2305, %swap3A_2306] {strides = array<i32>} : memref<128x128xf32, #tpu.memory_space<vmem>>, vector<1x16xf32>,
        %swap3A_2308 = vector.shape_cast %swap3A_2307 : vector<1x16xf32> to vector<16xf32>
        %swap3A_2309 = vector.shape_cast %add3A_2304 : vector<16xf32> to vector<1x16xf32>
        tpu.vector_store %arg15[%swap3A_2305, %swap3A_2306], %swap3A_2309 {strides = array<i32>} : memref<128x128xf32, #tpu.memory_space<vmem>>, vector<1x16xf32>,
        %mul3A_2310 = arith.constant 16 : i32
        %mul3A_2311 = arith.muli %scan3A_42, %mul3A_2310 : i32
        %add3A_2312 = arith.constant 12 : i32
        %add3A_2313 = arith.addi %mul3A_2311, %add3A_2312 : i32
        %broadcast_in_dim3A_2314 = arith.constant 12 : i32
        %broadcast_in_dim3A_2315 = vector.broadcast %broadcast_in_dim3A_2314 : i32 to vector<16x1xi32>
        %gather3A_2316 = vector.shape_cast %broadcast_in_dim3A_2315 : vector<16x1xi32> to vector<16xi32>
        %gather3A_2317 = tpu.dynamic_gather %get3A_46[%gather3A_2316] in [0] : vector<16xf32>, vector<16xi32> -> vector<16xf32>
        %gather3A_2318 = vector.shape_cast %broadcast_in_dim3A_2315 : vector<16x1xi32> to vector<16xi32>
        %gather3A_2319 = tpu.dynamic_gather %get3A_51[%gather3A_2318] in [0] : vector<16xf32>, vector<16xi32> -> vector<16xf32>
        %gather3A_2320 = vector.shape_cast %broadcast_in_dim3A_2315 : vector<16x1xi32> to vector<16xi32>
        %gather3A_2321 = tpu.dynamic_gather %get3A_56[%gather3A_2320] in [0] : vector<16xf32>, vector<16xi32> -> vector<16xf32>
        %get3A_2322 = arith.index_cast %add3A_2313 : i32 to index
        %get3A_2323 = arith.constant 0 : index
        %get3A_2324 = tpu.vector_load %arg12[%get3A_2322, %get3A_2323] {strides = array<i32>} : memref<128x128xf32, #tpu.memory_space<vmem>>, vector<1x16xf32>,
        %get3A_2325 = vector.shape_cast %get3A_2324 : vector<1x16xf32> to vector<16xf32>
        %mul3A_2326 = arith.mulf %gather3A_2317, %get3A_2325 : vector<16xf32>
        %get3A_2327 = arith.index_cast %add3A_2313 : i32 to index
        %get3A_2328 = arith.constant 0 : index
        %get3A_2329 = tpu.vector_load %arg13[%get3A_2327, %get3A_2328] {strides = array<i32>} : memref<128x128xf32, #tpu.memory_space<vmem>>, vector<1x16xf32>,
        %get3A_2330 = vector.shape_cast %get3A_2329 : vector<1x16xf32> to vector<16xf32>
        %mul3A_2331 = arith.mulf %gather3A_2319, %get3A_2330 : vector<16xf32>
        %add3A_2332 = arith.addf %mul3A_2326, %mul3A_2331 : vector<16xf32>
        %get3A_2333 = arith.index_cast %add3A_2313 : i32 to index
        %get3A_2334 = arith.constant 0 : index
        %get3A_2335 = tpu.vector_load %arg14[%get3A_2333, %get3A_2334] {strides = array<i32>} : memref<128x128xf32, #tpu.memory_space<vmem>>, vector<1x16xf32>,
        %get3A_2336 = vector.shape_cast %get3A_2335 : vector<1x16xf32> to vector<16xf32>
        %mul3A_2337 = arith.mulf %gather3A_2321, %get3A_2336 : vector<16xf32>
        %add3A_2338 = arith.addf %add3A_2332, %mul3A_2337 : vector<16xf32>
        %swap3A_2339 = arith.index_cast %add3A_2313 : i32 to index
        %swap3A_2340 = arith.constant 0 : index
        %swap3A_2341 = tpu.vector_load %arg15[%swap3A_2339, %swap3A_2340] {strides = array<i32>} : memref<128x128xf32, #tpu.memory_space<vmem>>, vector<1x16xf32>,
        %swap3A_2342 = vector.shape_cast %swap3A_2341 : vector<1x16xf32> to vector<16xf32>
        %swap3A_2343 = vector.shape_cast %add3A_2338 : vector<16xf32> to vector<1x16xf32>
        tpu.vector_store %arg15[%swap3A_2339, %swap3A_2340], %swap3A_2343 {strides = array<i32>} : memref<128x128xf32, #tpu.memory_space<vmem>>, vector<1x16xf32>,
        %get3A_2344 = arith.index_cast %add3A_2313 : i32 to index
        %get3A_2345 = arith.constant 16 : index
        %get3A_2346 = tpu.vector_load %arg12[%get3A_2344, %get3A_2345] {strides = array<i32>} : memref<128x128xf32, #tpu.memory_space<vmem>>, vector<1x16xf32>,
        %get3A_2347 = vector.shape_cast %get3A_2346 : vector<1x16xf32> to vector<16xf32>
        %mul3A_2348 = arith.mulf %gather3A_2317, %get3A_2347 : vector<16xf32>
        %get3A_2349 = arith.index_cast %add3A_2313 : i32 to index
        %get3A_2350 = arith.constant 16 : index
        %get3A_2351 = tpu.vector_load %arg13[%get3A_2349, %get3A_2350] {strides = array<i32>} : memref<128x128xf32, #tpu.memory_space<vmem>>, vector<1x16xf32>,
        %get3A_2352 = vector.shape_cast %get3A_2351 : vector<1x16xf32> to vector<16xf32>
        %mul3A_2353 = arith.mulf %gather3A_2319, %get3A_2352 : vector<16xf32>
        %add3A_2354 = arith.addf %mul3A_2348, %mul3A_2353 : vector<16xf32>
        %get3A_2355 = arith.index_cast %add3A_2313 : i32 to index
        %get3A_2356 = arith.constant 16 : index
        %get3A_2357 = tpu.vector_load %arg14[%get3A_2355, %get3A_2356] {strides = array<i32>} : memref<128x128xf32, #tpu.memory_space<vmem>>, vector<1x16xf32>,
        %get3A_2358 = vector.shape_cast %get3A_2357 : vector<1x16xf32> to vector<16xf32>
        %mul3A_2359 = arith.mulf %gather3A_2321, %get3A_2358 : vector<16xf32>
        %add3A_2360 = arith.addf %add3A_2354, %mul3A_2359 : vector<16xf32>
        %swap3A_2361 = arith.index_cast %add3A_2313 : i32 to index
        %swap3A_2362 = arith.constant 16 : index
        %swap3A_2363 = tpu.vector_load %arg15[%swap3A_2361, %swap3A_2362] {strides = array<i32>} : memref<128x128xf32, #tpu.memory_space<vmem>>, vector<1x16xf32>,
        %swap3A_2364 = vector.shape_cast %swap3A_2363 : vector<1x16xf32> to vector<16xf32>
        %swap3A_2365 = vector.shape_cast %add3A_2360 : vector<16xf32> to vector<1x16xf32>
        tpu.vector_store %arg15[%swap3A_2361, %swap3A_2362], %swap3A_2365 {strides = array<i32>} : memref<128x128xf32, #tpu.memory_space<vmem>>, vector<1x16xf32>,
        %get3A_2366 = arith.index_cast %add3A_2313 : i32 to index
        %get3A_2367 = arith.constant 32 : index
        %get3A_2368 = tpu.vector_load %arg12[%get3A_2366, %get3A_2367] {strides = array<i32>} : memref<128x128xf32, #tpu.memory_space<vmem>>, vector<1x16xf32>,
        %get3A_2369 = vector.shape_cast %get3A_2368 : vector<1x16xf32> to vector<16xf32>
        %mul3A_2370 = arith.mulf %gather3A_2317, %get3A_2369 : vector<16xf32>
        %get3A_2371 = arith.index_cast %add3A_2313 : i32 to index
        %get3A_2372 = arith.constant 32 : index
        %get3A_2373 = tpu.vector_load %arg13[%get3A_2371, %get3A_2372] {strides = array<i32>} : memref<128x128xf32, #tpu.memory_space<vmem>>, vector<1x16xf32>,
        %get3A_2374 = vector.shape_cast %get3A_2373 : vector<1x16xf32> to vector<16xf32>
        %mul3A_2375 = arith.mulf %gather3A_2319, %get3A_2374 : vector<16xf32>
        %add3A_2376 = arith.addf %mul3A_2370, %mul3A_2375 : vector<16xf32>
        %get3A_2377 = arith.index_cast %add3A_2313 : i32 to index
        %get3A_2378 = arith.constant 32 : index
        %get3A_2379 = tpu.vector_load %arg14[%get3A_2377, %get3A_2378] {strides = array<i32>} : memref<128x128xf32, #tpu.memory_space<vmem>>, vector<1x16xf32>,
        %get3A_2380 = vector.shape_cast %get3A_2379 : vector<1x16xf32> to vector<16xf32>
        %mul3A_2381 = arith.mulf %gather3A_2321, %get3A_2380 : vector<16xf32>
        %add3A_2382 = arith.addf %add3A_2376, %mul3A_2381 : vector<16xf32>
        %swap3A_2383 = arith.index_cast %add3A_2313 : i32 to index
        %swap3A_2384 = arith.constant 32 : index
        %swap3A_2385 = tpu.vector_load %arg15[%swap3A_2383, %swap3A_2384] {strides = array<i32>} : memref<128x128xf32, #tpu.memory_space<vmem>>, vector<1x16xf32>,
        %swap3A_2386 = vector.shape_cast %swap3A_2385 : vector<1x16xf32> to vector<16xf32>
        %swap3A_2387 = vector.shape_cast %add3A_2382 : vector<16xf32> to vector<1x16xf32>
        tpu.vector_store %arg15[%swap3A_2383, %swap3A_2384], %swap3A_2387 {strides = array<i32>} : memref<128x128xf32, #tpu.memory_space<vmem>>, vector<1x16xf32>,
        %get3A_2388 = arith.index_cast %add3A_2313 : i32 to index
        %get3A_2389 = arith.constant 48 : index
        %get3A_2390 = tpu.vector_load %arg12[%get3A_2388, %get3A_2389] {strides = array<i32>} : memref<128x128xf32, #tpu.memory_space<vmem>>, vector<1x16xf32>,
        %get3A_2391 = vector.shape_cast %get3A_2390 : vector<1x16xf32> to vector<16xf32>
        %mul3A_2392 = arith.mulf %gather3A_2317, %get3A_2391 : vector<16xf32>
        %get3A_2393 = arith.index_cast %add3A_2313 : i32 to index
        %get3A_2394 = arith.constant 48 : index
        %get3A_2395 = tpu.vector_load %arg13[%get3A_2393, %get3A_2394] {strides = array<i32>} : memref<128x128xf32, #tpu.memory_space<vmem>>, vector<1x16xf32>,
        %get3A_2396 = vector.shape_cast %get3A_2395 : vector<1x16xf32> to vector<16xf32>
        %mul3A_2397 = arith.mulf %gather3A_2319, %get3A_2396 : vector<16xf32>
        %add3A_2398 = arith.addf %mul3A_2392, %mul3A_2397 : vector<16xf32>
        %get3A_2399 = arith.index_cast %add3A_2313 : i32 to index
        %get3A_2400 = arith.constant 48 : index
        %get3A_2401 = tpu.vector_load %arg14[%get3A_2399, %get3A_2400] {strides = array<i32>} : memref<128x128xf32, #tpu.memory_space<vmem>>, vector<1x16xf32>,
        %get3A_2402 = vector.shape_cast %get3A_2401 : vector<1x16xf32> to vector<16xf32>
        %mul3A_2403 = arith.mulf %gather3A_2321, %get3A_2402 : vector<16xf32>
        %add3A_2404 = arith.addf %add3A_2398, %mul3A_2403 : vector<16xf32>
        %swap3A_2405 = arith.index_cast %add3A_2313 : i32 to index
        %swap3A_2406 = arith.constant 48 : index
        %swap3A_2407 = tpu.vector_load %arg15[%swap3A_2405, %swap3A_2406] {strides = array<i32>} : memref<128x128xf32, #tpu.memory_space<vmem>>, vector<1x16xf32>,
        %swap3A_2408 = vector.shape_cast %swap3A_2407 : vector<1x16xf32> to vector<16xf32>
        %swap3A_2409 = vector.shape_cast %add3A_2404 : vector<16xf32> to vector<1x16xf32>
        tpu.vector_store %arg15[%swap3A_2405, %swap3A_2406], %swap3A_2409 {strides = array<i32>} : memref<128x128xf32, #tpu.memory_space<vmem>>, vector<1x16xf32>,
        %get3A_2410 = arith.index_cast %add3A_2313 : i32 to index
        %get3A_2411 = arith.constant 64 : index
        %get3A_2412 = tpu.vector_load %arg12[%get3A_2410, %get3A_2411] {strides = array<i32>} : memref<128x128xf32, #tpu.memory_space<vmem>>, vector<1x16xf32>,
        %get3A_2413 = vector.shape_cast %get3A_2412 : vector<1x16xf32> to vector<16xf32>
        %mul3A_2414 = arith.mulf %gather3A_2317, %get3A_2413 : vector<16xf32>
        %get3A_2415 = arith.index_cast %add3A_2313 : i32 to index
        %get3A_2416 = arith.constant 64 : index
        %get3A_2417 = tpu.vector_load %arg13[%get3A_2415, %get3A_2416] {strides = array<i32>} : memref<128x128xf32, #tpu.memory_space<vmem>>, vector<1x16xf32>,
        %get3A_2418 = vector.shape_cast %get3A_2417 : vector<1x16xf32> to vector<16xf32>
        %mul3A_2419 = arith.mulf %gather3A_2319, %get3A_2418 : vector<16xf32>
        %add3A_2420 = arith.addf %mul3A_2414, %mul3A_2419 : vector<16xf32>
        %get3A_2421 = arith.index_cast %add3A_2313 : i32 to index
        %get3A_2422 = arith.constant 64 : index
        %get3A_2423 = tpu.vector_load %arg14[%get3A_2421, %get3A_2422] {strides = array<i32>} : memref<128x128xf32, #tpu.memory_space<vmem>>, vector<1x16xf32>,
        %get3A_2424 = vector.shape_cast %get3A_2423 : vector<1x16xf32> to vector<16xf32>
        %mul3A_2425 = arith.mulf %gather3A_2321, %get3A_2424 : vector<16xf32>
        %add3A_2426 = arith.addf %add3A_2420, %mul3A_2425 : vector<16xf32>
        %swap3A_2427 = arith.index_cast %add3A_2313 : i32 to index
        %swap3A_2428 = arith.constant 64 : index
        %swap3A_2429 = tpu.vector_load %arg15[%swap3A_2427, %swap3A_2428] {strides = array<i32>} : memref<128x128xf32, #tpu.memory_space<vmem>>, vector<1x16xf32>,
        %swap3A_2430 = vector.shape_cast %swap3A_2429 : vector<1x16xf32> to vector<16xf32>
        %swap3A_2431 = vector.shape_cast %add3A_2426 : vector<16xf32> to vector<1x16xf32>
        tpu.vector_store %arg15[%swap3A_2427, %swap3A_2428], %swap3A_2431 {strides = array<i32>} : memref<128x128xf32, #tpu.memory_space<vmem>>, vector<1x16xf32>,
        %get3A_2432 = arith.index_cast %add3A_2313 : i32 to index
        %get3A_2433 = arith.constant 80 : index
        %get3A_2434 = tpu.vector_load %arg12[%get3A_2432, %get3A_2433] {strides = array<i32>} : memref<128x128xf32, #tpu.memory_space<vmem>>, vector<1x16xf32>,
        %get3A_2435 = vector.shape_cast %get3A_2434 : vector<1x16xf32> to vector<16xf32>
        %mul3A_2436 = arith.mulf %gather3A_2317, %get3A_2435 : vector<16xf32>
        %get3A_2437 = arith.index_cast %add3A_2313 : i32 to index
        %get3A_2438 = arith.constant 80 : index
        %get3A_2439 = tpu.vector_load %arg13[%get3A_2437, %get3A_2438] {strides = array<i32>} : memref<128x128xf32, #tpu.memory_space<vmem>>, vector<1x16xf32>,
        %get3A_2440 = vector.shape_cast %get3A_2439 : vector<1x16xf32> to vector<16xf32>
        %mul3A_2441 = arith.mulf %gather3A_2319, %get3A_2440 : vector<16xf32>
        %add3A_2442 = arith.addf %mul3A_2436, %mul3A_2441 : vector<16xf32>
        %get3A_2443 = arith.index_cast %add3A_2313 : i32 to index
        %get3A_2444 = arith.constant 80 : index
        %get3A_2445 = tpu.vector_load %arg14[%get3A_2443, %get3A_2444] {strides = array<i32>} : memref<128x128xf32, #tpu.memory_space<vmem>>, vector<1x16xf32>,
        %get3A_2446 = vector.shape_cast %get3A_2445 : vector<1x16xf32> to vector<16xf32>
        %mul3A_2447 = arith.mulf %gather3A_2321, %get3A_2446 : vector<16xf32>
        %add3A_2448 = arith.addf %add3A_2442, %mul3A_2447 : vector<16xf32>
        %swap3A_2449 = arith.index_cast %add3A_2313 : i32 to index
        %swap3A_2450 = arith.constant 80 : index
        %swap3A_2451 = tpu.vector_load %arg15[%swap3A_2449, %swap3A_2450] {strides = array<i32>} : memref<128x128xf32, #tpu.memory_space<vmem>>, vector<1x16xf32>,
        %swap3A_2452 = vector.shape_cast %swap3A_2451 : vector<1x16xf32> to vector<16xf32>
        %swap3A_2453 = vector.shape_cast %add3A_2448 : vector<16xf32> to vector<1x16xf32>
        tpu.vector_store %arg15[%swap3A_2449, %swap3A_2450], %swap3A_2453 {strides = array<i32>} : memref<128x128xf32, #tpu.memory_space<vmem>>, vector<1x16xf32>,
        %get3A_2454 = arith.index_cast %add3A_2313 : i32 to index
        %get3A_2455 = arith.constant 96 : index
        %get3A_2456 = tpu.vector_load %arg12[%get3A_2454, %get3A_2455] {strides = array<i32>} : memref<128x128xf32, #tpu.memory_space<vmem>>, vector<1x16xf32>,
        %get3A_2457 = vector.shape_cast %get3A_2456 : vector<1x16xf32> to vector<16xf32>
        %mul3A_2458 = arith.mulf %gather3A_2317, %get3A_2457 : vector<16xf32>
        %get3A_2459 = arith.index_cast %add3A_2313 : i32 to index
        %get3A_2460 = arith.constant 96 : index
        %get3A_2461 = tpu.vector_load %arg13[%get3A_2459, %get3A_2460] {strides = array<i32>} : memref<128x128xf32, #tpu.memory_space<vmem>>, vector<1x16xf32>,
        %get3A_2462 = vector.shape_cast %get3A_2461 : vector<1x16xf32> to vector<16xf32>
        %mul3A_2463 = arith.mulf %gather3A_2319, %get3A_2462 : vector<16xf32>
        %add3A_2464 = arith.addf %mul3A_2458, %mul3A_2463 : vector<16xf32>
        %get3A_2465 = arith.index_cast %add3A_2313 : i32 to index
        %get3A_2466 = arith.constant 96 : index
        %get3A_2467 = tpu.vector_load %arg14[%get3A_2465, %get3A_2466] {strides = array<i32>} : memref<128x128xf32, #tpu.memory_space<vmem>>, vector<1x16xf32>,
        %get3A_2468 = vector.shape_cast %get3A_2467 : vector<1x16xf32> to vector<16xf32>
        %mul3A_2469 = arith.mulf %gather3A_2321, %get3A_2468 : vector<16xf32>
        %add3A_2470 = arith.addf %add3A_2464, %mul3A_2469 : vector<16xf32>
        %swap3A_2471 = arith.index_cast %add3A_2313 : i32 to index
        %swap3A_2472 = arith.constant 96 : index
        %swap3A_2473 = tpu.vector_load %arg15[%swap3A_2471, %swap3A_2472] {strides = array<i32>} : memref<128x128xf32, #tpu.memory_space<vmem>>, vector<1x16xf32>,
        %swap3A_2474 = vector.shape_cast %swap3A_2473 : vector<1x16xf32> to vector<16xf32>
        %swap3A_2475 = vector.shape_cast %add3A_2470 : vector<16xf32> to vector<1x16xf32>
        tpu.vector_store %arg15[%swap3A_2471, %swap3A_2472], %swap3A_2475 {strides = array<i32>} : memref<128x128xf32, #tpu.memory_space<vmem>>, vector<1x16xf32>,
        %get3A_2476 = arith.index_cast %add3A_2313 : i32 to index
        %get3A_2477 = arith.constant 112 : index
        %get3A_2478 = tpu.vector_load %arg12[%get3A_2476, %get3A_2477] {strides = array<i32>} : memref<128x128xf32, #tpu.memory_space<vmem>>, vector<1x16xf32>,
        %get3A_2479 = vector.shape_cast %get3A_2478 : vector<1x16xf32> to vector<16xf32>
        %mul3A_2480 = arith.mulf %gather3A_2317, %get3A_2479 : vector<16xf32>
        %get3A_2481 = arith.index_cast %add3A_2313 : i32 to index
        %get3A_2482 = arith.constant 112 : index
        %get3A_2483 = tpu.vector_load %arg13[%get3A_2481, %get3A_2482] {strides = array<i32>} : memref<128x128xf32, #tpu.memory_space<vmem>>, vector<1x16xf32>,
        %get3A_2484 = vector.shape_cast %get3A_2483 : vector<1x16xf32> to vector<16xf32>
        %mul3A_2485 = arith.mulf %gather3A_2319, %get3A_2484 : vector<16xf32>
        %add3A_2486 = arith.addf %mul3A_2480, %mul3A_2485 : vector<16xf32>
        %get3A_2487 = arith.index_cast %add3A_2313 : i32 to index
        %get3A_2488 = arith.constant 112 : index
        %get3A_2489 = tpu.vector_load %arg14[%get3A_2487, %get3A_2488] {strides = array<i32>} : memref<128x128xf32, #tpu.memory_space<vmem>>, vector<1x16xf32>,
        %get3A_2490 = vector.shape_cast %get3A_2489 : vector<1x16xf32> to vector<16xf32>
        %mul3A_2491 = arith.mulf %gather3A_2321, %get3A_2490 : vector<16xf32>
        %add3A_2492 = arith.addf %add3A_2486, %mul3A_2491 : vector<16xf32>
        %swap3A_2493 = arith.index_cast %add3A_2313 : i32 to index
        %swap3A_2494 = arith.constant 112 : index
        %swap3A_2495 = tpu.vector_load %arg15[%swap3A_2493, %swap3A_2494] {strides = array<i32>} : memref<128x128xf32, #tpu.memory_space<vmem>>, vector<1x16xf32>,
        %swap3A_2496 = vector.shape_cast %swap3A_2495 : vector<1x16xf32> to vector<16xf32>
        %swap3A_2497 = vector.shape_cast %add3A_2492 : vector<16xf32> to vector<1x16xf32>
        tpu.vector_store %arg15[%swap3A_2493, %swap3A_2494], %swap3A_2497 {strides = array<i32>} : memref<128x128xf32, #tpu.memory_space<vmem>>, vector<1x16xf32>,
        %mul3A_2498 = arith.constant 16 : i32
        %mul3A_2499 = arith.muli %scan3A_42, %mul3A_2498 : i32
        %add3A_2500 = arith.constant 13 : i32
        %add3A_2501 = arith.addi %mul3A_2499, %add3A_2500 : i32
        %broadcast_in_dim3A_2502 = arith.constant 13 : i32
        %broadcast_in_dim3A_2503 = vector.broadcast %broadcast_in_dim3A_2502 : i32 to vector<16x1xi32>
        %gather3A_2504 = vector.shape_cast %broadcast_in_dim3A_2503 : vector<16x1xi32> to vector<16xi32>
        %gather3A_2505 = tpu.dynamic_gather %get3A_46[%gather3A_2504] in [0] : vector<16xf32>, vector<16xi32> -> vector<16xf32>
        %gather3A_2506 = vector.shape_cast %broadcast_in_dim3A_2503 : vector<16x1xi32> to vector<16xi32>
        %gather3A_2507 = tpu.dynamic_gather %get3A_51[%gather3A_2506] in [0] : vector<16xf32>, vector<16xi32> -> vector<16xf32>
        %gather3A_2508 = vector.shape_cast %broadcast_in_dim3A_2503 : vector<16x1xi32> to vector<16xi32>
        %gather3A_2509 = tpu.dynamic_gather %get3A_56[%gather3A_2508] in [0] : vector<16xf32>, vector<16xi32> -> vector<16xf32>
        %get3A_2510 = arith.index_cast %add3A_2501 : i32 to index
        %get3A_2511 = arith.constant 0 : index
        %get3A_2512 = tpu.vector_load %arg12[%get3A_2510, %get3A_2511] {strides = array<i32>} : memref<128x128xf32, #tpu.memory_space<vmem>>, vector<1x16xf32>,
        %get3A_2513 = vector.shape_cast %get3A_2512 : vector<1x16xf32> to vector<16xf32>
        %mul3A_2514 = arith.mulf %gather3A_2505, %get3A_2513 : vector<16xf32>
        %get3A_2515 = arith.index_cast %add3A_2501 : i32 to index
        %get3A_2516 = arith.constant 0 : index
        %get3A_2517 = tpu.vector_load %arg13[%get3A_2515, %get3A_2516] {strides = array<i32>} : memref<128x128xf32, #tpu.memory_space<vmem>>, vector<1x16xf32>,
        %get3A_2518 = vector.shape_cast %get3A_2517 : vector<1x16xf32> to vector<16xf32>
        %mul3A_2519 = arith.mulf %gather3A_2507, %get3A_2518 : vector<16xf32>
        %add3A_2520 = arith.addf %mul3A_2514, %mul3A_2519 : vector<16xf32>
        %get3A_2521 = arith.index_cast %add3A_2501 : i32 to index
        %get3A_2522 = arith.constant 0 : index
        %get3A_2523 = tpu.vector_load %arg14[%get3A_2521, %get3A_2522] {strides = array<i32>} : memref<128x128xf32, #tpu.memory_space<vmem>>, vector<1x16xf32>,
        %get3A_2524 = vector.shape_cast %get3A_2523 : vector<1x16xf32> to vector<16xf32>
        %mul3A_2525 = arith.mulf %gather3A_2509, %get3A_2524 : vector<16xf32>
        %add3A_2526 = arith.addf %add3A_2520, %mul3A_2525 : vector<16xf32>
        %swap3A_2527 = arith.index_cast %add3A_2501 : i32 to index
        %swap3A_2528 = arith.constant 0 : index
        %swap3A_2529 = tpu.vector_load %arg15[%swap3A_2527, %swap3A_2528] {strides = array<i32>} : memref<128x128xf32, #tpu.memory_space<vmem>>, vector<1x16xf32>,
        %swap3A_2530 = vector.shape_cast %swap3A_2529 : vector<1x16xf32> to vector<16xf32>
        %swap3A_2531 = vector.shape_cast %add3A_2526 : vector<16xf32> to vector<1x16xf32>
        tpu.vector_store %arg15[%swap3A_2527, %swap3A_2528], %swap3A_2531 {strides = array<i32>} : memref<128x128xf32, #tpu.memory_space<vmem>>, vector<1x16xf32>,
        %get3A_2532 = arith.index_cast %add3A_2501 : i32 to index
        %get3A_2533 = arith.constant 16 : index
        %get3A_2534 = tpu.vector_load %arg12[%get3A_2532, %get3A_2533] {strides = array<i32>} : memref<128x128xf32, #tpu.memory_space<vmem>>, vector<1x16xf32>,
        %get3A_2535 = vector.shape_cast %get3A_2534 : vector<1x16xf32> to vector<16xf32>
        %mul3A_2536 = arith.mulf %gather3A_2505, %get3A_2535 : vector<16xf32>
        %get3A_2537 = arith.index_cast %add3A_2501 : i32 to index
        %get3A_2538 = arith.constant 16 : index
        %get3A_2539 = tpu.vector_load %arg13[%get3A_2537, %get3A_2538] {strides = array<i32>} : memref<128x128xf32, #tpu.memory_space<vmem>>, vector<1x16xf32>,
        %get3A_2540 = vector.shape_cast %get3A_2539 : vector<1x16xf32> to vector<16xf32>
        %mul3A_2541 = arith.mulf %gather3A_2507, %get3A_2540 : vector<16xf32>
        %add3A_2542 = arith.addf %mul3A_2536, %mul3A_2541 : vector<16xf32>
        %get3A_2543 = arith.index_cast %add3A_2501 : i32 to index
        %get3A_2544 = arith.constant 16 : index
        %get3A_2545 = tpu.vector_load %arg14[%get3A_2543, %get3A_2544] {strides = array<i32>} : memref<128x128xf32, #tpu.memory_space<vmem>>, vector<1x16xf32>,
        %get3A_2546 = vector.shape_cast %get3A_2545 : vector<1x16xf32> to vector<16xf32>
        %mul3A_2547 = arith.mulf %gather3A_2509, %get3A_2546 : vector<16xf32>
        %add3A_2548 = arith.addf %add3A_2542, %mul3A_2547 : vector<16xf32>
        %swap3A_2549 = arith.index_cast %add3A_2501 : i32 to index
        %swap3A_2550 = arith.constant 16 : index
        %swap3A_2551 = tpu.vector_load %arg15[%swap3A_2549, %swap3A_2550] {strides = array<i32>} : memref<128x128xf32, #tpu.memory_space<vmem>>, vector<1x16xf32>,
        %swap3A_2552 = vector.shape_cast %swap3A_2551 : vector<1x16xf32> to vector<16xf32>
        %swap3A_2553 = vector.shape_cast %add3A_2548 : vector<16xf32> to vector<1x16xf32>
        tpu.vector_store %arg15[%swap3A_2549, %swap3A_2550], %swap3A_2553 {strides = array<i32>} : memref<128x128xf32, #tpu.memory_space<vmem>>, vector<1x16xf32>,
        %get3A_2554 = arith.index_cast %add3A_2501 : i32 to index
        %get3A_2555 = arith.constant 32 : index
        %get3A_2556 = tpu.vector_load %arg12[%get3A_2554, %get3A_2555] {strides = array<i32>} : memref<128x128xf32, #tpu.memory_space<vmem>>, vector<1x16xf32>,
        %get3A_2557 = vector.shape_cast %get3A_2556 : vector<1x16xf32> to vector<16xf32>
        %mul3A_2558 = arith.mulf %gather3A_2505, %get3A_2557 : vector<16xf32>
        %get3A_2559 = arith.index_cast %add3A_2501 : i32 to index
        %get3A_2560 = arith.constant 32 : index
        %get3A_2561 = tpu.vector_load %arg13[%get3A_2559, %get3A_2560] {strides = array<i32>} : memref<128x128xf32, #tpu.memory_space<vmem>>, vector<1x16xf32>,
        %get3A_2562 = vector.shape_cast %get3A_2561 : vector<1x16xf32> to vector<16xf32>
        %mul3A_2563 = arith.mulf %gather3A_2507, %get3A_2562 : vector<16xf32>
        %add3A_2564 = arith.addf %mul3A_2558, %mul3A_2563 : vector<16xf32>
        %get3A_2565 = arith.index_cast %add3A_2501 : i32 to index
        %get3A_2566 = arith.constant 32 : index
        %get3A_2567 = tpu.vector_load %arg14[%get3A_2565, %get3A_2566] {strides = array<i32>} : memref<128x128xf32, #tpu.memory_space<vmem>>, vector<1x16xf32>,
        %get3A_2568 = vector.shape_cast %get3A_2567 : vector<1x16xf32> to vector<16xf32>
        %mul3A_2569 = arith.mulf %gather3A_2509, %get3A_2568 : vector<16xf32>
        %add3A_2570 = arith.addf %add3A_2564, %mul3A_2569 : vector<16xf32>
        %swap3A_2571 = arith.index_cast %add3A_2501 : i32 to index
        %swap3A_2572 = arith.constant 32 : index
        %swap3A_2573 = tpu.vector_load %arg15[%swap3A_2571, %swap3A_2572] {strides = array<i32>} : memref<128x128xf32, #tpu.memory_space<vmem>>, vector<1x16xf32>,
        %swap3A_2574 = vector.shape_cast %swap3A_2573 : vector<1x16xf32> to vector<16xf32>
        %swap3A_2575 = vector.shape_cast %add3A_2570 : vector<16xf32> to vector<1x16xf32>
        tpu.vector_store %arg15[%swap3A_2571, %swap3A_2572], %swap3A_2575 {strides = array<i32>} : memref<128x128xf32, #tpu.memory_space<vmem>>, vector<1x16xf32>,
        %get3A_2576 = arith.index_cast %add3A_2501 : i32 to index
        %get3A_2577 = arith.constant 48 : index
        %get3A_2578 = tpu.vector_load %arg12[%get3A_2576, %get3A_2577] {strides = array<i32>} : memref<128x128xf32, #tpu.memory_space<vmem>>, vector<1x16xf32>,
        %get3A_2579 = vector.shape_cast %get3A_2578 : vector<1x16xf32> to vector<16xf32>
        %mul3A_2580 = arith.mulf %gather3A_2505, %get3A_2579 : vector<16xf32>
        %get3A_2581 = arith.index_cast %add3A_2501 : i32 to index
        %get3A_2582 = arith.constant 48 : index
        %get3A_2583 = tpu.vector_load %arg13[%get3A_2581, %get3A_2582] {strides = array<i32>} : memref<128x128xf32, #tpu.memory_space<vmem>>, vector<1x16xf32>,
        %get3A_2584 = vector.shape_cast %get3A_2583 : vector<1x16xf32> to vector<16xf32>
        %mul3A_2585 = arith.mulf %gather3A_2507, %get3A_2584 : vector<16xf32>
        %add3A_2586 = arith.addf %mul3A_2580, %mul3A_2585 : vector<16xf32>
        %get3A_2587 = arith.index_cast %add3A_2501 : i32 to index
        %get3A_2588 = arith.constant 48 : index
        %get3A_2589 = tpu.vector_load %arg14[%get3A_2587, %get3A_2588] {strides = array<i32>} : memref<128x128xf32, #tpu.memory_space<vmem>>, vector<1x16xf32>,
        %get3A_2590 = vector.shape_cast %get3A_2589 : vector<1x16xf32> to vector<16xf32>
        %mul3A_2591 = arith.mulf %gather3A_2509, %get3A_2590 : vector<16xf32>
        %add3A_2592 = arith.addf %add3A_2586, %mul3A_2591 : vector<16xf32>
        %swap3A_2593 = arith.index_cast %add3A_2501 : i32 to index
        %swap3A_2594 = arith.constant 48 : index
        %swap3A_2595 = tpu.vector_load %arg15[%swap3A_2593, %swap3A_2594] {strides = array<i32>} : memref<128x128xf32, #tpu.memory_space<vmem>>, vector<1x16xf32>,
        %swap3A_2596 = vector.shape_cast %swap3A_2595 : vector<1x16xf32> to vector<16xf32>
        %swap3A_2597 = vector.shape_cast %add3A_2592 : vector<16xf32> to vector<1x16xf32>
        tpu.vector_store %arg15[%swap3A_2593, %swap3A_2594], %swap3A_2597 {strides = array<i32>} : memref<128x128xf32, #tpu.memory_space<vmem>>, vector<1x16xf32>,
        %get3A_2598 = arith.index_cast %add3A_2501 : i32 to index
        %get3A_2599 = arith.constant 64 : index
        %get3A_2600 = tpu.vector_load %arg12[%get3A_2598, %get3A_2599] {strides = array<i32>} : memref<128x128xf32, #tpu.memory_space<vmem>>, vector<1x16xf32>,
        %get3A_2601 = vector.shape_cast %get3A_2600 : vector<1x16xf32> to vector<16xf32>
        %mul3A_2602 = arith.mulf %gather3A_2505, %get3A_2601 : vector<16xf32>
        %get3A_2603 = arith.index_cast %add3A_2501 : i32 to index
        %get3A_2604 = arith.constant 64 : index
        %get3A_2605 = tpu.vector_load %arg13[%get3A_2603, %get3A_2604] {strides = array<i32>} : memref<128x128xf32, #tpu.memory_space<vmem>>, vector<1x16xf32>,
        %get3A_2606 = vector.shape_cast %get3A_2605 : vector<1x16xf32> to vector<16xf32>
        %mul3A_2607 = arith.mulf %gather3A_2507, %get3A_2606 : vector<16xf32>
        %add3A_2608 = arith.addf %mul3A_2602, %mul3A_2607 : vector<16xf32>
        %get3A_2609 = arith.index_cast %add3A_2501 : i32 to index
        %get3A_2610 = arith.constant 64 : index
        %get3A_2611 = tpu.vector_load %arg14[%get3A_2609, %get3A_2610] {strides = array<i32>} : memref<128x128xf32, #tpu.memory_space<vmem>>, vector<1x16xf32>,
        %get3A_2612 = vector.shape_cast %get3A_2611 : vector<1x16xf32> to vector<16xf32>
        %mul3A_2613 = arith.mulf %gather3A_2509, %get3A_2612 : vector<16xf32>
        %add3A_2614 = arith.addf %add3A_2608, %mul3A_2613 : vector<16xf32>
        %swap3A_2615 = arith.index_cast %add3A_2501 : i32 to index
        %swap3A_2616 = arith.constant 64 : index
        %swap3A_2617 = tpu.vector_load %arg15[%swap3A_2615, %swap3A_2616] {strides = array<i32>} : memref<128x128xf32, #tpu.memory_space<vmem>>, vector<1x16xf32>,
        %swap3A_2618 = vector.shape_cast %swap3A_2617 : vector<1x16xf32> to vector<16xf32>
        %swap3A_2619 = vector.shape_cast %add3A_2614 : vector<16xf32> to vector<1x16xf32>
        tpu.vector_store %arg15[%swap3A_2615, %swap3A_2616], %swap3A_2619 {strides = array<i32>} : memref<128x128xf32, #tpu.memory_space<vmem>>, vector<1x16xf32>,
        %get3A_2620 = arith.index_cast %add3A_2501 : i32 to index
        %get3A_2621 = arith.constant 80 : index
        %get3A_2622 = tpu.vector_load %arg12[%get3A_2620, %get3A_2621] {strides = array<i32>} : memref<128x128xf32, #tpu.memory_space<vmem>>, vector<1x16xf32>,
        %get3A_2623 = vector.shape_cast %get3A_2622 : vector<1x16xf32> to vector<16xf32>
        %mul3A_2624 = arith.mulf %gather3A_2505, %get3A_2623 : vector<16xf32>
        %get3A_2625 = arith.index_cast %add3A_2501 : i32 to index
        %get3A_2626 = arith.constant 80 : index
        %get3A_2627 = tpu.vector_load %arg13[%get3A_2625, %get3A_2626] {strides = array<i32>} : memref<128x128xf32, #tpu.memory_space<vmem>>, vector<1x16xf32>,
        %get3A_2628 = vector.shape_cast %get3A_2627 : vector<1x16xf32> to vector<16xf32>
        %mul3A_2629 = arith.mulf %gather3A_2507, %get3A_2628 : vector<16xf32>
        %add3A_2630 = arith.addf %mul3A_2624, %mul3A_2629 : vector<16xf32>
        %get3A_2631 = arith.index_cast %add3A_2501 : i32 to index
        %get3A_2632 = arith.constant 80 : index
        %get3A_2633 = tpu.vector_load %arg14[%get3A_2631, %get3A_2632] {strides = array<i32>} : memref<128x128xf32, #tpu.memory_space<vmem>>, vector<1x16xf32>,
        %get3A_2634 = vector.shape_cast %get3A_2633 : vector<1x16xf32> to vector<16xf32>
        %mul3A_2635 = arith.mulf %gather3A_2509, %get3A_2634 : vector<16xf32>
        %add3A_2636 = arith.addf %add3A_2630, %mul3A_2635 : vector<16xf32>
        %swap3A_2637 = arith.index_cast %add3A_2501 : i32 to index
        %swap3A_2638 = arith.constant 80 : index
        %swap3A_2639 = tpu.vector_load %arg15[%swap3A_2637, %swap3A_2638] {strides = array<i32>} : memref<128x128xf32, #tpu.memory_space<vmem>>, vector<1x16xf32>,
        %swap3A_2640 = vector.shape_cast %swap3A_2639 : vector<1x16xf32> to vector<16xf32>
        %swap3A_2641 = vector.shape_cast %add3A_2636 : vector<16xf32> to vector<1x16xf32>
        tpu.vector_store %arg15[%swap3A_2637, %swap3A_2638], %swap3A_2641 {strides = array<i32>} : memref<128x128xf32, #tpu.memory_space<vmem>>, vector<1x16xf32>,
        %get3A_2642 = arith.index_cast %add3A_2501 : i32 to index
        %get3A_2643 = arith.constant 96 : index
        %get3A_2644 = tpu.vector_load %arg12[%get3A_2642, %get3A_2643] {strides = array<i32>} : memref<128x128xf32, #tpu.memory_space<vmem>>, vector<1x16xf32>,
        %get3A_2645 = vector.shape_cast %get3A_2644 : vector<1x16xf32> to vector<16xf32>
        %mul3A_2646 = arith.mulf %gather3A_2505, %get3A_2645 : vector<16xf32>
        %get3A_2647 = arith.index_cast %add3A_2501 : i32 to index
        %get3A_2648 = arith.constant 96 : index
        %get3A_2649 = tpu.vector_load %arg13[%get3A_2647, %get3A_2648] {strides = array<i32>} : memref<128x128xf32, #tpu.memory_space<vmem>>, vector<1x16xf32>,
        %get3A_2650 = vector.shape_cast %get3A_2649 : vector<1x16xf32> to vector<16xf32>
        %mul3A_2651 = arith.mulf %gather3A_2507, %get3A_2650 : vector<16xf32>
        %add3A_2652 = arith.addf %mul3A_2646, %mul3A_2651 : vector<16xf32>
        %get3A_2653 = arith.index_cast %add3A_2501 : i32 to index
        %get3A_2654 = arith.constant 96 : index
        %get3A_2655 = tpu.vector_load %arg14[%get3A_2653, %get3A_2654] {strides = array<i32>} : memref<128x128xf32, #tpu.memory_space<vmem>>, vector<1x16xf32>,
        %get3A_2656 = vector.shape_cast %get3A_2655 : vector<1x16xf32> to vector<16xf32>
        %mul3A_2657 = arith.mulf %gather3A_2509, %get3A_2656 : vector<16xf32>
        %add3A_2658 = arith.addf %add3A_2652, %mul3A_2657 : vector<16xf32>
        %swap3A_2659 = arith.index_cast %add3A_2501 : i32 to index
        %swap3A_2660 = arith.constant 96 : index
        %swap3A_2661 = tpu.vector_load %arg15[%swap3A_2659, %swap3A_2660] {strides = array<i32>} : memref<128x128xf32, #tpu.memory_space<vmem>>, vector<1x16xf32>,
        %swap3A_2662 = vector.shape_cast %swap3A_2661 : vector<1x16xf32> to vector<16xf32>
        %swap3A_2663 = vector.shape_cast %add3A_2658 : vector<16xf32> to vector<1x16xf32>
        tpu.vector_store %arg15[%swap3A_2659, %swap3A_2660], %swap3A_2663 {strides = array<i32>} : memref<128x128xf32, #tpu.memory_space<vmem>>, vector<1x16xf32>,
        %get3A_2664 = arith.index_cast %add3A_2501 : i32 to index
        %get3A_2665 = arith.constant 112 : index
        %get3A_2666 = tpu.vector_load %arg12[%get3A_2664, %get3A_2665] {strides = array<i32>} : memref<128x128xf32, #tpu.memory_space<vmem>>, vector<1x16xf32>,
        %get3A_2667 = vector.shape_cast %get3A_2666 : vector<1x16xf32> to vector<16xf32>
        %mul3A_2668 = arith.mulf %gather3A_2505, %get3A_2667 : vector<16xf32>
        %get3A_2669 = arith.index_cast %add3A_2501 : i32 to index
        %get3A_2670 = arith.constant 112 : index
        %get3A_2671 = tpu.vector_load %arg13[%get3A_2669, %get3A_2670] {strides = array<i32>} : memref<128x128xf32, #tpu.memory_space<vmem>>, vector<1x16xf32>,
        %get3A_2672 = vector.shape_cast %get3A_2671 : vector<1x16xf32> to vector<16xf32>
        %mul3A_2673 = arith.mulf %gather3A_2507, %get3A_2672 : vector<16xf32>
        %add3A_2674 = arith.addf %mul3A_2668, %mul3A_2673 : vector<16xf32>
        %get3A_2675 = arith.index_cast %add3A_2501 : i32 to index
        %get3A_2676 = arith.constant 112 : index
        %get3A_2677 = tpu.vector_load %arg14[%get3A_2675, %get3A_2676] {strides = array<i32>} : memref<128x128xf32, #tpu.memory_space<vmem>>, vector<1x16xf32>,
        %get3A_2678 = vector.shape_cast %get3A_2677 : vector<1x16xf32> to vector<16xf32>
        %mul3A_2679 = arith.mulf %gather3A_2509, %get3A_2678 : vector<16xf32>
        %add3A_2680 = arith.addf %add3A_2674, %mul3A_2679 : vector<16xf32>
        %swap3A_2681 = arith.index_cast %add3A_2501 : i32 to index
        %swap3A_2682 = arith.constant 112 : index
        %swap3A_2683 = tpu.vector_load %arg15[%swap3A_2681, %swap3A_2682] {strides = array<i32>} : memref<128x128xf32, #tpu.memory_space<vmem>>, vector<1x16xf32>,
        %swap3A_2684 = vector.shape_cast %swap3A_2683 : vector<1x16xf32> to vector<16xf32>
        %swap3A_2685 = vector.shape_cast %add3A_2680 : vector<16xf32> to vector<1x16xf32>
        tpu.vector_store %arg15[%swap3A_2681, %swap3A_2682], %swap3A_2685 {strides = array<i32>} : memref<128x128xf32, #tpu.memory_space<vmem>>, vector<1x16xf32>,
        %mul3A_2686 = arith.constant 16 : i32
        %mul3A_2687 = arith.muli %scan3A_42, %mul3A_2686 : i32
        %add3A_2688 = arith.constant 14 : i32
        %add3A_2689 = arith.addi %mul3A_2687, %add3A_2688 : i32
        %broadcast_in_dim3A_2690 = arith.constant 14 : i32
        %broadcast_in_dim3A_2691 = vector.broadcast %broadcast_in_dim3A_2690 : i32 to vector<16x1xi32>
        %gather3A_2692 = vector.shape_cast %broadcast_in_dim3A_2691 : vector<16x1xi32> to vector<16xi32>
        %gather3A_2693 = tpu.dynamic_gather %get3A_46[%gather3A_2692] in [0] : vector<16xf32>, vector<16xi32> -> vector<16xf32>
        %gather3A_2694 = vector.shape_cast %broadcast_in_dim3A_2691 : vector<16x1xi32> to vector<16xi32>
        %gather3A_2695 = tpu.dynamic_gather %get3A_51[%gather3A_2694] in [0] : vector<16xf32>, vector<16xi32> -> vector<16xf32>
        %gather3A_2696 = vector.shape_cast %broadcast_in_dim3A_2691 : vector<16x1xi32> to vector<16xi32>
        %gather3A_2697 = tpu.dynamic_gather %get3A_56[%gather3A_2696] in [0] : vector<16xf32>, vector<16xi32> -> vector<16xf32>
        %get3A_2698 = arith.index_cast %add3A_2689 : i32 to index
        %get3A_2699 = arith.constant 0 : index
        %get3A_2700 = tpu.vector_load %arg12[%get3A_2698, %get3A_2699] {strides = array<i32>} : memref<128x128xf32, #tpu.memory_space<vmem>>, vector<1x16xf32>,
        %get3A_2701 = vector.shape_cast %get3A_2700 : vector<1x16xf32> to vector<16xf32>
        %mul3A_2702 = arith.mulf %gather3A_2693, %get3A_2701 : vector<16xf32>
        %get3A_2703 = arith.index_cast %add3A_2689 : i32 to index
        %get3A_2704 = arith.constant 0 : index
        %get3A_2705 = tpu.vector_load %arg13[%get3A_2703, %get3A_2704] {strides = array<i32>} : memref<128x128xf32, #tpu.memory_space<vmem>>, vector<1x16xf32>,
        %get3A_2706 = vector.shape_cast %get3A_2705 : vector<1x16xf32> to vector<16xf32>
        %mul3A_2707 = arith.mulf %gather3A_2695, %get3A_2706 : vector<16xf32>
        %add3A_2708 = arith.addf %mul3A_2702, %mul3A_2707 : vector<16xf32>
        %get3A_2709 = arith.index_cast %add3A_2689 : i32 to index
        %get3A_2710 = arith.constant 0 : index
        %get3A_2711 = tpu.vector_load %arg14[%get3A_2709, %get3A_2710] {strides = array<i32>} : memref<128x128xf32, #tpu.memory_space<vmem>>, vector<1x16xf32>,
        %get3A_2712 = vector.shape_cast %get3A_2711 : vector<1x16xf32> to vector<16xf32>
        %mul3A_2713 = arith.mulf %gather3A_2697, %get3A_2712 : vector<16xf32>
        %add3A_2714 = arith.addf %add3A_2708, %mul3A_2713 : vector<16xf32>
        %swap3A_2715 = arith.index_cast %add3A_2689 : i32 to index
        %swap3A_2716 = arith.constant 0 : index
        %swap3A_2717 = tpu.vector_load %arg15[%swap3A_2715, %swap3A_2716] {strides = array<i32>} : memref<128x128xf32, #tpu.memory_space<vmem>>, vector<1x16xf32>,
        %swap3A_2718 = vector.shape_cast %swap3A_2717 : vector<1x16xf32> to vector<16xf32>
        %swap3A_2719 = vector.shape_cast %add3A_2714 : vector<16xf32> to vector<1x16xf32>
        tpu.vector_store %arg15[%swap3A_2715, %swap3A_2716], %swap3A_2719 {strides = array<i32>} : memref<128x128xf32, #tpu.memory_space<vmem>>, vector<1x16xf32>,
        %get3A_2720 = arith.index_cast %add3A_2689 : i32 to index
        %get3A_2721 = arith.constant 16 : index
        %get3A_2722 = tpu.vector_load %arg12[%get3A_2720, %get3A_2721] {strides = array<i32>} : memref<128x128xf32, #tpu.memory_space<vmem>>, vector<1x16xf32>,
        %get3A_2723 = vector.shape_cast %get3A_2722 : vector<1x16xf32> to vector<16xf32>
        %mul3A_2724 = arith.mulf %gather3A_2693, %get3A_2723 : vector<16xf32>
        %get3A_2725 = arith.index_cast %add3A_2689 : i32 to index
        %get3A_2726 = arith.constant 16 : index
        %get3A_2727 = tpu.vector_load %arg13[%get3A_2725, %get3A_2726] {strides = array<i32>} : memref<128x128xf32, #tpu.memory_space<vmem>>, vector<1x16xf32>,
        %get3A_2728 = vector.shape_cast %get3A_2727 : vector<1x16xf32> to vector<16xf32>
        %mul3A_2729 = arith.mulf %gather3A_2695, %get3A_2728 : vector<16xf32>
        %add3A_2730 = arith.addf %mul3A_2724, %mul3A_2729 : vector<16xf32>
        %get3A_2731 = arith.index_cast %add3A_2689 : i32 to index
        %get3A_2732 = arith.constant 16 : index
        %get3A_2733 = tpu.vector_load %arg14[%get3A_2731, %get3A_2732] {strides = array<i32>} : memref<128x128xf32, #tpu.memory_space<vmem>>, vector<1x16xf32>,
        %get3A_2734 = vector.shape_cast %get3A_2733 : vector<1x16xf32> to vector<16xf32>
        %mul3A_2735 = arith.mulf %gather3A_2697, %get3A_2734 : vector<16xf32>
        %add3A_2736 = arith.addf %add3A_2730, %mul3A_2735 : vector<16xf32>
        %swap3A_2737 = arith.index_cast %add3A_2689 : i32 to index
        %swap3A_2738 = arith.constant 16 : index
        %swap3A_2739 = tpu.vector_load %arg15[%swap3A_2737, %swap3A_2738] {strides = array<i32>} : memref<128x128xf32, #tpu.memory_space<vmem>>, vector<1x16xf32>,
        %swap3A_2740 = vector.shape_cast %swap3A_2739 : vector<1x16xf32> to vector<16xf32>
        %swap3A_2741 = vector.shape_cast %add3A_2736 : vector<16xf32> to vector<1x16xf32>
        tpu.vector_store %arg15[%swap3A_2737, %swap3A_2738], %swap3A_2741 {strides = array<i32>} : memref<128x128xf32, #tpu.memory_space<vmem>>, vector<1x16xf32>,
        %get3A_2742 = arith.index_cast %add3A_2689 : i32 to index
        %get3A_2743 = arith.constant 32 : index
        %get3A_2744 = tpu.vector_load %arg12[%get3A_2742, %get3A_2743] {strides = array<i32>} : memref<128x128xf32, #tpu.memory_space<vmem>>, vector<1x16xf32>,
        %get3A_2745 = vector.shape_cast %get3A_2744 : vector<1x16xf32> to vector<16xf32>
        %mul3A_2746 = arith.mulf %gather3A_2693, %get3A_2745 : vector<16xf32>
        %get3A_2747 = arith.index_cast %add3A_2689 : i32 to index
        %get3A_2748 = arith.constant 32 : index
        %get3A_2749 = tpu.vector_load %arg13[%get3A_2747, %get3A_2748] {strides = array<i32>} : memref<128x128xf32, #tpu.memory_space<vmem>>, vector<1x16xf32>,
        %get3A_2750 = vector.shape_cast %get3A_2749 : vector<1x16xf32> to vector<16xf32>
        %mul3A_2751 = arith.mulf %gather3A_2695, %get3A_2750 : vector<16xf32>
        %add3A_2752 = arith.addf %mul3A_2746, %mul3A_2751 : vector<16xf32>
        %get3A_2753 = arith.index_cast %add3A_2689 : i32 to index
        %get3A_2754 = arith.constant 32 : index
        %get3A_2755 = tpu.vector_load %arg14[%get3A_2753, %get3A_2754] {strides = array<i32>} : memref<128x128xf32, #tpu.memory_space<vmem>>, vector<1x16xf32>,
        %get3A_2756 = vector.shape_cast %get3A_2755 : vector<1x16xf32> to vector<16xf32>
        %mul3A_2757 = arith.mulf %gather3A_2697, %get3A_2756 : vector<16xf32>
        %add3A_2758 = arith.addf %add3A_2752, %mul3A_2757 : vector<16xf32>
        %swap3A_2759 = arith.index_cast %add3A_2689 : i32 to index
        %swap3A_2760 = arith.constant 32 : index
        %swap3A_2761 = tpu.vector_load %arg15[%swap3A_2759, %swap3A_2760] {strides = array<i32>} : memref<128x128xf32, #tpu.memory_space<vmem>>, vector<1x16xf32>,
        %swap3A_2762 = vector.shape_cast %swap3A_2761 : vector<1x16xf32> to vector<16xf32>
        %swap3A_2763 = vector.shape_cast %add3A_2758 : vector<16xf32> to vector<1x16xf32>
        tpu.vector_store %arg15[%swap3A_2759, %swap3A_2760], %swap3A_2763 {strides = array<i32>} : memref<128x128xf32, #tpu.memory_space<vmem>>, vector<1x16xf32>,
        %get3A_2764 = arith.index_cast %add3A_2689 : i32 to index
        %get3A_2765 = arith.constant 48 : index
        %get3A_2766 = tpu.vector_load %arg12[%get3A_2764, %get3A_2765] {strides = array<i32>} : memref<128x128xf32, #tpu.memory_space<vmem>>, vector<1x16xf32>,
        %get3A_2767 = vector.shape_cast %get3A_2766 : vector<1x16xf32> to vector<16xf32>
        %mul3A_2768 = arith.mulf %gather3A_2693, %get3A_2767 : vector<16xf32>
        %get3A_2769 = arith.index_cast %add3A_2689 : i32 to index
        %get3A_2770 = arith.constant 48 : index
        %get3A_2771 = tpu.vector_load %arg13[%get3A_2769, %get3A_2770] {strides = array<i32>} : memref<128x128xf32, #tpu.memory_space<vmem>>, vector<1x16xf32>,
        %get3A_2772 = vector.shape_cast %get3A_2771 : vector<1x16xf32> to vector<16xf32>
        %mul3A_2773 = arith.mulf %gather3A_2695, %get3A_2772 : vector<16xf32>
        %add3A_2774 = arith.addf %mul3A_2768, %mul3A_2773 : vector<16xf32>
        %get3A_2775 = arith.index_cast %add3A_2689 : i32 to index
        %get3A_2776 = arith.constant 48 : index
        %get3A_2777 = tpu.vector_load %arg14[%get3A_2775, %get3A_2776] {strides = array<i32>} : memref<128x128xf32, #tpu.memory_space<vmem>>, vector<1x16xf32>,
        %get3A_2778 = vector.shape_cast %get3A_2777 : vector<1x16xf32> to vector<16xf32>
        %mul3A_2779 = arith.mulf %gather3A_2697, %get3A_2778 : vector<16xf32>
        %add3A_2780 = arith.addf %add3A_2774, %mul3A_2779 : vector<16xf32>
        %swap3A_2781 = arith.index_cast %add3A_2689 : i32 to index
        %swap3A_2782 = arith.constant 48 : index
        %swap3A_2783 = tpu.vector_load %arg15[%swap3A_2781, %swap3A_2782] {strides = array<i32>} : memref<128x128xf32, #tpu.memory_space<vmem>>, vector<1x16xf32>,
        %swap3A_2784 = vector.shape_cast %swap3A_2783 : vector<1x16xf32> to vector<16xf32>
        %swap3A_2785 = vector.shape_cast %add3A_2780 : vector<16xf32> to vector<1x16xf32>
        tpu.vector_store %arg15[%swap3A_2781, %swap3A_2782], %swap3A_2785 {strides = array<i32>} : memref<128x128xf32, #tpu.memory_space<vmem>>, vector<1x16xf32>,
        %get3A_2786 = arith.index_cast %add3A_2689 : i32 to index
        %get3A_2787 = arith.constant 64 : index
        %get3A_2788 = tpu.vector_load %arg12[%get3A_2786, %get3A_2787] {strides = array<i32>} : memref<128x128xf32, #tpu.memory_space<vmem>>, vector<1x16xf32>,
        %get3A_2789 = vector.shape_cast %get3A_2788 : vector<1x16xf32> to vector<16xf32>
        %mul3A_2790 = arith.mulf %gather3A_2693, %get3A_2789 : vector<16xf32>
        %get3A_2791 = arith.index_cast %add3A_2689 : i32 to index
        %get3A_2792 = arith.constant 64 : index
        %get3A_2793 = tpu.vector_load %arg13[%get3A_2791, %get3A_2792] {strides = array<i32>} : memref<128x128xf32, #tpu.memory_space<vmem>>, vector<1x16xf32>,
        %get3A_2794 = vector.shape_cast %get3A_2793 : vector<1x16xf32> to vector<16xf32>
        %mul3A_2795 = arith.mulf %gather3A_2695, %get3A_2794 : vector<16xf32>
        %add3A_2796 = arith.addf %mul3A_2790, %mul3A_2795 : vector<16xf32>
        %get3A_2797 = arith.index_cast %add3A_2689 : i32 to index
        %get3A_2798 = arith.constant 64 : index
        %get3A_2799 = tpu.vector_load %arg14[%get3A_2797, %get3A_2798] {strides = array<i32>} : memref<128x128xf32, #tpu.memory_space<vmem>>, vector<1x16xf32>,
        %get3A_2800 = vector.shape_cast %get3A_2799 : vector<1x16xf32> to vector<16xf32>
        %mul3A_2801 = arith.mulf %gather3A_2697, %get3A_2800 : vector<16xf32>
        %add3A_2802 = arith.addf %add3A_2796, %mul3A_2801 : vector<16xf32>
        %swap3A_2803 = arith.index_cast %add3A_2689 : i32 to index
        %swap3A_2804 = arith.constant 64 : index
        %swap3A_2805 = tpu.vector_load %arg15[%swap3A_2803, %swap3A_2804] {strides = array<i32>} : memref<128x128xf32, #tpu.memory_space<vmem>>, vector<1x16xf32>,
        %swap3A_2806 = vector.shape_cast %swap3A_2805 : vector<1x16xf32> to vector<16xf32>
        %swap3A_2807 = vector.shape_cast %add3A_2802 : vector<16xf32> to vector<1x16xf32>
        tpu.vector_store %arg15[%swap3A_2803, %swap3A_2804], %swap3A_2807 {strides = array<i32>} : memref<128x128xf32, #tpu.memory_space<vmem>>, vector<1x16xf32>,
        %get3A_2808 = arith.index_cast %add3A_2689 : i32 to index
        %get3A_2809 = arith.constant 80 : index
        %get3A_2810 = tpu.vector_load %arg12[%get3A_2808, %get3A_2809] {strides = array<i32>} : memref<128x128xf32, #tpu.memory_space<vmem>>, vector<1x16xf32>,
        %get3A_2811 = vector.shape_cast %get3A_2810 : vector<1x16xf32> to vector<16xf32>
        %mul3A_2812 = arith.mulf %gather3A_2693, %get3A_2811 : vector<16xf32>
        %get3A_2813 = arith.index_cast %add3A_2689 : i32 to index
        %get3A_2814 = arith.constant 80 : index
        %get3A_2815 = tpu.vector_load %arg13[%get3A_2813, %get3A_2814] {strides = array<i32>} : memref<128x128xf32, #tpu.memory_space<vmem>>, vector<1x16xf32>,
        %get3A_2816 = vector.shape_cast %get3A_2815 : vector<1x16xf32> to vector<16xf32>
        %mul3A_2817 = arith.mulf %gather3A_2695, %get3A_2816 : vector<16xf32>
        %add3A_2818 = arith.addf %mul3A_2812, %mul3A_2817 : vector<16xf32>
        %get3A_2819 = arith.index_cast %add3A_2689 : i32 to index
        %get3A_2820 = arith.constant 80 : index
        %get3A_2821 = tpu.vector_load %arg14[%get3A_2819, %get3A_2820] {strides = array<i32>} : memref<128x128xf32, #tpu.memory_space<vmem>>, vector<1x16xf32>,
        %get3A_2822 = vector.shape_cast %get3A_2821 : vector<1x16xf32> to vector<16xf32>
        %mul3A_2823 = arith.mulf %gather3A_2697, %get3A_2822 : vector<16xf32>
        %add3A_2824 = arith.addf %add3A_2818, %mul3A_2823 : vector<16xf32>
        %swap3A_2825 = arith.index_cast %add3A_2689 : i32 to index
        %swap3A_2826 = arith.constant 80 : index
        %swap3A_2827 = tpu.vector_load %arg15[%swap3A_2825, %swap3A_2826] {strides = array<i32>} : memref<128x128xf32, #tpu.memory_space<vmem>>, vector<1x16xf32>,
        %swap3A_2828 = vector.shape_cast %swap3A_2827 : vector<1x16xf32> to vector<16xf32>
        %swap3A_2829 = vector.shape_cast %add3A_2824 : vector<16xf32> to vector<1x16xf32>
        tpu.vector_store %arg15[%swap3A_2825, %swap3A_2826], %swap3A_2829 {strides = array<i32>} : memref<128x128xf32, #tpu.memory_space<vmem>>, vector<1x16xf32>,
        %get3A_2830 = arith.index_cast %add3A_2689 : i32 to index
        %get3A_2831 = arith.constant 96 : index
        %get3A_2832 = tpu.vector_load %arg12[%get3A_2830, %get3A_2831] {strides = array<i32>} : memref<128x128xf32, #tpu.memory_space<vmem>>, vector<1x16xf32>,
        %get3A_2833 = vector.shape_cast %get3A_2832 : vector<1x16xf32> to vector<16xf32>
        %mul3A_2834 = arith.mulf %gather3A_2693, %get3A_2833 : vector<16xf32>
        %get3A_2835 = arith.index_cast %add3A_2689 : i32 to index
        %get3A_2836 = arith.constant 96 : index
        %get3A_2837 = tpu.vector_load %arg13[%get3A_2835, %get3A_2836] {strides = array<i32>} : memref<128x128xf32, #tpu.memory_space<vmem>>, vector<1x16xf32>,
        %get3A_2838 = vector.shape_cast %get3A_2837 : vector<1x16xf32> to vector<16xf32>
        %mul3A_2839 = arith.mulf %gather3A_2695, %get3A_2838 : vector<16xf32>
        %add3A_2840 = arith.addf %mul3A_2834, %mul3A_2839 : vector<16xf32>
        %get3A_2841 = arith.index_cast %add3A_2689 : i32 to index
        %get3A_2842 = arith.constant 96 : index
        %get3A_2843 = tpu.vector_load %arg14[%get3A_2841, %get3A_2842] {strides = array<i32>} : memref<128x128xf32, #tpu.memory_space<vmem>>, vector<1x16xf32>,
        %get3A_2844 = vector.shape_cast %get3A_2843 : vector<1x16xf32> to vector<16xf32>
        %mul3A_2845 = arith.mulf %gather3A_2697, %get3A_2844 : vector<16xf32>
        %add3A_2846 = arith.addf %add3A_2840, %mul3A_2845 : vector<16xf32>
        %swap3A_2847 = arith.index_cast %add3A_2689 : i32 to index
        %swap3A_2848 = arith.constant 96 : index
        %swap3A_2849 = tpu.vector_load %arg15[%swap3A_2847, %swap3A_2848] {strides = array<i32>} : memref<128x128xf32, #tpu.memory_space<vmem>>, vector<1x16xf32>,
        %swap3A_2850 = vector.shape_cast %swap3A_2849 : vector<1x16xf32> to vector<16xf32>
        %swap3A_2851 = vector.shape_cast %add3A_2846 : vector<16xf32> to vector<1x16xf32>
        tpu.vector_store %arg15[%swap3A_2847, %swap3A_2848], %swap3A_2851 {strides = array<i32>} : memref<128x128xf32, #tpu.memory_space<vmem>>, vector<1x16xf32>,
        %get3A_2852 = arith.index_cast %add3A_2689 : i32 to index
        %get3A_2853 = arith.constant 112 : index
        %get3A_2854 = tpu.vector_load %arg12[%get3A_2852, %get3A_2853] {strides = array<i32>} : memref<128x128xf32, #tpu.memory_space<vmem>>, vector<1x16xf32>,
        %get3A_2855 = vector.shape_cast %get3A_2854 : vector<1x16xf32> to vector<16xf32>
        %mul3A_2856 = arith.mulf %gather3A_2693, %get3A_2855 : vector<16xf32>
        %get3A_2857 = arith.index_cast %add3A_2689 : i32 to index
        %get3A_2858 = arith.constant 112 : index
        %get3A_2859 = tpu.vector_load %arg13[%get3A_2857, %get3A_2858] {strides = array<i32>} : memref<128x128xf32, #tpu.memory_space<vmem>>, vector<1x16xf32>,
        %get3A_2860 = vector.shape_cast %get3A_2859 : vector<1x16xf32> to vector<16xf32>
        %mul3A_2861 = arith.mulf %gather3A_2695, %get3A_2860 : vector<16xf32>
        %add3A_2862 = arith.addf %mul3A_2856, %mul3A_2861 : vector<16xf32>
        %get3A_2863 = arith.index_cast %add3A_2689 : i32 to index
        %get3A_2864 = arith.constant 112 : index
        %get3A_2865 = tpu.vector_load %arg14[%get3A_2863, %get3A_2864] {strides = array<i32>} : memref<128x128xf32, #tpu.memory_space<vmem>>, vector<1x16xf32>,
        %get3A_2866 = vector.shape_cast %get3A_2865 : vector<1x16xf32> to vector<16xf32>
        %mul3A_2867 = arith.mulf %gather3A_2697, %get3A_2866 : vector<16xf32>
        %add3A_2868 = arith.addf %add3A_2862, %mul3A_2867 : vector<16xf32>
        %swap3A_2869 = arith.index_cast %add3A_2689 : i32 to index
        %swap3A_2870 = arith.constant 112 : index
        %swap3A_2871 = tpu.vector_load %arg15[%swap3A_2869, %swap3A_2870] {strides = array<i32>} : memref<128x128xf32, #tpu.memory_space<vmem>>, vector<1x16xf32>,
        %swap3A_2872 = vector.shape_cast %swap3A_2871 : vector<1x16xf32> to vector<16xf32>
        %swap3A_2873 = vector.shape_cast %add3A_2868 : vector<16xf32> to vector<1x16xf32>
        tpu.vector_store %arg15[%swap3A_2869, %swap3A_2870], %swap3A_2873 {strides = array<i32>} : memref<128x128xf32, #tpu.memory_space<vmem>>, vector<1x16xf32>,
        %mul3A_2874 = arith.constant 16 : i32
        %mul3A_2875 = arith.muli %scan3A_42, %mul3A_2874 : i32
        %add3A_2876 = arith.constant 15 : i32
        %add3A_2877 = arith.addi %mul3A_2875, %add3A_2876 : i32
        %broadcast_in_dim3A_2878 = arith.constant 15 : i32
        %broadcast_in_dim3A_2879 = vector.broadcast %broadcast_in_dim3A_2878 : i32 to vector<16x1xi32>
        %gather3A_2880 = vector.shape_cast %broadcast_in_dim3A_2879 : vector<16x1xi32> to vector<16xi32>
        %gather3A_2881 = tpu.dynamic_gather %get3A_46[%gather3A_2880] in [0] : vector<16xf32>, vector<16xi32> -> vector<16xf32>
        %gather3A_2882 = vector.shape_cast %broadcast_in_dim3A_2879 : vector<16x1xi32> to vector<16xi32>
        %gather3A_2883 = tpu.dynamic_gather %get3A_51[%gather3A_2882] in [0] : vector<16xf32>, vector<16xi32> -> vector<16xf32>
        %gather3A_2884 = vector.shape_cast %broadcast_in_dim3A_2879 : vector<16x1xi32> to vector<16xi32>
        %gather3A_2885 = tpu.dynamic_gather %get3A_56[%gather3A_2884] in [0] : vector<16xf32>, vector<16xi32> -> vector<16xf32>
        %get3A_2886 = arith.index_cast %add3A_2877 : i32 to index
        %get3A_2887 = arith.constant 0 : index
        %get3A_2888 = tpu.vector_load %arg12[%get3A_2886, %get3A_2887] {strides = array<i32>} : memref<128x128xf32, #tpu.memory_space<vmem>>, vector<1x16xf32>,
        %get3A_2889 = vector.shape_cast %get3A_2888 : vector<1x16xf32> to vector<16xf32>
        %mul3A_2890 = arith.mulf %gather3A_2881, %get3A_2889 : vector<16xf32>
        %get3A_2891 = arith.index_cast %add3A_2877 : i32 to index
        %get3A_2892 = arith.constant 0 : index
        %get3A_2893 = tpu.vector_load %arg13[%get3A_2891, %get3A_2892] {strides = array<i32>} : memref<128x128xf32, #tpu.memory_space<vmem>>, vector<1x16xf32>,
        %get3A_2894 = vector.shape_cast %get3A_2893 : vector<1x16xf32> to vector<16xf32>
        %mul3A_2895 = arith.mulf %gather3A_2883, %get3A_2894 : vector<16xf32>
        %add3A_2896 = arith.addf %mul3A_2890, %mul3A_2895 : vector<16xf32>
        %get3A_2897 = arith.index_cast %add3A_2877 : i32 to index
        %get3A_2898 = arith.constant 0 : index
        %get3A_2899 = tpu.vector_load %arg14[%get3A_2897, %get3A_2898] {strides = array<i32>} : memref<128x128xf32, #tpu.memory_space<vmem>>, vector<1x16xf32>,
        %get3A_2900 = vector.shape_cast %get3A_2899 : vector<1x16xf32> to vector<16xf32>
        %mul3A_2901 = arith.mulf %gather3A_2885, %get3A_2900 : vector<16xf32>
        %add3A_2902 = arith.addf %add3A_2896, %mul3A_2901 : vector<16xf32>
        %swap3A_2903 = arith.index_cast %add3A_2877 : i32 to index
        %swap3A_2904 = arith.constant 0 : index
        %swap3A_2905 = tpu.vector_load %arg15[%swap3A_2903, %swap3A_2904] {strides = array<i32>} : memref<128x128xf32, #tpu.memory_space<vmem>>, vector<1x16xf32>,
        %swap3A_2906 = vector.shape_cast %swap3A_2905 : vector<1x16xf32> to vector<16xf32>
        %swap3A_2907 = vector.shape_cast %add3A_2902 : vector<16xf32> to vector<1x16xf32>
        tpu.vector_store %arg15[%swap3A_2903, %swap3A_2904], %swap3A_2907 {strides = array<i32>} : memref<128x128xf32, #tpu.memory_space<vmem>>, vector<1x16xf32>,
        %get3A_2908 = arith.index_cast %add3A_2877 : i32 to index
        %get3A_2909 = arith.constant 16 : index
        %get3A_2910 = tpu.vector_load %arg12[%get3A_2908, %get3A_2909] {strides = array<i32>} : memref<128x128xf32, #tpu.memory_space<vmem>>, vector<1x16xf32>,
        %get3A_2911 = vector.shape_cast %get3A_2910 : vector<1x16xf32> to vector<16xf32>
        %mul3A_2912 = arith.mulf %gather3A_2881, %get3A_2911 : vector<16xf32>
        %get3A_2913 = arith.index_cast %add3A_2877 : i32 to index
        %get3A_2914 = arith.constant 16 : index
        %get3A_2915 = tpu.vector_load %arg13[%get3A_2913, %get3A_2914] {strides = array<i32>} : memref<128x128xf32, #tpu.memory_space<vmem>>, vector<1x16xf32>,
        %get3A_2916 = vector.shape_cast %get3A_2915 : vector<1x16xf32> to vector<16xf32>
        %mul3A_2917 = arith.mulf %gather3A_2883, %get3A_2916 : vector<16xf32>
        %add3A_2918 = arith.addf %mul3A_2912, %mul3A_2917 : vector<16xf32>
        %get3A_2919 = arith.index_cast %add3A_2877 : i32 to index
        %get3A_2920 = arith.constant 16 : index
        %get3A_2921 = tpu.vector_load %arg14[%get3A_2919, %get3A_2920] {strides = array<i32>} : memref<128x128xf32, #tpu.memory_space<vmem>>, vector<1x16xf32>,
        %get3A_2922 = vector.shape_cast %get3A_2921 : vector<1x16xf32> to vector<16xf32>
        %mul3A_2923 = arith.mulf %gather3A_2885, %get3A_2922 : vector<16xf32>
        %add3A_2924 = arith.addf %add3A_2918, %mul3A_2923 : vector<16xf32>
        %swap3A_2925 = arith.index_cast %add3A_2877 : i32 to index
        %swap3A_2926 = arith.constant 16 : index
        %swap3A_2927 = tpu.vector_load %arg15[%swap3A_2925, %swap3A_2926] {strides = array<i32>} : memref<128x128xf32, #tpu.memory_space<vmem>>, vector<1x16xf32>,
        %swap3A_2928 = vector.shape_cast %swap3A_2927 : vector<1x16xf32> to vector<16xf32>
        %swap3A_2929 = vector.shape_cast %add3A_2924 : vector<16xf32> to vector<1x16xf32>
        tpu.vector_store %arg15[%swap3A_2925, %swap3A_2926], %swap3A_2929 {strides = array<i32>} : memref<128x128xf32, #tpu.memory_space<vmem>>, vector<1x16xf32>,
        %get3A_2930 = arith.index_cast %add3A_2877 : i32 to index
        %get3A_2931 = arith.constant 32 : index
        %get3A_2932 = tpu.vector_load %arg12[%get3A_2930, %get3A_2931] {strides = array<i32>} : memref<128x128xf32, #tpu.memory_space<vmem>>, vector<1x16xf32>,
        %get3A_2933 = vector.shape_cast %get3A_2932 : vector<1x16xf32> to vector<16xf32>
        %mul3A_2934 = arith.mulf %gather3A_2881, %get3A_2933 : vector<16xf32>
        %get3A_2935 = arith.index_cast %add3A_2877 : i32 to index
        %get3A_2936 = arith.constant 32 : index
        %get3A_2937 = tpu.vector_load %arg13[%get3A_2935, %get3A_2936] {strides = array<i32>} : memref<128x128xf32, #tpu.memory_space<vmem>>, vector<1x16xf32>,
        %get3A_2938 = vector.shape_cast %get3A_2937 : vector<1x16xf32> to vector<16xf32>
        %mul3A_2939 = arith.mulf %gather3A_2883, %get3A_2938 : vector<16xf32>
        %add3A_2940 = arith.addf %mul3A_2934, %mul3A_2939 : vector<16xf32>
        %get3A_2941 = arith.index_cast %add3A_2877 : i32 to index
        %get3A_2942 = arith.constant 32 : index
        %get3A_2943 = tpu.vector_load %arg14[%get3A_2941, %get3A_2942] {strides = array<i32>} : memref<128x128xf32, #tpu.memory_space<vmem>>, vector<1x16xf32>,
        %get3A_2944 = vector.shape_cast %get3A_2943 : vector<1x16xf32> to vector<16xf32>
        %mul3A_2945 = arith.mulf %gather3A_2885, %get3A_2944 : vector<16xf32>
        %add3A_2946 = arith.addf %add3A_2940, %mul3A_2945 : vector<16xf32>
        %swap3A_2947 = arith.index_cast %add3A_2877 : i32 to index
        %swap3A_2948 = arith.constant 32 : index
        %swap3A_2949 = tpu.vector_load %arg15[%swap3A_2947, %swap3A_2948] {strides = array<i32>} : memref<128x128xf32, #tpu.memory_space<vmem>>, vector<1x16xf32>,
        %swap3A_2950 = vector.shape_cast %swap3A_2949 : vector<1x16xf32> to vector<16xf32>
        %swap3A_2951 = vector.shape_cast %add3A_2946 : vector<16xf32> to vector<1x16xf32>
        tpu.vector_store %arg15[%swap3A_2947, %swap3A_2948], %swap3A_2951 {strides = array<i32>} : memref<128x128xf32, #tpu.memory_space<vmem>>, vector<1x16xf32>,
        %get3A_2952 = arith.index_cast %add3A_2877 : i32 to index
        %get3A_2953 = arith.constant 48 : index
        %get3A_2954 = tpu.vector_load %arg12[%get3A_2952, %get3A_2953] {strides = array<i32>} : memref<128x128xf32, #tpu.memory_space<vmem>>, vector<1x16xf32>,
        %get3A_2955 = vector.shape_cast %get3A_2954 : vector<1x16xf32> to vector<16xf32>
        %mul3A_2956 = arith.mulf %gather3A_2881, %get3A_2955 : vector<16xf32>
        %get3A_2957 = arith.index_cast %add3A_2877 : i32 to index
        %get3A_2958 = arith.constant 48 : index
        %get3A_2959 = tpu.vector_load %arg13[%get3A_2957, %get3A_2958] {strides = array<i32>} : memref<128x128xf32, #tpu.memory_space<vmem>>, vector<1x16xf32>,
        %get3A_2960 = vector.shape_cast %get3A_2959 : vector<1x16xf32> to vector<16xf32>
        %mul3A_2961 = arith.mulf %gather3A_2883, %get3A_2960 : vector<16xf32>
        %add3A_2962 = arith.addf %mul3A_2956, %mul3A_2961 : vector<16xf32>
        %get3A_2963 = arith.index_cast %add3A_2877 : i32 to index
        %get3A_2964 = arith.constant 48 : index
        %get3A_2965 = tpu.vector_load %arg14[%get3A_2963, %get3A_2964] {strides = array<i32>} : memref<128x128xf32, #tpu.memory_space<vmem>>, vector<1x16xf32>,
        %get3A_2966 = vector.shape_cast %get3A_2965 : vector<1x16xf32> to vector<16xf32>
        %mul3A_2967 = arith.mulf %gather3A_2885, %get3A_2966 : vector<16xf32>
        %add3A_2968 = arith.addf %add3A_2962, %mul3A_2967 : vector<16xf32>
        %swap3A_2969 = arith.index_cast %add3A_2877 : i32 to index
        %swap3A_2970 = arith.constant 48 : index
        %swap3A_2971 = tpu.vector_load %arg15[%swap3A_2969, %swap3A_2970] {strides = array<i32>} : memref<128x128xf32, #tpu.memory_space<vmem>>, vector<1x16xf32>,
        %swap3A_2972 = vector.shape_cast %swap3A_2971 : vector<1x16xf32> to vector<16xf32>
        %swap3A_2973 = vector.shape_cast %add3A_2968 : vector<16xf32> to vector<1x16xf32>
        tpu.vector_store %arg15[%swap3A_2969, %swap3A_2970], %swap3A_2973 {strides = array<i32>} : memref<128x128xf32, #tpu.memory_space<vmem>>, vector<1x16xf32>,
        %get3A_2974 = arith.index_cast %add3A_2877 : i32 to index
        %get3A_2975 = arith.constant 64 : index
        %get3A_2976 = tpu.vector_load %arg12[%get3A_2974, %get3A_2975] {strides = array<i32>} : memref<128x128xf32, #tpu.memory_space<vmem>>, vector<1x16xf32>,
        %get3A_2977 = vector.shape_cast %get3A_2976 : vector<1x16xf32> to vector<16xf32>
        %mul3A_2978 = arith.mulf %gather3A_2881, %get3A_2977 : vector<16xf32>
        %get3A_2979 = arith.index_cast %add3A_2877 : i32 to index
        %get3A_2980 = arith.constant 64 : index
        %get3A_2981 = tpu.vector_load %arg13[%get3A_2979, %get3A_2980] {strides = array<i32>} : memref<128x128xf32, #tpu.memory_space<vmem>>, vector<1x16xf32>,
        %get3A_2982 = vector.shape_cast %get3A_2981 : vector<1x16xf32> to vector<16xf32>
        %mul3A_2983 = arith.mulf %gather3A_2883, %get3A_2982 : vector<16xf32>
        %add3A_2984 = arith.addf %mul3A_2978, %mul3A_2983 : vector<16xf32>
        %get3A_2985 = arith.index_cast %add3A_2877 : i32 to index
        %get3A_2986 = arith.constant 64 : index
        %get3A_2987 = tpu.vector_load %arg14[%get3A_2985, %get3A_2986] {strides = array<i32>} : memref<128x128xf32, #tpu.memory_space<vmem>>, vector<1x16xf32>,
        %get3A_2988 = vector.shape_cast %get3A_2987 : vector<1x16xf32> to vector<16xf32>
        %mul3A_2989 = arith.mulf %gather3A_2885, %get3A_2988 : vector<16xf32>
        %add3A_2990 = arith.addf %add3A_2984, %mul3A_2989 : vector<16xf32>
        %swap3A_2991 = arith.index_cast %add3A_2877 : i32 to index
        %swap3A_2992 = arith.constant 64 : index
        %swap3A_2993 = tpu.vector_load %arg15[%swap3A_2991, %swap3A_2992] {strides = array<i32>} : memref<128x128xf32, #tpu.memory_space<vmem>>, vector<1x16xf32>,
        %swap3A_2994 = vector.shape_cast %swap3A_2993 : vector<1x16xf32> to vector<16xf32>
        %swap3A_2995 = vector.shape_cast %add3A_2990 : vector<16xf32> to vector<1x16xf32>
        tpu.vector_store %arg15[%swap3A_2991, %swap3A_2992], %swap3A_2995 {strides = array<i32>} : memref<128x128xf32, #tpu.memory_space<vmem>>, vector<1x16xf32>,
        %get3A_2996 = arith.index_cast %add3A_2877 : i32 to index
        %get3A_2997 = arith.constant 80 : index
        %get3A_2998 = tpu.vector_load %arg12[%get3A_2996, %get3A_2997] {strides = array<i32>} : memref<128x128xf32, #tpu.memory_space<vmem>>, vector<1x16xf32>,
        %get3A_2999 = vector.shape_cast %get3A_2998 : vector<1x16xf32> to vector<16xf32>
        %mul3A_3000 = arith.mulf %gather3A_2881, %get3A_2999 : vector<16xf32>
        %get3A_3001 = arith.index_cast %add3A_2877 : i32 to index
        %get3A_3002 = arith.constant 80 : index
        %get3A_3003 = tpu.vector_load %arg13[%get3A_3001, %get3A_3002] {strides = array<i32>} : memref<128x128xf32, #tpu.memory_space<vmem>>, vector<1x16xf32>,
        %get3A_3004 = vector.shape_cast %get3A_3003 : vector<1x16xf32> to vector<16xf32>
        %mul3A_3005 = arith.mulf %gather3A_2883, %get3A_3004 : vector<16xf32>
        %add3A_3006 = arith.addf %mul3A_3000, %mul3A_3005 : vector<16xf32>
        %get3A_3007 = arith.index_cast %add3A_2877 : i32 to index
        %get3A_3008 = arith.constant 80 : index
        %get3A_3009 = tpu.vector_load %arg14[%get3A_3007, %get3A_3008] {strides = array<i32>} : memref<128x128xf32, #tpu.memory_space<vmem>>, vector<1x16xf32>,
        %get3A_3010 = vector.shape_cast %get3A_3009 : vector<1x16xf32> to vector<16xf32>
        %mul3A_3011 = arith.mulf %gather3A_2885, %get3A_3010 : vector<16xf32>
        %add3A_3012 = arith.addf %add3A_3006, %mul3A_3011 : vector<16xf32>
        %swap3A_3013 = arith.index_cast %add3A_2877 : i32 to index
        %swap3A_3014 = arith.constant 80 : index
        %swap3A_3015 = tpu.vector_load %arg15[%swap3A_3013, %swap3A_3014] {strides = array<i32>} : memref<128x128xf32, #tpu.memory_space<vmem>>, vector<1x16xf32>,
        %swap3A_3016 = vector.shape_cast %swap3A_3015 : vector<1x16xf32> to vector<16xf32>
        %swap3A_3017 = vector.shape_cast %add3A_3012 : vector<16xf32> to vector<1x16xf32>
        tpu.vector_store %arg15[%swap3A_3013, %swap3A_3014], %swap3A_3017 {strides = array<i32>} : memref<128x128xf32, #tpu.memory_space<vmem>>, vector<1x16xf32>,
        %get3A_3018 = arith.index_cast %add3A_2877 : i32 to index
        %get3A_3019 = arith.constant 96 : index
        %get3A_3020 = tpu.vector_load %arg12[%get3A_3018, %get3A_3019] {strides = array<i32>} : memref<128x128xf32, #tpu.memory_space<vmem>>, vector<1x16xf32>,
        %get3A_3021 = vector.shape_cast %get3A_3020 : vector<1x16xf32> to vector<16xf32>
        %mul3A_3022 = arith.mulf %gather3A_2881, %get3A_3021 : vector<16xf32>
        %get3A_3023 = arith.index_cast %add3A_2877 : i32 to index
        %get3A_3024 = arith.constant 96 : index
        %get3A_3025 = tpu.vector_load %arg13[%get3A_3023, %get3A_3024] {strides = array<i32>} : memref<128x128xf32, #tpu.memory_space<vmem>>, vector<1x16xf32>,
        %get3A_3026 = vector.shape_cast %get3A_3025 : vector<1x16xf32> to vector<16xf32>
        %mul3A_3027 = arith.mulf %gather3A_2883, %get3A_3026 : vector<16xf32>
        %add3A_3028 = arith.addf %mul3A_3022, %mul3A_3027 : vector<16xf32>
        %get3A_3029 = arith.index_cast %add3A_2877 : i32 to index
        %get3A_3030 = arith.constant 96 : index
        %get3A_3031 = tpu.vector_load %arg14[%get3A_3029, %get3A_3030] {strides = array<i32>} : memref<128x128xf32, #tpu.memory_space<vmem>>, vector<1x16xf32>,
        %get3A_3032 = vector.shape_cast %get3A_3031 : vector<1x16xf32> to vector<16xf32>
        %mul3A_3033 = arith.mulf %gather3A_2885, %get3A_3032 : vector<16xf32>
        %add3A_3034 = arith.addf %add3A_3028, %mul3A_3033 : vector<16xf32>
        %swap3A_3035 = arith.index_cast %add3A_2877 : i32 to index
        %swap3A_3036 = arith.constant 96 : index
        %swap3A_3037 = tpu.vector_load %arg15[%swap3A_3035, %swap3A_3036] {strides = array<i32>} : memref<128x128xf32, #tpu.memory_space<vmem>>, vector<1x16xf32>,
        %swap3A_3038 = vector.shape_cast %swap3A_3037 : vector<1x16xf32> to vector<16xf32>
        %swap3A_3039 = vector.shape_cast %add3A_3034 : vector<16xf32> to vector<1x16xf32>
        tpu.vector_store %arg15[%swap3A_3035, %swap3A_3036], %swap3A_3039 {strides = array<i32>} : memref<128x128xf32, #tpu.memory_space<vmem>>, vector<1x16xf32>,
        %get3A_3040 = arith.index_cast %add3A_2877 : i32 to index
        %get3A_3041 = arith.constant 112 : index
        %get3A_3042 = tpu.vector_load %arg12[%get3A_3040, %get3A_3041] {strides = array<i32>} : memref<128x128xf32, #tpu.memory_space<vmem>>, vector<1x16xf32>,
        %get3A_3043 = vector.shape_cast %get3A_3042 : vector<1x16xf32> to vector<16xf32>
        %mul3A_3044 = arith.mulf %gather3A_2881, %get3A_3043 : vector<16xf32>
        %get3A_3045 = arith.index_cast %add3A_2877 : i32 to index
        %get3A_3046 = arith.constant 112 : index
        %get3A_3047 = tpu.vector_load %arg13[%get3A_3045, %get3A_3046] {strides = array<i32>} : memref<128x128xf32, #tpu.memory_space<vmem>>, vector<1x16xf32>,
        %get3A_3048 = vector.shape_cast %get3A_3047 : vector<1x16xf32> to vector<16xf32>
        %mul3A_3049 = arith.mulf %gather3A_2883, %get3A_3048 : vector<16xf32>
        %add3A_3050 = arith.addf %mul3A_3044, %mul3A_3049 : vector<16xf32>
        %get3A_3051 = arith.index_cast %add3A_2877 : i32 to index
        %get3A_3052 = arith.constant 112 : index
        %get3A_3053 = tpu.vector_load %arg14[%get3A_3051, %get3A_3052] {strides = array<i32>} : memref<128x128xf32, #tpu.memory_space<vmem>>, vector<1x16xf32>,
        %get3A_3054 = vector.shape_cast %get3A_3053 : vector<1x16xf32> to vector<16xf32>
        %mul3A_3055 = arith.mulf %gather3A_2885, %get3A_3054 : vector<16xf32>
        %add3A_3056 = arith.addf %add3A_3050, %mul3A_3055 : vector<16xf32>
        %swap3A_3057 = arith.index_cast %add3A_2877 : i32 to index
        %swap3A_3058 = arith.constant 112 : index
        %swap3A_3059 = tpu.vector_load %arg15[%swap3A_3057, %swap3A_3058] {strides = array<i32>} : memref<128x128xf32, #tpu.memory_space<vmem>>, vector<1x16xf32>,
        %swap3A_3060 = vector.shape_cast %swap3A_3059 : vector<1x16xf32> to vector<16xf32>
        %swap3A_3061 = vector.shape_cast %add3A_3056 : vector<16xf32> to vector<1x16xf32>
        tpu.vector_store %arg15[%swap3A_3057, %swap3A_3058], %swap3A_3061 {strides = array<i32>} : memref<128x128xf32, #tpu.memory_space<vmem>>, vector<1x16xf32>,
      }
      %scan3A_41 = arith.constant 8 : i32
      "tpu.region"() ({
        %run_scoped3A = tpu.sem_alloc : memref<!tpu.dma_semaphore, #tpu.memory_space<semaphore_mem>>
        %dma_start3A_42 = arith.constant 0 : i32
        %dma_start3A_43 = tpu.memref_slice %arg5[%add3A_11, %dma_start3A_42] : memref<32768x128xf32, #tpu.memory_space<hbm>> -> memref<128x128xf32, #tpu.memory_space<hbm>>
        %dma_start3A_44 = arith.constant 0 : i32
        %dma_start3A_45 = tpu.memref_slice %arg5[%add3A_11, %dma_start3A_44] : memref<32768x128xf32, #tpu.memory_space<hbm>> -> memref<128x128xf32, #tpu.memory_space<hbm>>
        tpu.enqueue_dma source(%arg15 : memref<128x128xf32, #tpu.memory_space<vmem>>) target(%dma_start3A_45 : memref<128x128xf32, #tpu.memory_space<hbm>>) target_semaphore(%run_scoped3A : memref<!tpu.dma_semaphore, #tpu.memory_space<semaphore_mem>>)
        %dma_wait3A_46 = arith.constant 0 : i32
        %dma_wait3A_47 = tpu.memref_slice %arg5[%add3A_11, %dma_wait3A_46] : memref<32768x128xf32, #tpu.memory_space<hbm>> -> memref<128x128xf32, #tpu.memory_space<hbm>>
        %dma_wait3A_48 = arith.constant 0 : i32
        %dma_wait3A_49 = tpu.memref_slice %arg5[%add3A_11, %dma_wait3A_48] : memref<32768x128xf32, #tpu.memory_space<hbm>> -> memref<128x128xf32, #tpu.memory_space<hbm>>
        tpu.wait_dma2 semaphore(%run_scoped3A : memref<!tpu.dma_semaphore, #tpu.memory_space<semaphore_mem>>) src(%arg15 : memref<128x128xf32, #tpu.memory_space<vmem>>) dst(%dma_wait3A_49 : memref<128x128xf32, #tpu.memory_space<hbm>>)
        tpu.yield
      }) : () -> ()
    }
    %scan3A_7 = arith.constant 8 : i32
    return
  }
}

module attributes {stable_mosaic.version = 14 : i64} {
  func.func @_nn_body(%arg0: i32, %arg1: memref<1x8x256xf32, #tpu.memory_space<vmem>>, %arg2: memref<1x2048x8xf32, #tpu.memory_space<vmem>>, %arg3: memref<3x256xi32, #tpu.memory_space<vmem>>, %arg4: memref<3x256xf32, #tpu.memory_space<vmem>>) attributes {dimension_semantics = [#tpu.dimension_semantics<arbitrary>], iteration_bounds = array<i64: 128>, scalar_prefetch = 0 : i64, scratch_operands = 0 : i64, tpu.core_type = #tpu.core_type<tc>, window_params = [{transform_indices = @transform_0, window_bounds = array<i64: 1, 8, 256>}, {transform_indices = @transform_1, window_bounds = array<i64: 1, 2048, 8>}, {transform_indices = @transform_2, window_bounds = array<i64: 3, 256>}, {transform_indices = @transform_3, window_bounds = array<i64: 3, 256>}]} {
    %get3A = arith.constant 0 : index
    %get3A_0 = arith.constant 0 : index
    %get3A_1 = arith.constant 0 : index
    %get3A_2 = vector.load %arg1[%get3A, %get3A_0, %get3A_1] : memref<1x8x256xf32, #tpu.memory_space<vmem>>, vector<1x8x256xf32>
    %get3A_3 = vector.shape_cast %get3A_2 : vector<1x8x256xf32> to vector<8x256xf32>
    %get3A_4 = arith.constant 0 : index
    %get3A_5 = arith.constant 0 : index
    %get3A_6 = arith.constant 0 : index
    %get3A_7 = vector.load %arg2[%get3A_4, %get3A_5, %get3A_6] : memref<1x2048x8xf32, #tpu.memory_space<vmem>>, vector<1x2048x8xf32>
    %get3A_8 = vector.shape_cast %get3A_7 : vector<1x2048x8xf32> to vector<2048x8xf32>
    %dot_general3A = arith.constant dense<0.000000e+00> : vector<2048x256xf32>
    %dot_general3A_9 = tpu.matmul %get3A_8, %get3A_3, %dot_general3A {dimension_numbers = #tpu.dot_dimension_numbers<[1], [0], [0], [1], [0, 0, 1, 1], [], []>, transpose_lhs_hint = false} : vector<2048x8xf32>, vector<8x256xf32>, vector<2048x256xf32> -> vector<2048x256xf32>
    %slice3A = vector.extract_strided_slice %get3A_3 {offsets = [0, 0], sizes = [1, 256], strides = [1, 1]} : vector<8x256xf32> to vector<1x256xf32>
    %slice3A_10 = vector.extract_strided_slice %get3A_3 {offsets = [0, 0], sizes = [1, 256], strides = [1, 1]} : vector<8x256xf32> to vector<1x256xf32>
    %mul3A = arith.mulf %slice3A, %slice3A_10 : vector<1x256xf32>
    %slice3A_11 = vector.extract_strided_slice %get3A_3 {offsets = [1, 0], sizes = [1, 256], strides = [1, 1]} : vector<8x256xf32> to vector<1x256xf32>
    %slice3A_12 = vector.extract_strided_slice %get3A_3 {offsets = [1, 0], sizes = [1, 256], strides = [1, 1]} : vector<8x256xf32> to vector<1x256xf32>
    %mul3A_13 = arith.mulf %slice3A_11, %slice3A_12 : vector<1x256xf32>
    %add3A = arith.addf %mul3A, %mul3A_13 : vector<1x256xf32>
    %slice3A_14 = vector.extract_strided_slice %get3A_3 {offsets = [2, 0], sizes = [1, 256], strides = [1, 1]} : vector<8x256xf32> to vector<1x256xf32>
    %slice3A_15 = vector.extract_strided_slice %get3A_3 {offsets = [2, 0], sizes = [1, 256], strides = [1, 1]} : vector<8x256xf32> to vector<1x256xf32>
    %mul3A_16 = arith.mulf %slice3A_14, %slice3A_15 : vector<1x256xf32>
    %add3A_17 = arith.addf %add3A, %mul3A_16 : vector<1x256xf32>
    %slice3A_18 = vector.extract_strided_slice %get3A_8 {offsets = [0, 0], sizes = [2048, 1], strides = [1, 1]} : vector<2048x8xf32> to vector<2048x1xf32>
    %slice3A_19 = vector.extract_strided_slice %get3A_8 {offsets = [0, 0], sizes = [2048, 1], strides = [1, 1]} : vector<2048x8xf32> to vector<2048x1xf32>
    %mul3A_20 = arith.mulf %slice3A_18, %slice3A_19 : vector<2048x1xf32>
    %slice3A_21 = vector.extract_strided_slice %get3A_8 {offsets = [0, 1], sizes = [2048, 1], strides = [1, 1]} : vector<2048x8xf32> to vector<2048x1xf32>
    %slice3A_22 = vector.extract_strided_slice %get3A_8 {offsets = [0, 1], sizes = [2048, 1], strides = [1, 1]} : vector<2048x8xf32> to vector<2048x1xf32>
    %mul3A_23 = arith.mulf %slice3A_21, %slice3A_22 : vector<2048x1xf32>
    %add3A_24 = arith.addf %mul3A_20, %mul3A_23 : vector<2048x1xf32>
    %slice3A_25 = vector.extract_strided_slice %get3A_8 {offsets = [0, 2], sizes = [2048, 1], strides = [1, 1]} : vector<2048x8xf32> to vector<2048x1xf32>
    %slice3A_26 = vector.extract_strided_slice %get3A_8 {offsets = [0, 2], sizes = [2048, 1], strides = [1, 1]} : vector<2048x8xf32> to vector<2048x1xf32>
    %mul3A_27 = arith.mulf %slice3A_25, %slice3A_26 : vector<2048x1xf32>
    %add3A_28 = arith.addf %add3A_24, %mul3A_27 : vector<2048x1xf32>
    %mul3A_29 = arith.constant 2.000000e+00 : f32
    %mul3A_30 = vector.broadcast %mul3A_29 : f32 to vector<2048x256xf32>
    %mul3A_31 = arith.mulf %mul3A_30, %dot_general3A_9 : vector<2048x256xf32>
    %sub3A = vector.broadcast %add3A_17 : vector<1x256xf32> to vector<2048x256xf32>
    %sub3A_32 = arith.subf %sub3A, %mul3A_31 : vector<2048x256xf32>
    %add3A_33 = vector.broadcast %add3A_28 : vector<2048x1xf32> to vector<2048x256xf32>
    %add3A_34 = arith.addf %sub3A_32, %add3A_33 : vector<2048x256xf32>
    %bitcast_convert_type3A = tpu.bitcast %add3A_34 : vector<2048x256xf32> -> vector<2048x256xi32>
    %shift_right_arithmetic3A = arith.constant 31 : i32
    %shift_right_arithmetic3A_35 = vector.broadcast %shift_right_arithmetic3A : i32 to vector<2048x256xi32>
    %shift_right_arithmetic3A_36 = arith.shrsi %bitcast_convert_type3A, %shift_right_arithmetic3A_35 : vector<2048x256xi32>
    %and3A = arith.constant 2147483647 : i32
    %and3A_37 = vector.broadcast %and3A : i32 to vector<2048x256xi32>
    %and3A_38 = arith.andi %shift_right_arithmetic3A_36, %and3A_37 : vector<2048x256xi32>
    %xor3A = arith.xori %bitcast_convert_type3A, %and3A_38 : vector<2048x256xi32>
    %iota3A = tpu.iota {dimensions = array<i32: 0>} : vector<2048x256xi32>
    %reduce_min3A = arith.constant dense<2147483647> : vector<256xi32>
    %reduce_min3A_39 = vector.multi_reduction <minsi>, %xor3A, %reduce_min3A [0] : vector<2048x256xi32> to vector<256xi32>
    %broadcast_in_dim3A = vector.shape_cast %reduce_min3A_39 : vector<256xi32> to vector<1x256xi32>
    %le3A = vector.broadcast %broadcast_in_dim3A : vector<1x256xi32> to vector<2048x256xi32>
    %le3A_40 = arith.cmpi sle, %xor3A, %le3A : vector<2048x256xi32>
    %jit3A = arith.constant 2147483647 : i32
    %broadcast_in_dim3A_41 = vector.broadcast %jit3A : i32 to vector<2048x256xi32>
    %select_n3A = arith.select %le3A_40, %broadcast_in_dim3A_41, %xor3A : vector<2048x256xi1>, vector<2048x256xi32>
    %reduce_min3A_42 = arith.constant dense<2147483647> : vector<256xi32>
    %reduce_min3A_43 = vector.multi_reduction <minsi>, %select_n3A, %reduce_min3A_42 [0] : vector<2048x256xi32> to vector<256xi32>
    %broadcast_in_dim3A_44 = vector.shape_cast %reduce_min3A_43 : vector<256xi32> to vector<1x256xi32>
    %le3A_45 = vector.broadcast %broadcast_in_dim3A_44 : vector<1x256xi32> to vector<2048x256xi32>
    %le3A_46 = arith.cmpi sle, %select_n3A, %le3A_45 : vector<2048x256xi32>
    %jit3A_47 = arith.constant 2147483647 : i32
    %broadcast_in_dim3A_48 = vector.broadcast %jit3A_47 : i32 to vector<2048x256xi32>
    %select_n3A_49 = arith.select %le3A_46, %broadcast_in_dim3A_48, %select_n3A : vector<2048x256xi1>, vector<2048x256xi32>
    %reduce_min3A_50 = arith.constant dense<2147483647> : vector<256xi32>
    %reduce_min3A_51 = vector.multi_reduction <minsi>, %select_n3A_49, %reduce_min3A_50 [0] : vector<2048x256xi32> to vector<256xi32>
    %broadcast_in_dim3A_52 = vector.shape_cast %reduce_min3A_51 : vector<256xi32> to vector<1x256xi32>
    %le3A_53 = vector.broadcast %broadcast_in_dim3A : vector<1x256xi32> to vector<2048x256xi32>
    %le3A_54 = arith.cmpi sle, %xor3A, %le3A_53 : vector<2048x256xi32>
    %jit3A_55 = arith.constant 2147483647 : i32
    %broadcast_in_dim3A_56 = vector.broadcast %jit3A_55 : i32 to vector<2048x256xi32>
    %select_n3A_57 = arith.select %le3A_54, %iota3A, %broadcast_in_dim3A_56 : vector<2048x256xi1>, vector<2048x256xi32>
    %reduce_min3A_58 = arith.constant dense<2147483647> : vector<256xi32>
    %reduce_min3A_59 = vector.multi_reduction <minsi>, %select_n3A_57, %reduce_min3A_58 [0] : vector<2048x256xi32> to vector<256xi32>
    %broadcast_in_dim3A_60 = vector.shape_cast %reduce_min3A_59 : vector<256xi32> to vector<1x256xi32>
    %le3A_61 = vector.broadcast %broadcast_in_dim3A_44 : vector<1x256xi32> to vector<2048x256xi32>
    %le3A_62 = arith.cmpi sle, %select_n3A, %le3A_61 : vector<2048x256xi32>
    %jit3A_63 = arith.constant 2147483647 : i32
    %broadcast_in_dim3A_64 = vector.broadcast %jit3A_63 : i32 to vector<2048x256xi32>
    %select_n3A_65 = arith.select %le3A_62, %iota3A, %broadcast_in_dim3A_64 : vector<2048x256xi1>, vector<2048x256xi32>
    %reduce_min3A_66 = arith.constant dense<2147483647> : vector<256xi32>
    %reduce_min3A_67 = vector.multi_reduction <minsi>, %select_n3A_65, %reduce_min3A_66 [0] : vector<2048x256xi32> to vector<256xi32>
    %broadcast_in_dim3A_68 = vector.shape_cast %reduce_min3A_67 : vector<256xi32> to vector<1x256xi32>
    %le3A_69 = vector.broadcast %broadcast_in_dim3A_52 : vector<1x256xi32> to vector<2048x256xi32>
    %le3A_70 = arith.cmpi sle, %select_n3A_49, %le3A_69 : vector<2048x256xi32>
    %jit3A_71 = arith.constant 2147483647 : i32
    %broadcast_in_dim3A_72 = vector.broadcast %jit3A_71 : i32 to vector<2048x256xi32>
    %select_n3A_73 = arith.select %le3A_70, %iota3A, %broadcast_in_dim3A_72 : vector<2048x256xi1>, vector<2048x256xi32>
    %reduce_min3A_74 = arith.constant dense<2147483647> : vector<256xi32>
    %reduce_min3A_75 = vector.multi_reduction <minsi>, %select_n3A_73, %reduce_min3A_74 [0] : vector<2048x256xi32> to vector<256xi32>
    %broadcast_in_dim3A_76 = vector.shape_cast %reduce_min3A_75 : vector<256xi32> to vector<1x256xi32>
    %shift_right_arithmetic3A_77 = arith.constant 31 : i32
    %shift_right_arithmetic3A_78 = vector.broadcast %shift_right_arithmetic3A_77 : i32 to vector<1x256xi32>
    %shift_right_arithmetic3A_79 = arith.shrsi %broadcast_in_dim3A, %shift_right_arithmetic3A_78 : vector<1x256xi32>
    %and3A_80 = arith.constant 2147483647 : i32
    %and3A_81 = vector.broadcast %and3A_80 : i32 to vector<1x256xi32>
    %and3A_82 = arith.andi %shift_right_arithmetic3A_79, %and3A_81 : vector<1x256xi32>
    %xor3A_83 = arith.xori %broadcast_in_dim3A, %and3A_82 : vector<1x256xi32>
    %bitcast_convert_type3A_84 = tpu.bitcast %xor3A_83 : vector<1x256xi32> -> vector<1x256xf32>
    %add3A_85 = arith.constant 9.99999993E-9 : f32
    %add3A_86 = vector.broadcast %add3A_85 : f32 to vector<1x256xf32>
    %add3A_87 = arith.addf %bitcast_convert_type3A_84, %add3A_86 : vector<1x256xf32>
    %div3A = arith.constant 1.000000e+00 : f32
    %div3A_88 = vector.broadcast %div3A : f32 to vector<1x256xf32>
    %div3A_89 = arith.divf %div3A_88, %add3A_87 : vector<1x256xf32>
    %shift_right_arithmetic3A_90 = arith.constant 31 : i32
    %shift_right_arithmetic3A_91 = vector.broadcast %shift_right_arithmetic3A_90 : i32 to vector<1x256xi32>
    %shift_right_arithmetic3A_92 = arith.shrsi %broadcast_in_dim3A_44, %shift_right_arithmetic3A_91 : vector<1x256xi32>
    %and3A_93 = arith.constant 2147483647 : i32
    %and3A_94 = vector.broadcast %and3A_93 : i32 to vector<1x256xi32>
    %and3A_95 = arith.andi %shift_right_arithmetic3A_92, %and3A_94 : vector<1x256xi32>
    %xor3A_96 = arith.xori %broadcast_in_dim3A_44, %and3A_95 : vector<1x256xi32>
    %bitcast_convert_type3A_97 = tpu.bitcast %xor3A_96 : vector<1x256xi32> -> vector<1x256xf32>
    %add3A_98 = arith.constant 9.99999993E-9 : f32
    %add3A_99 = vector.broadcast %add3A_98 : f32 to vector<1x256xf32>
    %add3A_100 = arith.addf %bitcast_convert_type3A_97, %add3A_99 : vector<1x256xf32>
    %div3A_101 = arith.constant 1.000000e+00 : f32
    %div3A_102 = vector.broadcast %div3A_101 : f32 to vector<1x256xf32>
    %div3A_103 = arith.divf %div3A_102, %add3A_100 : vector<1x256xf32>
    %shift_right_arithmetic3A_104 = arith.constant 31 : i32
    %shift_right_arithmetic3A_105 = vector.broadcast %shift_right_arithmetic3A_104 : i32 to vector<1x256xi32>
    %shift_right_arithmetic3A_106 = arith.shrsi %broadcast_in_dim3A_52, %shift_right_arithmetic3A_105 : vector<1x256xi32>
    %and3A_107 = arith.constant 2147483647 : i32
    %and3A_108 = vector.broadcast %and3A_107 : i32 to vector<1x256xi32>
    %and3A_109 = arith.andi %shift_right_arithmetic3A_106, %and3A_108 : vector<1x256xi32>
    %xor3A_110 = arith.xori %broadcast_in_dim3A_52, %and3A_109 : vector<1x256xi32>
    %bitcast_convert_type3A_111 = tpu.bitcast %xor3A_110 : vector<1x256xi32> -> vector<1x256xf32>
    %add3A_112 = arith.constant 9.99999993E-9 : f32
    %add3A_113 = vector.broadcast %add3A_112 : f32 to vector<1x256xf32>
    %add3A_114 = arith.addf %bitcast_convert_type3A_111, %add3A_113 : vector<1x256xf32>
    %div3A_115 = arith.constant 1.000000e+00 : f32
    %div3A_116 = vector.broadcast %div3A_115 : f32 to vector<1x256xf32>
    %div3A_117 = arith.divf %div3A_116, %add3A_114 : vector<1x256xf32>
    %add3A_118 = arith.addf %div3A_89, %div3A_103 : vector<1x256xf32>
    %add3A_119 = arith.addf %add3A_118, %div3A_117 : vector<1x256xf32>
    %jit3A_120 = arith.constant 32 : i32
    %div3A_121 = arith.divsi %arg0, %jit3A_120 : i32
    %sign3A = arith.constant 0 : i32
    %sign3A_122 = arith.cmpi sgt, %arg0, %sign3A : i32
    %sign3A_123 = arith.extui %sign3A_122 : i1 to i32
    %sign3A_124 = arith.constant 0 : i32
    %sign3A_125 = arith.cmpi slt, %arg0, %sign3A_124 : i32
    %sign3A_126 = arith.extui %sign3A_125 : i1 to i32
    %sign3A_127 = arith.subi %sign3A_123, %sign3A_126 : i32
    %sign3A_128 = arith.constant 0 : i32
    %sign3A_129 = arith.cmpi sgt, %jit3A_120, %sign3A_128 : i32
    %sign3A_130 = arith.extui %sign3A_129 : i1 to i32
    %sign3A_131 = arith.constant 0 : i32
    %sign3A_132 = arith.cmpi slt, %jit3A_120, %sign3A_131 : i32
    %sign3A_133 = arith.extui %sign3A_132 : i1 to i32
    %sign3A_134 = arith.subi %sign3A_130, %sign3A_133 : i32
    %ne3A = arith.cmpi ne, %sign3A_127, %sign3A_134 : i32
    %rem3A = arith.remsi %arg0, %jit3A_120 : i32
    %ne3A_135 = arith.constant 0 : i32
    %ne3A_136 = arith.cmpi ne, %rem3A, %ne3A_135 : i32
    %and3A_137 = arith.andi %ne3A, %ne3A_136 : i1
    %sub3A_138 = arith.constant 1 : i32
    %sub3A_139 = arith.subi %div3A_121, %sub3A_138 : i32
    %select_n3A_140 = arith.select %and3A_137, %sub3A_139, %div3A_121 : i32
    %mul3A_141 = arith.constant 2048 : i32
    %mul3A_142 = arith.muli %select_n3A_140, %mul3A_141 : i32
    %add3A_143 = vector.broadcast %mul3A_142 : i32 to vector<1x256xi32>
    %add3A_144 = arith.addi %broadcast_in_dim3A_60, %add3A_143 : vector<1x256xi32>
    %add3A_145 = vector.broadcast %mul3A_142 : i32 to vector<1x256xi32>
    %add3A_146 = arith.addi %broadcast_in_dim3A_68, %add3A_145 : vector<1x256xi32>
    %add3A_147 = vector.broadcast %mul3A_142 : i32 to vector<1x256xi32>
    %add3A_148 = arith.addi %broadcast_in_dim3A_76, %add3A_147 : vector<1x256xi32>
    %concatenate3A = tpu.concatenate %add3A_144, %add3A_146, %add3A_148 in 0 : vector<1x256xi32>, vector<1x256xi32>, vector<1x256xi32> -> vector<3x256xi32>
    %swap3A = arith.constant 0 : index
    %swap3A_149 = arith.constant 0 : index
    %swap3A_150 = vector.load %arg3[%swap3A, %swap3A_149] : memref<3x256xi32, #tpu.memory_space<vmem>>, vector<3x256xi32>
    tpu.vector_store %arg3[%swap3A, %swap3A_149], %concatenate3A {strides = array<i32>} : memref<3x256xi32, #tpu.memory_space<vmem>>, vector<3x256xi32>,
    %div3A_151 = arith.divf %div3A_89, %add3A_119 : vector<1x256xf32>
    %div3A_152 = arith.divf %div3A_103, %add3A_119 : vector<1x256xf32>
    %div3A_153 = arith.divf %div3A_117, %add3A_119 : vector<1x256xf32>
    %concatenate3A_154 = tpu.concatenate %div3A_151, %div3A_152, %div3A_153 in 0 : vector<1x256xf32>, vector<1x256xf32>, vector<1x256xf32> -> vector<3x256xf32>
    %swap3A_155 = arith.constant 0 : index
    %swap3A_156 = arith.constant 0 : index
    %swap3A_157 = vector.load %arg4[%swap3A_155, %swap3A_156] : memref<3x256xf32, #tpu.memory_space<vmem>>, vector<3x256xf32>
    tpu.vector_store %arg4[%swap3A_155, %swap3A_156], %concatenate3A_154 {strides = array<i32>} : memref<3x256xf32, #tpu.memory_space<vmem>>, vector<3x256xf32>,
    return
  }
  func.func @transform_0(%arg0: i32) -> (i32, i32, i32) {
    %jit3A = arith.constant 32 : i32
    %div3A = arith.divsi %arg0, %jit3A : i32
    %sign3A = arith.constant 0 : i32
    %sign3A_0 = arith.cmpi sgt, %arg0, %sign3A : i32
    %sign3A_1 = arith.extui %sign3A_0 : i1 to i32
    %sign3A_2 = arith.constant 0 : i32
    %sign3A_3 = arith.cmpi slt, %arg0, %sign3A_2 : i32
    %sign3A_4 = arith.extui %sign3A_3 : i1 to i32
    %sign3A_5 = arith.subi %sign3A_1, %sign3A_4 : i32
    %sign3A_6 = arith.constant 0 : i32
    %sign3A_7 = arith.cmpi sgt, %jit3A, %sign3A_6 : i32
    %sign3A_8 = arith.extui %sign3A_7 : i1 to i32
    %sign3A_9 = arith.constant 0 : i32
    %sign3A_10 = arith.cmpi slt, %jit3A, %sign3A_9 : i32
    %sign3A_11 = arith.extui %sign3A_10 : i1 to i32
    %sign3A_12 = arith.subi %sign3A_8, %sign3A_11 : i32
    %ne3A = arith.cmpi ne, %sign3A_5, %sign3A_12 : i32
    %rem3A = arith.remsi %arg0, %jit3A : i32
    %ne3A_13 = arith.constant 0 : i32
    %ne3A_14 = arith.cmpi ne, %rem3A, %ne3A_13 : i32
    %and3A = arith.andi %ne3A, %ne3A_14 : i1
    %sub3A = arith.constant 1 : i32
    %sub3A_15 = arith.subi %div3A, %sub3A : i32
    %select_n3A = arith.select %and3A, %sub3A_15, %div3A : i32
    %jit3A_16 = arith.constant 32 : i32
    %eq3A = arith.constant 0 : i32
    %eq3A_17 = arith.cmpi eq, %jit3A_16, %eq3A : i32
    %jit3A_18 = arith.constant 1 : i32
    %select_n3A_19 = arith.select %eq3A_17, %jit3A_18, %jit3A_16 : i32
    %rem3A_20 = arith.remsi %arg0, %select_n3A_19 : i32
    %ne3A_21 = arith.constant 0 : i32
    %ne3A_22 = arith.cmpi ne, %rem3A_20, %ne3A_21 : i32
    %lt3A = arith.constant 0 : i32
    %lt3A_23 = arith.cmpi slt, %rem3A_20, %lt3A : i32
    %lt3A_24 = arith.constant 0 : i32
    %lt3A_25 = arith.cmpi slt, %select_n3A_19, %lt3A_24 : i32
    %ne3A_26 = arith.xori %lt3A_23, %lt3A_25 : i1
    %and3A_27 = arith.andi %ne3A_26, %ne3A_22 : i1
    %add3A = arith.addi %rem3A_20, %select_n3A_19 : i32
    %select_n3A_28 = arith.select %and3A_27, %add3A, %rem3A_20 : i32
    %c0_i32 = arith.constant 0 : i32
    %c0_i32_29 = arith.constant 0 : i32
    return %select_n3A, %c0_i32, %select_n3A_28 : i32, i32, i32
  }
  func.func @transform_1(%arg0: i32) -> (i32, i32, i32) {
    %jit3A = arith.constant 32 : i32
    %div3A = arith.divsi %arg0, %jit3A : i32
    %sign3A = arith.constant 0 : i32
    %sign3A_0 = arith.cmpi sgt, %arg0, %sign3A : i32
    %sign3A_1 = arith.extui %sign3A_0 : i1 to i32
    %sign3A_2 = arith.constant 0 : i32
    %sign3A_3 = arith.cmpi slt, %arg0, %sign3A_2 : i32
    %sign3A_4 = arith.extui %sign3A_3 : i1 to i32
    %sign3A_5 = arith.subi %sign3A_1, %sign3A_4 : i32
    %sign3A_6 = arith.constant 0 : i32
    %sign3A_7 = arith.cmpi sgt, %jit3A, %sign3A_6 : i32
    %sign3A_8 = arith.extui %sign3A_7 : i1 to i32
    %sign3A_9 = arith.constant 0 : i32
    %sign3A_10 = arith.cmpi slt, %jit3A, %sign3A_9 : i32
    %sign3A_11 = arith.extui %sign3A_10 : i1 to i32
    %sign3A_12 = arith.subi %sign3A_8, %sign3A_11 : i32
    %ne3A = arith.cmpi ne, %sign3A_5, %sign3A_12 : i32
    %rem3A = arith.remsi %arg0, %jit3A : i32
    %ne3A_13 = arith.constant 0 : i32
    %ne3A_14 = arith.cmpi ne, %rem3A, %ne3A_13 : i32
    %and3A = arith.andi %ne3A, %ne3A_14 : i1
    %sub3A = arith.constant 1 : i32
    %sub3A_15 = arith.subi %div3A, %sub3A : i32
    %select_n3A = arith.select %and3A, %sub3A_15, %div3A : i32
    %c0_i32 = arith.constant 0 : i32
    %c0_i32_16 = arith.constant 0 : i32
    %c0_i32_17 = arith.constant 0 : i32
    return %select_n3A, %c0_i32, %c0_i32_16 : i32, i32, i32
  }
  func.func @transform_2(%arg0: i32) -> (i32, i32) {
    %c0_i32 = arith.constant 0 : i32
    %c0_i32_0 = arith.constant 0 : i32
    return %c0_i32, %arg0 : i32, i32
  }
  func.func @transform_3(%arg0: i32) -> (i32, i32) {
    %c0_i32 = arith.constant 0 : i32
    %c0_i32_0 = arith.constant 0 : i32
    return %c0_i32, %arg0 : i32, i32
  }
}

module attributes {stable_mosaic.version = 14 : i64} {
  func.func @_mlp_body(%arg0: i32, %arg1: i32, %arg2: memref<256x128xf32, #tpu.memory_space<vmem>>, %arg3: memref<1x64x256xf32, #tpu.memory_space<vmem>>, %arg4: memref<128x128xf32, #tpu.memory_space<vmem>>, %arg5: memref<128x64xf32, #tpu.memory_space<vmem>>, %arg6: memref<128x128xf32, #tpu.memory_space<vmem>>, %arg7: memref<128x1xf32, #tpu.memory_space<vmem>>, %arg8: memref<128x1xf32, #tpu.memory_space<vmem>>, %arg9: memref<128x1xf32, #tpu.memory_space<vmem>>, %arg10: memref<128x1xf32, #tpu.memory_space<vmem>>, %arg11: memref<128x1xf32, #tpu.memory_space<vmem>>, %arg12: memref<128x1xf32, #tpu.memory_space<vmem>>, %arg13: memref<1x128x256xf32, #tpu.memory_space<vmem>>, %arg14: memref<128x128x256xf32, #tpu.memory_space<vmem>>, %arg15: memref<128x128x256xf32, #tpu.memory_space<vmem>>, %arg16: memref<128x8xf32, #tpu.memory_space<vmem>>) attributes {dimension_semantics = [#tpu.dimension_semantics<arbitrary>, #tpu.dimension_semantics<arbitrary>], iteration_bounds = array<i64: 3, 128>, scalar_prefetch = 0 : i64, scratch_operands = 3 : i64, tpu.core_type = #tpu.core_type<tc>, window_params = [{transform_indices = @transform_0, window_bounds = array<i64: 256, 128>}, {transform_indices = @transform_1, window_bounds = array<i64: 1, 64, 256>}, {pipeline_mode = #tpu.pipeline_mode<synchronous>, transform_indices = @transform_2, window_bounds = array<i64: 128, 128>}, {pipeline_mode = #tpu.pipeline_mode<synchronous>, transform_indices = @transform_3, window_bounds = array<i64: 128, 64>}, {pipeline_mode = #tpu.pipeline_mode<synchronous>, transform_indices = @transform_4, window_bounds = array<i64: 128, 128>}, {pipeline_mode = #tpu.pipeline_mode<synchronous>, transform_indices = @transform_5, window_bounds = array<i64: 128, 1>}, {pipeline_mode = #tpu.pipeline_mode<synchronous>, transform_indices = @transform_6, window_bounds = array<i64: 128, 1>}, {pipeline_mode = #tpu.pipeline_mode<synchronous>, transform_indices = @transform_7, window_bounds = array<i64: 128, 1>}, {pipeline_mode = #tpu.pipeline_mode<synchronous>, transform_indices = @transform_8, window_bounds = array<i64: 128, 1>}, {pipeline_mode = #tpu.pipeline_mode<synchronous>, transform_indices = @transform_9, window_bounds = array<i64: 128, 1>}, {pipeline_mode = #tpu.pipeline_mode<synchronous>, transform_indices = @transform_10, window_bounds = array<i64: 128, 1>}, {transform_indices = @transform_11, window_bounds = array<i64: 1, 128, 256>}]} {
    %eq3A = arith.constant 0 : i32
    %eq3A_0 = arith.cmpi eq, %arg0, %eq3A : i32
    %convert_element_type3A = arith.extui %eq3A_0 : i1 to i32
    %cond3A = arith.constant 0 : i32
    %cond3A_1 = arith.cmpi ne, %convert_element_type3A, %cond3A : i32
    scf.if %cond3A_1 {
      %get3A = arith.constant 0 : index
      %get3A_12 = arith.constant 0 : index
      %get3A_13 = vector.load %arg2[%get3A, %get3A_12] : memref<256x128xf32, #tpu.memory_space<vmem>>, vector<256x128xf32>
      %transpose3A = tpu.transpose %get3A_13, [1, 0] : vector<256x128xf32> -> vector<128x256xf32>
      %get3A_14 = arith.constant 0 : index
      %get3A_15 = arith.constant 0 : index
      %get3A_16 = vector.load %arg4[%get3A_14, %get3A_15] : memref<128x128xf32, #tpu.memory_space<vmem>>, vector<128x128xf32>
      %dot_general3A = arith.constant dense<0.000000e+00> : vector<128x256xf32>
      %dot_general3A_17 = tpu.matmul %get3A_16, %transpose3A, %dot_general3A {dimension_numbers = #tpu.dot_dimension_numbers<[1], [0], [0], [1], [0, 0, 1, 1], [], []>, transpose_lhs_hint = false} : vector<128x128xf32>, vector<128x256xf32>, vector<128x256xf32> -> vector<128x256xf32>
      %get3A_18 = arith.constant 0 : index
      %get3A_19 = arith.constant 0 : index
      %get3A_20 = vector.load %arg5[%get3A_18, %get3A_19] : memref<128x64xf32, #tpu.memory_space<vmem>>, vector<128x64xf32>
      %get3A_21 = arith.constant 0 : index
      %get3A_22 = arith.constant 0 : index
      %get3A_23 = arith.constant 0 : index
      %get3A_24 = vector.load %arg3[%get3A_21, %get3A_22, %get3A_23] : memref<1x64x256xf32, #tpu.memory_space<vmem>>, vector<1x64x256xf32>
      %get3A_25 = vector.shape_cast %get3A_24 : vector<1x64x256xf32> to vector<64x256xf32>
      %dot_general3A_26 = arith.constant dense<0.000000e+00> : vector<128x256xf32>
      %dot_general3A_27 = tpu.matmul %get3A_20, %get3A_25, %dot_general3A_26 {dimension_numbers = #tpu.dot_dimension_numbers<[1], [0], [0], [1], [0, 0, 1, 1], [], []>, transpose_lhs_hint = false} : vector<128x64xf32>, vector<64x256xf32>, vector<128x256xf32> -> vector<128x256xf32>
      %add3A = arith.addf %dot_general3A_17, %dot_general3A_27 : vector<128x256xf32>
      %get3A_28 = arith.constant 0 : index
      %get3A_29 = arith.constant 0 : index
      %get3A_30 = vector.load %arg7[%get3A_28, %get3A_29] : memref<128x1xf32, #tpu.memory_space<vmem>>, vector<128x1xf32>
      %add3A_31 = vector.broadcast %get3A_30 : vector<128x1xf32> to vector<128x256xf32>
      %add3A_32 = arith.addf %add3A, %add3A_31 : vector<128x256xf32>
      %swap3A = arith.index_cast %arg1 : i32 to index
      %swap3A_33 = arith.constant 0 : index
      %swap3A_34 = arith.constant 0 : index
      %swap3A_35 = vector.load %arg14[%swap3A, %swap3A_33, %swap3A_34] : memref<128x128x256xf32, #tpu.memory_space<vmem>>, vector<1x128x256xf32>
      %swap3A_36 = vector.shape_cast %swap3A_35 : vector<1x128x256xf32> to vector<128x256xf32>
      %swap3A_37 = vector.shape_cast %add3A_32 : vector<128x256xf32> to vector<1x128x256xf32>
      tpu.vector_store %arg14[%swap3A, %swap3A_33, %swap3A_34], %swap3A_37 {strides = array<i32>} : memref<128x128x256xf32, #tpu.memory_space<vmem>>, vector<1x128x256xf32>,
      %eq3A_38 = arith.constant 0 : i32
      %eq3A_39 = arith.cmpi eq, %arg1, %eq3A_38 : i32
      %convert_element_type3A_40 = arith.extui %eq3A_39 : i1 to i32
      %cond3A_41 = arith.constant 0 : i32
      %cond3A_42 = arith.cmpi ne, %convert_element_type3A_40, %cond3A_41 : i32
      scf.if %cond3A_42 {
        %broadcast_in_dim3A_61 = arith.constant 0.000000e+00 : f32
        %broadcast_in_dim3A_62 = vector.broadcast %broadcast_in_dim3A_61 : f32 to vector<128x8xf32>
        %swap3A_63 = arith.constant 0 : index
        %swap3A_64 = arith.constant 0 : index
        %swap3A_65 = vector.load %arg16[%swap3A_63, %swap3A_64] : memref<128x8xf32, #tpu.memory_space<vmem>>, vector<128x8xf32>
        tpu.vector_store %arg16[%swap3A_63, %swap3A_64], %broadcast_in_dim3A_62 {strides = array<i32>} : memref<128x8xf32, #tpu.memory_space<vmem>>, vector<128x8xf32>,
      } else {
      }
      %get3A_43 = arith.constant 0 : index
      %get3A_44 = arith.constant 0 : index
      %get3A_45 = vector.load %arg16[%get3A_43, %get3A_44] : memref<128x8xf32, #tpu.memory_space<vmem>>, vector<128x1xf32>
      %reduce_sum3A = arith.constant dense<0.000000e+00> : vector<128xf32>
      %reduce_sum3A_46 = vector.multi_reduction <add>, %add3A_32, %reduce_sum3A [1] : vector<128x256xf32> to vector<128xf32>
      %broadcast_in_dim3A = vector.shape_cast %reduce_sum3A_46 : vector<128xf32> to vector<128x1xf32>
      %add3A_47 = arith.addf %get3A_45, %broadcast_in_dim3A : vector<128x1xf32>
      %swap3A_48 = arith.constant 0 : index
      %swap3A_49 = arith.constant 0 : index
      %swap3A_50 = vector.load %arg16[%swap3A_48, %swap3A_49] : memref<128x8xf32, #tpu.memory_space<vmem>>, vector<128x1xf32>
      tpu.vector_store %arg16[%swap3A_48, %swap3A_49], %add3A_47 {strides = array<i32>} : memref<128x8xf32, #tpu.memory_space<vmem>>, vector<128x1xf32>,
      %get3A_51 = arith.constant 0 : index
      %get3A_52 = arith.constant 1 : index
      %get3A_53 = vector.load %arg16[%get3A_51, %get3A_52] : memref<128x8xf32, #tpu.memory_space<vmem>>, vector<128x1xf32>
      %mul3A = arith.mulf %add3A_32, %add3A_32 : vector<128x256xf32>
      %reduce_sum3A_54 = arith.constant dense<0.000000e+00> : vector<128xf32>
      %reduce_sum3A_55 = vector.multi_reduction <add>, %mul3A, %reduce_sum3A_54 [1] : vector<128x256xf32> to vector<128xf32>
      %broadcast_in_dim3A_56 = vector.shape_cast %reduce_sum3A_55 : vector<128xf32> to vector<128x1xf32>
      %add3A_57 = arith.addf %get3A_53, %broadcast_in_dim3A_56 : vector<128x1xf32>
      %swap3A_58 = arith.constant 0 : index
      %swap3A_59 = arith.constant 1 : index
      %swap3A_60 = vector.load %arg16[%swap3A_58, %swap3A_59] : memref<128x8xf32, #tpu.memory_space<vmem>>, vector<128x1xf32>
      tpu.vector_store %arg16[%swap3A_58, %swap3A_59], %add3A_57 {strides = array<i32>} : memref<128x8xf32, #tpu.memory_space<vmem>>, vector<128x1xf32>,
    } else {
    }
    %eq3A_2 = arith.constant 1 : i32
    %eq3A_3 = arith.cmpi eq, %arg0, %eq3A_2 : i32
    %convert_element_type3A_4 = arith.extui %eq3A_3 : i1 to i32
    %cond3A_5 = arith.constant 0 : i32
    %cond3A_6 = arith.cmpi ne, %convert_element_type3A_4, %cond3A_5 : i32
    scf.if %cond3A_6 {
      %get3A = arith.index_cast %arg1 : i32 to index
      %get3A_12 = arith.constant 0 : index
      %get3A_13 = arith.constant 0 : index
      %get3A_14 = vector.load %arg14[%get3A, %get3A_12, %get3A_13] : memref<128x128x256xf32, #tpu.memory_space<vmem>>, vector<1x128x256xf32>
      %get3A_15 = vector.shape_cast %get3A_14 : vector<1x128x256xf32> to vector<128x256xf32>
      %get3A_16 = arith.constant 0 : index
      %get3A_17 = arith.constant 0 : index
      %get3A_18 = vector.load %arg16[%get3A_16, %get3A_17] : memref<128x8xf32, #tpu.memory_space<vmem>>, vector<128x1xf32>
      %mul3A = arith.constant 3.05175781E-5 : f32
      %mul3A_19 = vector.broadcast %mul3A : f32 to vector<128x1xf32>
      %mul3A_20 = arith.mulf %get3A_18, %mul3A_19 : vector<128x1xf32>
      %get3A_21 = arith.constant 0 : index
      %get3A_22 = arith.constant 1 : index
      %get3A_23 = vector.load %arg16[%get3A_21, %get3A_22] : memref<128x8xf32, #tpu.memory_space<vmem>>, vector<128x1xf32>
      %mul3A_24 = arith.constant 3.05175781E-5 : f32
      %mul3A_25 = vector.broadcast %mul3A_24 : f32 to vector<128x1xf32>
      %mul3A_26 = arith.mulf %get3A_23, %mul3A_25 : vector<128x1xf32>
      %mul3A_27 = arith.mulf %mul3A_20, %mul3A_20 : vector<128x1xf32>
      %sub3A = arith.subf %mul3A_26, %mul3A_27 : vector<128x1xf32>
      %get3A_28 = arith.constant 0 : index
      %get3A_29 = arith.constant 0 : index
      %get3A_30 = vector.load %arg8[%get3A_28, %get3A_29] : memref<128x1xf32, #tpu.memory_space<vmem>>, vector<128x1xf32>
      %add3A = arith.constant 9.99999974E-6 : f32
      %add3A_31 = vector.broadcast %add3A : f32 to vector<128x1xf32>
      %add3A_32 = arith.addf %sub3A, %add3A_31 : vector<128x1xf32>
      %rsqrt3A = math.rsqrt %add3A_32 : vector<128x1xf32>
      %mul3A_33 = arith.mulf %get3A_30, %rsqrt3A : vector<128x1xf32>
      %get3A_34 = arith.constant 0 : index
      %get3A_35 = arith.constant 0 : index
      %get3A_36 = vector.load %arg9[%get3A_34, %get3A_35] : memref<128x1xf32, #tpu.memory_space<vmem>>, vector<128x1xf32>
      %mul3A_37 = arith.mulf %mul3A_20, %mul3A_33 : vector<128x1xf32>
      %sub3A_38 = arith.subf %get3A_36, %mul3A_37 : vector<128x1xf32>
      %mul3A_39 = vector.broadcast %mul3A_33 : vector<128x1xf32> to vector<128x256xf32>
      %mul3A_40 = arith.mulf %get3A_15, %mul3A_39 : vector<128x256xf32>
      %add3A_41 = vector.broadcast %sub3A_38 : vector<128x1xf32> to vector<128x256xf32>
      %add3A_42 = arith.addf %mul3A_40, %add3A_41 : vector<128x256xf32>
      %max3A = arith.constant 0.000000e+00 : f32
      %max3A_43 = vector.broadcast %max3A : f32 to vector<128x256xf32>
      %max3A_44 = arith.maximumf %add3A_42, %max3A_43 : vector<128x256xf32>
      %get3A_45 = arith.constant 0 : index
      %get3A_46 = arith.constant 0 : index
      %get3A_47 = vector.load %arg6[%get3A_45, %get3A_46] : memref<128x128xf32, #tpu.memory_space<vmem>>, vector<128x128xf32>
      %dot_general3A = arith.constant dense<0.000000e+00> : vector<128x256xf32>
      %dot_general3A_48 = tpu.matmul %get3A_47, %max3A_44, %dot_general3A {dimension_numbers = #tpu.dot_dimension_numbers<[1], [0], [0], [1], [0, 0, 1, 1], [], []>, transpose_lhs_hint = false} : vector<128x128xf32>, vector<128x256xf32>, vector<128x256xf32> -> vector<128x256xf32>
      %get3A_49 = arith.constant 0 : index
      %get3A_50 = arith.constant 0 : index
      %get3A_51 = vector.load %arg10[%get3A_49, %get3A_50] : memref<128x1xf32, #tpu.memory_space<vmem>>, vector<128x1xf32>
      %add3A_52 = vector.broadcast %get3A_51 : vector<128x1xf32> to vector<128x256xf32>
      %add3A_53 = arith.addf %dot_general3A_48, %add3A_52 : vector<128x256xf32>
      %swap3A = arith.index_cast %arg1 : i32 to index
      %swap3A_54 = arith.constant 0 : index
      %swap3A_55 = arith.constant 0 : index
      %swap3A_56 = vector.load %arg15[%swap3A, %swap3A_54, %swap3A_55] : memref<128x128x256xf32, #tpu.memory_space<vmem>>, vector<1x128x256xf32>
      %swap3A_57 = vector.shape_cast %swap3A_56 : vector<1x128x256xf32> to vector<128x256xf32>
      %swap3A_58 = vector.shape_cast %add3A_53 : vector<128x256xf32> to vector<1x128x256xf32>
      tpu.vector_store %arg15[%swap3A, %swap3A_54, %swap3A_55], %swap3A_58 {strides = array<i32>} : memref<128x128x256xf32, #tpu.memory_space<vmem>>, vector<1x128x256xf32>,
      %eq3A_59 = arith.constant 0 : i32
      %eq3A_60 = arith.cmpi eq, %arg1, %eq3A_59 : i32
      %convert_element_type3A_61 = arith.extui %eq3A_60 : i1 to i32
      %cond3A_62 = arith.constant 0 : i32
      %cond3A_63 = arith.cmpi ne, %convert_element_type3A_61, %cond3A_62 : i32
      scf.if %cond3A_63 {
        %broadcast_in_dim3A_83 = arith.constant 0.000000e+00 : f32
        %broadcast_in_dim3A_84 = vector.broadcast %broadcast_in_dim3A_83 : f32 to vector<128x2xf32>
        %swap3A_85 = arith.constant 0 : index
        %swap3A_86 = arith.constant 2 : index
        %swap3A_87 = vector.load %arg16[%swap3A_85, %swap3A_86] : memref<128x8xf32, #tpu.memory_space<vmem>>, vector<128x2xf32>
        tpu.vector_store %arg16[%swap3A_85, %swap3A_86], %broadcast_in_dim3A_84 {strides = array<i32>} : memref<128x8xf32, #tpu.memory_space<vmem>>, vector<128x2xf32>,
      } else {
      }
      %get3A_64 = arith.constant 0 : index
      %get3A_65 = arith.constant 2 : index
      %get3A_66 = vector.load %arg16[%get3A_64, %get3A_65] : memref<128x8xf32, #tpu.memory_space<vmem>>, vector<128x1xf32>
      %reduce_sum3A = arith.constant dense<0.000000e+00> : vector<128xf32>
      %reduce_sum3A_67 = vector.multi_reduction <add>, %add3A_53, %reduce_sum3A [1] : vector<128x256xf32> to vector<128xf32>
      %broadcast_in_dim3A = vector.shape_cast %reduce_sum3A_67 : vector<128xf32> to vector<128x1xf32>
      %add3A_68 = arith.addf %get3A_66, %broadcast_in_dim3A : vector<128x1xf32>
      %swap3A_69 = arith.constant 0 : index
      %swap3A_70 = arith.constant 2 : index
      %swap3A_71 = vector.load %arg16[%swap3A_69, %swap3A_70] : memref<128x8xf32, #tpu.memory_space<vmem>>, vector<128x1xf32>
      tpu.vector_store %arg16[%swap3A_69, %swap3A_70], %add3A_68 {strides = array<i32>} : memref<128x8xf32, #tpu.memory_space<vmem>>, vector<128x1xf32>,
      %get3A_72 = arith.constant 0 : index
      %get3A_73 = arith.constant 3 : index
      %get3A_74 = vector.load %arg16[%get3A_72, %get3A_73] : memref<128x8xf32, #tpu.memory_space<vmem>>, vector<128x1xf32>
      %mul3A_75 = arith.mulf %add3A_53, %add3A_53 : vector<128x256xf32>
      %reduce_sum3A_76 = arith.constant dense<0.000000e+00> : vector<128xf32>
      %reduce_sum3A_77 = vector.multi_reduction <add>, %mul3A_75, %reduce_sum3A_76 [1] : vector<128x256xf32> to vector<128xf32>
      %broadcast_in_dim3A_78 = vector.shape_cast %reduce_sum3A_77 : vector<128xf32> to vector<128x1xf32>
      %add3A_79 = arith.addf %get3A_74, %broadcast_in_dim3A_78 : vector<128x1xf32>
      %swap3A_80 = arith.constant 0 : index
      %swap3A_81 = arith.constant 3 : index
      %swap3A_82 = vector.load %arg16[%swap3A_80, %swap3A_81] : memref<128x8xf32, #tpu.memory_space<vmem>>, vector<128x1xf32>
      tpu.vector_store %arg16[%swap3A_80, %swap3A_81], %add3A_79 {strides = array<i32>} : memref<128x8xf32, #tpu.memory_space<vmem>>, vector<128x1xf32>,
    } else {
    }
    %eq3A_7 = arith.constant 2 : i32
    %eq3A_8 = arith.cmpi eq, %arg0, %eq3A_7 : i32
    %convert_element_type3A_9 = arith.extui %eq3A_8 : i1 to i32
    %cond3A_10 = arith.constant 0 : i32
    %cond3A_11 = arith.cmpi ne, %convert_element_type3A_9, %cond3A_10 : i32
    scf.if %cond3A_11 {
      %get3A = arith.index_cast %arg1 : i32 to index
      %get3A_12 = arith.constant 0 : index
      %get3A_13 = arith.constant 0 : index
      %get3A_14 = vector.load %arg15[%get3A, %get3A_12, %get3A_13] : memref<128x128x256xf32, #tpu.memory_space<vmem>>, vector<1x128x256xf32>
      %get3A_15 = vector.shape_cast %get3A_14 : vector<1x128x256xf32> to vector<128x256xf32>
      %get3A_16 = arith.constant 0 : index
      %get3A_17 = arith.constant 2 : index
      %get3A_18 = vector.load %arg16[%get3A_16, %get3A_17] : memref<128x8xf32, #tpu.memory_space<vmem>>, vector<128x1xf32>
      %mul3A = arith.constant 3.05175781E-5 : f32
      %mul3A_19 = vector.broadcast %mul3A : f32 to vector<128x1xf32>
      %mul3A_20 = arith.mulf %get3A_18, %mul3A_19 : vector<128x1xf32>
      %get3A_21 = arith.constant 0 : index
      %get3A_22 = arith.constant 3 : index
      %get3A_23 = vector.load %arg16[%get3A_21, %get3A_22] : memref<128x8xf32, #tpu.memory_space<vmem>>, vector<128x1xf32>
      %mul3A_24 = arith.constant 3.05175781E-5 : f32
      %mul3A_25 = vector.broadcast %mul3A_24 : f32 to vector<128x1xf32>
      %mul3A_26 = arith.mulf %get3A_23, %mul3A_25 : vector<128x1xf32>
      %mul3A_27 = arith.mulf %mul3A_20, %mul3A_20 : vector<128x1xf32>
      %sub3A = arith.subf %mul3A_26, %mul3A_27 : vector<128x1xf32>
      %get3A_28 = arith.constant 0 : index
      %get3A_29 = arith.constant 0 : index
      %get3A_30 = vector.load %arg11[%get3A_28, %get3A_29] : memref<128x1xf32, #tpu.memory_space<vmem>>, vector<128x1xf32>
      %add3A = arith.constant 9.99999974E-6 : f32
      %add3A_31 = vector.broadcast %add3A : f32 to vector<128x1xf32>
      %add3A_32 = arith.addf %sub3A, %add3A_31 : vector<128x1xf32>
      %rsqrt3A = math.rsqrt %add3A_32 : vector<128x1xf32>
      %mul3A_33 = arith.mulf %get3A_30, %rsqrt3A : vector<128x1xf32>
      %get3A_34 = arith.constant 0 : index
      %get3A_35 = arith.constant 0 : index
      %get3A_36 = vector.load %arg12[%get3A_34, %get3A_35] : memref<128x1xf32, #tpu.memory_space<vmem>>, vector<128x1xf32>
      %mul3A_37 = arith.mulf %mul3A_20, %mul3A_33 : vector<128x1xf32>
      %sub3A_38 = arith.subf %get3A_36, %mul3A_37 : vector<128x1xf32>
      %mul3A_39 = vector.broadcast %mul3A_33 : vector<128x1xf32> to vector<128x256xf32>
      %mul3A_40 = arith.mulf %get3A_15, %mul3A_39 : vector<128x256xf32>
      %add3A_41 = vector.broadcast %sub3A_38 : vector<128x1xf32> to vector<128x256xf32>
      %add3A_42 = arith.addf %mul3A_40, %add3A_41 : vector<128x256xf32>
      %max3A = arith.constant 0.000000e+00 : f32
      %max3A_43 = vector.broadcast %max3A : f32 to vector<128x256xf32>
      %max3A_44 = arith.maximumf %add3A_42, %max3A_43 : vector<128x256xf32>
      %swap3A = arith.constant 0 : index
      %swap3A_45 = arith.constant 0 : index
      %swap3A_46 = arith.constant 0 : index
      %swap3A_47 = vector.load %arg13[%swap3A, %swap3A_45, %swap3A_46] : memref<1x128x256xf32, #tpu.memory_space<vmem>>, vector<1x128x256xf32>
      %swap3A_48 = vector.shape_cast %swap3A_47 : vector<1x128x256xf32> to vector<128x256xf32>
      %swap3A_49 = vector.shape_cast %max3A_44 : vector<128x256xf32> to vector<1x128x256xf32>
      tpu.vector_store %arg13[%swap3A, %swap3A_45, %swap3A_46], %swap3A_49 {strides = array<i32>} : memref<1x128x256xf32, #tpu.memory_space<vmem>>, vector<1x128x256xf32>,
    } else {
    }
    return
  }
  func.func @transform_0(%arg0: i32, %arg1: i32) -> (i32, i32) {
    %eq3A = arith.constant 0 : i32
    %eq3A_0 = arith.cmpi eq, %arg0, %eq3A : i32
    %jit3A = arith.constant 0 : i32
    %select_n3A = arith.select %eq3A_0, %arg1, %jit3A : i32
    %c0_i32 = arith.constant 0 : i32
    %c0_i32_1 = arith.constant 0 : i32
    return %select_n3A, %c0_i32 : i32, i32
  }
  func.func @transform_1(%arg0: i32, %arg1: i32) -> (i32, i32, i32) {
    %eq3A = arith.constant 0 : i32
    %eq3A_0 = arith.cmpi eq, %arg0, %eq3A : i32
    %jit3A = arith.constant 32 : i32
    %div3A = arith.divsi %arg1, %jit3A : i32
    %sign3A = arith.constant 0 : i32
    %sign3A_1 = arith.cmpi sgt, %arg1, %sign3A : i32
    %sign3A_2 = arith.extui %sign3A_1 : i1 to i32
    %sign3A_3 = arith.constant 0 : i32
    %sign3A_4 = arith.cmpi slt, %arg1, %sign3A_3 : i32
    %sign3A_5 = arith.extui %sign3A_4 : i1 to i32
    %sign3A_6 = arith.subi %sign3A_2, %sign3A_5 : i32
    %sign3A_7 = arith.constant 0 : i32
    %sign3A_8 = arith.cmpi sgt, %jit3A, %sign3A_7 : i32
    %sign3A_9 = arith.extui %sign3A_8 : i1 to i32
    %sign3A_10 = arith.constant 0 : i32
    %sign3A_11 = arith.cmpi slt, %jit3A, %sign3A_10 : i32
    %sign3A_12 = arith.extui %sign3A_11 : i1 to i32
    %sign3A_13 = arith.subi %sign3A_9, %sign3A_12 : i32
    %ne3A = arith.cmpi ne, %sign3A_6, %sign3A_13 : i32
    %rem3A = arith.remsi %arg1, %jit3A : i32
    %ne3A_14 = arith.constant 0 : i32
    %ne3A_15 = arith.cmpi ne, %rem3A, %ne3A_14 : i32
    %and3A = arith.andi %ne3A, %ne3A_15 : i1
    %sub3A = arith.constant 1 : i32
    %sub3A_16 = arith.subi %div3A, %sub3A : i32
    %select_n3A = arith.select %and3A, %sub3A_16, %div3A : i32
    %jit3A_17 = arith.constant 0 : i32
    %select_n3A_18 = arith.select %eq3A_0, %select_n3A, %jit3A_17 : i32
    %eq3A_19 = arith.constant 0 : i32
    %eq3A_20 = arith.cmpi eq, %arg0, %eq3A_19 : i32
    %jit3A_21 = arith.constant 32 : i32
    %eq3A_22 = arith.constant 0 : i32
    %eq3A_23 = arith.cmpi eq, %jit3A_21, %eq3A_22 : i32
    %jit3A_24 = arith.constant 1 : i32
    %select_n3A_25 = arith.select %eq3A_23, %jit3A_24, %jit3A_21 : i32
    %rem3A_26 = arith.remsi %arg1, %select_n3A_25 : i32
    %ne3A_27 = arith.constant 0 : i32
    %ne3A_28 = arith.cmpi ne, %rem3A_26, %ne3A_27 : i32
    %lt3A = arith.constant 0 : i32
    %lt3A_29 = arith.cmpi slt, %rem3A_26, %lt3A : i32
    %lt3A_30 = arith.constant 0 : i32
    %lt3A_31 = arith.cmpi slt, %select_n3A_25, %lt3A_30 : i32
    %ne3A_32 = arith.xori %lt3A_29, %lt3A_31 : i1
    %and3A_33 = arith.andi %ne3A_32, %ne3A_28 : i1
    %add3A = arith.addi %rem3A_26, %select_n3A_25 : i32
    %select_n3A_34 = arith.select %and3A_33, %add3A, %rem3A_26 : i32
    %jit3A_35 = arith.constant 0 : i32
    %select_n3A_36 = arith.select %eq3A_20, %select_n3A_34, %jit3A_35 : i32
    %c0_i32 = arith.constant 0 : i32
    %c0_i32_37 = arith.constant 0 : i32
    return %select_n3A_18, %c0_i32, %select_n3A_36 : i32, i32, i32
  }
  func.func @transform_2(%arg0: i32, %arg1: i32) -> (i32, i32) {
    %c0_i32 = arith.constant 0 : i32
    %c0_i32_0 = arith.constant 0 : i32
    %c0_i32_1 = arith.constant 0 : i32
    return %c0_i32, %c0_i32_0 : i32, i32
  }
  func.func @transform_3(%arg0: i32, %arg1: i32) -> (i32, i32) {
    %c0_i32 = arith.constant 0 : i32
    %c0_i32_0 = arith.constant 0 : i32
    %c0_i32_1 = arith.constant 0 : i32
    return %c0_i32, %c0_i32_0 : i32, i32
  }
  func.func @transform_4(%arg0: i32, %arg1: i32) -> (i32, i32) {
    %c0_i32 = arith.constant 0 : i32
    %c0_i32_0 = arith.constant 0 : i32
    %c0_i32_1 = arith.constant 0 : i32
    return %c0_i32, %c0_i32_0 : i32, i32
  }
  func.func @transform_5(%arg0: i32, %arg1: i32) -> (i32, i32) {
    %c0_i32 = arith.constant 0 : i32
    %c0_i32_0 = arith.constant 0 : i32
    %c0_i32_1 = arith.constant 0 : i32
    return %c0_i32, %c0_i32_0 : i32, i32
  }
  func.func @transform_6(%arg0: i32, %arg1: i32) -> (i32, i32) {
    %c0_i32 = arith.constant 0 : i32
    %c0_i32_0 = arith.constant 0 : i32
    %c0_i32_1 = arith.constant 0 : i32
    return %c0_i32, %c0_i32_0 : i32, i32
  }
  func.func @transform_7(%arg0: i32, %arg1: i32) -> (i32, i32) {
    %c0_i32 = arith.constant 0 : i32
    %c0_i32_0 = arith.constant 0 : i32
    %c0_i32_1 = arith.constant 0 : i32
    return %c0_i32, %c0_i32_0 : i32, i32
  }
  func.func @transform_8(%arg0: i32, %arg1: i32) -> (i32, i32) {
    %c0_i32 = arith.constant 0 : i32
    %c0_i32_0 = arith.constant 0 : i32
    %c0_i32_1 = arith.constant 0 : i32
    return %c0_i32, %c0_i32_0 : i32, i32
  }
  func.func @transform_9(%arg0: i32, %arg1: i32) -> (i32, i32) {
    %c0_i32 = arith.constant 0 : i32
    %c0_i32_0 = arith.constant 0 : i32
    %c0_i32_1 = arith.constant 0 : i32
    return %c0_i32, %c0_i32_0 : i32, i32
  }
  func.func @transform_10(%arg0: i32, %arg1: i32) -> (i32, i32) {
    %c0_i32 = arith.constant 0 : i32
    %c0_i32_0 = arith.constant 0 : i32
    %c0_i32_1 = arith.constant 0 : i32
    return %c0_i32, %c0_i32_0 : i32, i32
  }
  func.func @transform_11(%arg0: i32, %arg1: i32) -> (i32, i32, i32) {
    %eq3A = arith.constant 2 : i32
    %eq3A_0 = arith.cmpi eq, %arg0, %eq3A : i32
    %jit3A = arith.constant 32 : i32
    %div3A = arith.divsi %arg1, %jit3A : i32
    %sign3A = arith.constant 0 : i32
    %sign3A_1 = arith.cmpi sgt, %arg1, %sign3A : i32
    %sign3A_2 = arith.extui %sign3A_1 : i1 to i32
    %sign3A_3 = arith.constant 0 : i32
    %sign3A_4 = arith.cmpi slt, %arg1, %sign3A_3 : i32
    %sign3A_5 = arith.extui %sign3A_4 : i1 to i32
    %sign3A_6 = arith.subi %sign3A_2, %sign3A_5 : i32
    %sign3A_7 = arith.constant 0 : i32
    %sign3A_8 = arith.cmpi sgt, %jit3A, %sign3A_7 : i32
    %sign3A_9 = arith.extui %sign3A_8 : i1 to i32
    %sign3A_10 = arith.constant 0 : i32
    %sign3A_11 = arith.cmpi slt, %jit3A, %sign3A_10 : i32
    %sign3A_12 = arith.extui %sign3A_11 : i1 to i32
    %sign3A_13 = arith.subi %sign3A_9, %sign3A_12 : i32
    %ne3A = arith.cmpi ne, %sign3A_6, %sign3A_13 : i32
    %rem3A = arith.remsi %arg1, %jit3A : i32
    %ne3A_14 = arith.constant 0 : i32
    %ne3A_15 = arith.cmpi ne, %rem3A, %ne3A_14 : i32
    %and3A = arith.andi %ne3A, %ne3A_15 : i1
    %sub3A = arith.constant 1 : i32
    %sub3A_16 = arith.subi %div3A, %sub3A : i32
    %select_n3A = arith.select %and3A, %sub3A_16, %div3A : i32
    %jit3A_17 = arith.constant 0 : i32
    %select_n3A_18 = arith.select %eq3A_0, %select_n3A, %jit3A_17 : i32
    %eq3A_19 = arith.constant 2 : i32
    %eq3A_20 = arith.cmpi eq, %arg0, %eq3A_19 : i32
    %jit3A_21 = arith.constant 32 : i32
    %eq3A_22 = arith.constant 0 : i32
    %eq3A_23 = arith.cmpi eq, %jit3A_21, %eq3A_22 : i32
    %jit3A_24 = arith.constant 1 : i32
    %select_n3A_25 = arith.select %eq3A_23, %jit3A_24, %jit3A_21 : i32
    %rem3A_26 = arith.remsi %arg1, %select_n3A_25 : i32
    %ne3A_27 = arith.constant 0 : i32
    %ne3A_28 = arith.cmpi ne, %rem3A_26, %ne3A_27 : i32
    %lt3A = arith.constant 0 : i32
    %lt3A_29 = arith.cmpi slt, %rem3A_26, %lt3A : i32
    %lt3A_30 = arith.constant 0 : i32
    %lt3A_31 = arith.cmpi slt, %select_n3A_25, %lt3A_30 : i32
    %ne3A_32 = arith.xori %lt3A_29, %lt3A_31 : i1
    %and3A_33 = arith.andi %ne3A_32, %ne3A_28 : i1
    %add3A = arith.addi %rem3A_26, %select_n3A_25 : i32
    %select_n3A_34 = arith.select %and3A_33, %add3A, %rem3A_26 : i32
    %jit3A_35 = arith.constant 0 : i32
    %select_n3A_36 = arith.select %eq3A_20, %select_n3A_34, %jit3A_35 : i32
    %c0_i32 = arith.constant 0 : i32
    %c0_i32_37 = arith.constant 0 : i32
    return %select_n3A_18, %c0_i32, %select_n3A_36 : i32, i32, i32
  }
}

</mosaic_0001>

<sc_bundles>
// kernel: kernel.5.cloned.1.call-start
scs
__scs_entry_jumppad:
0x0: {  	(pc) =	sbr.rel $0x88, $3  }
0x1: {  	(tag) =	ssettag $0x0;
	lr =	simm.s32 $0x1  }
0x2: {  	[smem:$0x3F95] =	sst lr;
	_ =	strace $0xD0000000  }
0x3: {  	_ = 	snop  }
0x4: {  	_ = 	snop  }
0x5: {  	_ = 	snop  }
0x6: {  	_ = 	snop  }
0x7: {  	_ = 	snop  }
__scs_overlays_trampoline_lowered:
0x8: {  	[smem:$0x3FA4] =	sst s0  }
0x9: {  	[smem:$0x3FA5] =	sst s1  }
0xa: {  	[smem:$0x3FA6] =	sst s2  }
0xb: {  	[smem:$0x3FA7] =	sst s3  }
0xc: {  	[smem:$0x3FA8] =	sst s4  }
0xd: {  	[smem:$0x3FA9] =	sst s5  }
0xe: {  	[smem:$0x3FAA] =	sst s6  }
0xf: {  	[smem:$0x3FAB] =	sst s7  }
0x10: {  	[smem:$0x3FAC] =	sst s8  }
0x11: {  	[smem:$0x3FAD] =	sst s9;
	s0 =	simm.s32 @!p0 $0x0  }
0x12: {  	s1 =	sld [smem:$0x3F93];
	s0 =	simm.s32 @p0 $0x1  }
0x13: {  	[smem:$0x3FAE] =	sst s0;
	s0 =	simm.s32 @!p1 $0x0  }
0x14: {  	s2 =	sld [smem:$0x3F92];
	s0 =	simm.s32 @p1 $0x1  }
0x15: {  	[smem:$0x3FAF] =	sst s0;
	s0 =	simm.s32 @!p2 $0x0  }
0x16: {  	s3 =	sld [smem:$0x3FDB];
	s0 =	simm.s32 @p2 $0x1  }
0x17: {  	s4 =	simm.s32 $0x1BF5;
	[smem:$0x3FB1] =	sst s0  }
0x18: {  	s0 =	sld [smem:$0x3F94];
	_ =	swait.ge [sflag:s4], $0x0  }
0x19: {  	s7 =	sld [smem:$0x3F95]  }
0x1a: {  	s8 =	sadd.s32 $0xFFFFE003, lr  }
0x1b: {  	s9 =	sadd.s32 $0xFFFFFEF7, lr;
	s5 =	simm.s32 $0xFFFFFFFF;
	p2 =	slt.u32 s8, $0xFFFFF086  }
0x1c: {  	p1 =	slt.u32 s9, $0xF7A;
	s5 =	simm.s32 @!p2 $0x0  }
0x1d: {  	s5 =	simm.s32 @p1 $0x1;
	p0 =	seq.s32 s7, s2  }
0x1e: {  	s7 =	smul.u32 @!p0 $0xF7A, s2;
	p2 =	seq.s32 @!p0 s5, $0x0  }
0x1f: {  	s9 =	smul.u32 $0xF7A, s1;
	s8 =	simm.s32 @!p0 $0x1BF5;
	p2 =	por !p2, p0  }
0x20: {  	[sflag:s8] =	ssyncset.s32 @!p0 $0xFFFFF086;
	s6 =	sadd.s32 @!p0 s3, s7;
	s7 =	simm.s32 @!p0 $0x108  }
0x21: {  	s3 =	sadd.s32 s3, s9;
	s6 =	sadd.s32 @!p0 $0x88, s6;
	s7 =	simm.s32 @p2 $0x1082  }
0x22: {  	[simem:s7], [sflag:s8] =	dma.local @!p0 [hbm:s6], $0xF7A  }
0x23: {  	s9 =	sor.u32 $0xD0000000, s2;
	s6 =	simm.s32 $0x108;
	_ =	swait.ge @!p0 [sflag:s8], $0x0  }
0x24: {  	s3 =	sadd.s32 $0x88, s3;
	s6 =	simm.s32 @!p1 $0x1082;
	[sflag:s4] =	ssyncset.s32 $0xFFFFF086  }
0x25: {  	[simem:s6], [sflag:s4] =	dma.local [hbm:s3], $0xF7A  }
0x26: {  	[smem:$0x3F95] =	sst s1;
	(tag) =	ssettag s2;
	_ =	strace s9  }
0x27: {  	s1 =	sld [smem:$0x3FA5]  }
0x28: {  	s2 =	sld [smem:$0x3FA6]  }
0x29: {  	s4 =	sld [smem:$0x3FA8]  }
0x2a: {  	p0 =	seq.s32 s5, $0x0;
	s5 =	sld [smem:$0x3FA9]  }
0x2b: {  	s6 =	sld [smem:$0x3FAA]  }
0x2c: {  	s7 =	sld [smem:$0x3FAB]  }
0x2d: {  	s3 =	simm.s32 $0x108;
	s8 =	sld [smem:$0x3FAC]  }
0x2e: {  	s3 =	simm.s32 @!p0 $0x1082;
	s9 =	sld [smem:$0x3FAD]  }
0x2f: {  	lr =	sadd.s32 s0, s3;
	s0 =	sld [smem:$0x3FA4]  }
0x30: {  	s3 =	sld [smem:$0x3FA7]  }
0x31: {  	[smem:$0x3FB0] =	sst s10  }
0x32: {  	s10 =	sld [smem:$0x3FAE];
	_ =	sdelay $0x3  }
0x33: {  	p0 =	seq.s32 s10, $0x1;
	s10 =	sld [smem:$0x3FB0];
	_ =	sdelay $0x3  }
0x34: {  	[smem:$0x3FB0] =	sst s10  }
0x35: {  	s10 =	sld [smem:$0x3FAF];
	_ =	sdelay $0x3  }
0x36: {  	p1 =	seq.s32 s10, $0x1;
	s10 =	sld [smem:$0x3FB0];
	_ =	sdelay $0x3  }
0x37: {  	[smem:$0x3FB0] =	sst s10  }
0x38: {  	s10 =	sld [smem:$0x3FB1]  }
0x39: {  	_ = 	snop;
	(pc) =	sbr.ind lr, $3  }
0x3a: {  	_ = 	snop  }
0x3b: {  	_ = 	snop  }
0x3c: {  	p2 =	seq.s32 s10, $0x1;
	s10 =	sld [smem:$0x3FB0]  }
0x3d: {  	_ =	shalt  }
0x3e: {  	_ =	shalt  }
0x3f: {  	_ =	shalt  }
0x40: {  	_ =	shalt  }
0x41: {  	_ =	shalt  }
0x42: {  	_ =	shalt  }
0x43: {  	_ =	shalt  }
0x44: {  	_ =	shalt  }
0x45: {  	_ =	shalt  }
0x46: {  	_ =	shalt  }
0x47: {  	_ =	shalt  }
0x48: {  	_ =	shalt  }
0x49: {  	_ =	shalt  }
0x4a: {  	_ =	shalt  }
0x4b: {  	_ =	shalt  }
0x4c: {  	_ =	shalt  }
0x4d: {  	_ =	shalt  }
0x4e: {  	_ =	shalt  }
0x4f: {  	_ =	shalt  }
0x50: {  	_ =	shalt  }
0x51: {  	_ =	shalt  }
0x52: {  	_ =	shalt  }
0x53: {  	_ =	shalt  }
0x54: {  	_ =	shalt  }
0x55: {  	_ =	shalt  }
0x56: {  	_ =	shalt  }
0x57: {  	_ =	shalt  }
0x58: {  	_ =	shalt  }
0x59: {  	_ =	shalt  }
0x5a: {  	_ =	shalt  }
0x5b: {  	_ =	shalt  }
0x5c: {  	_ =	shalt  }
0x5d: {  	_ =	shalt  }
0x5e: {  	_ =	shalt  }
0x5f: {  	_ =	shalt  }
0x60: {  	_ =	shalt  }
0x61: {  	_ =	shalt  }
0x62: {  	_ =	shalt  }
0x63: {  	_ =	shalt  }
0x64: {  	_ =	shalt  }
0x65: {  	_ =	shalt  }
0x66: {  	_ =	shalt  }
0x67: {  	_ =	shalt  }
0x68: {  	_ =	shalt  }
0x69: {  	_ =	shalt  }
0x6a: {  	_ =	shalt  }
0x6b: {  	_ =	shalt  }
0x6c: {  	_ =	shalt  }
0x6d: {  	_ =	shalt  }
0x6e: {  	_ =	shalt  }
0x6f: {  	_ =	shalt  }
0x70: {  	_ =	shalt  }
0x71: {  	_ =	shalt  }
0x72: {  	_ =	shalt  }
0x73: {  	_ =	shalt  }
0x74: {  	_ =	shalt  }
0x75: {  	_ =	shalt  }
0x76: {  	_ =	shalt  }
0x77: {  	_ =	shalt  }
0x78: {  	_ =	shalt  }
0x79: {  	_ =	shalt  }
0x7a: {  	_ =	shalt  }
0x7b: {  	_ =	shalt  }
0x7c: {  	_ =	shalt  }
0x7d: {  	_ =	shalt  }
0x7e: {  	_ =	shalt  }
0x7f: {  	_ =	shalt  }
0x80: {  	_ =	shalt  }
0x81: {  	_ =	shalt  }
0x82: {  	_ =	shalt  }
0x83: {  	_ =	shalt  }
0x84: {  	_ =	shalt  }
0x85: {  	_ =	shalt  }
0x86: {  	_ =	shalt  }
0x87: {  	_ =	shalt  }
.Lfunc_end0:
.L_simem_size_0:
called_computation_lowered:
.L_overlay_start_0:
0x88: {  	s2 =	sld [smem:$0x3FD9]  }
0x89: {  	s3 =	sld [smem:$0x3FFE];
	_ =	sdelay $0x1  }
0x8a: {  	s1 =	srdreg.scid  }
0x8b: {  	s0 =	sand.u32 $0x1, s1  }
0x8c: {  	s17 =	sshll.u32 s0, $0xA;
	s2 =	sadd.s32 s3, s2  }
0x8d: {  	s2 =	sadd.s32 s2, s17  }
0x8e: {  	[smem:$0x3FBC] =	sst s2  }
0x8f: {  	_ = 	snop  }
0x90: {  	s2 =	sld [smem:$0x3FD0];
	(tm) =	ssettm $0x1  }
0x91: {  	s18 =	sld [smem:$0x3FFB];
	_ =	sdelay $0x3  }
0x92: {  	_ =	strace s18  }
0x93: {  	s3 =	sld [smem:$0x3FFC];
	_ =	sdelay $0x3  }
0x94: {  	_ =	strace s3  }
0x95: {  	s3 =	sld [smem:$0x3FFD];
	_ =	sdelay $0x3  }
0x96: {  	_ =	strace s3  }
0x97: {  	_ =	strace $0x8FFFFFFF  }
0x98: {  	s19 =	sld [smem:$0x3FDB];
	_ =	sdelay $0x1  }
0x99: {  	s4 =	simm.s32 $_scs_section_size  }
0x9a: {  	s5 =	simm.s32 $_size__tile_overlayer_lowered;
	s6 =	simm.s32 $_tile_overlayer_lowered  }
0x9b: {  	s22 =	simm.s32 $0x1BFF;
	s21 =	sshll.u32 s6, $0x1;
	s3 =	sadd.s32 s4, s19  }
0x9c: {  	s7 =	simm.s32 $0x0;
	s20 =	sshll.u32 s5, $0x1;
	s5 =	sadd.s32 s21, s3  }
0x9d: {  	[timem:s7], [sflag:s22] =	dma.local [hbm:s5], s20  }
0x9e: {  	_ =	swait.ge [sflag:s22], s20  }
0x9f: {  	s4 =	ssub.s32 $0x0, s20;
	[sflag:s22] =	ssyncset.done $0x0  }
0xa0: {  	[sflag:s22] =	ssyncadd.s32 s4;
	_ =	sdelay $0x1  }
0xa1: {  	s23 =	simm.s32 $0x1B8B  }
0xa2: {  	_ =	swait.ge [sflag:s23], $0x1  }
0xa3: {  	[sflag:s23] =	ssyncset.done $0x0  }
0xa4: {  	s25 =	simm.s32 $0x1B8E;
	s24 =	sld [smem:$0x3FFE];
	[sflag:s23] =	ssyncadd.s32 $0xFFFFFFFF  }
0xa5: {  	s26 =	simm.s32 $execute0_lowered;
	[smem:$0x3FD2] =	sst s25  }
0xa6: {  	s5 =	sshll.u32 s26, $0x1;
	_ =	strace $0x80000046;
	[dreg:$0x1] =	wrdreg $0xFFFFFFFF  }
0xa7: {  	s28 =	simm.s32 $_size_execute0_lowered;
	s3 =	sadd.s32 s3, s5;
	[dreg:$0x0] =	wrdreg $0x0  }
0xa8: {  	s5 =	sshll.u32 s28, $0x1;
	[dreg:$0x2] =	wrdreg s3  }
0xa9: {  	[dreg:$0x3] =	wrdreg s5  }
0xaa: {  	[dreg:$0x4] =	wrdreg $0xC0  }
0xab: {  	_ =	task [dreg:s7], $0x5FFFF  }
0xac: {  	[dreg:$0x1] =	wrdreg $0xFFFFFFFF  }
0xad: {  	[dreg:$0x0] =	wrdreg $0x60  }
0xae: {  	[dreg:$0x2] =	wrdreg s24  }
0xaf: {  	[dreg:$0x3] =	wrdreg s2  }
0xb0: {  	[dreg:$0x4] =	wrdreg $0x9  }
0xb1: {  	_ =	task.clear_ibuf [dreg:s7], $0x5FFFF;
	_ =	strace $0x90000046  }
0xb2: {  	s29 =	simm.s32 $0x9;
	_ =	strace $0x80000048  }
0xb3: {  	_ =	swait.ge [sflag:s29], $0x1  }
0xb4: {  	[sflag:s29] =	ssyncadd.s32 $0xFFFFFFFF  }
0xb5: {  	_ =	strace $0x90000048  }
0xb6: {  	_ =	sfence  }
0xb7: {  	s30 =	sld [smem:$0x0];
	_ =	sdelay $0x2  }
0xb8: {  	s31 =	sshll.u32 s1, $0xD;
	s1 =	sshrl.u32 s1, $0x2  }
0xb9: {  	s3 =	sand.u32 $0x4000, s31;
	s1 =	sadd.s32 s1, s30  }
0xba: {  	s0 =	sor.u32 s3, s0;
	s1 =	sshll.u32 s1, $0x11  }
0xbb: {  	s0 =	sor.u32 s1, s0  }
0xbc: {  	s0 =	sadd.s32 $0x8F2B, s0  }
0xbd: {  	[sflag:s0] =	ssyncadd.remote.s32 $0x1  }
0xbe: {  	_ =	sfence.sel $0xFFFF  }
0xbf: {  	[dreg:$0x0] =	wrdreg $0xFFFFFFFF;
	(pc) =	sbr.abs _section_cstart, $3  }
0xc0: {  	[dreg:$0x1] =	wrdreg $0xFFFFFFFF  }
0xc1: {  	_ =	task.clear_ibuf [dreg:s7], $0x2FFFF;
	_ =	strace $0x9FFFFFFF  }
0xc2: {  	(tm) =	ssettm $0x7FFFFFFF  }
0xc3: {  	_ =	shalt  }
tec
execute0_lowered:
.L_overlay_start_1:
0x0: {  	(tag) =	ssettag $0x1  }
0x1: {  	s6 =	rddreg [dreg:$0x0]  }
0x2: {  	s1 =	rddreg [dreg:$0x1]  }
0x3: {  	s0 =	rddreg [dreg:$0x2];
	s2 =	simm.s32 $0x0  }
0x4: {  	s3 =	srdreg.scid;
	s10 =	simm.s32 $0x80;
	s11 =	simm.s32 $0x100  }
0x5: {  	s12 =	simm.s32 $0x180;
	s13 =	simm.s32 $0x200;
	s14 =	simm.s32 $0x280  }
0x6: {  	s15 =	simm.s32 $0x300;
	s16 =	simm.s32 $0x4300;
	s17 =	simm.s32 $0x8300  }
0x7: {  	s18 =	simm.s32 $0x1;
	s19 =	simm.s32 $0xC300;
	s20 =	simm.s32 $0x0  }
0x8: {  	[smem:$0x7FF] =	sst s2;
	s7 =	sand.u32 $0x1, s3;
	s4 =	sadd.s32 $0x1C00, s6  }
0x9: {  	s5 =	sadd.s32 $0x4C00, s6;
	s3 =	stileid.u32;
	s8 =	ssub.s32 $0x2, s7  }
0xa: {  	s6 =	sadd.s32 $0x7C00, s6;
	_ =	strace $0x80000047;
	s9 =	sshrl.u32 s8, $0x1  }
0xb: {  	s31 =	sshll.u32 s3, $0xB;
	s7 =	sshll.u32 s7, $0xA;
	s8 =	ssub.s32 s8, s9  }
0xc: {  	v1 =	vimm.s32 $0x0;
	s7 =	sor.u32 s7, s31;
	s9 =	simm.s32 $0x2;
	s8 =	smax.u32 s8, $0x1  }
.LBB2_1:
0xd: {  	s21 =	simm.s32 $0x0  }
.LBB2_2:
0xe: {  	s22 =	sshll.u32 s21, $0x7  }
0xf: {  	s22 =	sadd.s32 s7, s22  }
0x10: {  	s24 =	sshrl.u32 s22, $0x3  }
0x11: {  	s23 =	simm.s32 $0x0;
	s25 =	sadd.s32 s4, s24  }
0x12: {  	[tilespmem:s23], [sflag:$0x2] =	stream.linear.gather [hbm4b:s25+s23], $0x80, $0x38;
	[tilespmem:$0x10300] =	vst v63  }
0x13: {  	_ =	swait.ge [sflag:s9], $0x80  }
0x14: {  	s31 =	sor.u32 $0x1000, s24;
	[sflag:s9] =	ssyncset.done $0x0  }
0x15: {  	s26 =	sadd.s32 s4, s31;
	[sflag:s9] =	ssyncadd.s32 $0xFFFFFF80  }
0x16: {  	[tilespmem:s10], [sflag:$0x2] =	stream.linear.gather [hbm4b:s26+s23], $0x80, $0x38;
	[tilespmem:$0x10300] =	vst v63  }
0x17: {  	_ =	swait.ge [sflag:s9], $0x80  }
0x18: {  	s29 =	sor.u32 $0x2000, s24;
	[sflag:s9] =	ssyncset.done $0x0  }
0x19: {  	s28 =	sadd.s32 s4, s29;
	[sflag:s9] =	ssyncadd.s32 $0xFFFFFF80  }
0x1a: {  	[tilespmem:s11], [sflag:$0x2] =	stream.linear.gather [hbm4b:s28+s23], $0x80, $0x38;
	[tilespmem:$0x10300] =	vst v63  }
0x1b: {  	_ =	swait.ge [sflag:s9], $0x80  }
0x1c: {  	[sflag:s9] =	ssyncset.done $0x0  }
0x1d: {  	s24 =	sadd.s32 s5, s24;
	[sflag:s9] =	ssyncadd.s32 $0xFFFFFF80  }
0x1e: {  	[tilespmem:s12], [sflag:$0x2] =	stream.linear.gather [hbm4b:s24+s23], $0x80, $0x38;
	[tilespmem:$0x10300] =	vst v63  }
0x1f: {  	_ =	swait.ge [sflag:s9], $0x80  }
0x20: {  	[sflag:s9] =	ssyncset.done $0x0  }
0x21: {  	s30 =	sadd.s32 s5, s31;
	[sflag:s9] =	ssyncadd.s32 $0xFFFFFF80  }
0x22: {  	[tilespmem:s13], [sflag:$0x2] =	stream.linear.gather [hbm4b:s30+s23], $0x80, $0x38;
	[tilespmem:$0x10300] =	vst v63  }
0x23: {  	_ =	swait.ge [sflag:s9], $0x80  }
0x24: {  	[sflag:s9] =	ssyncset.done $0x0  }
0x25: {  	s31 =	sadd.s32 s5, s29;
	[sflag:s9] =	ssyncadd.s32 $0xFFFFFF80  }
0x26: {  	[tilespmem:s14], [sflag:$0x2] =	stream.linear.gather [hbm4b:s31+s23], $0x80, $0x38;
	[tilespmem:$0x10300] =	vst v63  }
0x27: {  	_ =	swait.ge [sflag:s9], $0x80  }
0x28: {  	[sflag:s9] =	ssyncset.done $0x0  }
0x29: {  	[sflag:s9] =	ssyncadd.s32 $0xFFFFFF80  }
0x2a: {  	[tilespmem:s15], [sflag:$0x1] =	stream.indirect.gather [hbm4b:s1+s10], $0x80, s23, s10, $0xb8;
	[tilespmem:$0x10300] =	vst v63  }
0x2b: {  	_ = 	snop  }
0x2c: {  	[tilespmem:s16], [sflag:$0x1] =	stream.indirect.gather [hbm4b:s1+s10], $0x80, s10, s10, $0xb8;
	[tilespmem:$0x10300] =	vst v63  }
0x2d: {  	_ = 	snop  }
0x2e: {  	[tilespmem:s17], [sflag:$0x1] =	stream.indirect.gather [hbm4b:s1+s10], $0x80, s11, s10, $0xb8;
	[tilespmem:$0x10300] =	vst v63  }
0x2f: {  	_ =	swait.ge [sflag:s18], $0x4000  }
0x30: {  	[sflag:s18] =	ssyncset.done $0x0  }
0x31: {  	[sflag:s18] =	ssyncadd.s32 $0xFFFFC000  }
0x32: {  	_ =	swait.ge [sflag:s18], $0x4000  }
0x33: {  	[sflag:s18] =	ssyncset.done $0x0  }
0x34: {  	[sflag:s18] =	ssyncadd.s32 $0xFFFFC000  }
0x35: {  	_ =	swait.ge [sflag:s18], $0x4000  }
0x36: {  	[sflag:s18] =	ssyncset.done $0x0  }
0x37: {  	[sflag:s18] =	ssyncadd.s32 $0xFFFFC000  }
.LBB2_3:
0x38: {  	s24 =	sshll.u32 s23, $0x4  }
0x39: {  	v17 =	vld [tilespmem:s24+$0x180]  }
0x3a: {  	v18 =	vld [tilespmem:s24+$0x200]  }
0x3b: {  	s31 =	sshll.u32 s23, $0xB;
	v45 =	vld [tilespmem:s24+$0x280]  }
0x3c: {  	v3 =	vld [tilespmem:s31+$0x300]  }
0x3d: {  	v4 =	vld [tilespmem:s31+$0x4300]  }
0x3e: {  	v5 =	vld [tilespmem:s31+$0x8300]  }
0x3f: {  	v6 =	vld [tilespmem:s31+$0x310]  }
0x40: {  	v7 =	vld [tilespmem:s31+$0x4310]  }
0x41: {  	v8 =	vld [tilespmem:s31+$0x320]  }
0x42: {  	v2 =	vimm.s32 $0x0;
	v9 =	vld [tilespmem:s31+$0x4320];
	v0 =	vperm.xlane v17, v1  }
0x43: {  	v10 =	vld [tilespmem:s31+$0x8310];
	v1 =	vperm.xlane v18, v1;
	v2 =	vperm.xlane v45, v2  }
0x44: {  	v11 =	vld [tilespmem:s31+$0x8320];
	v3 =	vmul.f32 v3, v0  }
0x45: {  	v4 =	vmul.f32 v4, v1;
	v5 =	vmul.f32 v5, v2  }
0x46: {  	v6 =	vmul.f32 v6, v0;
	v7 =	vmul.f32 v7, v1  }
0x47: {  	v59 =	vmul.f32 v8, v0;
	v60 =	vmul.f32 v9, v1;
	v3 =	vadd.f32 v4, v3  }
0x48: {  	v61 =	vmul.f32 v10, v2;
	v6 =	vadd.f32 v7, v6  }
0x49: {  	v62 =	vmul.f32 v11, v2;
	v4 =	vadd.f32 v60, v59;
	v3 =	vadd.f32 v5, v3  }
0x4a: {  	v7 =	vld [tilespmem:s31+$0x340];
	v6 =	vadd.f32 v61, v6  }
0x4b: {  	v5 =	vld [tilespmem:s31+$0x8330];
	[tilespmem:s31+$0xC300] =	vst v3;
	v3 =	vadd.f32 v62, v4  }
0x4c: {  	[tilespmem:s31+$0xC310] =	vst v6;
	v4 =	vld [tilespmem:s31+$0x4330]  }
0x4d: {  	[tilespmem:s31+$0xC320] =	vst v3;
	v3 =	vld [tilespmem:s31+$0x330]  }
0x4e: {  	v8 =	vld [tilespmem:s31+$0x4340]  }
0x4f: {  	v63 =	vld [tilespmem:s31+$0x8440];
	_ =	sdelay $0x4  }
0x50: {  	[tilespmem:$0x1F060] =	vst v63;
	v63 =	vld [tilespmem:s31+$0x8470];
	_ =	sdelay $0x4  }
0x51: {  	[tilespmem:$0x1F090] =	vst v63;
	v63 =	vld [tilespmem:s31+$0x480];
	_ =	sdelay $0x4  }
0x52: {  	[tilespmem:$0x1F0A0] =	vst v63;
	v63 =	vld [tilespmem:s31+$0x4480];
	_ =	sdelay $0x4  }
0x53: {  	[tilespmem:$0x1F0B0] =	vst v63;
	v63 =	vld [tilespmem:s31+$0x8480];
	_ =	sdelay $0x4  }
0x54: {  	[tilespmem:$0x1F0E0] =	vst v63;
	v63 =	vld [tilespmem:s31+$0x490];
	_ =	sdelay $0x4  }
0x55: {  	[tilespmem:$0x1F0C0] =	vst v63;
	v63 =	vld [tilespmem:s31+$0x4490];
	_ =	sdelay $0x4  }
0x56: {  	[tilespmem:$0x1F0D0] =	vst v63;
	v63 =	vld [tilespmem:s31+$0x8490];
	_ =	sdelay $0x4  }
0x57: {  	[tilespmem:$0x1F0F0] =	vst v63;
	v63 =	vld [tilespmem:s31+$0x4A0];
	_ =	sdelay $0x4  }
0x58: {  	[tilespmem:$0x1F100] =	vst v63;
	v63 =	vld [tilespmem:s31+$0x44A0];
	_ =	sdelay $0x4  }
0x59: {  	[tilespmem:$0x1F110] =	vst v63;
	v63 =	vld [tilespmem:s31+$0x84A0];
	_ =	sdelay $0x4  }
0x5a: {  	[tilespmem:$0x1F140] =	vst v63;
	v63 =	vld [tilespmem:s31+$0x4B0];
	_ =	sdelay $0x4  }
0x5b: {  	[tilespmem:$0x1F120] =	vst v63;
	v63 =	vld [tilespmem:s31+$0x44B0];
	_ =	sdelay $0x4  }
0x5c: {  	[tilespmem:$0x1F130] =	vst v63;
	v63 =	vld [tilespmem:s31+$0x84B0];
	_ =	sdelay $0x4  }
0x5d: {  	[tilespmem:$0x1F150] =	vst v63;
	v63 =	vld [tilespmem:s31+$0x4C0];
	_ =	sdelay $0x4  }
0x5e: {  	[tilespmem:$0x1F160] =	vst v63;
	v63 =	vld [tilespmem:s31+$0x44C0];
	_ =	sdelay $0x4  }
0x5f: {  	[tilespmem:$0x1F170] =	vst v63;
	v63 =	vld [tilespmem:s31+$0x84C0];
	_ =	sdelay $0x4  }
0x60: {  	[tilespmem:$0x1F1A0] =	vst v63;
	v63 =	vld [tilespmem:s31+$0x4D0];
	_ =	sdelay $0x4  }
0x61: {  	[tilespmem:$0x1F180] =	vst v63;
	v63 =	vld [tilespmem:s31+$0x44D0];
	_ =	sdelay $0x4  }
0x62: {  	[tilespmem:$0x1F190] =	vst v63;
	v63 =	vld [tilespmem:s31+$0x84D0];
	_ =	sdelay $0x4  }
0x63: {  	[tilespmem:$0x1F1B0] =	vst v63;
	v63 =	vld [tilespmem:s31+$0x4E0];
	_ =	sdelay $0x4  }
0x64: {  	[tilespmem:$0x1F1C0] =	vst v63;
	v63 =	vld [tilespmem:s31+$0x44E0];
	_ =	sdelay $0x4  }
0x65: {  	[tilespmem:$0x1F1E0] =	vst v63;
	v63 =	vld [tilespmem:s31+$0x84E0];
	_ =	sdelay $0x4  }
0x66: {  	[tilespmem:$0x1F200] =	vst v63;
	v63 =	vld [tilespmem:s31+$0x4F0];
	_ =	sdelay $0x4  }
0x67: {  	[tilespmem:$0x1F1D0] =	vst v63;
	v63 =	vld [tilespmem:s31+$0x44F0];
	_ =	sdelay $0x4  }
0x68: {  	[tilespmem:$0x1F1F0] =	vst v63;
	v63 =	vld [tilespmem:s31+$0x84F0];
	_ =	sdelay $0x4  }
0x69: {  	[tilespmem:$0x1F210] =	vst v63;
	v63 =	vld [tilespmem:s31+$0x500];
	_ =	sdelay $0x4  }
0x6a: {  	[tilespmem:$0x1F220] =	vst v63;
	v63 =	vld [tilespmem:s31+$0x4500];
	_ =	sdelay $0x4  }
0x6b: {  	[tilespmem:$0x1F230] =	vst v63;
	v63 =	vld [tilespmem:s31+$0x8500];
	_ =	sdelay $0x4  }
0x6c: {  	[tilespmem:$0x1F260] =	vst v63;
	v63 =	vld [tilespmem:s31+$0x510];
	_ =	sdelay $0x4  }
0x6d: {  	[tilespmem:$0x1F240] =	vst v63;
	v63 =	vld [tilespmem:s31+$0x4510];
	_ =	sdelay $0x4  }
0x6e: {  	[tilespmem:$0x1F250] =	vst v63;
	v63 =	vld [tilespmem:s31+$0x8510];
	_ =	sdelay $0x4  }
0x6f: {  	[tilespmem:$0x1F270] =	vst v63;
	v63 =	vld [tilespmem:s31+$0x520];
	_ =	sdelay $0x4  }
0x70: {  	[tilespmem:$0x1F280] =	vst v63;
	v63 =	vld [tilespmem:s31+$0x4520];
	_ =	sdelay $0x4  }
0x71: {  	[tilespmem:$0x1F290] =	vst v63;
	v63 =	vld [tilespmem:s31+$0x8520];
	_ =	sdelay $0x4  }
0x72: {  	[tilespmem:$0x1F2C0] =	vst v63;
	v63 =	vld [tilespmem:s31+$0x530];
	_ =	sdelay $0x4  }
0x73: {  	[tilespmem:$0x1F2A0] =	vst v63;
	v63 =	vld [tilespmem:s31+$0x4530];
	_ =	sdelay $0x3  }
0x74: {  	v11 =	vld [tilespmem:s31+$0x8340]  }
0x75: {  	[tilespmem:$0x1F2B0] =	vst v63;
	v63 =	vld [tilespmem:s31+$0x8530]  }
0x76: {  	v9 =	vld [tilespmem:s31+$0x350]  }
0x77: {  	v6 =	vld [tilespmem:s31+$0x4350]  }
0x78: {  	v12 =	vld [tilespmem:s31+$0x8350]  }
0x79: {  	v13 =	vld [tilespmem:s31+$0x360]  }
0x7a: {  	[tilespmem:$0x1F2D0] =	vst v63;
	v63 =	vld [tilespmem:s31+$0x540]  }
0x7b: {  	v15 =	vld [tilespmem:s31+$0x4360]  }
0x7c: {  	v19 =	vld [tilespmem:s31+$0x8360]  }
0x7d: {  	v10 =	vld [tilespmem:s31+$0x370]  }
0x7e: {  	v14 =	vld [tilespmem:s31+$0x4370]  }
0x7f: {  	[tilespmem:$0x1F2E0] =	vst v63;
	v63 =	vld [tilespmem:s31+$0x4540]  }
0x80: {  	v20 =	vld [tilespmem:s31+$0x8370]  }
0x81: {  	v21 =	vld [tilespmem:s31+$0x380]  }
0x82: {  	v22 =	vld [tilespmem:s31+$0x4380]  }
0x83: {  	v27 =	vld [tilespmem:s31+$0x8380]  }
0x84: {  	[tilespmem:$0x1F2F0] =	vst v63;
	v63 =	vld [tilespmem:s31+$0x8540]  }
0x85: {  	v24 =	vld [tilespmem:s31+$0x390]  }
0x86: {  	v23 =	vld [tilespmem:s31+$0x4390]  }
0x87: {  	v25 =	vld [tilespmem:s31+$0x8390]  }
0x88: {  	v28 =	vld [tilespmem:s31+$0x3A0]  }
0x89: {  	[tilespmem:$0x1F340] =	vst v63;
	v63 =	vld [tilespmem:s31+$0x550]  }
0x8a: {  	v26 =	vld [tilespmem:s31+$0x43A0]  }
0x8b: {  	v33 =	vld [tilespmem:s31+$0x83A0]  }
0x8c: {  	v30 =	vld [tilespmem:s31+$0x3B0]  }
0x8d: {  	v29 =	vld [tilespmem:s31+$0x43B0]  }
0x8e: {  	[tilespmem:$0x1F300] =	vst v63;
	v63 =	vld [tilespmem:s31+$0x4550]  }
0x8f: {  	v31 =	vld [tilespmem:s31+$0x83B0]  }
0x90: {  	v32 =	vld [tilespmem:s31+$0x3C0]  }
0x91: {  	v36 =	vld [tilespmem:s31+$0x43C0]  }
0x92: {  	v42 =	vld [tilespmem:s31+$0x83C0]  }
0x93: {  	[tilespmem:$0x1F310] =	vst v63;
	v63 =	vld [tilespmem:s31+$0x8550]  }
0x94: {  	v34 =	vld [tilespmem:s31+$0x3D0]  }
0x95: {  	v38 =	vld [tilespmem:s31+$0x43D0]  }
0x96: {  	v41 =	vld [tilespmem:s31+$0x83D0]  }
0x97: {  	v37 =	vld [tilespmem:s31+$0x3E0]  }
0x98: {  	[tilespmem:$0x1F350] =	vst v63;
	v63 =	vld [tilespmem:s31+$0x560]  }
0x99: {  	v40 =	vld [tilespmem:s31+$0x43E0]  }
0x9a: {  	v43 =	vld [tilespmem:s31+$0x83E0]  }
0x9b: {  	v35 =	vld [tilespmem:s31+$0x3F0]  }
0x9c: {  	v39 =	vld [tilespmem:s31+$0x43F0]  }
0x9d: {  	[tilespmem:$0x1F320] =	vst v63;
	v63 =	vld [tilespmem:s31+$0x4560]  }
0x9e: {  	v44 =	vld [tilespmem:s31+$0x83F0]  }
0x9f: {  	v16 =	vld [tilespmem:s31+$0x400]  }
0xa0: {  	v46 =	vld [tilespmem:s31+$0x4400]  }
0xa1: {  	v51 =	vld [tilespmem:s31+$0x8400]  }
0xa2: {  	[tilespmem:$0x1F360] =	vst v63;
	v63 =	vld [tilespmem:s31+$0x8560]  }
0xa3: {  	v47 =	vld [tilespmem:s31+$0x410]  }
0xa4: {  	v48 =	vld [tilespmem:s31+$0x4410]  }
0xa5: {  	v49 =	vld [tilespmem:s31+$0x8410];
	v4 =	vmul.f32 v4, v1;
	v3 =	vmul.f32 v3, v0  }
0xa6: {  	v50 =	vld [tilespmem:s31+$0x420]  }
0xa7: {  	v5 =	vmul.f32 v5, v2;
	v3 =	vadd.f32 v4, v3;
	[tilespmem:$0x1F380] =	vst v63;
	v63 =	vld [tilespmem:s31+$0x570]  }
0xa8: {  	v53 =	vld [tilespmem:s31+$0x4420]  }
0xa9: {  	v52 =	vld [tilespmem:s31+$0x8420];
	v4 =	vmul.f32 v7, v0;
	v7 =	vmul.f32 v8, v1;
	v3 =	vadd.f32 v5, v3  }
0xaa: {  	v55 =	vld [tilespmem:s31+$0x430];
	v6 =	vmul.f32 v6, v1;
	v8 =	vmul.f32 v9, v0  }
0xab: {  	v56 =	vld [tilespmem:s31+$0x4430];
	[tilespmem:$0x1F760] =	vst v3;
	v3 =	vadd.f32 v7, v4;
	v4 =	vmul.f32 v11, v2  }
0xac: {  	v5 =	vadd.f32 v6, v8;
	v8 =	vimm.s32 $0x1;
	v11 =	vmul.f32 v12, v2;
	[tilespmem:$0x1F330] =	vst v63;
	v63 =	vld [tilespmem:s31+$0x4570]  }
0xad: {  	v12 =	vadd.f32 v4, v3;
	v3 =	vmul.f32 v15, v1;
	v1 =	vmul.f32 v14, v1;
	v14 =	vld [tilespmem:s31+$0x8690]  }
0xae: {  	v60 =	vld [tilespmem:s31+$0x8430];
	v6 =	vperm.xlane v18, v8;
	v7 =	vmul.f32 v13, v0  }
0xaf: {  	v58 =	vld [tilespmem:s31+$0x440];
	v0 =	vmul.f32 v10, v0;
	v13 =	vmul.f32 v19, v2  }
0xb0: {  	v19 =	vld [tilespmem:s31+$0x46A0];
	v11 =	vadd.f32 v11, v5;
	v4 =	vperm.xlane v17, v8;
	v3 =	vadd.f32 v3, v7  }
0xb1: {  	v5 =	vperm.xlane v45, v8;
	v0 =	vadd.f32 v1, v0;
	v1 =	vmul.f32 v20, v2;
	[tilespmem:$0x1F370] =	vst v63;
	v63 =	vld [tilespmem:s31+$0x8570]  }
0xb2: {  	v15 =	vld [tilespmem:s31+$0x6A0];
	v2 =	vmul.f32 v21, v4;
	[tilespmem:$0x1F6E0] =	vst v14;
	v14 =	vadd.f32 v13, v3;
	v3 =	vmul.f32 v22, v6  }
0xb3: {  	v54 =	vld [tilespmem:s31+$0x4440];
	v13 =	vadd.f32 v1, v0;
	v0 =	vmul.f32 v24, v4;
	v1 =	vmul.f32 v23, v6  }
0xb4: {  	v59 =	vld [tilespmem:s31+$0x450];
	v21 =	vmul.f32 v25, v5;
	v2 =	vadd.f32 v3, v2;
	v3 =	vmul.f32 v27, v5  }
0xb5: {  	v20 =	vld [tilespmem:s31+$0x86A0];
	[tilespmem:$0x1F700] =	vst v19;
	v23 =	vmul.f32 v26, v6;
	v0 =	vadd.f32 v1, v0;
	v1 =	vmul.f32 v28, v4  }
0xb6: {  	v19 =	vadd.f32 v3, v2;
	v2 =	vmul.f32 v30, v4;
	v3 =	vmul.f32 v29, v6;
	[tilespmem:$0x1F390] =	vst v63;
	v63 =	vld [tilespmem:s31+$0x580]  }
0xb7: {  	v57 =	vld [tilespmem:s31+$0x4450];
	[tilespmem:$0x1F6F0] =	vst v15;
	v15 =	vadd.f32 v21, v0;
	v0 =	vadd.f32 v23, v1;
	v1 =	vmul.f32 v33, v5  }
0xb8: {  	v61 =	vld [tilespmem:s31+$0x8450];
	v27 =	vmul.f32 v32, v4;
	v32 =	vmul.f32 v42, v5;
	v2 =	vadd.f32 v3, v2  }
0xb9: {  	v62 =	vld [tilespmem:s31+$0x8460];
	v3 =	vmul.f32 v31, v5;
	v21 =	vadd.f32 v1, v0;
	v0 =	vmul.f32 v36, v6  }
0xba: {  	v22 =	vld [tilespmem:s31+$0x6B0];
	[tilespmem:$0x1F730] =	vst v20;
	v1 =	vmul.f32 v34, v4;
	v34 =	vmul.f32 v40, v6  }
0xbb: {  	v20 =	vadd.f32 v3, v2;
	v2 =	vmul.f32 v38, v6;
	v0 =	vadd.f32 v0, v27;
	[tilespmem:$0x1F3A0] =	vst v63;
	v63 =	vld [tilespmem:s31+$0x4580]  }
0xbc: {  	v24 =	vld [tilespmem:s31+$0x46B0];
	v3 =	vmul.f32 v37, v4;
	v4 =	vmul.f32 v35, v4;
	v35 =	vimm.s32 $0x2  }
0xbd: {  	[tilespmem:$0x1F050] =	vst v57;
	v57 =	vld [tilespmem:s31+$0x460];
	v1 =	vadd.f32 v2, v1;
	v2 =	vmul.f32 v41, v5;
	v23 =	vadd.f32 v32, v0  }
0xbe: {  	[tilespmem:$0x1F070] =	vst v61;
	v61 =	vld [tilespmem:s31+$0x4460];
	v0 =	vmul.f32 v39, v6;
	v6 =	vperm.xlane v17, v35;
	v3 =	vadd.f32 v34, v3  }
0xbf: {  	v25 =	vld [tilespmem:s31+$0x86B0];
	[tilespmem:$0x1F710] =	vst v22;
	v22 =	vadd.f32 v2, v1;
	v1 =	vmul.f32 v43, v5;
	v2 =	vperm.xlane v18, v35  }
0xc0: {  	v8 =	vperm.xlane v45, v35;
	[tilespmem:$0x1F3B0] =	vst v63;
	v63 =	vld [tilespmem:s31+$0x8580]  }
0xc1: {  	v9 =	vld [tilespmem:s31+$0x4680];
	[tilespmem:$0x1F720] =	vst v24;
	v24 =	vadd.f32 v1, v3;
	v1 =	vmul.f32 v47, v6;
	v3 =	vmul.f32 v48, v2  }
0xc2: {  	[tilespmem:$0x1F040] =	vst v54;
	v54 =	vld [tilespmem:s31+$0x470]  }
0xc3: {  	[tilespmem:$0x1F080] =	vst v62;
	v62 =	vld [tilespmem:s31+$0x4470];
	v1 =	vadd.f32 v3, v1;
	v3 =	vmul.f32 v49, v8  }
0xc4: {  	v10 =	vld [tilespmem:s31+$0x4690];
	[tilespmem:$0x1F740] =	vst v25  }
0xc5: {  	v25 =	vadd.f32 v3, v1;
	v1 =	vmul.f32 v55, v6;
	v3 =	vmul.f32 v56, v2;
	[tilespmem:$0x1F3E0] =	vst v63;
	v63 =	vld [tilespmem:s31+$0x590]  }
0xc6: {  	[tilespmem:$0x1F6B0] =	vst v9;
	v9 =	vld [tilespmem:s31+$0x690]  }
0xc7: {  	v26 =	vld [tilespmem:s31+$0x6C0];
	v34 =	vmul.f32 v60, v8;
	v1 =	vadd.f32 v3, v1  }
0xc8: {  	v42 =	vld [tilespmem:s31+$0x6E0]  }
0xc9: {  	v27 =	vadd.f32 v34, v1;
	v1 =	vld [tilespmem:$0x1F050]  }
0xca: {  	[tilespmem:$0x1F3C0] =	vst v63;
	v63 =	vld [tilespmem:s31+$0x4590]  }
0xcb: {  	v31 =	vld [tilespmem:s31+$0x6D0]  }
0xcc: {  	v28 =	vld [tilespmem:s31+$0x6F0];
	v5 =	vmul.f32 v44, v5  }
0xcd: {  	v33 =	vld [tilespmem:s31+$0x46D0];
	v44 =	vmul.f32 v16, v6;
	v0 =	vadd.f32 v0, v4;
	v46 =	vmul.f32 v46, v2  }
0xce: {  	v29 =	vld [tilespmem:s31+$0x46F0];
	v3 =	vmul.f32 v59, v6;
	v1 =	vmul.f32 v1, v2  }
0xcf: {  	v16 =	vadd.f32 v5, v0;
	[tilespmem:$0x1F3D0] =	vst v63;
	v63 =	vld [tilespmem:s31+$0x8590]  }
0xd0: {  	[tilespmem:$0x1F780] =	vst v31;
	v31 =	vmul.f32 v51, v8;
	v0 =	vadd.f32 v46, v44;
	v1 =	vadd.f32 v1, v3;
	v3 =	vld [tilespmem:$0x1F070]  }
0xd1: {  	[tilespmem:$0x1F7A0] =	vst v42;
	v42 =	vld [tilespmem:$0x1F060]  }
0xd2: {  	[tilespmem:$0x1F750] =	vst v26;
	v39 =	vld [tilespmem:$0x1F040];
	v32 =	vmul.f32 v50, v6;
	v26 =	vadd.f32 v31, v0;
	v0 =	vmul.f32 v53, v2  }
0xd3: {  	[tilespmem:$0x1F790] =	vst v33;
	v47 =	vld [tilespmem:$0x1F080]  }
0xd4: {  	v33 =	vmul.f32 v52, v8;
	v0 =	vadd.f32 v0, v32;
	[tilespmem:$0x1F3F0] =	vst v63;
	v63 =	vld [tilespmem:s31+$0x5A0]  }
0xd5: {  	v37 =	vmul.f32 v57, v6;
	v57 =	vld [tilespmem:$0x1F0D0];
	v3 =	vmul.f32 v3, v8  }
0xd6: {  	[tilespmem:$0x1F7B0] =	vst v28;
	v28 =	vadd.f32 v33, v0;
	v0 =	vmul.f32 v54, v6;
	v54 =	vld [tilespmem:$0x1F0B0]  }
0xd7: {  	[tilespmem:$0x1F7C0] =	vst v29;
	v35 =	vmul.f32 v58, v6;
	v41 =	vmul.f32 v61, v2;
	v29 =	vadd.f32 v3, v1;
	v1 =	vld [tilespmem:$0x1F090]  }
0xd8: {  	v4 =	vmul.f32 v39, v2;
	v2 =	vmul.f32 v62, v2;
	v3 =	vld [tilespmem:$0x1F0A0]  }
0xd9: {  	v46 =	vimm.s32 $0x3;
	[tilespmem:$0x1F400] =	vst v63;
	v63 =	vld [tilespmem:s31+$0x45A0]  }
0xda: {  	v4 =	vadd.f32 v4, v35;
	v6 =	vmul.f32 v42, v8;
	v0 =	vadd.f32 v2, v0;
	v2 =	vld [tilespmem:$0x1F0C0]  }
0xdb: {  	v7 =	vperm.xlane v17, v46;
	v62 =	vld [tilespmem:$0x1F0E0]  }
0xdc: {  	[tilespmem:$0x1F6C0] =	vst v9;
	v9 =	vperm.xlane v45, v46;
	v31 =	vadd.f32 v6, v4;
	v6 =	vperm.xlane v18, v46  }
0xdd: {  	v4 =	vmul.f32 v47, v8;
	v1 =	vmul.f32 v1, v8  }
0xde: {  	v5 =	vadd.f32 v41, v37;
	v3 =	vmul.f32 v3, v7;
	v8 =	vmul.f32 v54, v6;
	[tilespmem:$0x1F410] =	vst v63;
	v63 =	vld [tilespmem:s31+$0x85A0]  }
0xdf: {  	[tilespmem:$0x1F6D0] =	vst v10;
	v10 =	vmul.f32 v57, v6;
	v2 =	vmul.f32 v2, v7;
	v34 =	vadd.f32 v1, v0;
	v1 =	vld [tilespmem:$0x1F0F0]  }
0xe0: {  	v32 =	vld [tilespmem:s31+$0x750];
	v35 =	vadd.f32 v4, v5;
	v4 =	vmul.f32 v62, v9;
	v3 =	vadd.f32 v8, v3  }
0xe1: {  	v0 =	vadd.f32 v10, v2;
	v2 =	vld [tilespmem:$0x1F100]  }
0xe2: {  	v33 =	vadd.f32 v4, v3;
	v3 =	vld [tilespmem:$0x1F110]  }
0xe3: {  	[tilespmem:$0x1F420] =	vst v63;
	v63 =	vld [tilespmem:s31+$0x5B0]  }
0xe4: {  	v1 =	vmul.f32 v1, v9;
	_ =	sdelay $0x1  }
0xe5: {  	[tilespmem:$0x1F800] =	vst v32;
	v32 =	vadd.f32 v1, v0;
	v0 =	vld [tilespmem:$0x1F120]  }
0xe6: {  	v2 =	vmul.f32 v2, v7;
	v3 =	vmul.f32 v3, v6;
	v1 =	vld [tilespmem:$0x1F130]  }
0xe7: {  	[tilespmem:$0x1F430] =	vst v63;
	v63 =	vld [tilespmem:s31+$0x45B0]  }
0xe8: {  	v2 =	vadd.f32 v3, v2;
	v3 =	vld [tilespmem:$0x1F140]  }
0xe9: {  	v37 =	vld [tilespmem:s31+$0x4750]  }
0xea: {  	v39 =	vld [tilespmem:$0x1F150]  }
0xeb: {  	v41 =	vld [tilespmem:s31+$0x8750];
	v0 =	vmul.f32 v0, v7;
	v1 =	vmul.f32 v1, v6  }
0xec: {  	[tilespmem:$0x1F440] =	vst v63;
	v63 =	vld [tilespmem:s31+$0x85B0]  }
0xed: {  	v3 =	vmul.f32 v3, v9;
	v0 =	vadd.f32 v1, v0;
	v1 =	vld [tilespmem:$0x1F160]  }
0xee: {  	v42 =	vld [tilespmem:$0x1F170]  }
0xef: {  	v4 =	vmul.f32 v39, v9;
	v39 =	vadd.f32 v3, v2;
	v2 =	vld [tilespmem:$0x1F180]  }
0xf0: {  	v3 =	vld [tilespmem:$0x1F190]  }
0xf1: {  	[tilespmem:$0x1F450] =	vst v63;
	v63 =	vld [tilespmem:s31+$0x5C0]  }
0xf2: {  	v56 =	vld [tilespmem:s31+$0x8730]  }
0xf3: {  	v59 =	vld [tilespmem:s31+$0x740];
	v1 =	vmul.f32 v1, v7;
	v5 =	vmul.f32 v42, v6  }
0xf4: {  	v46 =	vld [tilespmem:s31+$0x760]  }
0xf5: {  	[tilespmem:$0x1F840] =	vst v37;
	v37 =	vadd.f32 v4, v0;
	v0 =	vadd.f32 v5, v1;
	v1 =	vld [tilespmem:$0x1F1A0]  }
0xf6: {  	v2 =	vmul.f32 v2, v7;
	v3 =	vmul.f32 v3, v6;
	[tilespmem:$0x1F460] =	vst v63;
	v63 =	vld [tilespmem:s31+$0x45C0]  }
0xf7: {  	v47 =	vld [tilespmem:s31+$0x4760]  }
0xf8: {  	v2 =	vadd.f32 v3, v2;
	v3 =	vld [tilespmem:$0x1F1B0]  }
0xf9: {  	[tilespmem:$0x1F7F0] =	vst v59;
	v59 =	vld [tilespmem:s31+$0x4770]  }
0xfa: {  	[tilespmem:$0x1F7E0] =	vst v56;
	v1 =	vmul.f32 v1, v9;
	v56 =	vld [tilespmem:$0x1F1C0]  }
0xfb: {  	[tilespmem:$0x1F4A0] =	vst v63;
	v63 =	vld [tilespmem:s31+$0x85C0]  }
0xfc: {  	v42 =	vadd.f32 v1, v0;
	v1 =	vld [tilespmem:$0x1F1E0]  }
0xfd: {  	[tilespmem:$0x1F850] =	vst v47;
	v3 =	vmul.f32 v3, v9;
	v47 =	vld [tilespmem:$0x1F200]  }
0xfe: {  	v0 =	vld [tilespmem:$0x1F1D0]  }
0xff: {  	[tilespmem:$0x1F870] =	vst v41;
	v41 =	vadd.f32 v3, v2;
	v2 =	vld [tilespmem:$0x1F1F0]  }
0x100: {  	[tilespmem:$0x1F4E0] =	vst v63;
	v63 =	vld [tilespmem:s31+$0x5D0];
	_ =	sdelay $0x1  }
0x101: {  	v57 =	vld [tilespmem:s31+$0x770];
	v4 =	vmul.f32 v56, v7;
	v1 =	vmul.f32 v1, v6  }
0x102: {  	[tilespmem:$0x1F810] =	vst v46;
	v46 =	vld [tilespmem:s31+$0x8770];
	v62 =	vimm.s32 $0x4  }
0x103: {  	[tilespmem:$0x1F860] =	vst v59;
	v59 =	vld [tilespmem:s31+$0x8780];
	v5 =	vperm.xlane v18, v62;
	v1 =	vadd.f32 v1, v4;
	v4 =	vmul.f32 v47, v9  }
0x104: {  	v0 =	vmul.f32 v0, v7;
	v2 =	vmul.f32 v2, v6;
	[tilespmem:$0x1F470] =	vst v63;
	v63 =	vld [tilespmem:s31+$0x45D0]  }
0x105: {  	v3 =	vperm.xlane v17, v62;
	v47 =	vadd.f32 v4, v1;
	v4 =	vperm.xlane v45, v62;
	v62 =	vld [tilespmem:s31+$0x790]  }
0x106: {  	v0 =	vadd.f32 v2, v0;
	v2 =	vld [tilespmem:$0x1F210]  }
0x107: {  	v54 =	vld [tilespmem:s31+$0x8760]  }
0x108: {  	[tilespmem:$0x1F820] =	vst v57;
	v57 =	vld [tilespmem:s31+$0x4780]  }
0x109: {  	[tilespmem:$0x1F4B0] =	vst v63;
	v63 =	vld [tilespmem:s31+$0x85D0]  }
0x10a: {  	v8 =	vld [tilespmem:s31+$0x4740]  }
0x10b: {  	[tilespmem:$0x1F8C0] =	vst v62;
	v62 =	vld [tilespmem:s31+$0x7A0];
	v2 =	vmul.f32 v2, v9  }
0x10c: {  	[tilespmem:$0x1F880] =	vst v54;
	v54 =	vld [tilespmem:s31+$0x780]  }
0x10d: {  	[tilespmem:$0x1F890] =	vst v46;
	v46 =	vadd.f32 v2, v0;
	v0 =	vld [tilespmem:$0x1F240]  }
0x10e: {  	[tilespmem:$0x1F4F0] =	vst v63;
	v63 =	vld [tilespmem:s31+$0x5E0]  }
0x10f: {  	v2 =	vld [tilespmem:$0x1F250]  }
0x110: {  	[tilespmem:$0x1F900] =	vst v62;
	v62 =	vld [tilespmem:s31+$0x7B0]  }
0x111: {  	v56 =	vld [tilespmem:$0x1F220]  }
0x112: {  	v1 =	vld [tilespmem:$0x1F230]  }
0x113: {  	[tilespmem:$0x1F480] =	vst v63;
	v63 =	vld [tilespmem:s31+$0x45E0]  }
0x114: {  	v9 =	vld [tilespmem:$0x1F260];
	v0 =	vmul.f32 v0, v3;
	v2 =	vmul.f32 v2, v5  }
0x115: {  	v10 =	vld [tilespmem:$0x1F270]  }
0x116: {  	v0 =	vadd.f32 v2, v0;
	v2 =	vld [tilespmem:$0x1F280]  }
0x117: {  	[tilespmem:$0x1F8E0] =	vst v59;
	v6 =	vmul.f32 v56, v3;
	v56 =	vld [tilespmem:$0x1F290]  }
0x118: {  	[tilespmem:$0x1F4C0] =	vst v63;
	v63 =	vld [tilespmem:s31+$0x85E0]  }
0x119: {  	[tilespmem:$0x1F8A0] =	vst v54;
	v54 =	vld [tilespmem:s31+$0x4790]  }
0x11a: {  	[tilespmem:$0x1F8B0] =	vst v57;
	v57 =	vld [tilespmem:s31+$0x8790]  }
0x11b: {  	[tilespmem:$0x1F920] =	vst v62;
	v62 =	vld [tilespmem:s31+$0x47B0];
	v1 =	vmul.f32 v1, v5;
	v7 =	vmul.f32 v10, v4  }
0x11c: {  	[tilespmem:$0x1F830] =	vst v8;
	v2 =	vmul.f32 v2, v3;
	v8 =	vmul.f32 v56, v5;
	v59 =	vld [tilespmem:$0x1F2B0]  }
0x11d: {  	v1 =	vadd.f32 v1, v6;
	v6 =	vmul.f32 v9, v4;
	[tilespmem:$0x1F500] =	vst v63;
	v63 =	vld [tilespmem:s31+$0x5F0]  }
0x11e: {  	[tilespmem:$0x1F8D0] =	vst v54;
	v54 =	vadd.f32 v7, v0;
	v0 =	vadd.f32 v8, v2;
	v2 =	vld [tilespmem:$0x1F2C0]  }
0x11f: {  	v56 =	vadd.f32 v6, v1;
	v1 =	vld [tilespmem:$0x1F2A0]  }
0x120: {  	v10 =	vld [tilespmem:$0x1F2D0]  }
0x121: {  	v6 =	vmul.f32 v59, v5;
	v59 =	vld [tilespmem:s31+$0x87A0]  }
0x122: {  	[tilespmem:$0x1F490] =	vst v63;
	v63 =	vld [tilespmem:s31+$0x45F0]  }
0x123: {  	[tilespmem:$0x1F8F0] =	vst v57;
	v57 =	vld [tilespmem:$0x1F2E0]  }
0x124: {  	v2 =	vmul.f32 v2, v4;
	v1 =	vmul.f32 v1, v3  }
0x125: {  	[tilespmem:$0x1F930] =	vst v62;
	v62 =	vld [tilespmem:s31+$0x87B0]  }
0x126: {  	v1 =	vadd.f32 v6, v1;
	v6 =	vmul.f32 v10, v4;
	[tilespmem:$0x1F940] =	vst v59;
	v59 =	vadd.f32 v2, v0;
	v2 =	vld [tilespmem:$0x1F300]  }
0x127: {  	[tilespmem:$0x1F4D0] =	vst v63;
	v63 =	vld [tilespmem:s31+$0x85F0]  }
0x128: {  	v7 =	vmul.f32 v57, v3;
	v57 =	vadd.f32 v6, v1;
	v1 =	vld [tilespmem:$0x1F310];
	_ =	sdelay $0x2  }
0x129: {  	[tilespmem:$0x1F950] =	vst v62;
	v62 =	vld [tilespmem:$0x1F360]  }
0x12a: {  	[tilespmem:$0x1F510] =	vst v63;
	v63 =	vld [tilespmem:s31+$0x600]  }
0x12b: {  	v2 =	vmul.f32 v2, v3;
	v1 =	vmul.f32 v1, v5;
	_ =	sdelay $0x1  }
0x12c: {  	v1 =	vadd.f32 v1, v2;
	v2 =	vld [tilespmem:$0x1F350]  }
0x12d: {  	v8 =	vmul.f32 v62, v5;
	v62 =	vld [tilespmem:s31+$0x7C0]  }
0x12e: {  	[tilespmem:$0x1F520] =	vst v63;
	v63 =	vld [tilespmem:s31+$0x4600];
	_ =	sdelay $0x1  }
0x12f: {  	v10 =	vld [tilespmem:$0x1F320];
	_ =	sdelay $0x1  }
0x130: {  	v2 =	vmul.f32 v2, v4;
	[tilespmem:$0x1F960] =	vst v62;
	v62 =	vld [tilespmem:s31+$0x47C0]  }
0x131: {  	[tilespmem:$0x1F530] =	vst v63;
	v63 =	vld [tilespmem:s31+$0x8600]  }
0x132: {  	v0 =	vld [tilespmem:$0x1F2F0];
	v1 =	vadd.f32 v2, v1  }
0x133: {  	v6 =	vmul.f32 v10, v3;
	v10 =	vld [tilespmem:$0x1F340]  }
0x134: {  	[tilespmem:$0x1FA10] =	vst v1;
	v1 =	vld [tilespmem:$0x1F380]  }
0x135: {  	[tilespmem:$0x1F970] =	vst v62;
	v62 =	vld [tilespmem:$0x1F390]  }
0x136: {  	[tilespmem:$0x1F560] =	vst v63;
	v63 =	vld [tilespmem:s31+$0x610]  }
0x137: {  	v0 =	vmul.f32 v0, v5;
	_ =	sdelay $0x1  }
0x138: {  	v9 =	vld [tilespmem:s31+$0x47A0];
	v0 =	vadd.f32 v0, v7;
	v7 =	vmul.f32 v10, v4  }
0x139: {  	v1 =	vmul.f32 v1, v4;
	v4 =	vmul.f32 v62, v4;
	v62 =	vld [tilespmem:s31+$0x7D0]  }
0x13a: {  	[tilespmem:$0x1F540] =	vst v63;
	v63 =	vld [tilespmem:s31+$0x4610];
	_ =	sdelay $0x2  }
0x13b: {  	[tilespmem:$0x1F910] =	vst v9;
	v9 =	vld [tilespmem:$0x1F330]  }
0x13c: {  	v0 =	vadd.f32 v7, v0;
	[tilespmem:$0x1F980] =	vst v62;
	v62 =	vld [tilespmem:s31+$0x47D0]  }
0x13d: {  	[tilespmem:$0x1F550] =	vst v63;
	v63 =	vld [tilespmem:s31+$0x8610]  }
0x13e: {  	[tilespmem:$0x1F9F0] =	vst v0;
	v0 =	vld [tilespmem:$0x1F370]  }
0x13f: {  	v10 =	vld [tilespmem:s31+$0x87C0];
	_ =	sdelay $0x1  }
0x140: {  	[tilespmem:$0x1F990] =	vst v62;
	v62 =	vld [tilespmem:s31+$0x87D0]  }
0x141: {  	[tilespmem:$0x1F570] =	vst v63;
	v63 =	vld [tilespmem:s31+$0x620]  }
0x142: {  	v3 =	vmul.f32 v9, v3;
	v0 =	vmul.f32 v0, v5  }
0x143: {  	[tilespmem:$0x1F9A0] =	vst v10;
	v10 =	vld [tilespmem:$0x1F3A0]  }
0x144: {  	v0 =	vadd.f32 v0, v3;
	v3 =	vld [tilespmem:$0x1F3B0]  }
0x145: {  	[tilespmem:$0x1F9B0] =	vst v62;
	v62 =	vld [tilespmem:s31+$0x7E0]  }
0x146: {  	[tilespmem:$0x1F580] =	vst v63;
	v63 =	vld [tilespmem:s31+$0x4620];
	_ =	sdelay $0x1  }
0x147: {  	v9 =	vimm.s32 $0x5  }
0x148: {  	v2 =	vperm.xlane v18, v9;
	v5 =	vperm.xlane v17, v9  }
0x149: {  	[tilespmem:$0x1F9C0] =	vst v62;
	v62 =	vld [tilespmem:s31+$0x47E0]  }
0x14a: {  	v0 =	vadd.f32 v4, v0;
	v7 =	vmul.f32 v10, v5;
	v3 =	vmul.f32 v3, v2;
	[tilespmem:$0x1F590] =	vst v63;
	v63 =	vld [tilespmem:s31+$0x8620];
	_ =	sdelay $0x1  }
0x14b: {  	[tilespmem:$0x1FA60] =	vst v0;
	v0 =	vadd.f32 v3, v7;
	v3 =	vld [tilespmem:$0x1F3E0]  }
0x14c: {  	v6 =	vadd.f32 v8, v6;
	v8 =	vperm.xlane v45, v9;
	v9 =	vld [tilespmem:$0x1F3F0]  }
0x14d: {  	[tilespmem:$0x1F9E0] =	vst v62;
	v62 =	vld [tilespmem:s31+$0x7F0]  }
0x14e: {  	v1 =	vadd.f32 v1, v6;
	[tilespmem:$0x1F5C0] =	vst v63;
	v63 =	vld [tilespmem:s31+$0x630]  }
0x14f: {  	v10 =	vld [tilespmem:$0x1F3D0]  }
0x150: {  	[tilespmem:$0x1FA30] =	vst v1;
	v1 =	vld [tilespmem:$0x1F3C0]  }
0x151: {  	v3 =	vmul.f32 v3, v8;
	v4 =	vmul.f32 v9, v8;
	v9 =	vld [tilespmem:s31+$0x87E0]  }
0x152: {  	[tilespmem:$0x1F9D0] =	vst v62;
	v62 =	vld [tilespmem:s31+$0x47F0]  }
0x153: {  	v0 =	vadd.f32 v3, v0;
	[tilespmem:$0x1F5A0] =	vst v63;
	v63 =	vld [tilespmem:s31+$0x4630]  }
0x154: {  	v6 =	vmul.f32 v10, v2;
	v10 =	vld [tilespmem:$0x1F400]  }
0x155: {  	[tilespmem:$0x1FA80] =	vst v0;
	v0 =	vld [tilespmem:$0x1F410]  }
0x156: {  	[tilespmem:$0x1FA20] =	vst v9;
	v9 =	vld [tilespmem:$0x1F450]  }
0x157: {  	[tilespmem:$0x1FA00] =	vst v62;
	v62 =	vld [tilespmem:$0x1F480]  }
0x158: {  	v1 =	vmul.f32 v1, v5;
	[tilespmem:$0x1F5B0] =	vst v63;
	v63 =	vld [tilespmem:s31+$0x8630];
	_ =	sdelay $0x1  }
0x159: {  	v1 =	vadd.f32 v6, v1;
	v6 =	vmul.f32 v10, v5;
	v0 =	vmul.f32 v0, v2;
	_ =	sdelay $0x1  }
0x15a: {  	v0 =	vadd.f32 v0, v6;
	v6 =	vmul.f32 v9, v8;
	v9 =	vmul.f32 v62, v5;
	v62 =	vld [tilespmem:s31+$0x87F0]  }
0x15b: {  	[tilespmem:$0x1F5D0] =	vst v63;
	v63 =	vld [tilespmem:s31+$0x640]  }
0x15c: {  	v1 =	vadd.f32 v4, v1;
	_ =	sdelay $0x1  }
0x15d: {  	[tilespmem:$0x1FAB0] =	vst v1;
	v1 =	vld [tilespmem:$0x1F430]  }
0x15e: {  	[tilespmem:$0x1FA40] =	vst v62;
	v62 =	vld [tilespmem:s31+$0x800]  }
0x15f: {  	[tilespmem:$0x1F5E0] =	vst v63;
	v63 =	vld [tilespmem:s31+$0x4640]  }
0x160: {  	v10 =	vld [tilespmem:$0x1F440];
	_ =	sdelay $0x2  }
0x161: {  	[tilespmem:$0x1FA50] =	vst v62;
	v62 =	vld [tilespmem:s31+$0x4800]  }
0x162: {  	[tilespmem:$0x1F5F0] =	vst v63;
	v63 =	vld [tilespmem:s31+$0x8640]  }
0x163: {  	v1 =	vmul.f32 v1, v5;
	v4 =	vmul.f32 v10, v2;
	v10 =	vld [tilespmem:$0x1F460];
	_ =	sdelay $0x1  }
0x164: {  	v3 =	vld [tilespmem:$0x1F420];
	v1 =	vadd.f32 v4, v1  }
0x165: {  	[tilespmem:$0x1FA70] =	vst v62;
	v62 =	vld [tilespmem:$0x1F4E0]  }
0x166: {  	v1 =	vadd.f32 v6, v1;
	[tilespmem:$0x1F620] =	vst v63;
	v63 =	vld [tilespmem:s31+$0x650]  }
0x167: {  	v7 =	vmul.f32 v10, v5;
	v10 =	vld [tilespmem:$0x1F470]  }
0x168: {  	[tilespmem:$0x1FB10] =	vst v1;
	v1 =	vld [tilespmem:$0x1F4B0]  }
0x169: {  	v30 =	vld [tilespmem:s31+$0x46C0]  }
0x16a: {  	v3 =	vmul.f32 v3, v8;
	v6 =	vmul.f32 v62, v8;
	v62 =	vld [tilespmem:$0x1F4F0]  }
0x16b: {  	[tilespmem:$0x1F600] =	vst v63;
	v63 =	vld [tilespmem:s31+$0x4650]  }
0x16c: {  	v0 =	vadd.f32 v3, v0;
	v3 =	vld [tilespmem:$0x1F4A0]  }
0x16d: {  	v36 =	vld [tilespmem:s31+$0x86D0];
	v4 =	vmul.f32 v10, v5;
	v1 =	vmul.f32 v1, v2  }
0x16e: {  	v10 =	vld [tilespmem:$0x1F4C0]  }
0x16f: {  	v1 =	vadd.f32 v1, v4;
	v4 =	vmul.f32 v62, v8;
	v62 =	vld [tilespmem:s31+$0x810]  }
0x170: {  	[tilespmem:$0x1F610] =	vst v63;
	v63 =	vld [tilespmem:s31+$0x8650]  }
0x171: {  	[tilespmem:$0x1FAE0] =	vst v0;
	v3 =	vmul.f32 v3, v2;
	v0 =	vld [tilespmem:$0x1F490]  }
0x172: {  	v40 =	vld [tilespmem:s31+$0x8700]  }
0x173: {  	v38 =	vld [tilespmem:s31+$0x86E0];
	v3 =	vadd.f32 v3, v7  }
0x174: {  	[tilespmem:$0x1FA90] =	vst v62;
	v62 =	vld [tilespmem:s31+$0x4810]  }
0x175: {  	v3 =	vadd.f32 v6, v3;
	[tilespmem:$0x1F630] =	vst v63;
	v63 =	vld [tilespmem:s31+$0x660]  }
0x176: {  	v0 =	vmul.f32 v0, v5;
	v5 =	vmul.f32 v10, v2;
	v10 =	vld [tilespmem:$0x1F4D0];
	v1 =	vadd.f32 v4, v1  }
0x177: {  	[tilespmem:$0x1FB40] =	vst v3;
	v3 =	vld [tilespmem:$0x1F500]  }
0x178: {  	[tilespmem:$0x1FB60] =	vst v1;
	v1 =	vld [tilespmem:$0x1F510]  }
0x179: {  	[tilespmem:$0x1FAA0] =	vst v62;
	v62 =	vld [tilespmem:s31+$0x8810]  }
0x17a: {  	[tilespmem:$0x1F640] =	vst v63;
	v63 =	vld [tilespmem:s31+$0x4660]  }
0x17b: {  	v2 =	vmul.f32 v10, v2;
	v10 =	vld [tilespmem:s31+$0x8800]  }
0x17c: {  	[tilespmem:$0x1F770] =	vst v30;
	v30 =	vld [tilespmem:s31+$0x86C0]  }
0x17d: {  	v3 =	vmul.f32 v3, v8;
	v1 =	vmul.f32 v1, v8;
	v8 =	vld [tilespmem:$0x1F520]  }
0x17e: {  	[tilespmem:$0x1FAD0] =	vst v62;
	v62 =	vld [tilespmem:$0x1F530]  }
0x17f: {  	[tilespmem:$0x1F660] =	vst v63;
	v63 =	vld [tilespmem:s31+$0x8660]  }
0x180: {  	v52 =	vld [tilespmem:s31+$0x710];
	[tilespmem:$0x1FAC0] =	vst v10;
	v10 =	vimm.s32 $0x6  }
0x181: {  	v60 =	vld [tilespmem:s31+$0x8720];
	v7 =	vperm.xlane v17, v10;
	v6 =	vperm.xlane v18, v10  }
0x182: {  	v51 =	vld [tilespmem:s31+$0x4730]  }
0x183: {  	v4 =	vmul.f32 v8, v7;
	v8 =	vmul.f32 v62, v6;
	v62 =	vld [tilespmem:s31+$0x820]  }
0x184: {  	[tilespmem:$0x1F680] =	vst v63;
	v63 =	vld [tilespmem:s31+$0x670]  }
0x185: {  	v43 =	vld [tilespmem:s31+$0x46E0]  }
0x186: {  	v58 =	vld [tilespmem:s31+$0x4710]  }
0x187: {  	v50 =	vld [tilespmem:s31+$0x8710]  }
0x188: {  	[tilespmem:$0x1FAF0] =	vst v62;
	v62 =	vld [tilespmem:$0x1F550]  }
0x189: {  	[tilespmem:$0x1F650] =	vst v63;
	v63 =	vld [tilespmem:s31+$0x4670]  }
0x18a: {  	v48 =	vld [tilespmem:s31+$0x700]  }
0x18b: {  	v61 =	vld [tilespmem:s31+$0x730]  }
0x18c: {  	v5 =	vadd.f32 v5, v9;
	v0 =	vadd.f32 v2, v0;
	v2 =	vld [tilespmem:$0x1F540]  }
0x18d: {  	v9 =	vperm.xlane v45, v10;
	v10 =	vmul.f32 v62, v6;
	v62 =	vld [tilespmem:s31+$0x4820]  }
0x18e: {  	v3 =	vadd.f32 v3, v5;
	[tilespmem:$0x1F670] =	vst v63;
	v63 =	vld [tilespmem:s31+$0x8670]  }
0x18f: {  	v44 =	vld [tilespmem:s31+$0x86F0]  }
0x190: {  	[tilespmem:$0x1FB90] =	vst v3;
	v3 =	vadd.f32 v8, v4;
	v8 =	vld [tilespmem:$0x1F560]  }
0x191: {  	v0 =	vadd.f32 v1, v0;
	v1 =	vld [tilespmem:$0x1F570]  }
0x192: {  	v2 =	vmul.f32 v2, v7;
	[tilespmem:$0x1FB00] =	vst v62;
	v62 =	vld [tilespmem:s31+$0x8820]  }
0x193: {  	[tilespmem:$0x1F690] =	vst v63;
	v63 =	vld [tilespmem:s31+$0x680]  }
0x194: {  	[tilespmem:$0x1FBC0] =	vst v0;
	v0 =	vadd.f32 v10, v2;
	v2 =	vld [tilespmem:s31+$0x830]  }
0x195: {  	v49 =	vld [tilespmem:s31+$0x4700]  }
0x196: {  	[tilespmem:$0x1F7D0] =	vst v51;
	v51 =	vld [tilespmem:s31+$0x8740]  }
0x197: {  	v53 =	vld [tilespmem:s31+$0x720];
	v1 =	vmul.f32 v1, v9;
	[tilespmem:$0x1FB50] =	vst v62  }
0x198: {  	v55 =	vld [tilespmem:s31+$0x4720];
	v4 =	vmul.f32 v8, v9;
	[tilespmem:$0x1F6A0] =	vst v63  }
0x199: {  	v0 =	vadd.f32 v1, v0;
	v63 =	vld [tilespmem:s31+$0x8680];
	[tilespmem:$0x1FB20] =	vst v2  }
0x19a: {  	v2 =	vadd.f32 v4, v3;
	v3 =	vld [tilespmem:$0x1F590]  }
0x19b: {  	[tilespmem:$0x1FC10] =	vst v0;
	v0 =	vld [tilespmem:$0x1F5A0]  }
0x19c: {  	v1 =	vld [tilespmem:$0x1F5B0]  }
0x19d: {  	v10 =	vld [tilespmem:s31+$0x8830]  }
0x19e: {  	[tilespmem:$0x1FBF0] =	vst v2;
	v2 =	vld [tilespmem:$0x1F580];
	_ =	sdelay $0x3  }
0x19f: {  	v62 =	vld [tilespmem:$0x1F5D0];
	v0 =	vmul.f32 v0, v7;
	v1 =	vmul.f32 v1, v6  }
0x1a0: {  	v3 =	vmul.f32 v3, v6;
	[tilespmem:$0x1FB70] =	vst v10;
	v10 =	vld [tilespmem:$0x1F5F0];
	v2 =	vmul.f32 v2, v7  }
0x1a1: {  	v0 =	vadd.f32 v1, v0;
	v1 =	vld [tilespmem:$0x1F5E0]  }
0x1a2: {  	v2 =	vadd.f32 v3, v2;
	v3 =	vld [tilespmem:$0x1F5C0];
	_ =	sdelay $0x1  }
0x1a3: {  	v8 =	vld [tilespmem:s31+$0x4830];
	v4 =	vmul.f32 v62, v9;
	_ =	sdelay $0x1  }
0x1a4: {  	v0 =	vadd.f32 v4, v0;
	v5 =	vmul.f32 v10, v6;
	v1 =	vmul.f32 v1, v7  }
0x1a5: {  	v3 =	vmul.f32 v3, v9  }
0x1a6: {  	[tilespmem:$0x1FC60] =	vst v0;
	v0 =	vadd.f32 v5, v1;
	v1 =	vld [tilespmem:$0x1F620]  }
0x1a7: {  	[tilespmem:$0x1FB30] =	vst v8;
	v8 =	vld [tilespmem:s31+$0x840];
	v2 =	vadd.f32 v3, v2  }
0x1a8: {  	v3 =	vld [tilespmem:$0x1F610]  }
0x1a9: {  	[tilespmem:$0x1FC40] =	vst v2;
	v2 =	vld [tilespmem:$0x1F600]  }
0x1aa: {  	v10 =	vld [tilespmem:s31+$0x4850]  }
0x1ab: {  	v1 =	vmul.f32 v1, v9  }
0x1ac: {  	[tilespmem:$0x1FB80] =	vst v8;
	v8 =	vld [tilespmem:$0x1F640]  }
0x1ad: {  	v0 =	vadd.f32 v1, v0;
	v1 =	vld [tilespmem:$0x1F660]  }
0x1ae: {  	v3 =	vmul.f32 v3, v6;
	v2 =	vmul.f32 v2, v7  }
0x1af: {  	[tilespmem:$0x1FBD0] =	vst v10;
	v10 =	vld [tilespmem:$0x1F680]  }
0x1b0: {  	v2 =	vadd.f32 v3, v2;
	v3 =	vld [tilespmem:$0x1F630];
	_ =	sdelay $0x1  }
0x1b1: {  	v4 =	vmul.f32 v8, v7;
	v1 =	vmul.f32 v1, v6;
	_ =	sdelay $0x1  }
0x1b2: {  	v1 =	vadd.f32 v1, v4;
	v4 =	vmul.f32 v10, v9  }
0x1b3: {  	[tilespmem:$0x1FC80] =	vst v0;
	v0 =	vld [tilespmem:$0x1F650];
	v3 =	vmul.f32 v3, v9  }
0x1b4: {  	v1 =	vadd.f32 v4, v1  }
0x1b5: {  	v10 =	vld [tilespmem:$0x1F6A0];
	v2 =	vadd.f32 v3, v2  }
0x1b6: {  	[tilespmem:$0x1FCD0] =	vst v1;
	v1 =	vld [tilespmem:$0x1F6B0]  }
0x1b7: {  	[tilespmem:$0x1FCB0] =	vst v2;
	v2 =	vld [tilespmem:$0x1F670]  }
0x1b8: {  	v0 =	vmul.f32 v0, v7;
	v7 =	vimm.s32 $0x7  }
0x1b9: {  	v5 =	vperm.xlane v18, v7  }
0x1ba: {  	v3 =	vperm.xlane v17, v7  }
0x1bb: {  	v4 =	vperm.xlane v45, v7;
	v1 =	vmul.f32 v1, v5  }
0x1bc: {  	v2 =	vmul.f32 v2, v6;
	v6 =	vmul.f32 v10, v3;
	_ =	sdelay $0x1  }
0x1bd: {  	v1 =	vadd.f32 v1, v6;
	v6 =	vmul.f32 v63, v4;
	v63 =	vld [tilespmem:s31+$0x8870];
	_ =	sdelay $0x2  }
0x1be: {  	v8 =	vld [tilespmem:s31+$0x860]  }
0x1bf: {  	v0 =	vadd.f32 v2, v0;
	v2 =	vld [tilespmem:$0x1F690]  }
0x1c0: {  	[tilespmem:$0x1FC90] =	vst v63;
	v63 =	vld [tilespmem:$0x1F700];
	_ =	sdelay $0x4  }
0x1c1: {  	[tilespmem:$0x1FBE0] =	vst v8;
	v2 =	vmul.f32 v2, v9;
	v8 =	vmul.f32 v63, v5;
	v63 =	vld [tilespmem:s31+$0x880];
	_ =	sdelay $0x1  }
0x1c2: {  	v0 =	vadd.f32 v2, v0  }
0x1c3: {  	v2 =	vld [tilespmem:$0x1F6D0]  }
0x1c4: {  	[tilespmem:$0x1FD00] =	vst v0;
	v0 =	vld [tilespmem:$0x1F6C0]  }
0x1c5: {  	[tilespmem:$0x1FCA0] =	vst v63;
	v63 =	vld [tilespmem:s31+$0x4880];
	_ =	sdelay $0x3  }
0x1c6: {  	v10 =	vld [tilespmem:$0x1F6E0]  }
0x1c7: {  	v2 =	vmul.f32 v2, v5;
	v0 =	vmul.f32 v0, v3;
	[tilespmem:$0x1FCC0] =	vst v63;
	v63 =	vld [tilespmem:s31+$0x8880];
	_ =	sdelay $0x1  }
0x1c8: {  	v0 =	vadd.f32 v2, v0;
	v2 =	vld [tilespmem:$0x1F6F0];
	_ =	sdelay $0x2  }
0x1c9: {  	v7 =	vmul.f32 v10, v4;
	[tilespmem:$0x1FD10] =	vst v63;
	v63 =	vld [tilespmem:s31+$0x890];
	_ =	sdelay $0x1  }
0x1ca: {  	v0 =	vadd.f32 v7, v0;
	v2 =	vmul.f32 v2, v3;
	_ =	sdelay $0x1  }
0x1cb: {  	[tilespmem:$0x1FD40] =	vst v0;
	v0 =	vadd.f32 v8, v2;
	v2 =	vld [tilespmem:$0x1F730]  }
0x1cc: {  	[tilespmem:$0x1FCE0] =	vst v63;
	v63 =	vld [tilespmem:$0x1F760]  }
0x1cd: {  	v10 =	vld [tilespmem:$0x1F720]  }
0x1ce: {  	v1 =	vadd.f32 v6, v1;
	v9 =	vld [tilespmem:s31+$0x4870];
	_ =	sdelay $0x1  }
0x1cf: {  	[tilespmem:$0x1FD20] =	vst v1;
	v1 =	vld [tilespmem:$0x1F710];
	v2 =	vmul.f32 v2, v4  }
0x1d0: {  	[tilespmem:s31+$0xC330] =	vst v63;
	v63 =	vld [tilespmem:s31+$0x4890]  }
0x1d1: {  	v6 =	vmul.f32 v10, v5;
	v10 =	vld [tilespmem:$0x1F750];
	v0 =	vadd.f32 v2, v0  }
0x1d2: {  	[tilespmem:$0x1FC50] =	vst v9;
	v9 =	vld [tilespmem:$0x1F740]  }
0x1d3: {  	[tilespmem:$0x1FD60] =	vst v0;
	v0 =	vld [tilespmem:$0x1F770]  }
0x1d4: {  	[tilespmem:s31+$0xC350] =	vst v11;
	v11 =	vld [tilespmem:$0x1F7B0]  }
0x1d5: {  	v1 =	vmul.f32 v1, v3;
	[tilespmem:$0x1FCF0] =	vst v63;
	v63 =	vld [tilespmem:s31+$0x8890]  }
0x1d6: {  	v7 =	vmul.f32 v10, v3;
	v10 =	vld [tilespmem:$0x1F7A0]  }
0x1d7: {  	v1 =	vadd.f32 v6, v1;
	v6 =	vmul.f32 v9, v4;
	v2 =	vld [tilespmem:$0x1F780]  }
0x1d8: {  	v0 =	vmul.f32 v0, v5  }
0x1d9: {  	[tilespmem:s31+$0xC340] =	vst v12;
	v12 =	vadd.f32 v6, v1;
	v1 =	vld [tilespmem:$0x1F790]  }
0x1da: {  	v0 =	vadd.f32 v0, v7;
	[tilespmem:$0x1FD30] =	vst v63;
	v63 =	vmul.f32 v30, v4  }
0x1db: {  	v6 =	vmul.f32 v10, v3  }
0x1dc: {  	v2 =	vmul.f32 v2, v3;
	v3 =	vmul.f32 v11, v3;
	v11 =	vadd.f32 v63, v0;
	v0 =	vld [tilespmem:$0x1F7C0];
	_ =	sdelay $0x1  }
0x1dd: {  	v1 =	vmul.f32 v1, v5  }
0x1de: {  	[tilespmem:s31+$0xC360] =	vst v14;
	v14 =	vld [tilespmem:s31+$0x88A0];
	v43 =	vmul.f32 v43, v5  }
0x1df: {  	v1 =	vadd.f32 v1, v2;
	v2 =	vmul.f32 v36, v4;
	v63 =	vimm.s32 $0x8  }
0x1e0: {  	v6 =	vadd.f32 v43, v6;
	v0 =	vmul.f32 v0, v5;
	v5 =	vperm.xlane v17, v63  }
0x1e1: {  	[tilespmem:s31+$0xC370] =	vst v13;
	v13 =	vadd.f32 v2, v1;
	v1 =	vmul.f32 v38, v4;
	v2 =	vperm.xlane v18, v63  }
0x1e2: {  	v8 =	vperm.xlane v45, v63;
	v63 =	vld [tilespmem:$0x1F7D0];
	v38 =	vmul.f32 v48, v5  }
0x1e3: {  	[tilespmem:$0x1FD50] =	vst v14;
	v14 =	vadd.f32 v1, v6;
	v1 =	vmul.f32 v52, v5;
	v48 =	vmul.f32 v58, v2  }
0x1e4: {  	[tilespmem:s31+$0xC380] =	vst v19;
	v10 =	vld [tilespmem:$0x1F7E0];
	v4 =	vmul.f32 v44, v4;
	v0 =	vadd.f32 v0, v3  }
0x1e5: {  	[tilespmem:s31+$0xC390] =	vst v15;
	v19 =	vld [tilespmem:s31+$0x8B0];
	v52 =	vmul.f32 v50, v8;
	v1 =	vadd.f32 v48, v1  }
0x1e6: {  	[tilespmem:s31+$0xC3C0] =	vst v23;
	v23 =	vld [tilespmem:$0x1F800];
	v3 =	vmul.f32 v49, v2;
	v15 =	vadd.f32 v4, v0  }
0x1e7: {  	[tilespmem:s31+$0xC3F0] =	vst v16;
	v4 =	vmul.f32 v63, v2;
	v16 =	vadd.f32 v52, v1;
	v1 =	vmul.f32 v61, v5  }
0x1e8: {  	[tilespmem:s31+$0xC3D0] =	vst v22;
	v0 =	vadd.f32 v3, v38;
	v3 =	vmul.f32 v40, v8  }
0x1e9: {  	[tilespmem:s31+$0xC410] =	vst v25;
	v22 =	vld [tilespmem:$0x1F7F0];
	v6 =	vmul.f32 v10, v8;
	v1 =	vadd.f32 v4, v1  }
0x1ea: {  	v25 =	vld [tilespmem:$0x1F810];
	[tilespmem:$0x1FD70] =	vst v19;
	v58 =	vmul.f32 v53, v5;
	v19 =	vadd.f32 v3, v0;
	v0 =	vmul.f32 v55, v2  }
0x1eb: {  	v4 =	vmul.f32 v23, v5;
	v23 =	vadd.f32 v6, v1;
	v1 =	vld [tilespmem:$0x1F840]  }
0x1ec: {  	[tilespmem:s31+$0xC400] =	vst v26;
	v26 =	vld [tilespmem:$0x1F850];
	v3 =	vmul.f32 v60, v8;
	v0 =	vadd.f32 v0, v58  }
0x1ed: {  	[tilespmem:s31+$0xC450] =	vst v29;
	v29 =	vld [tilespmem:$0x1F870]  }
0x1ee: {  	v7 =	vmul.f32 v22, v5;
	v22 =	vadd.f32 v3, v0;
	v3 =	vld [tilespmem:$0x1F830]  }
0x1ef: {  	v9 =	vld [tilespmem:s31+$0x48D0]  }
0x1f0: {  	v0 =	vld [tilespmem:$0x1F820];
	v1 =	vmul.f32 v1, v2  }
0x1f1: {  	[tilespmem:s31+$0xC430] =	vst v27;
	v27 =	vld [tilespmem:$0x1F860]  }
0x1f2: {  	v1 =	vadd.f32 v1, v4;
	v4 =	vmul.f32 v29, v8  }
0x1f3: {  	v3 =	vmul.f32 v3, v2  }
0x1f4: {  	[tilespmem:s31+$0xC420] =	vst v28;
	v28 =	vmul.f32 v51, v8;
	v1 =	vadd.f32 v4, v1  }
0x1f5: {  	[tilespmem:$0x1FDC0] =	vst v9;
	v43 =	vld [tilespmem:s31+$0x48B0];
	v9 =	vmul.f32 v25, v5;
	v0 =	vmul.f32 v0, v5;
	v3 =	vadd.f32 v3, v7  }
0x1f6: {  	v5 =	vmul.f32 v26, v2;
	v2 =	vmul.f32 v27, v2;
	[tilespmem:$0x1FE30] =	vst v1;
	v1 =	vld [tilespmem:$0x1F890]  }
0x1f7: {  	v58 =	vld [tilespmem:$0x1F8D0];
	v3 =	vadd.f32 v28, v3  }
0x1f8: {  	[tilespmem:s31+$0xC440] =	vst v31;
	v0 =	vadd.f32 v2, v0;
	v2 =	vld [tilespmem:$0x1F8C0]  }
0x1f9: {  	v31 =	vimm.s32 $0x9;
	[tilespmem:$0x1FE00] =	vst v3;
	v3 =	vld [tilespmem:$0x1F880]  }
0x1fa: {  	[tilespmem:$0x1FD80] =	vst v43;
	v43 =	vperm.xlane v18, v31;
	v50 =	vld [tilespmem:$0x1F8B0]  }
0x1fb: {  	v38 =	vperm.xlane v17, v31;
	v48 =	vld [tilespmem:$0x1F8A0];
	v1 =	vmul.f32 v1, v8;
	_ =	sdelay $0x1  }
0x1fc: {  	v63 =	vld [tilespmem:$0x1F8E0];
	v10 =	vmul.f32 v58, v43;
	v2 =	vmul.f32 v2, v38;
	v0 =	vadd.f32 v1, v0  }
0x1fd: {  	v5 =	vadd.f32 v5, v9;
	v3 =	vmul.f32 v3, v8  }
0x1fe: {  	v52 =	vperm.xlane v45, v31;
	[tilespmem:$0x1FE70] =	vst v0;
	v0 =	vadd.f32 v10, v2;
	v2 =	vld [tilespmem:s31+$0x4910]  }
0x1ff: {  	v4 =	vmul.f32 v48, v38;
	v8 =	vmul.f32 v50, v43;
	v3 =	vadd.f32 v3, v5;
	_ =	sdelay $0x1  }
0x200: {  	[tilespmem:$0x1FE50] =	vst v3;
	v3 =	vadd.f32 v8, v4;
	v4 =	vmul.f32 v63, v52  }
0x201: {  	v1 =	vld [tilespmem:$0x1F8F0]  }
0x202: {  	[tilespmem:$0x1FE20] =	vst v2;
	v2 =	vadd.f32 v4, v3  }
0x203: {  	v3 =	vld [tilespmem:$0x1F910]  }
0x204: {  	[tilespmem:$0x1FEA0] =	vst v2;
	v2 =	vld [tilespmem:$0x1F900];
	_ =	sdelay $0x1  }
0x205: {  	v1 =	vmul.f32 v1, v52;
	_ =	sdelay $0x1  }
0x206: {  	v0 =	vadd.f32 v1, v0  }
0x207: {  	v1 =	vld [tilespmem:$0x1F930];
	v3 =	vmul.f32 v3, v43;
	v2 =	vmul.f32 v2, v38  }
0x208: {  	[tilespmem:$0x1FED0] =	vst v0;
	v0 =	vld [tilespmem:$0x1F920]  }
0x209: {  	v2 =	vadd.f32 v3, v2;
	v3 =	vld [tilespmem:$0x1F940];
	_ =	sdelay $0x3  }
0x20a: {  	v62 =	vld [tilespmem:s31+$0x4840];
	v1 =	vmul.f32 v1, v43  }
0x20b: {  	v27 =	vld [tilespmem:$0x1F950];
	v0 =	vmul.f32 v0, v38;
	v3 =	vmul.f32 v3, v52  }
0x20c: {  	v29 =	vld [tilespmem:$0x1F970]  }
0x20d: {  	v0 =	vadd.f32 v1, v0;
	v1 =	vld [tilespmem:$0x1F960];
	v2 =	vadd.f32 v3, v2  }
0x20e: {  	v3 =	vld [tilespmem:$0x1F990]  }
0x20f: {  	[tilespmem:$0x1FF00] =	vst v2;
	v2 =	vld [tilespmem:$0x1F980];
	_ =	sdelay $0x1  }
0x210: {  	v4 =	vmul.f32 v27, v52;
	_ =	sdelay $0x1  }
0x211: {  	[tilespmem:$0x1FBA0] =	vst v62;
	v62 =	vld [tilespmem:s31+$0x8840];
	v5 =	vmul.f32 v29, v43;
	v0 =	vadd.f32 v4, v0;
	v1 =	vmul.f32 v1, v38  }
0x212: {  	v3 =	vmul.f32 v3, v43;
	v2 =	vmul.f32 v2, v38  }
0x213: {  	[tilespmem:$0x1FF30] =	vst v0;
	v0 =	vadd.f32 v5, v1;
	v1 =	vld [tilespmem:$0x1F9A0]  }
0x214: {  	v2 =	vadd.f32 v3, v2;
	v3 =	vld [tilespmem:$0x1F9B0];
	_ =	sdelay $0x1  }
0x215: {  	[tilespmem:$0x1FC00] =	vst v62;
	v62 =	vld [tilespmem:s31+$0x850]  }
0x216: {  	[tilespmem:s31+$0xC3A0] =	vst v21;
	v21 =	vld [tilespmem:s31+$0x48C0]  }
0x217: {  	[tilespmem:s31+$0xC3B0] =	vst v20;
	v20 =	vld [tilespmem:s31+$0x88C0];
	v1 =	vmul.f32 v1, v52  }
0x218: {  	[tilespmem:s31+$0xC3E0] =	vst v24;
	v24 =	vld [tilespmem:s31+$0x88D0];
	v3 =	vmul.f32 v3, v52  }
0x219: {  	[tilespmem:s31+$0xC480] =	vst v33;
	v33 =	vld [tilespmem:s31+$0x4930];
	v0 =	vadd.f32 v1, v0  }
0x21a: {  	[tilespmem:$0x1FBB0] =	vst v62;
	v62 =	vld [tilespmem:s31+$0x8850];
	v2 =	vadd.f32 v3, v2  }
0x21b: {  	[tilespmem:$0x1FF40] =	vst v0;
	v0 =	vld [tilespmem:$0x1F9D0]  }
0x21c: {  	[tilespmem:$0x1FF60] =	vst v2;
	v2 =	vld [tilespmem:$0x1FA00]  }
0x21d: {  	[tilespmem:s31+$0xC470] =	vst v34;
	v34 =	vld [tilespmem:$0x1F9C0]  }
0x21e: {  	[tilespmem:s31+$0xC460] =	vst v35;
	v35 =	vld [tilespmem:s31+$0x8930]  }
0x21f: {  	v1 =	vld [tilespmem:$0x1F9E0]  }
0x220: {  	[tilespmem:$0x1FC20] =	vst v62;
	v62 =	vld [tilespmem:s31+$0x4860]  }
0x221: {  	v44 =	vld [tilespmem:s31+$0x88B0];
	v0 =	vmul.f32 v0, v38;
	v2 =	vmul.f32 v2, v43  }
0x222: {  	v60 =	vld [tilespmem:s31+$0x8D0]  }
0x223: {  	v0 =	vadd.f32 v2, v0;
	v2 =	vld [tilespmem:$0x1FA40]  }
0x224: {  	v1 =	vmul.f32 v1, v43;
	v43 =	vld [tilespmem:$0x1FA20]  }
0x225: {  	[tilespmem:s31+$0xC490] =	vst v32;
	v32 =	vld [tilespmem:s31+$0x930]  }
0x226: {  	[tilespmem:$0x1FC30] =	vst v62;
	v62 =	vld [tilespmem:s31+$0x8860]  }
0x227: {  	[tilespmem:$0x1FD90] =	vst v44;
	v44 =	vld [tilespmem:s31+$0x88F0];
	v4 =	vmul.f32 v34, v38  }
0x228: {  	v55 =	vld [tilespmem:s31+$0x4900];
	v2 =	vmul.f32 v2, v52  }
0x229: {  	[tilespmem:$0x1FDB0] =	vst v60;
	v60 =	vld [tilespmem:s31+$0x8900];
	v1 =	vadd.f32 v1, v4;
	v4 =	vmul.f32 v43, v52  }
0x22a: {  	[tilespmem:s31+$0xC4A0] =	vst v39;
	v48 =	vld [tilespmem:$0x1FA50];
	v0 =	vadd.f32 v2, v0  }
0x22b: {  	[tilespmem:$0x1FC70] =	vst v62;
	v1 =	vadd.f32 v4, v1;
	v2 =	vld [tilespmem:$0x1FAA0]  }
0x22c: {  	[tilespmem:$0x1FFA0] =	vst v0;
	v0 =	vld [tilespmem:$0x1FA90]  }
0x22d: {  	v39 =	vimm.s32 $0xA;
	[tilespmem:$0x1FF80] =	vst v1;
	v1 =	vld [tilespmem:$0x1FA70]  }
0x22e: {  	v62 =	vld [tilespmem:s31+$0x870];
	[tilespmem:$0x1FDD0] =	vst v44;
	v3 =	vperm.xlane v17, v39  }
0x22f: {  	v44 =	vperm.xlane v18, v39;
	[tilespmem:$0x1FDF0] =	vst v55;
	v55 =	vld [tilespmem:$0x1FAC0]  }
0x230: {  	[tilespmem:s31+$0xC530] =	vst v57;
	v57 =	vld [tilespmem:$0x1FAD0];
	v6 =	vmul.f32 v48, v3  }
0x231: {  	[tilespmem:$0x1FE40] =	vst v60;
	v60 =	vld [tilespmem:$0x1FB00];
	v2 =	vmul.f32 v2, v44;
	v0 =	vmul.f32 v0, v3  }
0x232: {  	v8 =	vld [tilespmem:s31+$0x910];
	v4 =	vperm.xlane v45, v39;
	v1 =	vmul.f32 v1, v44  }
0x233: {  	v0 =	vadd.f32 v2, v0;
	v2 =	vld [tilespmem:$0x1FAF0]  }
0x234: {  	v31 =	vld [tilespmem:s31+$0x8920];
	v1 =	vadd.f32 v1, v6;
	v6 =	vmul.f32 v55, v4  }
0x235: {  	[tilespmem:$0x1FEC0] =	vst v33;
	v33 =	vld [tilespmem:$0x1FB90]  }
0x236: {  	[tilespmem:s31+$0xC4B0] =	vst v37;
	v37 =	vld [tilespmem:s31+$0x940];
	v7 =	vmul.f32 v57, v4;
	v1 =	vadd.f32 v6, v1  }
0x237: {  	[tilespmem:$0x1FE10] =	vst v8;
	v27 =	vld [tilespmem:$0x1FB30]  }
0x238: {  	v8 =	vmul.f32 v60, v44;
	[tilespmem:$0x1FFB0] =	vst v1;
	v1 =	vld [tilespmem:$0x1FB20];
	v0 =	vadd.f32 v7, v0;
	v2 =	vmul.f32 v2, v3  }
0x239: {  	[tilespmem:$0x1FEE0] =	vst v31;
	v31 =	vld [tilespmem:$0x1FB70]  }
0x23a: {  	[tilespmem:$0x1FFC0] =	vst v0;
	v0 =	vadd.f32 v8, v2;
	v2 =	vld [tilespmem:$0x1FB50]  }
0x23b: {  	[tilespmem:$0x1FEF0] =	vst v35;
	v35 =	vld [tilespmem:$0x1FBC0]  }
0x23c: {  	[tilespmem:$0x1FEB0] =	vst v32;
	v32 =	vld [tilespmem:$0x1FB80]  }
0x23d: {  	[tilespmem:s31+$0xC4D0] =	vst v41;
	v41 =	vld [tilespmem:s31+$0x4940];
	v6 =	vmul.f32 v27, v44;
	v1 =	vmul.f32 v1, v3  }
0x23e: {  	[tilespmem:s31+$0xC4C0] =	vst v42;
	v42 =	vld [tilespmem:$0x1FA10]  }
0x23f: {  	[tilespmem:$0x1FF10] =	vst v37;
	v37 =	vld [tilespmem:$0x1FBE0];
	v1 =	vadd.f32 v6, v1;
	v6 =	vmul.f32 v31, v4;
	v2 =	vmul.f32 v2, v4  }
0x240: {  	[tilespmem:s31+$0xC510] =	vst v54;
	v54 =	vld [tilespmem:$0x1FAB0]  }
0x241: {  	v1 =	vadd.f32 v6, v1;
	v0 =	vadd.f32 v2, v0;
	v2 =	vld [tilespmem:$0x1FBB0]  }
0x242: {  	v36 =	vld [tilespmem:s31+$0x48A0]  }
0x243: {  	[tilespmem:$0x1FFF0] =	vst v1;
	v1 =	vld [tilespmem:$0x1FBD0]  }
0x244: {  	v30 =	vld [tilespmem:s31+$0x8A0]  }
0x245: {  	v51 =	vld [tilespmem:s31+$0x48F0];
	v39 =	vmul.f32 v62, v3;
	v7 =	vmul.f32 v32, v3  }
0x246: {  	v6 =	vmul.f32 v37, v3;
	v2 =	vmul.f32 v2, v3;
	v3 =	vld [tilespmem:$0x1FC00]  }
0x247: {  	v49 =	vld [tilespmem:s31+$0x8C0]  }
0x248: {  	[tilespmem:$0x1FFE0] =	vst v0;
	v0 =	vld [tilespmem:$0x1FBA0];
	v1 =	vmul.f32 v1, v44  }
0x249: {  	v26 =	vld [tilespmem:s31+$0x920]  }
0x24a: {  	v1 =	vadd.f32 v1, v2;
	v2 =	vld [tilespmem:$0x1FC20]  }
0x24b: {  	[tilespmem:$0x1FF20] =	vst v41;
	v41 =	vmul.f32 v3, v4;
	v3 =	vld [tilespmem:$0x1FC10]  }
0x24c: {  	v53 =	vld [tilespmem:s31+$0x8E0]  }
0x24d: {  	[tilespmem:s31+$0xC5E0] =	vst v33;
	v33 =	vld [tilespmem:$0x1FCF0];
	v0 =	vmul.f32 v0, v44  }
0x24e: {  	v28 =	vld [tilespmem:s31+$0x4920]  }
0x24f: {  	[tilespmem:$0x1FE80] =	vst v26;
	v26 =	vld [tilespmem:$0x1FB10];
	v0 =	vadd.f32 v0, v7  }
0x250: {  	v2 =	vmul.f32 v2, v4;
	[tilespmem:s31+$0xC610] =	vst v3;
	v3 =	vld [tilespmem:$0x1FC30]  }
0x251: {  	[tilespmem:s31+$0xC590] =	vst v54;
	v54 =	vadd.f32 v41, v0;
	v0 =	vld [tilespmem:$0x1FC50]  }
0x252: {  	v62 =	vadd.f32 v2, v1;
	v1 =	vld [tilespmem:$0x1FC70]  }
0x253: {  	v29 =	vld [tilespmem:$0x1FB60]  }
0x254: {  	[tilespmem:s31+$0xC5B0] =	vst v26;
	v26 =	vld [tilespmem:$0x1FC90]  }
0x255: {  	[tilespmem:s31+$0xC550] =	vst v42;
	v42 =	vmul.f32 v3, v44;
	v3 =	vld [tilespmem:$0x1FC40]  }
0x256: {  	v61 =	vld [tilespmem:s31+$0x48E0];
	v0 =	vmul.f32 v0, v44  }
0x257: {  	v27 =	vld [tilespmem:$0x1FCA0];
	v1 =	vmul.f32 v1, v4;
	v55 =	vadd.f32 v42, v6  }
0x258: {  	[tilespmem:s31+$0xC5D0] =	vst v29;
	v29 =	vadd.f32 v0, v39;
	v0 =	vld [tilespmem:$0x1FCC0]  }
0x259: {  	[tilespmem:$0x1FE90] =	vst v28;
	v43 =	vimm.s32 $0xB;
	v4 =	vmul.f32 v26, v4;
	v44 =	vadd.f32 v1, v55;
	v1 =	vld [tilespmem:$0x1FCE0]  }
0x25a: {  	v28 =	vld [tilespmem:$0x1FB40];
	[tilespmem:s31+$0xC620] =	vst v3;
	v3 =	vperm.xlane v17, v43  }
0x25b: {  	v2 =	vperm.xlane v18, v43;
	v55 =	vadd.f32 v4, v29;
	v29 =	vld [tilespmem:$0x1FD30]  }
0x25c: {  	v6 =	vmul.f32 v27, v3;
	v27 =	vld [tilespmem:$0x1FD10]  }
0x25d: {  	v25 =	vld [tilespmem:s31+$0x88E0];
	v5 =	vmul.f32 v33, v2;
	v31 =	vmul.f32 v0, v2  }
0x25e: {  	v40 =	vld [tilespmem:s31+$0x8F0];
	v0 =	vperm.xlane v45, v43;
	v1 =	vmul.f32 v1, v3  }
0x25f: {  	[tilespmem:s31+$0xC5C0] =	vst v28;
	v28 =	vld [tilespmem:$0x1FCB0]  }
0x260: {  	v34 =	vld [tilespmem:s31+$0x8970];
	v1 =	vadd.f32 v5, v1;
	v5 =	vmul.f32 v29, v0  }
0x261: {  	[tilespmem:s31+$0xC5F0] =	vst v35;
	v35 =	vadd.f32 v31, v6;
	v6 =	vmul.f32 v27, v0;
	v27 =	vmul.f32 v36, v2;
	v36 =	vld [tilespmem:$0x1FD80]  }
0x262: {  	v41 =	vadd.f32 v5, v1;
	v1 =	vld [tilespmem:$0x1FD70]  }
0x263: {  	v10 =	vld [tilespmem:s31+$0x8910]  }
0x264: {  	v9 =	vld [tilespmem:$0x1FD90]  }
0x265: {  	[tilespmem:s31+$0xC650] =	vst v28;
	v28 =	vld [tilespmem:$0x1FD20]  }
0x266: {  	[tilespmem:$0x1FFD0] =	vst v34;
	v34 =	vld [tilespmem:$0x1FD00]  }
0x267: {  	[tilespmem:$0x1FDA0] =	vst v49;
	v49 =	vld [tilespmem:s31+$0x900];
	v5 =	vmul.f32 v36, v2;
	v1 =	vmul.f32 v1, v3  }
0x268: {  	[tilespmem:$0x1FE60] =	vst v10;
	v10 =	vld [tilespmem:$0x1FDA0]  }
0x269: {  	[tilespmem:s31+$0xC6C0] =	vst v11;
	v11 =	vld [tilespmem:$0x1FDB0];
	v39 =	vadd.f32 v6, v35;
	v6 =	vmul.f32 v9, v0;
	v1 =	vadd.f32 v5, v1  }
0x26a: {  	[tilespmem:s31+$0xC680] =	vst v28;
	v28 =	vld [tilespmem:$0x1FD50]  }
0x26b: {  	[tilespmem:s31+$0xC670] =	vst v34;
	v34 =	vadd.f32 v6, v1;
	v1 =	vld [tilespmem:$0x1FDC0]  }
0x26c: {  	[tilespmem:s31+$0xC6E0] =	vst v14;
	v14 =	vmul.f32 v61, v2;
	v51 =	vmul.f32 v51, v2  }
0x26d: {  	[tilespmem:s31+$0xC710] =	vst v16;
	v16 =	vld [tilespmem:$0x1FDD0];
	v7 =	vmul.f32 v10, v3;
	v31 =	vmul.f32 v30, v3  }
0x26e: {  	[tilespmem:s31+$0xC6B0] =	vst v12;
	v12 =	vmul.f32 v53, v3;
	v40 =	vmul.f32 v40, v3  }
0x26f: {  	v29 =	vmul.f32 v28, v0;
	v4 =	vadd.f32 v27, v31;
	v5 =	vmul.f32 v11, v3  }
0x270: {  	[tilespmem:s31+$0xC6D0] =	vst v13;
	v3 =	vmul.f32 v21, v2;
	v13 =	vmul.f32 v1, v2  }
0x271: {  	[tilespmem:$0x1FDE0] =	vst v49;
	v53 =	vadd.f32 v29, v4;
	v21 =	vmul.f32 v25, v0;
	v2 =	vmul.f32 v20, v0  }
0x272: {  	v20 =	vmul.f32 v24, v0;
	v4 =	vadd.f32 v13, v5;
	v5 =	vmul.f32 v16, v0;
	v0 =	vld [tilespmem:$0x1FDE0];
	_ =	sdelay $0x1  }
0x273: {  	v7 =	vadd.f32 v3, v7;
	v3 =	vimm.s32 $0xC  }
0x274: {  	v1 =	vperm.xlane v17, v3;
	_ =	sdelay $0x1  }
0x275: {  	v30 =	vadd.f32 v20, v4;
	v4 =	vmul.f32 v0, v1;
	v0 =	vld [tilespmem:$0x1FDF0];
	_ =	sdelay $0x2  }
0x276: {  	v29 =	vadd.f32 v2, v7;
	v2 =	vperm.xlane v18, v3;
	_ =	sdelay $0x1  }
0x277: {  	[tilespmem:s31+$0xC700] =	vst v19;
	v19 =	vmul.f32 v0, v2;
	v0 =	vperm.xlane v45, v3;
	v3 =	vld [tilespmem:$0x1FE00];
	_ =	sdelay $0x4  }
0x278: {  	[tilespmem:s31+$0xC740] =	vst v3;
	v3 =	vld [tilespmem:$0x1FE10];
	_ =	sdelay $0x3  }
0x279: {  	[tilespmem:s31+$0xC4F0] =	vst v46;
	v46 =	vld [tilespmem:s31+$0x8940]  }
0x27a: {  	v40 =	vadd.f32 v51, v40;
	v51 =	vmul.f32 v3, v1;
	v3 =	vld [tilespmem:$0x1FE20]  }
0x27b: {  	[tilespmem:s31+$0xC4E0] =	vst v47;
	v47 =	vld [tilespmem:$0x1FA30];
	_ =	sdelay $0x2  }
0x27c: {  	[tilespmem:s31+$0xC520] =	vst v59;
	v59 =	vld [tilespmem:$0x1FAE0]  }
0x27d: {  	[tilespmem:$0x1FF50] =	vst v46;
	v46 =	vld [tilespmem:$0x1FC60];
	v3 =	vmul.f32 v3, v2  }
0x27e: {  	[tilespmem:s31+$0xC560] =	vst v47;
	v47 =	vld [tilespmem:$0x1FC80]  }
0x27f: {  	v11 =	vadd.f32 v3, v51;
	v3 =	vld [tilespmem:$0x1FE60]  }
0x280: {  	[tilespmem:s31+$0xC500] =	vst v56;
	v56 =	vld [tilespmem:s31+$0x4950]  }
0x281: {  	[tilespmem:s31+$0xC5A0] =	vst v59;
	v59 =	vld [tilespmem:s31+$0x8960]  }
0x282: {  	v49 =	vld [tilespmem:$0x1FA60]  }
0x283: {  	[tilespmem:s31+$0xC630] =	vst v46;
	v46 =	vld [tilespmem:s31+$0x4990]  }
0x284: {  	v16 =	vmul.f32 v3, v0;
	v3 =	vld [tilespmem:$0x1FE70]  }
0x285: {  	[tilespmem:s31+$0xC640] =	vst v47;
	v47 =	vld [tilespmem:s31+$0x8990]  }
0x286: {  	v58 =	vld [tilespmem:s31+$0x950]  }
0x287: {  	[tilespmem:s31+$0xC570] =	vst v49;
	v49 =	vld [tilespmem:s31+$0x4970]  }
0x288: {  	v50 =	vld [tilespmem:$0x1FA80]  }
0x289: {  	[tilespmem:s31+$0xC770] =	vst v3;
	v3 =	vld [tilespmem:$0x1FE80]  }
0x28a: {  	v63 =	vld [tilespmem:s31+$0x4960]  }
0x28b: {  	[tilespmem:s31+$0xC6F0] =	vst v15;
	v15 =	vld [tilespmem:s31+$0x9F0]  }
0x28c: {  	[tilespmem:s31+$0xC720] =	vst v22;
	v22 =	vld [tilespmem:$0x1FE30]  }
0x28d: {  	v38 =	vld [tilespmem:$0x1F9F0]  }
0x28e: {  	v4 =	vadd.f32 v19, v4;
	v19 =	vmul.f32 v3, v1;
	v3 =	vld [tilespmem:$0x1FE90]  }
0x28f: {  	[tilespmem:s31+$0xC730] =	vst v23;
	v23 =	vld [tilespmem:$0x1FE40]  }
0x290: {  	[tilespmem:s31+$0xC580] =	vst v50;
	v50 =	vld [tilespmem:s31+$0x990]  }
0x291: {  	v60 =	vld [tilespmem:s31+$0x980]  }
0x292: {  	[tilespmem:$0x1FF90] =	vst v63;
	v63 =	vld [tilespmem:s31+$0x8980]  }
0x293: {  	[tilespmem:s31+$0xC540] =	vst v38;
	v38 =	vld [tilespmem:$0x1FBF0];
	v3 =	vmul.f32 v3, v2  }
0x294: {  	v48 =	vld [tilespmem:s31+$0x970]  }
0x295: {  	v20 =	vadd.f32 v5, v40;
	v5 =	vadd.f32 v3, v19;
	v3 =	vld [tilespmem:$0x1FEE0]  }
0x296: {  	v52 =	vld [tilespmem:s31+$0x8950]  }
0x297: {  	v32 =	vld [tilespmem:$0x1FCD0]  }
0x298: {  	[tilespmem:s31+$0xC600] =	vst v38;
	v38 =	vld [tilespmem:s31+$0x49A0]  }
0x299: {  	v57 =	vld [tilespmem:s31+$0x960]  }
0x29a: {  	v7 =	vmul.f32 v3, v0;
	v3 =	vld [tilespmem:$0x1FEF0]  }
0x29b: {  	[tilespmem:$0x1FF70] =	vst v52;
	v52 =	vld [tilespmem:s31+$0x4980]  }
0x29c: {  	[tilespmem:s31+$0xC660] =	vst v32;
	v32 =	vld [tilespmem:s31+$0x49C0]  }
0x29d: {  	v8 =	vld [tilespmem:$0x1FEB0];
	v6 =	vadd.f32 v14, v12  }
0x29e: {  	v37 =	vld [tilespmem:s31+$0x9B0]  }
0x29f: {  	[tilespmem:s31+$0xC750] =	vst v22;
	v22 =	vadd.f32 v21, v6;
	v6 =	vmul.f32 v3, v0;
	v3 =	vld [tilespmem:$0x1FF00]  }
0x2a0: {  	[tilespmem:s31+$0xC840] =	vst v54;
	v54 =	vld [tilespmem:s31+$0x4A40]  }
0x2a1: {  	v33 =	vld [tilespmem:s31+$0x49B0]  }
0x2a2: {  	v61 =	vld [tilespmem:s31+$0x9D0]  }
0x2a3: {  	v26 =	vld [tilespmem:$0x1FD40]  }
0x2a4: {  	[tilespmem:s31+$0xC7A0] =	vst v3;
	v3 =	vld [tilespmem:$0x1FF10]  }
0x2a5: {  	v42 =	vld [tilespmem:s31+$0x9A0]  }
0x2a6: {  	v10 =	vld [tilespmem:$0x1FE50]  }
0x2a7: {  	v9 =	vmul.f32 v23, v0;
	v23 =	vld [tilespmem:$0x1FEA0]  }
0x2a8: {  	[tilespmem:s31+$0xC690] =	vst v26;
	v26 =	vld [tilespmem:s31+$0x9E0]  }
0x2a9: {  	v40 =	vmul.f32 v3, v1;
	v3 =	vld [tilespmem:$0x1FF20]  }
0x2aa: {  	v43 =	vld [tilespmem:s31+$0x89A0]  }
0x2ab: {  	[tilespmem:s31+$0xC760] =	vst v10;
	v10 =	vld [tilespmem:$0x1FEC0]  }
0x2ac: {  	[tilespmem:s31+$0xC780] =	vst v23;
	v23 =	vadd.f32 v16, v11;
	v16 =	vld [tilespmem:$0x1FF30]  }
0x2ad: {  	v28 =	vld [tilespmem:s31+$0x49D0]  }
0x2ae: {  	v21 =	vadd.f32 v9, v4;
	v9 =	vmul.f32 v8, v1;
	v8 =	vld [tilespmem:$0x1FF70];
	v3 =	vmul.f32 v3, v2  }
0x2af: {  	v11 =	vld [tilespmem:$0x1FED0]  }
0x2b0: {  	v3 =	vadd.f32 v3, v40;
	v40 =	vld [tilespmem:$0x1FF50]  }
0x2b1: {  	v4 =	vmul.f32 v10, v2;
	[tilespmem:s31+$0xC7B0] =	vst v16;
	v16 =	vld [tilespmem:$0x1FF40]  }
0x2b2: {  	v35 =	vld [tilespmem:$0x1FD60]  }
0x2b3: {  	v31 =	vld [tilespmem:s31+$0x89C0];
	v4 =	vadd.f32 v4, v9  }
0x2b4: {  	v27 =	vld [tilespmem:s31+$0x89D0];
	[tilespmem:s31+$0xC880] =	vst v39  }
0x2b5: {  	v39 =	vld [tilespmem:s31+$0xA60];
	[tilespmem:s31+$0xC790] =	vst v11;
	v10 =	vadd.f32 v6, v4;
	v6 =	vmul.f32 v40, v0  }
0x2b6: {  	v36 =	vld [tilespmem:s31+$0x89B0];
	v57 =	vmul.f32 v57, v1;
	[tilespmem:s31+$0xC7C0] =	vst v16;
	v16 =	vmul.f32 v8, v0;
	v11 =	vadd.f32 v7, v5  }
0x2b7: {  	v7 =	vmul.f32 v58, v1;
	v8 =	vadd.f32 v6, v3;
	v3 =	vmul.f32 v48, v1;
	v1 =	vld [tilespmem:$0x1FF90]  }
0x2b8: {  	[tilespmem:s31+$0xC8A0] =	vst v53;
	v53 =	vld [tilespmem:s31+$0x4A60]  }
0x2b9: {  	[tilespmem:s31+$0xC6A0] =	vst v35;
	v35 =	vld [tilespmem:s31+$0x9C0]  }
0x2ba: {  	v25 =	vld [tilespmem:s31+$0x49E0]  }
0x2bb: {  	v14 =	vld [tilespmem:s31+$0xA00]  }
0x2bc: {  	v6 =	vmul.f32 v1, v2;
	v1 =	vld [tilespmem:$0x1FFA0]  }
0x2bd: {  	v12 =	vld [tilespmem:s31+$0x4A00]  }
0x2be: {  	[tilespmem:s31+$0xC8B0] =	vst v34;
	v34 =	vld [tilespmem:s31+$0x8A60]  }
0x2bf: {  	v24 =	vld [tilespmem:s31+$0x89E0]  }
0x2c0: {  	v56 =	vmul.f32 v56, v2;
	v58 =	vld [tilespmem:$0x1FF60];
	v2 =	vmul.f32 v49, v2  }
0x2c1: {  	[tilespmem:s31+$0xC7F0] =	vst v1;
	v1 =	vld [tilespmem:$0x1FFB0]  }
0x2c2: {  	v3 =	vadd.f32 v2, v3;
	v2 =	vld [tilespmem:$0x1FFD0]  }
0x2c3: {  	v13 =	vld [tilespmem:s31+$0x49F0]  }
0x2c4: {  	[tilespmem:s31+$0xC8C0] =	vst v29;
	v29 =	vld [tilespmem:s31+$0xA70]  }
0x2c5: {  	v9 =	vld [tilespmem:s31+$0xA10];
	[tilespmem:s31+$0xC900] =	vst v21  }
0x2c6: {  	v21 =	vld [tilespmem:s31+$0x8A80];
	v49 =	vmul.f32 v59, v0;
	[tilespmem:s31+$0xC800] =	vst v1;
	v1 =	vimm.s32 $0xD  }
0x2c7: {  	[tilespmem:s31+$0xC7D0] =	vst v58;
	v58 =	vld [tilespmem:$0x1FF80];
	v6 =	vadd.f32 v6, v57;
	v0 =	vmul.f32 v2, v0;
	v57 =	vperm.xlane v17, v1  }
0x2c8: {  	v59 =	vperm.xlane v18, v1;
	v2 =	vperm.xlane v45, v1;
	v1 =	vld [tilespmem:$0x1FFE0]  }
0x2c9: {  	v51 =	vld [tilespmem:s31+$0x89F0]  }
0x2ca: {  	v19 =	vld [tilespmem:s31+$0x8A00];
	v6 =	vadd.f32 v49, v6;
	v49 =	vmul.f32 v60, v57  }
0x2cb: {  	v5 =	vld [tilespmem:s31+$0x4A10];
	v52 =	vmul.f32 v52, v59;
	v46 =	vmul.f32 v46, v59  }
0x2cc: {  	[tilespmem:s31+$0xC7E0] =	vst v58;
	v58 =	vld [tilespmem:$0x1FFC0];
	v63 =	vmul.f32 v63, v2;
	v47 =	vmul.f32 v47, v2  }
0x2cd: {  	v7 =	vadd.f32 v56, v7;
	v42 =	vmul.f32 v42, v57;
	v38 =	vmul.f32 v38, v59;
	[tilespmem:s31+$0xC820] =	vst v1;
	v1 =	vld [tilespmem:$0x1FFF0]  }
0x2ce: {  	v56 =	vld [tilespmem:s31+$0x8A20];
	v37 =	vmul.f32 v37, v57;
	v33 =	vmul.f32 v33, v59  }
0x2cf: {  	v16 =	vadd.f32 v16, v7;
	v7 =	vld [tilespmem:s31+$0xA30];
	v36 =	vmul.f32 v36, v2;
	v35 =	vmul.f32 v35, v57  }
0x2d0: {  	v4 =	vld [tilespmem:s31+$0xA20];
	[tilespmem:s31+$0xC930] =	vst v10;
	v32 =	vmul.f32 v32, v59;
	v31 =	vmul.f32 v31, v2  }
0x2d1: {  	v10 =	vld [tilespmem:s31+$0x4A90];
	[tilespmem:s31+$0xC810] =	vst v58;
	v28 =	vmul.f32 v28, v59;
	v27 =	vmul.f32 v27, v2  }
0x2d2: {  	v58 =	vld [tilespmem:s31+$0x4A30];
	v0 =	vadd.f32 v0, v3;
	v26 =	vmul.f32 v26, v57;
	[tilespmem:s31+$0xC830] =	vst v1;
	v1 =	vmul.f32 v50, v57  }
0x2d3: {  	v40 =	vld [tilespmem:s31+$0x8A10];
	v25 =	vmul.f32 v25, v59;
	v24 =	vmul.f32 v24, v2;
	v49 =	vadd.f32 v52, v49  }
0x2d4: {  	v48 =	vld [tilespmem:s31+$0x4A20];
	v15 =	vmul.f32 v15, v57;
	v13 =	vmul.f32 v13, v59;
	v1 =	vadd.f32 v46, v1  }
0x2d5: {  	[tilespmem:s31+$0xC860] =	vst v44;
	v60 =	vld [tilespmem:s31+$0x8A30];
	v33 =	vadd.f32 v33, v37;
	v52 =	vmul.f32 v61, v57;
	v44 =	vadd.f32 v63, v49  }
0x2d6: {  	v37 =	vld [tilespmem:s31+$0x8A50];
	v63 =	vmul.f32 v43, v2;
	v1 =	vadd.f32 v47, v1;
	v47 =	vimm.s32 $0xE  }
0x2d7: {  	[tilespmem:s31+$0xC870] =	vst v55;
	v59 =	vadd.f32 v25, v26;
	v26 =	vld [tilespmem:s31+$0xA80];
	v55 =	vperm.xlane v17, v47;
	v57 =	vperm.xlane v18, v47  }
0x2d8: {  	v38 =	vadd.f32 v38, v42;
	v49 =	vld [tilespmem:s31+$0xA50];
	v2 =	vmul.f32 v51, v2;
	v61 =	vperm.xlane v45, v47  }
0x2d9: {  	[tilespmem:s31+$0xC850] =	vst v62;
	v32 =	vadd.f32 v32, v35;
	v50 =	vld [tilespmem:s31+$0xA40];
	v14 =	vmul.f32 v14, v55;
	v12 =	vmul.f32 v12, v57  }
0x2da: {  	[tilespmem:s31+$0xC890] =	vst v41;
	v13 =	vadd.f32 v13, v15;
	v46 =	vld [tilespmem:s31+$0x8A40];
	v9 =	vmul.f32 v9, v55;
	v5 =	vmul.f32 v5, v57  }
0x2db: {  	[tilespmem:s31+$0xC8E0] =	vst v22;
	v43 =	vld [tilespmem:s31+$0x4A50];
	v38 =	vadd.f32 v63, v38;
	v63 =	vmul.f32 v19, v61;
	v19 =	vmul.f32 v40, v61  }
0x2dc: {  	[tilespmem:s31+$0xC910] =	vst v23;
	v15 =	vld [tilespmem:s31+$0x4A80];
	v33 =	vadd.f32 v36, v33;
	v4 =	vmul.f32 v4, v55;
	v23 =	vmul.f32 v48, v57  }
0x2dd: {  	[tilespmem:s31+$0xC8F0] =	vst v20;
	v42 =	vld [tilespmem:s31+$0x4AA0];
	v20 =	vadd.f32 v24, v59;
	v24 =	vmul.f32 v56, v61;
	v3 =	vmul.f32 v7, v55  }
0x2de: {  	[tilespmem:s31+$0xC8D0] =	vst v30;
	v30 =	vadd.f32 v31, v32;
	v31 =	vld [tilespmem:s31+$0x4A70];
	v35 =	vmul.f32 v58, v57;
	v36 =	vmul.f32 v60, v61  }
0x2df: {  	[tilespmem:s31+$0xC920] =	vst v11;
	v28 =	vadd.f32 v28, v52;
	v32 =	vld [tilespmem:s31+$0x8A70];
	v40 =	vmul.f32 v50, v55;
	v46 =	vmul.f32 v46, v61  }
0x2e0: {  	[tilespmem:s31+$0xC950] =	vst v16;
	v52 =	vld [tilespmem:s31+$0x4AB0];
	v48 =	vmul.f32 v49, v55;
	v49 =	vmul.f32 v43, v57  }
0x2e1: {  	v59 =	vld [tilespmem:s31+$0x4AC0];
	v22 =	vadd.f32 v27, v28;
	[tilespmem:s31+$0xC990] =	vst v1;
	v1 =	vmul.f32 v37, v61;
	v51 =	vmul.f32 v39, v55  }
0x2e2: {  	[tilespmem:s31+$0xC940] =	vst v8;
	v2 =	vadd.f32 v2, v13;
	v13 =	vld [tilespmem:s31+$0xA90];
	v53 =	vmul.f32 v53, v57;
	v27 =	vmul.f32 v29, v55  }
0x2e3: {  	[tilespmem:s31+$0xC9C0] =	vst v30;
	v30 =	vld [tilespmem:s31+$0x4AD0];
	v55 =	vmul.f32 v34, v61;
	v28 =	vmul.f32 v31, v57  }
0x2e4: {  	[tilespmem:s31+$0xC960] =	vst v6;
	v47 =	vld [tilespmem:s31+$0x8AA0];
	v60 =	vmul.f32 v32, v61;
	v62 =	vadd.f32 v12, v14;
	v5 =	vadd.f32 v5, v9  }
0x2e5: {  	[tilespmem:s31+$0xC970] =	vst v0;
	v50 =	vld [tilespmem:s31+$0xAB0];
	v4 =	vadd.f32 v23, v4;
	v0 =	vadd.f32 v35, v3;
	v3 =	vmul.f32 v54, v57  }
0x2e6: {  	[tilespmem:s31+$0xC980] =	vst v44;
	v56 =	vld [tilespmem:s31+$0xAC0];
	v12 =	vadd.f32 v49, v48;
	v57 =	vimm.s32 $0xF;
	v6 =	vadd.f32 v53, v51  }
0x2e7: {  	[tilespmem:s31+$0xC9F0] =	vst v2;
	v61 =	vld [tilespmem:s31+$0x8AC0];
	v2 =	vadd.f32 v28, v27;
	v58 =	vperm.xlane v17, v57;
	v17 =	vperm.xlane v18, v57  }
0x2e8: {  	[tilespmem:s31+$0xC9B0] =	vst v33;
	v39 =	vld [tilespmem:s31+$0xAE0];
	v16 =	vperm.xlane v45, v57;
	v8 =	vadd.f32 v63, v62;
	v5 =	vadd.f32 v19, v5  }
0x2e9: {  	[tilespmem:s31+$0xC9E0] =	vst v20;
	v43 =	vld [tilespmem:s31+$0xAF0];
	v4 =	vadd.f32 v24, v4;
	v62 =	vmul.f32 v26, v58;
	v15 =	vmul.f32 v15, v17  }
0x2ea: {  	[tilespmem:s31+$0xC9A0] =	vst v38;
	v14 =	vld [tilespmem:s31+$0x8A90];
	v0 =	vadd.f32 v36, v0;
	v13 =	vmul.f32 v13, v58;
	v10 =	vmul.f32 v10, v17  }
0x2eb: {  	[tilespmem:s31+$0xC9D0] =	vst v22;
	v9 =	vld [tilespmem:s31+$0xAA0];
	v3 =	vadd.f32 v3, v40;
	v33 =	vmul.f32 v21, v16;
	v42 =	vmul.f32 v42, v17  }
0x2ec: {  	v54 =	vld [tilespmem:s31+$0x8AB0];
	v1 =	vadd.f32 v1, v12;
	v44 =	vmul.f32 v50, v58;
	v45 =	vmul.f32 v52, v17;
	[tilespmem:s31+$0xCA00] =	vst v8  }
0x2ed: {  	v49 =	vld [tilespmem:s31+$0x4AF0];
	v2 =	vadd.f32 v60, v2;
	v47 =	vmul.f32 v47, v16;
	v50 =	vmul.f32 v56, v58;
	[tilespmem:s31+$0xCA10] =	vst v5  }
0x2ee: {  	v63 =	vld [tilespmem:s31+$0xAD0];
	v6 =	vadd.f32 v55, v6;
	v51 =	vmul.f32 v59, v17;
	v56 =	vmul.f32 v30, v17;
	[tilespmem:s31+$0xCA20] =	vst v4  }
0x2ef: {  	v3 =	vadd.f32 v46, v3;
	v46 =	vld [tilespmem:s31+$0x4AE0];
	[tilespmem:s31+$0xCA70] =	vst v2;
	v2 =	vmul.f32 v43, v58;
	v32 =	vadd.f32 v15, v62  }
0x2f0: {  	v34 =	vld [tilespmem:s31+$0x8AD0];
	[tilespmem:s31+$0xCA30] =	vst v0;
	v37 =	vadd.f32 v10, v13;
	v38 =	vmul.f32 v14, v16;
	v41 =	vmul.f32 v9, v58  }
0x2f1: {  	v52 =	vld [tilespmem:s31+$0x8AE0];
	[tilespmem:s31+$0xCA50] =	vst v1;
	v48 =	vmul.f32 v54, v16;
	v1 =	vadd.f32 v45, v44;
	v57 =	vadd.f32 v51, v50  }
0x2f2: {  	v55 =	vld [tilespmem:s31+$0x8AF0];
	v54 =	vmul.f32 v39, v58;
	[tilespmem:s31+$0xCA40] =	vst v3;
	v40 =	vadd.f32 v33, v32;
	v3 =	vadd.f32 v42, v41  }
0x2f3: {  	[tilespmem:s31+$0xCA60] =	vst v6;
	v60 =	vmul.f32 v49, v17;
	v0 =	vadd.f32 v38, v37;
	v53 =	vmul.f32 v63, v58  }
0x2f4: {  	v58 =	vmul.f32 v61, v16;
	v3 =	vadd.f32 v47, v3;
	[tilespmem:s31+$0xCA80] =	vst v40;
	v59 =	vmul.f32 v46, v17  }
0x2f5: {  	v1 =	vadd.f32 v48, v1;
	v61 =	vmul.f32 v34, v16;
	[tilespmem:s31+$0xCA90] =	vst v0;
	v0 =	vadd.f32 v56, v53  }
0x2f6: {  	p0 =	sne.s32 s23, $0x7;
	v63 =	vmul.f32 v52, v16;
	[tilespmem:s31+$0xCAA0] =	vst v3;
	v3 =	vadd.f32 v58, v57;
	v62 =	vadd.f32 v59, v54  }
.Ltmp0:
0x2f7: {  	[tilespmem:s31+$0xCAB0] =	vst v1;
	v1 =	vadd.f32 v60, v2;
	v2 =	vmul.f32 v55, v16;
	v0 =	vadd.f32 v61, v0;
	(pc) =	sbr.rel @p0 .LBB2_3-.Ltmp0, $4  }
0x2f8: {  	[tilespmem:s31+$0xCAC0] =	vst v3;
	v3 =	vadd.f32 v63, v62  }
0x2f9: {  	[tilespmem:s31+$0xCAD0] =	vst v0;
	v0 =	vadd.f32 v2, v1  }
0x2fa: {  	[tilespmem:s31+$0xCAE0] =	vst v3  }
0x2fb: {  	s23 =	sadd.s32 $0x1, s23;
	v1 =	vimm.s32 $0x0;
	[tilespmem:s31+$0xCAF0] =	vst v0  }
0x2fc: {  	s21 =	sadd.s32 $0x1, s21  }
0x2fd: {  	s22 =	sshll.u32 s22, $0x4;
	p0 =	sne.s32 s21, $0x8  }
.Ltmp1:
0x2fe: {  	s22 =	sadd.s32 s6, s22;
	(pc) =	sbr.rel @p0 .LBB2_2-.Ltmp1, $4  }
0x2ff: {  	[hbm4b:s22+s2] =	stream.linear.scatter [tilespmem:s19], [sflag:$0x2], $0x4000, $0x38;
	[tilespmem:$0x10300] =	vst v63  }
0x300: {  	_ =	swait.ge [sflag:s9], $0x4000  }
0x301: {  	[sflag:s9] =	ssyncset.done $0x0  }
0x302: {  	[sflag:s9] =	ssyncadd.s32 $0xFFFFC000  }
0x303: {  	s20 =	sadd.s32 $0x1, s20  }
0x304: {  	p0 =	sne.s32 s20, s8  }
.Ltmp2:
0x305: {  	_ = 	snop;
	(pc) =	sbr.rel @p0 .LBB2_1-.Ltmp2, $1  }
0x306: {  	_ =	sdelay $0x3  }
0x307: {  	_ =	sfence.sel $0x180000  }
0x308: {  	[bflag:$0x0] =	sbarrier.arrive $0xFFFF  }
0x309: {  	p0 =	sne.s32 s3, $0x0;
	_ =	strace $0x90000047  }
0x30a: {  	s0 =	sadd.s32 @!p0 $0x100000, s0;
	[bflag:$0x2] =	sbarrier.arrive $0xFFFF  }
0x30b: {  	[sflag:s0] =	ssyncadd.tile.s32 @!p0 $0x1;
	_ =	shalt  }
.Lfunc_end2:
_tile_overlayer_lowered:
.L_overlay_start_2:
0x30c: {  	(tag) =	ssettag $0x2  }
0x30d: {  	s0 =	rddreg [dreg:$0x0];
	s2 =	stileid.u32  }
0x30e: {  	s1 =	rddreg [dreg:$0x1];
	p0 =	sne.s32 s2, $0x0  }
0x30f: {  	s3 =	rddreg [dreg:$0x2];
	[bflag:$0x3] =	sbarrier.arrive $0xFFFF;
	s2 =	simm.s32 @!p0 $0x1C02  }
0x310: {  	[timem:s3], [sflag:s2] =	dma.local @!p0 [hbm:s0], s1  }
0x311: {  	s0 =	simm.s32 @!p0 $0x2  }
0x312: {  	_ =	swait.ge @!p0 [sflag:s0], s1  }
0x313: {  	s1 =	ssub.s32 @!p0 $0x0, s1;
	[sflag:s0] =	ssyncset.done @!p0 $0x0  }
0x314: {  	[sflag:s0] =	ssyncadd.s32 @!p0 s1  }
0x315: {  	[bflag:$0x3] =	sbarrier.arrive $0xFFFF  }
0x316: {  	_ =	shalt  }

</sc_bundles>
